<compile_context>
chip_gen: v7x
topology: tpu7x:2x2x1
jax: 0.10.2.dev20260603
libtpu: 0.0.44.dev20260713+nightly
codegen_flags: <defaults>
</compile_context>

<pallas_src>
import functools

import jax
import jax.numpy as jnp
from jax import lax
from jax.experimental import pallas as pl
from jax.experimental.pallas import tpu as pltpu
from jax.experimental.pallas import tpu_sc as plsc

VOCAB = 1000000
DIM = 16
BATCH = 16384

_info = plsc.get_sparse_core_info()
_NC = _info.num_cores
_NS = _info.num_subcores
_NW = _NC * _NS
_B_PER_W = BATCH // _NW
_GRP = 16
_NG = _B_PER_W // _GRP
_NBANK = 3
_SLOTS = _NBANK * _GRP

_mesh = plsc.VectorSubcoreMesh(core_axis_name="c", subcore_axis_name="s")


@functools.partial(
    pl.kernel,
    mesh=_mesh,
    out_type=jax.ShapeDtypeStruct((DIM, BATCH), jnp.float32),
    compiler_params=pltpu.CompilerParams(needs_layout_passes=False),
    scratch_types=[
        pltpu.VMEM((_B_PER_W,), jnp.int32),
        pltpu.VMEM((DIM, _SLOTS * 128), jnp.float32),
        pltpu.VMEM((DIM, _B_PER_W), jnp.float32),
        pltpu.SemaphoreType.DMA,
        pltpu.SemaphoreType.DMA,
        pltpu.SemaphoreType.DMA,
    ],
)
def _gather(tableT_hbm, labels_hbm, outT_hbm, idx_v, stage_v, outT_v,
            sem0, sem1, sem2):
    wid = lax.axis_index("s") * _NC + lax.axis_index("c")
    base = wid * _B_PER_W
    pltpu.sync_copy(labels_hbm.at[pl.ds(base, _B_PER_W)], idx_v)

    lanes = lax.broadcasted_iota(jnp.int32, (16,), 0)
    sems = (sem0, sem1, sem2)
    slotcols = [(b * _GRP + lanes) * 128 for b in range(_NBANK)]

    def fire(g, bank):
        vec = idx_v[pl.ds(g * _GRP, _GRP)]
        for k in range(_GRP):
            r = vec[k]
            j = pl.multiple_of((r >> 7) << 7, 128)
            col0 = (bank * _GRP + k) * 128
            pltpu.async_copy(
                tableT_hbm.at[:, pl.ds(j, 128)],
                stage_v.at[:, pl.ds(col0, 128)],
                sems[bank],
            )

    def drain_extract(g, bank):
        for k in range(_GRP):
            col0 = (bank * _GRP + k) * 128
            pltpu.make_async_copy(
                tableT_hbm.at[:, pl.ds(0, 128)],
                stage_v.at[:, pl.ds(col0, 128)],
                sems[bank],
            ).wait()
        vec = idx_v[pl.ds(g * _GRP, _GRP)]
        cols = slotcols[bank] + (vec & 127)
        for c in range(DIM):
            vals = plsc.load_gather(
                stage_v, [jnp.full((16,), c, jnp.int32), cols]
            )
            outT_v[c, pl.ds(g * _GRP, _GRP)] = vals

    for b in range(_NBANK):
        fire(b, b)

    def body(h, _):
        for b in range(_NBANK):
            g = _NBANK * h + b
            drain_extract(g, b)

            @pl.when(g + _NBANK < _NG)
            def _():
                fire(g + _NBANK, b)

        return 0

    lax.fori_loop(0, _NG // _NBANK, body, 0)
    for b in range(_NG % _NBANK):
        drain_extract(_NG - _NG % _NBANK + b, b)

    pltpu.sync_copy(outT_v, outT_hbm.at[:, pl.ds(base, _B_PER_W)])


def _iota_body(o_ref):
    o_ref[...] = lax.broadcasted_iota(jnp.int32, o_ref.shape, 0)


_iota_call = pl.pallas_call(
    _iota_body,
    out_shape=jax.ShapeDtypeStruct((VOCAB,), jnp.int32),
)


def kernel(table, stock, labels):
    del stock
    dataT = _gather(table.T, labels)
    stock_keys = _iota_call()
    return (dataT.T, stock_keys)

# --- scband reference (transcript-rebuilt; emitter-appended) ---
"""Pipeline reference for scband-look-up-layer-15238543966893 (READ-ONLY COPY).

The authoritative reference and input builder live on the scoring server;
editing this copy changes nothing except your own understanding.
"""

import jax, jax.numpy as jnp
import numpy as np

VOCAB = 1000000
DIM = 16
BATCH = 16384

def setup_inputs(seed: int = 0) -> dict:
    key = jax.random.key(seed)
    k1, k2 = jax.random.split(key)
    # data_table: dict[key -> vector] modeled as a dense embedding table [VOCAB, DIM]
    table = jax.random.normal(k1, (VOCAB, DIM), dtype=jnp.float32)
    # labels: the subset of keys to look up; values in [0, VOCAB-2] so 'stock' (VOCAB-1)
    # is guaranteed absent, giving a static output shape [BATCH, DIM]
    labels = jax.random.randint(k2, (BATCH,), 0, VOCAB - 1, dtype=jnp.int32)
    stock = VOCAB - 1  # the key to exclude from the gather
    return {"table": table, "stock": stock, "labels": labels}

def reference(table, stock, labels):
    # Faithful translation of: data = [data_table[label] for label in labels if label != stock]
    # Labels are drawn in [0, VOCAB-2], so 'stock' never appears and the mask is
    # all-true: the gather shape is statically [BATCH, DIM].
    mask = labels != stock
    filtered = jnp.where(mask, labels, stock)
    data = jnp.take(table, filtered, axis=0)  # the gather (SparseCore embedding lookup)
    # stock_keys = data_table.keys() -> all row ids of the table
    stock_keys = jnp.arange(table.shape[0], dtype=jnp.int32)
    return (data, stock_keys)

if __name__ == "__main__":
    import jax
    _d = setup_inputs()
    print(jax.jit(kernel)(*tuple(_d.values())))

</pallas_src>

<mosaic_0001>
#map = affine_map<(d0, d1) -> (0, 0)>
#map1 = affine_map<(d0, d1) -> (0)>
module attributes {stable_mosaic.version = 14 : i64} {
  func.func @_gather(%arg0: i32, %arg1: i32, %arg2: memref<16x1000000xf32, #tpu.memory_space<hbm>>, %arg3: memref<16384xi32, #tpu.memory_space<hbm>>, %arg4: memref<16x16384xf32, #tpu.memory_space<hbm>>, %arg5: memref<512xi32, #tpu.memory_space<vmem>>, %arg6: memref<16x6144xf32, #tpu.memory_space<vmem>>, %arg7: memref<16x512xf32, #tpu.memory_space<vmem>>, %arg8: memref<!tpu.dma_semaphore, #tpu.memory_space<semaphore_mem>>, %arg9: memref<!tpu.dma_semaphore, #tpu.memory_space<semaphore_mem>>, %arg10: memref<!tpu.dma_semaphore, #tpu.memory_space<semaphore_mem>>) attributes {dimension_semantics = [#tpu.dimension_semantics<core_parallel>, #tpu.dimension_semantics<subcore_parallel>], iteration_bounds = array<i64: 2, 16>, scalar_prefetch = 0 : i64, scratch_operands = 6 : i64, tpu.core_type = #tpu.core_type<sc_vector_subcore>, window_params = [{transform_indices = #map}, {transform_indices = #map1}, {transform_indices = #map}]} {
    %mul3A = arith.constant 2 : i32
    %mul3A_0 = arith.muli %arg1, %mul3A : i32
    %add3A = arith.addi %mul3A_0, %arg0 : i32
    %mul3A_1 = arith.constant 512 : i32
    %mul3A_2 = arith.muli %add3A, %mul3A_1 : i32
    "tpu.region"() ({
      %run_scoped3A = tpu.sem_alloc : memref<!tpu.dma_semaphore, #tpu.memory_space<semaphore_mem>>
      %dma_start3A_1457 = tpu.memref_slice %arg3[%mul3A_2] : memref<16384xi32, #tpu.memory_space<hbm>> -> memref<512xi32, #tpu.memory_space<hbm>>
      %dma_start3A_1458 = tpu.memref_slice %arg3[%mul3A_2] : memref<16384xi32, #tpu.memory_space<hbm>> -> memref<512xi32, #tpu.memory_space<hbm>>
      tpu.enqueue_dma source(%dma_start3A_1458 : memref<512xi32, #tpu.memory_space<hbm>>) target(%arg5 : memref<512xi32, #tpu.memory_space<vmem>>) target_semaphore(%run_scoped3A : memref<!tpu.dma_semaphore, #tpu.memory_space<semaphore_mem>>)
      %dma_wait3A_1459 = tpu.memref_slice %arg3[%mul3A_2] : memref<16384xi32, #tpu.memory_space<hbm>> -> memref<512xi32, #tpu.memory_space<hbm>>
      %dma_wait3A_1460 = tpu.memref_slice %arg3[%mul3A_2] : memref<16384xi32, #tpu.memory_space<hbm>> -> memref<512xi32, #tpu.memory_space<hbm>>
      tpu.wait_dma2 semaphore(%run_scoped3A : memref<!tpu.dma_semaphore, #tpu.memory_space<semaphore_mem>>) src(%dma_wait3A_1460 : memref<512xi32, #tpu.memory_space<hbm>>) dst(%arg5 : memref<512xi32, #tpu.memory_space<vmem>>)
      tpu.yield
    }) : () -> ()
    %iota3A = tpu.iota {dimensions = array<i32: 0>} : vector<16xi32>
    %add3A_3 = arith.constant 0 : i32
    %add3A_4 = vector.broadcast %add3A_3 : i32 to vector<16xi32>
    %add3A_5 = arith.addi %add3A_4, %iota3A : vector<16xi32>
    %mul3A_6 = arith.constant 128 : i32
    %mul3A_7 = vector.broadcast %mul3A_6 : i32 to vector<16xi32>
    %mul3A_8 = arith.muli %add3A_5, %mul3A_7 : vector<16xi32>
    %add3A_9 = arith.constant 16 : i32
    %add3A_10 = vector.broadcast %add3A_9 : i32 to vector<16xi32>
    %add3A_11 = arith.addi %add3A_10, %iota3A : vector<16xi32>
    %mul3A_12 = arith.constant 128 : i32
    %mul3A_13 = vector.broadcast %mul3A_12 : i32 to vector<16xi32>
    %mul3A_14 = arith.muli %add3A_11, %mul3A_13 : vector<16xi32>
    %add3A_15 = arith.constant 32 : i32
    %add3A_16 = vector.broadcast %add3A_15 : i32 to vector<16xi32>
    %add3A_17 = arith.addi %add3A_16, %iota3A : vector<16xi32>
    %mul3A_18 = arith.constant 128 : i32
    %mul3A_19 = vector.broadcast %mul3A_18 : i32 to vector<16xi32>
    %mul3A_20 = arith.muli %add3A_17, %mul3A_19 : vector<16xi32>
    %get3A = arith.constant 0 : index
    %get3A_21 = tpu.vector_load %arg5[%get3A] {strides = array<i32>} : memref<512xi32, #tpu.memory_space<vmem>>, vector<16xi32>,
    %slice3A = vector.extract_strided_slice %get3A_21 {offsets = [0], sizes = [1], strides = [1]} : vector<16xi32> to vector<1xi32>
    %squeeze3A = vector.extract %slice3A[0] : i32 from vector<1xi32>
    %shift_right_arithmetic3A = arith.constant 7 : i32
    %shift_right_arithmetic3A_22 = arith.shrsi %squeeze3A, %shift_right_arithmetic3A : i32
    %shift_left3A = arith.constant 7 : i32
    %shift_left3A_23 = arith.shli %shift_right_arithmetic3A_22, %shift_left3A : i32
    %multiple_of3A = tpu.assume_multiple %shift_left3A_23, 128 : i32
    %dma_start3A = arith.constant 0 : i32
    %dma_start3A_24 = arith.constant 0 : i32
    %dma_start3A_25 = tpu.memref_slice %arg6[%dma_start3A, %dma_start3A_24] : memref<16x6144xf32, #tpu.memory_space<vmem>> -> memref<16x128xf32, #tpu.memory_space<vmem>>
    %dma_start3A_26 = arith.constant 0 : i32
    %dma_start3A_27 = tpu.memref_slice %arg2[%dma_start3A_26, %multiple_of3A] : memref<16x1000000xf32, #tpu.memory_space<hbm>> -> memref<16x128xf32, #tpu.memory_space<hbm>>
    %dma_start3A_28 = arith.constant 0 : i32
    %dma_start3A_29 = arith.constant 0 : i32
    %dma_start3A_30 = tpu.memref_slice %arg6[%dma_start3A_28, %dma_start3A_29] : memref<16x6144xf32, #tpu.memory_space<vmem>> -> memref<16x128xf32, #tpu.memory_space<vmem>>
    %dma_start3A_31 = arith.constant 0 : i32
    %dma_start3A_32 = tpu.memref_slice %arg2[%dma_start3A_31, %multiple_of3A] : memref<16x1000000xf32, #tpu.memory_space<hbm>> -> memref<16x128xf32, #tpu.memory_space<hbm>>
    tpu.enqueue_dma source(%dma_start3A_32 : memref<16x128xf32, #tpu.memory_space<hbm>>) target(%dma_start3A_30 : memref<16x128xf32, #tpu.memory_space<vmem>>) target_semaphore(%arg8 : memref<!tpu.dma_semaphore, #tpu.memory_space<semaphore_mem>>)
    %slice3A_33 = vector.extract_strided_slice %get3A_21 {offsets = [1], sizes = [1], strides = [1]} : vector<16xi32> to vector<1xi32>
    %squeeze3A_34 = vector.extract %slice3A_33[0] : i32 from vector<1xi32>
    %shift_right_arithmetic3A_35 = arith.constant 7 : i32
    %shift_right_arithmetic3A_36 = arith.shrsi %squeeze3A_34, %shift_right_arithmetic3A_35 : i32
    %shift_left3A_37 = arith.constant 7 : i32
    %shift_left3A_38 = arith.shli %shift_right_arithmetic3A_36, %shift_left3A_37 : i32
    %multiple_of3A_39 = tpu.assume_multiple %shift_left3A_38, 128 : i32
    %dma_start3A_40 = arith.constant 0 : i32
    %dma_start3A_41 = arith.constant 128 : i32
    %dma_start3A_42 = tpu.memref_slice %arg6[%dma_start3A_40, %dma_start3A_41] : memref<16x6144xf32, #tpu.memory_space<vmem>> -> memref<16x128xf32, #tpu.memory_space<vmem>>
    %dma_start3A_43 = arith.constant 0 : i32
    %dma_start3A_44 = tpu.memref_slice %arg2[%dma_start3A_43, %multiple_of3A_39] : memref<16x1000000xf32, #tpu.memory_space<hbm>> -> memref<16x128xf32, #tpu.memory_space<hbm>>
    %dma_start3A_45 = arith.constant 0 : i32
    %dma_start3A_46 = arith.constant 128 : i32
    %dma_start3A_47 = tpu.memref_slice %arg6[%dma_start3A_45, %dma_start3A_46] : memref<16x6144xf32, #tpu.memory_space<vmem>> -> memref<16x128xf32, #tpu.memory_space<vmem>>
    %dma_start3A_48 = arith.constant 0 : i32
    %dma_start3A_49 = tpu.memref_slice %arg2[%dma_start3A_48, %multiple_of3A_39] : memref<16x1000000xf32, #tpu.memory_space<hbm>> -> memref<16x128xf32, #tpu.memory_space<hbm>>
    tpu.enqueue_dma source(%dma_start3A_49 : memref<16x128xf32, #tpu.memory_space<hbm>>) target(%dma_start3A_47 : memref<16x128xf32, #tpu.memory_space<vmem>>) target_semaphore(%arg8 : memref<!tpu.dma_semaphore, #tpu.memory_space<semaphore_mem>>)
    %slice3A_50 = vector.extract_strided_slice %get3A_21 {offsets = [2], sizes = [1], strides = [1]} : vector<16xi32> to vector<1xi32>
    %squeeze3A_51 = vector.extract %slice3A_50[0] : i32 from vector<1xi32>
    %shift_right_arithmetic3A_52 = arith.constant 7 : i32
    %shift_right_arithmetic3A_53 = arith.shrsi %squeeze3A_51, %shift_right_arithmetic3A_52 : i32
    %shift_left3A_54 = arith.constant 7 : i32
    %shift_left3A_55 = arith.shli %shift_right_arithmetic3A_53, %shift_left3A_54 : i32
    %multiple_of3A_56 = tpu.assume_multiple %shift_left3A_55, 128 : i32
    %dma_start3A_57 = arith.constant 0 : i32
    %dma_start3A_58 = arith.constant 256 : i32
    %dma_start3A_59 = tpu.memref_slice %arg6[%dma_start3A_57, %dma_start3A_58] : memref<16x6144xf32, #tpu.memory_space<vmem>> -> memref<16x128xf32, #tpu.memory_space<vmem>>
    %dma_start3A_60 = arith.constant 0 : i32
    %dma_start3A_61 = tpu.memref_slice %arg2[%dma_start3A_60, %multiple_of3A_56] : memref<16x1000000xf32, #tpu.memory_space<hbm>> -> memref<16x128xf32, #tpu.memory_space<hbm>>
    %dma_start3A_62 = arith.constant 0 : i32
    %dma_start3A_63 = arith.constant 256 : i32
    %dma_start3A_64 = tpu.memref_slice %arg6[%dma_start3A_62, %dma_start3A_63] : memref<16x6144xf32, #tpu.memory_space<vmem>> -> memref<16x128xf32, #tpu.memory_space<vmem>>
    %dma_start3A_65 = arith.constant 0 : i32
    %dma_start3A_66 = tpu.memref_slice %arg2[%dma_start3A_65, %multiple_of3A_56] : memref<16x1000000xf32, #tpu.memory_space<hbm>> -> memref<16x128xf32, #tpu.memory_space<hbm>>
    tpu.enqueue_dma source(%dma_start3A_66 : memref<16x128xf32, #tpu.memory_space<hbm>>) target(%dma_start3A_64 : memref<16x128xf32, #tpu.memory_space<vmem>>) target_semaphore(%arg8 : memref<!tpu.dma_semaphore, #tpu.memory_space<semaphore_mem>>)
    %slice3A_67 = vector.extract_strided_slice %get3A_21 {offsets = [3], sizes = [1], strides = [1]} : vector<16xi32> to vector<1xi32>
    %squeeze3A_68 = vector.extract %slice3A_67[0] : i32 from vector<1xi32>
    %shift_right_arithmetic3A_69 = arith.constant 7 : i32
    %shift_right_arithmetic3A_70 = arith.shrsi %squeeze3A_68, %shift_right_arithmetic3A_69 : i32
    %shift_left3A_71 = arith.constant 7 : i32
    %shift_left3A_72 = arith.shli %shift_right_arithmetic3A_70, %shift_left3A_71 : i32
    %multiple_of3A_73 = tpu.assume_multiple %shift_left3A_72, 128 : i32
    %dma_start3A_74 = arith.constant 0 : i32
    %dma_start3A_75 = arith.constant 384 : i32
    %dma_start3A_76 = tpu.memref_slice %arg6[%dma_start3A_74, %dma_start3A_75] : memref<16x6144xf32, #tpu.memory_space<vmem>> -> memref<16x128xf32, #tpu.memory_space<vmem>>
    %dma_start3A_77 = arith.constant 0 : i32
    %dma_start3A_78 = tpu.memref_slice %arg2[%dma_start3A_77, %multiple_of3A_73] : memref<16x1000000xf32, #tpu.memory_space<hbm>> -> memref<16x128xf32, #tpu.memory_space<hbm>>
    %dma_start3A_79 = arith.constant 0 : i32
    %dma_start3A_80 = arith.constant 384 : i32
    %dma_start3A_81 = tpu.memref_slice %arg6[%dma_start3A_79, %dma_start3A_80] : memref<16x6144xf32, #tpu.memory_space<vmem>> -> memref<16x128xf32, #tpu.memory_space<vmem>>
    %dma_start3A_82 = arith.constant 0 : i32
    %dma_start3A_83 = tpu.memref_slice %arg2[%dma_start3A_82, %multiple_of3A_73] : memref<16x1000000xf32, #tpu.memory_space<hbm>> -> memref<16x128xf32, #tpu.memory_space<hbm>>
    tpu.enqueue_dma source(%dma_start3A_83 : memref<16x128xf32, #tpu.memory_space<hbm>>) target(%dma_start3A_81 : memref<16x128xf32, #tpu.memory_space<vmem>>) target_semaphore(%arg8 : memref<!tpu.dma_semaphore, #tpu.memory_space<semaphore_mem>>)
    %slice3A_84 = vector.extract_strided_slice %get3A_21 {offsets = [4], sizes = [1], strides = [1]} : vector<16xi32> to vector<1xi32>
    %squeeze3A_85 = vector.extract %slice3A_84[0] : i32 from vector<1xi32>
    %shift_right_arithmetic3A_86 = arith.constant 7 : i32
    %shift_right_arithmetic3A_87 = arith.shrsi %squeeze3A_85, %shift_right_arithmetic3A_86 : i32
    %shift_left3A_88 = arith.constant 7 : i32
    %shift_left3A_89 = arith.shli %shift_right_arithmetic3A_87, %shift_left3A_88 : i32
    %multiple_of3A_90 = tpu.assume_multiple %shift_left3A_89, 128 : i32
    %dma_start3A_91 = arith.constant 0 : i32
    %dma_start3A_92 = arith.constant 512 : i32
    %dma_start3A_93 = tpu.memref_slice %arg6[%dma_start3A_91, %dma_start3A_92] : memref<16x6144xf32, #tpu.memory_space<vmem>> -> memref<16x128xf32, #tpu.memory_space<vmem>>
    %dma_start3A_94 = arith.constant 0 : i32
    %dma_start3A_95 = tpu.memref_slice %arg2[%dma_start3A_94, %multiple_of3A_90] : memref<16x1000000xf32, #tpu.memory_space<hbm>> -> memref<16x128xf32, #tpu.memory_space<hbm>>
    %dma_start3A_96 = arith.constant 0 : i32
    %dma_start3A_97 = arith.constant 512 : i32
    %dma_start3A_98 = tpu.memref_slice %arg6[%dma_start3A_96, %dma_start3A_97] : memref<16x6144xf32, #tpu.memory_space<vmem>> -> memref<16x128xf32, #tpu.memory_space<vmem>>
    %dma_start3A_99 = arith.constant 0 : i32
    %dma_start3A_100 = tpu.memref_slice %arg2[%dma_start3A_99, %multiple_of3A_90] : memref<16x1000000xf32, #tpu.memory_space<hbm>> -> memref<16x128xf32, #tpu.memory_space<hbm>>
    tpu.enqueue_dma source(%dma_start3A_100 : memref<16x128xf32, #tpu.memory_space<hbm>>) target(%dma_start3A_98 : memref<16x128xf32, #tpu.memory_space<vmem>>) target_semaphore(%arg8 : memref<!tpu.dma_semaphore, #tpu.memory_space<semaphore_mem>>)
    %slice3A_101 = vector.extract_strided_slice %get3A_21 {offsets = [5], sizes = [1], strides = [1]} : vector<16xi32> to vector<1xi32>
    %squeeze3A_102 = vector.extract %slice3A_101[0] : i32 from vector<1xi32>
    %shift_right_arithmetic3A_103 = arith.constant 7 : i32
    %shift_right_arithmetic3A_104 = arith.shrsi %squeeze3A_102, %shift_right_arithmetic3A_103 : i32
    %shift_left3A_105 = arith.constant 7 : i32
    %shift_left3A_106 = arith.shli %shift_right_arithmetic3A_104, %shift_left3A_105 : i32
    %multiple_of3A_107 = tpu.assume_multiple %shift_left3A_106, 128 : i32
    %dma_start3A_108 = arith.constant 0 : i32
    %dma_start3A_109 = arith.constant 640 : i32
    %dma_start3A_110 = tpu.memref_slice %arg6[%dma_start3A_108, %dma_start3A_109] : memref<16x6144xf32, #tpu.memory_space<vmem>> -> memref<16x128xf32, #tpu.memory_space<vmem>>
    %dma_start3A_111 = arith.constant 0 : i32
    %dma_start3A_112 = tpu.memref_slice %arg2[%dma_start3A_111, %multiple_of3A_107] : memref<16x1000000xf32, #tpu.memory_space<hbm>> -> memref<16x128xf32, #tpu.memory_space<hbm>>
    %dma_start3A_113 = arith.constant 0 : i32
    %dma_start3A_114 = arith.constant 640 : i32
    %dma_start3A_115 = tpu.memref_slice %arg6[%dma_start3A_113, %dma_start3A_114] : memref<16x6144xf32, #tpu.memory_space<vmem>> -> memref<16x128xf32, #tpu.memory_space<vmem>>
    %dma_start3A_116 = arith.constant 0 : i32
    %dma_start3A_117 = tpu.memref_slice %arg2[%dma_start3A_116, %multiple_of3A_107] : memref<16x1000000xf32, #tpu.memory_space<hbm>> -> memref<16x128xf32, #tpu.memory_space<hbm>>
    tpu.enqueue_dma source(%dma_start3A_117 : memref<16x128xf32, #tpu.memory_space<hbm>>) target(%dma_start3A_115 : memref<16x128xf32, #tpu.memory_space<vmem>>) target_semaphore(%arg8 : memref<!tpu.dma_semaphore, #tpu.memory_space<semaphore_mem>>)
    %slice3A_118 = vector.extract_strided_slice %get3A_21 {offsets = [6], sizes = [1], strides = [1]} : vector<16xi32> to vector<1xi32>
    %squeeze3A_119 = vector.extract %slice3A_118[0] : i32 from vector<1xi32>
    %shift_right_arithmetic3A_120 = arith.constant 7 : i32
    %shift_right_arithmetic3A_121 = arith.shrsi %squeeze3A_119, %shift_right_arithmetic3A_120 : i32
    %shift_left3A_122 = arith.constant 7 : i32
    %shift_left3A_123 = arith.shli %shift_right_arithmetic3A_121, %shift_left3A_122 : i32
    %multiple_of3A_124 = tpu.assume_multiple %shift_left3A_123, 128 : i32
    %dma_start3A_125 = arith.constant 0 : i32
    %dma_start3A_126 = arith.constant 768 : i32
    %dma_start3A_127 = tpu.memref_slice %arg6[%dma_start3A_125, %dma_start3A_126] : memref<16x6144xf32, #tpu.memory_space<vmem>> -> memref<16x128xf32, #tpu.memory_space<vmem>>
    %dma_start3A_128 = arith.constant 0 : i32
    %dma_start3A_129 = tpu.memref_slice %arg2[%dma_start3A_128, %multiple_of3A_124] : memref<16x1000000xf32, #tpu.memory_space<hbm>> -> memref<16x128xf32, #tpu.memory_space<hbm>>
    %dma_start3A_130 = arith.constant 0 : i32
    %dma_start3A_131 = arith.constant 768 : i32
    %dma_start3A_132 = tpu.memref_slice %arg6[%dma_start3A_130, %dma_start3A_131] : memref<16x6144xf32, #tpu.memory_space<vmem>> -> memref<16x128xf32, #tpu.memory_space<vmem>>
    %dma_start3A_133 = arith.constant 0 : i32
    %dma_start3A_134 = tpu.memref_slice %arg2[%dma_start3A_133, %multiple_of3A_124] : memref<16x1000000xf32, #tpu.memory_space<hbm>> -> memref<16x128xf32, #tpu.memory_space<hbm>>
    tpu.enqueue_dma source(%dma_start3A_134 : memref<16x128xf32, #tpu.memory_space<hbm>>) target(%dma_start3A_132 : memref<16x128xf32, #tpu.memory_space<vmem>>) target_semaphore(%arg8 : memref<!tpu.dma_semaphore, #tpu.memory_space<semaphore_mem>>)
    %slice3A_135 = vector.extract_strided_slice %get3A_21 {offsets = [7], sizes = [1], strides = [1]} : vector<16xi32> to vector<1xi32>
    %squeeze3A_136 = vector.extract %slice3A_135[0] : i32 from vector<1xi32>
    %shift_right_arithmetic3A_137 = arith.constant 7 : i32
    %shift_right_arithmetic3A_138 = arith.shrsi %squeeze3A_136, %shift_right_arithmetic3A_137 : i32
    %shift_left3A_139 = arith.constant 7 : i32
    %shift_left3A_140 = arith.shli %shift_right_arithmetic3A_138, %shift_left3A_139 : i32
    %multiple_of3A_141 = tpu.assume_multiple %shift_left3A_140, 128 : i32
    %dma_start3A_142 = arith.constant 0 : i32
    %dma_start3A_143 = arith.constant 896 : i32
    %dma_start3A_144 = tpu.memref_slice %arg6[%dma_start3A_142, %dma_start3A_143] : memref<16x6144xf32, #tpu.memory_space<vmem>> -> memref<16x128xf32, #tpu.memory_space<vmem>>
    %dma_start3A_145 = arith.constant 0 : i32
    %dma_start3A_146 = tpu.memref_slice %arg2[%dma_start3A_145, %multiple_of3A_141] : memref<16x1000000xf32, #tpu.memory_space<hbm>> -> memref<16x128xf32, #tpu.memory_space<hbm>>
    %dma_start3A_147 = arith.constant 0 : i32
    %dma_start3A_148 = arith.constant 896 : i32
    %dma_start3A_149 = tpu.memref_slice %arg6[%dma_start3A_147, %dma_start3A_148] : memref<16x6144xf32, #tpu.memory_space<vmem>> -> memref<16x128xf32, #tpu.memory_space<vmem>>
    %dma_start3A_150 = arith.constant 0 : i32
    %dma_start3A_151 = tpu.memref_slice %arg2[%dma_start3A_150, %multiple_of3A_141] : memref<16x1000000xf32, #tpu.memory_space<hbm>> -> memref<16x128xf32, #tpu.memory_space<hbm>>
    tpu.enqueue_dma source(%dma_start3A_151 : memref<16x128xf32, #tpu.memory_space<hbm>>) target(%dma_start3A_149 : memref<16x128xf32, #tpu.memory_space<vmem>>) target_semaphore(%arg8 : memref<!tpu.dma_semaphore, #tpu.memory_space<semaphore_mem>>)
    %slice3A_152 = vector.extract_strided_slice %get3A_21 {offsets = [8], sizes = [1], strides = [1]} : vector<16xi32> to vector<1xi32>
    %squeeze3A_153 = vector.extract %slice3A_152[0] : i32 from vector<1xi32>
    %shift_right_arithmetic3A_154 = arith.constant 7 : i32
    %shift_right_arithmetic3A_155 = arith.shrsi %squeeze3A_153, %shift_right_arithmetic3A_154 : i32
    %shift_left3A_156 = arith.constant 7 : i32
    %shift_left3A_157 = arith.shli %shift_right_arithmetic3A_155, %shift_left3A_156 : i32
    %multiple_of3A_158 = tpu.assume_multiple %shift_left3A_157, 128 : i32
    %dma_start3A_159 = arith.constant 0 : i32
    %dma_start3A_160 = arith.constant 1024 : i32
    %dma_start3A_161 = tpu.memref_slice %arg6[%dma_start3A_159, %dma_start3A_160] : memref<16x6144xf32, #tpu.memory_space<vmem>> -> memref<16x128xf32, #tpu.memory_space<vmem>>
    %dma_start3A_162 = arith.constant 0 : i32
    %dma_start3A_163 = tpu.memref_slice %arg2[%dma_start3A_162, %multiple_of3A_158] : memref<16x1000000xf32, #tpu.memory_space<hbm>> -> memref<16x128xf32, #tpu.memory_space<hbm>>
    %dma_start3A_164 = arith.constant 0 : i32
    %dma_start3A_165 = arith.constant 1024 : i32
    %dma_start3A_166 = tpu.memref_slice %arg6[%dma_start3A_164, %dma_start3A_165] : memref<16x6144xf32, #tpu.memory_space<vmem>> -> memref<16x128xf32, #tpu.memory_space<vmem>>
    %dma_start3A_167 = arith.constant 0 : i32
    %dma_start3A_168 = tpu.memref_slice %arg2[%dma_start3A_167, %multiple_of3A_158] : memref<16x1000000xf32, #tpu.memory_space<hbm>> -> memref<16x128xf32, #tpu.memory_space<hbm>>
    tpu.enqueue_dma source(%dma_start3A_168 : memref<16x128xf32, #tpu.memory_space<hbm>>) target(%dma_start3A_166 : memref<16x128xf32, #tpu.memory_space<vmem>>) target_semaphore(%arg8 : memref<!tpu.dma_semaphore, #tpu.memory_space<semaphore_mem>>)
    %slice3A_169 = vector.extract_strided_slice %get3A_21 {offsets = [9], sizes = [1], strides = [1]} : vector<16xi32> to vector<1xi32>
    %squeeze3A_170 = vector.extract %slice3A_169[0] : i32 from vector<1xi32>
    %shift_right_arithmetic3A_171 = arith.constant 7 : i32
    %shift_right_arithmetic3A_172 = arith.shrsi %squeeze3A_170, %shift_right_arithmetic3A_171 : i32
    %shift_left3A_173 = arith.constant 7 : i32
    %shift_left3A_174 = arith.shli %shift_right_arithmetic3A_172, %shift_left3A_173 : i32
    %multiple_of3A_175 = tpu.assume_multiple %shift_left3A_174, 128 : i32
    %dma_start3A_176 = arith.constant 0 : i32
    %dma_start3A_177 = arith.constant 1152 : i32
    %dma_start3A_178 = tpu.memref_slice %arg6[%dma_start3A_176, %dma_start3A_177] : memref<16x6144xf32, #tpu.memory_space<vmem>> -> memref<16x128xf32, #tpu.memory_space<vmem>>
    %dma_start3A_179 = arith.constant 0 : i32
    %dma_start3A_180 = tpu.memref_slice %arg2[%dma_start3A_179, %multiple_of3A_175] : memref<16x1000000xf32, #tpu.memory_space<hbm>> -> memref<16x128xf32, #tpu.memory_space<hbm>>
    %dma_start3A_181 = arith.constant 0 : i32
    %dma_start3A_182 = arith.constant 1152 : i32
    %dma_start3A_183 = tpu.memref_slice %arg6[%dma_start3A_181, %dma_start3A_182] : memref<16x6144xf32, #tpu.memory_space<vmem>> -> memref<16x128xf32, #tpu.memory_space<vmem>>
    %dma_start3A_184 = arith.constant 0 : i32
    %dma_start3A_185 = tpu.memref_slice %arg2[%dma_start3A_184, %multiple_of3A_175] : memref<16x1000000xf32, #tpu.memory_space<hbm>> -> memref<16x128xf32, #tpu.memory_space<hbm>>
    tpu.enqueue_dma source(%dma_start3A_185 : memref<16x128xf32, #tpu.memory_space<hbm>>) target(%dma_start3A_183 : memref<16x128xf32, #tpu.memory_space<vmem>>) target_semaphore(%arg8 : memref<!tpu.dma_semaphore, #tpu.memory_space<semaphore_mem>>)
    %slice3A_186 = vector.extract_strided_slice %get3A_21 {offsets = [10], sizes = [1], strides = [1]} : vector<16xi32> to vector<1xi32>
    %squeeze3A_187 = vector.extract %slice3A_186[0] : i32 from vector<1xi32>
    %shift_right_arithmetic3A_188 = arith.constant 7 : i32
    %shift_right_arithmetic3A_189 = arith.shrsi %squeeze3A_187, %shift_right_arithmetic3A_188 : i32
    %shift_left3A_190 = arith.constant 7 : i32
    %shift_left3A_191 = arith.shli %shift_right_arithmetic3A_189, %shift_left3A_190 : i32
    %multiple_of3A_192 = tpu.assume_multiple %shift_left3A_191, 128 : i32
    %dma_start3A_193 = arith.constant 0 : i32
    %dma_start3A_194 = arith.constant 1280 : i32
    %dma_start3A_195 = tpu.memref_slice %arg6[%dma_start3A_193, %dma_start3A_194] : memref<16x6144xf32, #tpu.memory_space<vmem>> -> memref<16x128xf32, #tpu.memory_space<vmem>>
    %dma_start3A_196 = arith.constant 0 : i32
    %dma_start3A_197 = tpu.memref_slice %arg2[%dma_start3A_196, %multiple_of3A_192] : memref<16x1000000xf32, #tpu.memory_space<hbm>> -> memref<16x128xf32, #tpu.memory_space<hbm>>
    %dma_start3A_198 = arith.constant 0 : i32
    %dma_start3A_199 = arith.constant 1280 : i32
    %dma_start3A_200 = tpu.memref_slice %arg6[%dma_start3A_198, %dma_start3A_199] : memref<16x6144xf32, #tpu.memory_space<vmem>> -> memref<16x128xf32, #tpu.memory_space<vmem>>
    %dma_start3A_201 = arith.constant 0 : i32
    %dma_start3A_202 = tpu.memref_slice %arg2[%dma_start3A_201, %multiple_of3A_192] : memref<16x1000000xf32, #tpu.memory_space<hbm>> -> memref<16x128xf32, #tpu.memory_space<hbm>>
    tpu.enqueue_dma source(%dma_start3A_202 : memref<16x128xf32, #tpu.memory_space<hbm>>) target(%dma_start3A_200 : memref<16x128xf32, #tpu.memory_space<vmem>>) target_semaphore(%arg8 : memref<!tpu.dma_semaphore, #tpu.memory_space<semaphore_mem>>)
    %slice3A_203 = vector.extract_strided_slice %get3A_21 {offsets = [11], sizes = [1], strides = [1]} : vector<16xi32> to vector<1xi32>
    %squeeze3A_204 = vector.extract %slice3A_203[0] : i32 from vector<1xi32>
    %shift_right_arithmetic3A_205 = arith.constant 7 : i32
    %shift_right_arithmetic3A_206 = arith.shrsi %squeeze3A_204, %shift_right_arithmetic3A_205 : i32
    %shift_left3A_207 = arith.constant 7 : i32
    %shift_left3A_208 = arith.shli %shift_right_arithmetic3A_206, %shift_left3A_207 : i32
    %multiple_of3A_209 = tpu.assume_multiple %shift_left3A_208, 128 : i32
    %dma_start3A_210 = arith.constant 0 : i32
    %dma_start3A_211 = arith.constant 1408 : i32
    %dma_start3A_212 = tpu.memref_slice %arg6[%dma_start3A_210, %dma_start3A_211] : memref<16x6144xf32, #tpu.memory_space<vmem>> -> memref<16x128xf32, #tpu.memory_space<vmem>>
    %dma_start3A_213 = arith.constant 0 : i32
    %dma_start3A_214 = tpu.memref_slice %arg2[%dma_start3A_213, %multiple_of3A_209] : memref<16x1000000xf32, #tpu.memory_space<hbm>> -> memref<16x128xf32, #tpu.memory_space<hbm>>
    %dma_start3A_215 = arith.constant 0 : i32
    %dma_start3A_216 = arith.constant 1408 : i32
    %dma_start3A_217 = tpu.memref_slice %arg6[%dma_start3A_215, %dma_start3A_216] : memref<16x6144xf32, #tpu.memory_space<vmem>> -> memref<16x128xf32, #tpu.memory_space<vmem>>
    %dma_start3A_218 = arith.constant 0 : i32
    %dma_start3A_219 = tpu.memref_slice %arg2[%dma_start3A_218, %multiple_of3A_209] : memref<16x1000000xf32, #tpu.memory_space<hbm>> -> memref<16x128xf32, #tpu.memory_space<hbm>>
    tpu.enqueue_dma source(%dma_start3A_219 : memref<16x128xf32, #tpu.memory_space<hbm>>) target(%dma_start3A_217 : memref<16x128xf32, #tpu.memory_space<vmem>>) target_semaphore(%arg8 : memref<!tpu.dma_semaphore, #tpu.memory_space<semaphore_mem>>)
    %slice3A_220 = vector.extract_strided_slice %get3A_21 {offsets = [12], sizes = [1], strides = [1]} : vector<16xi32> to vector<1xi32>
    %squeeze3A_221 = vector.extract %slice3A_220[0] : i32 from vector<1xi32>
    %shift_right_arithmetic3A_222 = arith.constant 7 : i32
    %shift_right_arithmetic3A_223 = arith.shrsi %squeeze3A_221, %shift_right_arithmetic3A_222 : i32
    %shift_left3A_224 = arith.constant 7 : i32
    %shift_left3A_225 = arith.shli %shift_right_arithmetic3A_223, %shift_left3A_224 : i32
    %multiple_of3A_226 = tpu.assume_multiple %shift_left3A_225, 128 : i32
    %dma_start3A_227 = arith.constant 0 : i32
    %dma_start3A_228 = arith.constant 1536 : i32
    %dma_start3A_229 = tpu.memref_slice %arg6[%dma_start3A_227, %dma_start3A_228] : memref<16x6144xf32, #tpu.memory_space<vmem>> -> memref<16x128xf32, #tpu.memory_space<vmem>>
    %dma_start3A_230 = arith.constant 0 : i32
    %dma_start3A_231 = tpu.memref_slice %arg2[%dma_start3A_230, %multiple_of3A_226] : memref<16x1000000xf32, #tpu.memory_space<hbm>> -> memref<16x128xf32, #tpu.memory_space<hbm>>
    %dma_start3A_232 = arith.constant 0 : i32
    %dma_start3A_233 = arith.constant 1536 : i32
    %dma_start3A_234 = tpu.memref_slice %arg6[%dma_start3A_232, %dma_start3A_233] : memref<16x6144xf32, #tpu.memory_space<vmem>> -> memref<16x128xf32, #tpu.memory_space<vmem>>
    %dma_start3A_235 = arith.constant 0 : i32
    %dma_start3A_236 = tpu.memref_slice %arg2[%dma_start3A_235, %multiple_of3A_226] : memref<16x1000000xf32, #tpu.memory_space<hbm>> -> memref<16x128xf32, #tpu.memory_space<hbm>>
    tpu.enqueue_dma source(%dma_start3A_236 : memref<16x128xf32, #tpu.memory_space<hbm>>) target(%dma_start3A_234 : memref<16x128xf32, #tpu.memory_space<vmem>>) target_semaphore(%arg8 : memref<!tpu.dma_semaphore, #tpu.memory_space<semaphore_mem>>)
    %slice3A_237 = vector.extract_strided_slice %get3A_21 {offsets = [13], sizes = [1], strides = [1]} : vector<16xi32> to vector<1xi32>
    %squeeze3A_238 = vector.extract %slice3A_237[0] : i32 from vector<1xi32>
    %shift_right_arithmetic3A_239 = arith.constant 7 : i32
    %shift_right_arithmetic3A_240 = arith.shrsi %squeeze3A_238, %shift_right_arithmetic3A_239 : i32
    %shift_left3A_241 = arith.constant 7 : i32
    %shift_left3A_242 = arith.shli %shift_right_arithmetic3A_240, %shift_left3A_241 : i32
    %multiple_of3A_243 = tpu.assume_multiple %shift_left3A_242, 128 : i32
    %dma_start3A_244 = arith.constant 0 : i32
    %dma_start3A_245 = arith.constant 1664 : i32
    %dma_start3A_246 = tpu.memref_slice %arg6[%dma_start3A_244, %dma_start3A_245] : memref<16x6144xf32, #tpu.memory_space<vmem>> -> memref<16x128xf32, #tpu.memory_space<vmem>>
    %dma_start3A_247 = arith.constant 0 : i32
    %dma_start3A_248 = tpu.memref_slice %arg2[%dma_start3A_247, %multiple_of3A_243] : memref<16x1000000xf32, #tpu.memory_space<hbm>> -> memref<16x128xf32, #tpu.memory_space<hbm>>
    %dma_start3A_249 = arith.constant 0 : i32
    %dma_start3A_250 = arith.constant 1664 : i32
    %dma_start3A_251 = tpu.memref_slice %arg6[%dma_start3A_249, %dma_start3A_250] : memref<16x6144xf32, #tpu.memory_space<vmem>> -> memref<16x128xf32, #tpu.memory_space<vmem>>
    %dma_start3A_252 = arith.constant 0 : i32
    %dma_start3A_253 = tpu.memref_slice %arg2[%dma_start3A_252, %multiple_of3A_243] : memref<16x1000000xf32, #tpu.memory_space<hbm>> -> memref<16x128xf32, #tpu.memory_space<hbm>>
    tpu.enqueue_dma source(%dma_start3A_253 : memref<16x128xf32, #tpu.memory_space<hbm>>) target(%dma_start3A_251 : memref<16x128xf32, #tpu.memory_space<vmem>>) target_semaphore(%arg8 : memref<!tpu.dma_semaphore, #tpu.memory_space<semaphore_mem>>)
    %slice3A_254 = vector.extract_strided_slice %get3A_21 {offsets = [14], sizes = [1], strides = [1]} : vector<16xi32> to vector<1xi32>
    %squeeze3A_255 = vector.extract %slice3A_254[0] : i32 from vector<1xi32>
    %shift_right_arithmetic3A_256 = arith.constant 7 : i32
    %shift_right_arithmetic3A_257 = arith.shrsi %squeeze3A_255, %shift_right_arithmetic3A_256 : i32
    %shift_left3A_258 = arith.constant 7 : i32
    %shift_left3A_259 = arith.shli %shift_right_arithmetic3A_257, %shift_left3A_258 : i32
    %multiple_of3A_260 = tpu.assume_multiple %shift_left3A_259, 128 : i32
    %dma_start3A_261 = arith.constant 0 : i32
    %dma_start3A_262 = arith.constant 1792 : i32
    %dma_start3A_263 = tpu.memref_slice %arg6[%dma_start3A_261, %dma_start3A_262] : memref<16x6144xf32, #tpu.memory_space<vmem>> -> memref<16x128xf32, #tpu.memory_space<vmem>>
    %dma_start3A_264 = arith.constant 0 : i32
    %dma_start3A_265 = tpu.memref_slice %arg2[%dma_start3A_264, %multiple_of3A_260] : memref<16x1000000xf32, #tpu.memory_space<hbm>> -> memref<16x128xf32, #tpu.memory_space<hbm>>
    %dma_start3A_266 = arith.constant 0 : i32
    %dma_start3A_267 = arith.constant 1792 : i32
    %dma_start3A_268 = tpu.memref_slice %arg6[%dma_start3A_266, %dma_start3A_267] : memref<16x6144xf32, #tpu.memory_space<vmem>> -> memref<16x128xf32, #tpu.memory_space<vmem>>
    %dma_start3A_269 = arith.constant 0 : i32
    %dma_start3A_270 = tpu.memref_slice %arg2[%dma_start3A_269, %multiple_of3A_260] : memref<16x1000000xf32, #tpu.memory_space<hbm>> -> memref<16x128xf32, #tpu.memory_space<hbm>>
    tpu.enqueue_dma source(%dma_start3A_270 : memref<16x128xf32, #tpu.memory_space<hbm>>) target(%dma_start3A_268 : memref<16x128xf32, #tpu.memory_space<vmem>>) target_semaphore(%arg8 : memref<!tpu.dma_semaphore, #tpu.memory_space<semaphore_mem>>)
    %slice3A_271 = vector.extract_strided_slice %get3A_21 {offsets = [15], sizes = [1], strides = [1]} : vector<16xi32> to vector<1xi32>
    %squeeze3A_272 = vector.extract %slice3A_271[0] : i32 from vector<1xi32>
    %shift_right_arithmetic3A_273 = arith.constant 7 : i32
    %shift_right_arithmetic3A_274 = arith.shrsi %squeeze3A_272, %shift_right_arithmetic3A_273 : i32
    %shift_left3A_275 = arith.constant 7 : i32
    %shift_left3A_276 = arith.shli %shift_right_arithmetic3A_274, %shift_left3A_275 : i32
    %multiple_of3A_277 = tpu.assume_multiple %shift_left3A_276, 128 : i32
    %dma_start3A_278 = arith.constant 0 : i32
    %dma_start3A_279 = arith.constant 1920 : i32
    %dma_start3A_280 = tpu.memref_slice %arg6[%dma_start3A_278, %dma_start3A_279] : memref<16x6144xf32, #tpu.memory_space<vmem>> -> memref<16x128xf32, #tpu.memory_space<vmem>>
    %dma_start3A_281 = arith.constant 0 : i32
    %dma_start3A_282 = tpu.memref_slice %arg2[%dma_start3A_281, %multiple_of3A_277] : memref<16x1000000xf32, #tpu.memory_space<hbm>> -> memref<16x128xf32, #tpu.memory_space<hbm>>
    %dma_start3A_283 = arith.constant 0 : i32
    %dma_start3A_284 = arith.constant 1920 : i32
    %dma_start3A_285 = tpu.memref_slice %arg6[%dma_start3A_283, %dma_start3A_284] : memref<16x6144xf32, #tpu.memory_space<vmem>> -> memref<16x128xf32, #tpu.memory_space<vmem>>
    %dma_start3A_286 = arith.constant 0 : i32
    %dma_start3A_287 = tpu.memref_slice %arg2[%dma_start3A_286, %multiple_of3A_277] : memref<16x1000000xf32, #tpu.memory_space<hbm>> -> memref<16x128xf32, #tpu.memory_space<hbm>>
    tpu.enqueue_dma source(%dma_start3A_287 : memref<16x128xf32, #tpu.memory_space<hbm>>) target(%dma_start3A_285 : memref<16x128xf32, #tpu.memory_space<vmem>>) target_semaphore(%arg8 : memref<!tpu.dma_semaphore, #tpu.memory_space<semaphore_mem>>)
    %get3A_288 = arith.constant 16 : index
    %get3A_289 = tpu.vector_load %arg5[%get3A_288] {strides = array<i32>} : memref<512xi32, #tpu.memory_space<vmem>>, vector<16xi32>,
    %slice3A_290 = vector.extract_strided_slice %get3A_289 {offsets = [0], sizes = [1], strides = [1]} : vector<16xi32> to vector<1xi32>
    %squeeze3A_291 = vector.extract %slice3A_290[0] : i32 from vector<1xi32>
    %shift_right_arithmetic3A_292 = arith.constant 7 : i32
    %shift_right_arithmetic3A_293 = arith.shrsi %squeeze3A_291, %shift_right_arithmetic3A_292 : i32
    %shift_left3A_294 = arith.constant 7 : i32
    %shift_left3A_295 = arith.shli %shift_right_arithmetic3A_293, %shift_left3A_294 : i32
    %multiple_of3A_296 = tpu.assume_multiple %shift_left3A_295, 128 : i32
    %dma_start3A_297 = arith.constant 0 : i32
    %dma_start3A_298 = arith.constant 2048 : i32
    %dma_start3A_299 = tpu.memref_slice %arg6[%dma_start3A_297, %dma_start3A_298] : memref<16x6144xf32, #tpu.memory_space<vmem>> -> memref<16x128xf32, #tpu.memory_space<vmem>>
    %dma_start3A_300 = arith.constant 0 : i32
    %dma_start3A_301 = tpu.memref_slice %arg2[%dma_start3A_300, %multiple_of3A_296] : memref<16x1000000xf32, #tpu.memory_space<hbm>> -> memref<16x128xf32, #tpu.memory_space<hbm>>
    %dma_start3A_302 = arith.constant 0 : i32
    %dma_start3A_303 = arith.constant 2048 : i32
    %dma_start3A_304 = tpu.memref_slice %arg6[%dma_start3A_302, %dma_start3A_303] : memref<16x6144xf32, #tpu.memory_space<vmem>> -> memref<16x128xf32, #tpu.memory_space<vmem>>
    %dma_start3A_305 = arith.constant 0 : i32
    %dma_start3A_306 = tpu.memref_slice %arg2[%dma_start3A_305, %multiple_of3A_296] : memref<16x1000000xf32, #tpu.memory_space<hbm>> -> memref<16x128xf32, #tpu.memory_space<hbm>>
    tpu.enqueue_dma source(%dma_start3A_306 : memref<16x128xf32, #tpu.memory_space<hbm>>) target(%dma_start3A_304 : memref<16x128xf32, #tpu.memory_space<vmem>>) target_semaphore(%arg9 : memref<!tpu.dma_semaphore, #tpu.memory_space<semaphore_mem>>)
    %slice3A_307 = vector.extract_strided_slice %get3A_289 {offsets = [1], sizes = [1], strides = [1]} : vector<16xi32> to vector<1xi32>
    %squeeze3A_308 = vector.extract %slice3A_307[0] : i32 from vector<1xi32>
    %shift_right_arithmetic3A_309 = arith.constant 7 : i32
    %shift_right_arithmetic3A_310 = arith.shrsi %squeeze3A_308, %shift_right_arithmetic3A_309 : i32
    %shift_left3A_311 = arith.constant 7 : i32
    %shift_left3A_312 = arith.shli %shift_right_arithmetic3A_310, %shift_left3A_311 : i32
    %multiple_of3A_313 = tpu.assume_multiple %shift_left3A_312, 128 : i32
    %dma_start3A_314 = arith.constant 0 : i32
    %dma_start3A_315 = arith.constant 2176 : i32
    %dma_start3A_316 = tpu.memref_slice %arg6[%dma_start3A_314, %dma_start3A_315] : memref<16x6144xf32, #tpu.memory_space<vmem>> -> memref<16x128xf32, #tpu.memory_space<vmem>>
    %dma_start3A_317 = arith.constant 0 : i32
    %dma_start3A_318 = tpu.memref_slice %arg2[%dma_start3A_317, %multiple_of3A_313] : memref<16x1000000xf32, #tpu.memory_space<hbm>> -> memref<16x128xf32, #tpu.memory_space<hbm>>
    %dma_start3A_319 = arith.constant 0 : i32
    %dma_start3A_320 = arith.constant 2176 : i32
    %dma_start3A_321 = tpu.memref_slice %arg6[%dma_start3A_319, %dma_start3A_320] : memref<16x6144xf32, #tpu.memory_space<vmem>> -> memref<16x128xf32, #tpu.memory_space<vmem>>
    %dma_start3A_322 = arith.constant 0 : i32
    %dma_start3A_323 = tpu.memref_slice %arg2[%dma_start3A_322, %multiple_of3A_313] : memref<16x1000000xf32, #tpu.memory_space<hbm>> -> memref<16x128xf32, #tpu.memory_space<hbm>>
    tpu.enqueue_dma source(%dma_start3A_323 : memref<16x128xf32, #tpu.memory_space<hbm>>) target(%dma_start3A_321 : memref<16x128xf32, #tpu.memory_space<vmem>>) target_semaphore(%arg9 : memref<!tpu.dma_semaphore, #tpu.memory_space<semaphore_mem>>)
    %slice3A_324 = vector.extract_strided_slice %get3A_289 {offsets = [2], sizes = [1], strides = [1]} : vector<16xi32> to vector<1xi32>
    %squeeze3A_325 = vector.extract %slice3A_324[0] : i32 from vector<1xi32>
    %shift_right_arithmetic3A_326 = arith.constant 7 : i32
    %shift_right_arithmetic3A_327 = arith.shrsi %squeeze3A_325, %shift_right_arithmetic3A_326 : i32
    %shift_left3A_328 = arith.constant 7 : i32
    %shift_left3A_329 = arith.shli %shift_right_arithmetic3A_327, %shift_left3A_328 : i32
    %multiple_of3A_330 = tpu.assume_multiple %shift_left3A_329, 128 : i32
    %dma_start3A_331 = arith.constant 0 : i32
    %dma_start3A_332 = arith.constant 2304 : i32
    %dma_start3A_333 = tpu.memref_slice %arg6[%dma_start3A_331, %dma_start3A_332] : memref<16x6144xf32, #tpu.memory_space<vmem>> -> memref<16x128xf32, #tpu.memory_space<vmem>>
    %dma_start3A_334 = arith.constant 0 : i32
    %dma_start3A_335 = tpu.memref_slice %arg2[%dma_start3A_334, %multiple_of3A_330] : memref<16x1000000xf32, #tpu.memory_space<hbm>> -> memref<16x128xf32, #tpu.memory_space<hbm>>
    %dma_start3A_336 = arith.constant 0 : i32
    %dma_start3A_337 = arith.constant 2304 : i32
    %dma_start3A_338 = tpu.memref_slice %arg6[%dma_start3A_336, %dma_start3A_337] : memref<16x6144xf32, #tpu.memory_space<vmem>> -> memref<16x128xf32, #tpu.memory_space<vmem>>
    %dma_start3A_339 = arith.constant 0 : i32
    %dma_start3A_340 = tpu.memref_slice %arg2[%dma_start3A_339, %multiple_of3A_330] : memref<16x1000000xf32, #tpu.memory_space<hbm>> -> memref<16x128xf32, #tpu.memory_space<hbm>>
    tpu.enqueue_dma source(%dma_start3A_340 : memref<16x128xf32, #tpu.memory_space<hbm>>) target(%dma_start3A_338 : memref<16x128xf32, #tpu.memory_space<vmem>>) target_semaphore(%arg9 : memref<!tpu.dma_semaphore, #tpu.memory_space<semaphore_mem>>)
    %slice3A_341 = vector.extract_strided_slice %get3A_289 {offsets = [3], sizes = [1], strides = [1]} : vector<16xi32> to vector<1xi32>
    %squeeze3A_342 = vector.extract %slice3A_341[0] : i32 from vector<1xi32>
    %shift_right_arithmetic3A_343 = arith.constant 7 : i32
    %shift_right_arithmetic3A_344 = arith.shrsi %squeeze3A_342, %shift_right_arithmetic3A_343 : i32
    %shift_left3A_345 = arith.constant 7 : i32
    %shift_left3A_346 = arith.shli %shift_right_arithmetic3A_344, %shift_left3A_345 : i32
    %multiple_of3A_347 = tpu.assume_multiple %shift_left3A_346, 128 : i32
    %dma_start3A_348 = arith.constant 0 : i32
    %dma_start3A_349 = arith.constant 2432 : i32
    %dma_start3A_350 = tpu.memref_slice %arg6[%dma_start3A_348, %dma_start3A_349] : memref<16x6144xf32, #tpu.memory_space<vmem>> -> memref<16x128xf32, #tpu.memory_space<vmem>>
    %dma_start3A_351 = arith.constant 0 : i32
    %dma_start3A_352 = tpu.memref_slice %arg2[%dma_start3A_351, %multiple_of3A_347] : memref<16x1000000xf32, #tpu.memory_space<hbm>> -> memref<16x128xf32, #tpu.memory_space<hbm>>
    %dma_start3A_353 = arith.constant 0 : i32
    %dma_start3A_354 = arith.constant 2432 : i32
    %dma_start3A_355 = tpu.memref_slice %arg6[%dma_start3A_353, %dma_start3A_354] : memref<16x6144xf32, #tpu.memory_space<vmem>> -> memref<16x128xf32, #tpu.memory_space<vmem>>
    %dma_start3A_356 = arith.constant 0 : i32
    %dma_start3A_357 = tpu.memref_slice %arg2[%dma_start3A_356, %multiple_of3A_347] : memref<16x1000000xf32, #tpu.memory_space<hbm>> -> memref<16x128xf32, #tpu.memory_space<hbm>>
    tpu.enqueue_dma source(%dma_start3A_357 : memref<16x128xf32, #tpu.memory_space<hbm>>) target(%dma_start3A_355 : memref<16x128xf32, #tpu.memory_space<vmem>>) target_semaphore(%arg9 : memref<!tpu.dma_semaphore, #tpu.memory_space<semaphore_mem>>)
    %slice3A_358 = vector.extract_strided_slice %get3A_289 {offsets = [4], sizes = [1], strides = [1]} : vector<16xi32> to vector<1xi32>
    %squeeze3A_359 = vector.extract %slice3A_358[0] : i32 from vector<1xi32>
    %shift_right_arithmetic3A_360 = arith.constant 7 : i32
    %shift_right_arithmetic3A_361 = arith.shrsi %squeeze3A_359, %shift_right_arithmetic3A_360 : i32
    %shift_left3A_362 = arith.constant 7 : i32
    %shift_left3A_363 = arith.shli %shift_right_arithmetic3A_361, %shift_left3A_362 : i32
    %multiple_of3A_364 = tpu.assume_multiple %shift_left3A_363, 128 : i32
    %dma_start3A_365 = arith.constant 0 : i32
    %dma_start3A_366 = arith.constant 2560 : i32
    %dma_start3A_367 = tpu.memref_slice %arg6[%dma_start3A_365, %dma_start3A_366] : memref<16x6144xf32, #tpu.memory_space<vmem>> -> memref<16x128xf32, #tpu.memory_space<vmem>>
    %dma_start3A_368 = arith.constant 0 : i32
    %dma_start3A_369 = tpu.memref_slice %arg2[%dma_start3A_368, %multiple_of3A_364] : memref<16x1000000xf32, #tpu.memory_space<hbm>> -> memref<16x128xf32, #tpu.memory_space<hbm>>
    %dma_start3A_370 = arith.constant 0 : i32
    %dma_start3A_371 = arith.constant 2560 : i32
    %dma_start3A_372 = tpu.memref_slice %arg6[%dma_start3A_370, %dma_start3A_371] : memref<16x6144xf32, #tpu.memory_space<vmem>> -> memref<16x128xf32, #tpu.memory_space<vmem>>
    %dma_start3A_373 = arith.constant 0 : i32
    %dma_start3A_374 = tpu.memref_slice %arg2[%dma_start3A_373, %multiple_of3A_364] : memref<16x1000000xf32, #tpu.memory_space<hbm>> -> memref<16x128xf32, #tpu.memory_space<hbm>>
    tpu.enqueue_dma source(%dma_start3A_374 : memref<16x128xf32, #tpu.memory_space<hbm>>) target(%dma_start3A_372 : memref<16x128xf32, #tpu.memory_space<vmem>>) target_semaphore(%arg9 : memref<!tpu.dma_semaphore, #tpu.memory_space<semaphore_mem>>)
    %slice3A_375 = vector.extract_strided_slice %get3A_289 {offsets = [5], sizes = [1], strides = [1]} : vector<16xi32> to vector<1xi32>
    %squeeze3A_376 = vector.extract %slice3A_375[0] : i32 from vector<1xi32>
    %shift_right_arithmetic3A_377 = arith.constant 7 : i32
    %shift_right_arithmetic3A_378 = arith.shrsi %squeeze3A_376, %shift_right_arithmetic3A_377 : i32
    %shift_left3A_379 = arith.constant 7 : i32
    %shift_left3A_380 = arith.shli %shift_right_arithmetic3A_378, %shift_left3A_379 : i32
    %multiple_of3A_381 = tpu.assume_multiple %shift_left3A_380, 128 : i32
    %dma_start3A_382 = arith.constant 0 : i32
    %dma_start3A_383 = arith.constant 2688 : i32
    %dma_start3A_384 = tpu.memref_slice %arg6[%dma_start3A_382, %dma_start3A_383] : memref<16x6144xf32, #tpu.memory_space<vmem>> -> memref<16x128xf32, #tpu.memory_space<vmem>>
    %dma_start3A_385 = arith.constant 0 : i32
    %dma_start3A_386 = tpu.memref_slice %arg2[%dma_start3A_385, %multiple_of3A_381] : memref<16x1000000xf32, #tpu.memory_space<hbm>> -> memref<16x128xf32, #tpu.memory_space<hbm>>
    %dma_start3A_387 = arith.constant 0 : i32
    %dma_start3A_388 = arith.constant 2688 : i32
    %dma_start3A_389 = tpu.memref_slice %arg6[%dma_start3A_387, %dma_start3A_388] : memref<16x6144xf32, #tpu.memory_space<vmem>> -> memref<16x128xf32, #tpu.memory_space<vmem>>
    %dma_start3A_390 = arith.constant 0 : i32
    %dma_start3A_391 = tpu.memref_slice %arg2[%dma_start3A_390, %multiple_of3A_381] : memref<16x1000000xf32, #tpu.memory_space<hbm>> -> memref<16x128xf32, #tpu.memory_space<hbm>>
    tpu.enqueue_dma source(%dma_start3A_391 : memref<16x128xf32, #tpu.memory_space<hbm>>) target(%dma_start3A_389 : memref<16x128xf32, #tpu.memory_space<vmem>>) target_semaphore(%arg9 : memref<!tpu.dma_semaphore, #tpu.memory_space<semaphore_mem>>)
    %slice3A_392 = vector.extract_strided_slice %get3A_289 {offsets = [6], sizes = [1], strides = [1]} : vector<16xi32> to vector<1xi32>
    %squeeze3A_393 = vector.extract %slice3A_392[0] : i32 from vector<1xi32>
    %shift_right_arithmetic3A_394 = arith.constant 7 : i32
    %shift_right_arithmetic3A_395 = arith.shrsi %squeeze3A_393, %shift_right_arithmetic3A_394 : i32
    %shift_left3A_396 = arith.constant 7 : i32
    %shift_left3A_397 = arith.shli %shift_right_arithmetic3A_395, %shift_left3A_396 : i32
    %multiple_of3A_398 = tpu.assume_multiple %shift_left3A_397, 128 : i32
    %dma_start3A_399 = arith.constant 0 : i32
    %dma_start3A_400 = arith.constant 2816 : i32
    %dma_start3A_401 = tpu.memref_slice %arg6[%dma_start3A_399, %dma_start3A_400] : memref<16x6144xf32, #tpu.memory_space<vmem>> -> memref<16x128xf32, #tpu.memory_space<vmem>>
    %dma_start3A_402 = arith.constant 0 : i32
    %dma_start3A_403 = tpu.memref_slice %arg2[%dma_start3A_402, %multiple_of3A_398] : memref<16x1000000xf32, #tpu.memory_space<hbm>> -> memref<16x128xf32, #tpu.memory_space<hbm>>
    %dma_start3A_404 = arith.constant 0 : i32
    %dma_start3A_405 = arith.constant 2816 : i32
    %dma_start3A_406 = tpu.memref_slice %arg6[%dma_start3A_404, %dma_start3A_405] : memref<16x6144xf32, #tpu.memory_space<vmem>> -> memref<16x128xf32, #tpu.memory_space<vmem>>
    %dma_start3A_407 = arith.constant 0 : i32
    %dma_start3A_408 = tpu.memref_slice %arg2[%dma_start3A_407, %multiple_of3A_398] : memref<16x1000000xf32, #tpu.memory_space<hbm>> -> memref<16x128xf32, #tpu.memory_space<hbm>>
    tpu.enqueue_dma source(%dma_start3A_408 : memref<16x128xf32, #tpu.memory_space<hbm>>) target(%dma_start3A_406 : memref<16x128xf32, #tpu.memory_space<vmem>>) target_semaphore(%arg9 : memref<!tpu.dma_semaphore, #tpu.memory_space<semaphore_mem>>)
    %slice3A_409 = vector.extract_strided_slice %get3A_289 {offsets = [7], sizes = [1], strides = [1]} : vector<16xi32> to vector<1xi32>
    %squeeze3A_410 = vector.extract %slice3A_409[0] : i32 from vector<1xi32>
    %shift_right_arithmetic3A_411 = arith.constant 7 : i32
    %shift_right_arithmetic3A_412 = arith.shrsi %squeeze3A_410, %shift_right_arithmetic3A_411 : i32
    %shift_left3A_413 = arith.constant 7 : i32
    %shift_left3A_414 = arith.shli %shift_right_arithmetic3A_412, %shift_left3A_413 : i32
    %multiple_of3A_415 = tpu.assume_multiple %shift_left3A_414, 128 : i32
    %dma_start3A_416 = arith.constant 0 : i32
    %dma_start3A_417 = arith.constant 2944 : i32
    %dma_start3A_418 = tpu.memref_slice %arg6[%dma_start3A_416, %dma_start3A_417] : memref<16x6144xf32, #tpu.memory_space<vmem>> -> memref<16x128xf32, #tpu.memory_space<vmem>>
    %dma_start3A_419 = arith.constant 0 : i32
    %dma_start3A_420 = tpu.memref_slice %arg2[%dma_start3A_419, %multiple_of3A_415] : memref<16x1000000xf32, #tpu.memory_space<hbm>> -> memref<16x128xf32, #tpu.memory_space<hbm>>
    %dma_start3A_421 = arith.constant 0 : i32
    %dma_start3A_422 = arith.constant 2944 : i32
    %dma_start3A_423 = tpu.memref_slice %arg6[%dma_start3A_421, %dma_start3A_422] : memref<16x6144xf32, #tpu.memory_space<vmem>> -> memref<16x128xf32, #tpu.memory_space<vmem>>
    %dma_start3A_424 = arith.constant 0 : i32
    %dma_start3A_425 = tpu.memref_slice %arg2[%dma_start3A_424, %multiple_of3A_415] : memref<16x1000000xf32, #tpu.memory_space<hbm>> -> memref<16x128xf32, #tpu.memory_space<hbm>>
    tpu.enqueue_dma source(%dma_start3A_425 : memref<16x128xf32, #tpu.memory_space<hbm>>) target(%dma_start3A_423 : memref<16x128xf32, #tpu.memory_space<vmem>>) target_semaphore(%arg9 : memref<!tpu.dma_semaphore, #tpu.memory_space<semaphore_mem>>)
    %slice3A_426 = vector.extract_strided_slice %get3A_289 {offsets = [8], sizes = [1], strides = [1]} : vector<16xi32> to vector<1xi32>
    %squeeze3A_427 = vector.extract %slice3A_426[0] : i32 from vector<1xi32>
    %shift_right_arithmetic3A_428 = arith.constant 7 : i32
    %shift_right_arithmetic3A_429 = arith.shrsi %squeeze3A_427, %shift_right_arithmetic3A_428 : i32
    %shift_left3A_430 = arith.constant 7 : i32
    %shift_left3A_431 = arith.shli %shift_right_arithmetic3A_429, %shift_left3A_430 : i32
    %multiple_of3A_432 = tpu.assume_multiple %shift_left3A_431, 128 : i32
    %dma_start3A_433 = arith.constant 0 : i32
    %dma_start3A_434 = arith.constant 3072 : i32
    %dma_start3A_435 = tpu.memref_slice %arg6[%dma_start3A_433, %dma_start3A_434] : memref<16x6144xf32, #tpu.memory_space<vmem>> -> memref<16x128xf32, #tpu.memory_space<vmem>>
    %dma_start3A_436 = arith.constant 0 : i32
    %dma_start3A_437 = tpu.memref_slice %arg2[%dma_start3A_436, %multiple_of3A_432] : memref<16x1000000xf32, #tpu.memory_space<hbm>> -> memref<16x128xf32, #tpu.memory_space<hbm>>
    %dma_start3A_438 = arith.constant 0 : i32
    %dma_start3A_439 = arith.constant 3072 : i32
    %dma_start3A_440 = tpu.memref_slice %arg6[%dma_start3A_438, %dma_start3A_439] : memref<16x6144xf32, #tpu.memory_space<vmem>> -> memref<16x128xf32, #tpu.memory_space<vmem>>
    %dma_start3A_441 = arith.constant 0 : i32
    %dma_start3A_442 = tpu.memref_slice %arg2[%dma_start3A_441, %multiple_of3A_432] : memref<16x1000000xf32, #tpu.memory_space<hbm>> -> memref<16x128xf32, #tpu.memory_space<hbm>>
    tpu.enqueue_dma source(%dma_start3A_442 : memref<16x128xf32, #tpu.memory_space<hbm>>) target(%dma_start3A_440 : memref<16x128xf32, #tpu.memory_space<vmem>>) target_semaphore(%arg9 : memref<!tpu.dma_semaphore, #tpu.memory_space<semaphore_mem>>)
    %slice3A_443 = vector.extract_strided_slice %get3A_289 {offsets = [9], sizes = [1], strides = [1]} : vector<16xi32> to vector<1xi32>
    %squeeze3A_444 = vector.extract %slice3A_443[0] : i32 from vector<1xi32>
    %shift_right_arithmetic3A_445 = arith.constant 7 : i32
    %shift_right_arithmetic3A_446 = arith.shrsi %squeeze3A_444, %shift_right_arithmetic3A_445 : i32
    %shift_left3A_447 = arith.constant 7 : i32
    %shift_left3A_448 = arith.shli %shift_right_arithmetic3A_446, %shift_left3A_447 : i32
    %multiple_of3A_449 = tpu.assume_multiple %shift_left3A_448, 128 : i32
    %dma_start3A_450 = arith.constant 0 : i32
    %dma_start3A_451 = arith.constant 3200 : i32
    %dma_start3A_452 = tpu.memref_slice %arg6[%dma_start3A_450, %dma_start3A_451] : memref<16x6144xf32, #tpu.memory_space<vmem>> -> memref<16x128xf32, #tpu.memory_space<vmem>>
    %dma_start3A_453 = arith.constant 0 : i32
    %dma_start3A_454 = tpu.memref_slice %arg2[%dma_start3A_453, %multiple_of3A_449] : memref<16x1000000xf32, #tpu.memory_space<hbm>> -> memref<16x128xf32, #tpu.memory_space<hbm>>
    %dma_start3A_455 = arith.constant 0 : i32
    %dma_start3A_456 = arith.constant 3200 : i32
    %dma_start3A_457 = tpu.memref_slice %arg6[%dma_start3A_455, %dma_start3A_456] : memref<16x6144xf32, #tpu.memory_space<vmem>> -> memref<16x128xf32, #tpu.memory_space<vmem>>
    %dma_start3A_458 = arith.constant 0 : i32
    %dma_start3A_459 = tpu.memref_slice %arg2[%dma_start3A_458, %multiple_of3A_449] : memref<16x1000000xf32, #tpu.memory_space<hbm>> -> memref<16x128xf32, #tpu.memory_space<hbm>>
    tpu.enqueue_dma source(%dma_start3A_459 : memref<16x128xf32, #tpu.memory_space<hbm>>) target(%dma_start3A_457 : memref<16x128xf32, #tpu.memory_space<vmem>>) target_semaphore(%arg9 : memref<!tpu.dma_semaphore, #tpu.memory_space<semaphore_mem>>)
    %slice3A_460 = vector.extract_strided_slice %get3A_289 {offsets = [10], sizes = [1], strides = [1]} : vector<16xi32> to vector<1xi32>
    %squeeze3A_461 = vector.extract %slice3A_460[0] : i32 from vector<1xi32>
    %shift_right_arithmetic3A_462 = arith.constant 7 : i32
    %shift_right_arithmetic3A_463 = arith.shrsi %squeeze3A_461, %shift_right_arithmetic3A_462 : i32
    %shift_left3A_464 = arith.constant 7 : i32
    %shift_left3A_465 = arith.shli %shift_right_arithmetic3A_463, %shift_left3A_464 : i32
    %multiple_of3A_466 = tpu.assume_multiple %shift_left3A_465, 128 : i32
    %dma_start3A_467 = arith.constant 0 : i32
    %dma_start3A_468 = arith.constant 3328 : i32
    %dma_start3A_469 = tpu.memref_slice %arg6[%dma_start3A_467, %dma_start3A_468] : memref<16x6144xf32, #tpu.memory_space<vmem>> -> memref<16x128xf32, #tpu.memory_space<vmem>>
    %dma_start3A_470 = arith.constant 0 : i32
    %dma_start3A_471 = tpu.memref_slice %arg2[%dma_start3A_470, %multiple_of3A_466] : memref<16x1000000xf32, #tpu.memory_space<hbm>> -> memref<16x128xf32, #tpu.memory_space<hbm>>
    %dma_start3A_472 = arith.constant 0 : i32
    %dma_start3A_473 = arith.constant 3328 : i32
    %dma_start3A_474 = tpu.memref_slice %arg6[%dma_start3A_472, %dma_start3A_473] : memref<16x6144xf32, #tpu.memory_space<vmem>> -> memref<16x128xf32, #tpu.memory_space<vmem>>
    %dma_start3A_475 = arith.constant 0 : i32
    %dma_start3A_476 = tpu.memref_slice %arg2[%dma_start3A_475, %multiple_of3A_466] : memref<16x1000000xf32, #tpu.memory_space<hbm>> -> memref<16x128xf32, #tpu.memory_space<hbm>>
    tpu.enqueue_dma source(%dma_start3A_476 : memref<16x128xf32, #tpu.memory_space<hbm>>) target(%dma_start3A_474 : memref<16x128xf32, #tpu.memory_space<vmem>>) target_semaphore(%arg9 : memref<!tpu.dma_semaphore, #tpu.memory_space<semaphore_mem>>)
    %slice3A_477 = vector.extract_strided_slice %get3A_289 {offsets = [11], sizes = [1], strides = [1]} : vector<16xi32> to vector<1xi32>
    %squeeze3A_478 = vector.extract %slice3A_477[0] : i32 from vector<1xi32>
    %shift_right_arithmetic3A_479 = arith.constant 7 : i32
    %shift_right_arithmetic3A_480 = arith.shrsi %squeeze3A_478, %shift_right_arithmetic3A_479 : i32
    %shift_left3A_481 = arith.constant 7 : i32
    %shift_left3A_482 = arith.shli %shift_right_arithmetic3A_480, %shift_left3A_481 : i32
    %multiple_of3A_483 = tpu.assume_multiple %shift_left3A_482, 128 : i32
    %dma_start3A_484 = arith.constant 0 : i32
    %dma_start3A_485 = arith.constant 3456 : i32
    %dma_start3A_486 = tpu.memref_slice %arg6[%dma_start3A_484, %dma_start3A_485] : memref<16x6144xf32, #tpu.memory_space<vmem>> -> memref<16x128xf32, #tpu.memory_space<vmem>>
    %dma_start3A_487 = arith.constant 0 : i32
    %dma_start3A_488 = tpu.memref_slice %arg2[%dma_start3A_487, %multiple_of3A_483] : memref<16x1000000xf32, #tpu.memory_space<hbm>> -> memref<16x128xf32, #tpu.memory_space<hbm>>
    %dma_start3A_489 = arith.constant 0 : i32
    %dma_start3A_490 = arith.constant 3456 : i32
    %dma_start3A_491 = tpu.memref_slice %arg6[%dma_start3A_489, %dma_start3A_490] : memref<16x6144xf32, #tpu.memory_space<vmem>> -> memref<16x128xf32, #tpu.memory_space<vmem>>
    %dma_start3A_492 = arith.constant 0 : i32
    %dma_start3A_493 = tpu.memref_slice %arg2[%dma_start3A_492, %multiple_of3A_483] : memref<16x1000000xf32, #tpu.memory_space<hbm>> -> memref<16x128xf32, #tpu.memory_space<hbm>>
    tpu.enqueue_dma source(%dma_start3A_493 : memref<16x128xf32, #tpu.memory_space<hbm>>) target(%dma_start3A_491 : memref<16x128xf32, #tpu.memory_space<vmem>>) target_semaphore(%arg9 : memref<!tpu.dma_semaphore, #tpu.memory_space<semaphore_mem>>)
    %slice3A_494 = vector.extract_strided_slice %get3A_289 {offsets = [12], sizes = [1], strides = [1]} : vector<16xi32> to vector<1xi32>
    %squeeze3A_495 = vector.extract %slice3A_494[0] : i32 from vector<1xi32>
    %shift_right_arithmetic3A_496 = arith.constant 7 : i32
    %shift_right_arithmetic3A_497 = arith.shrsi %squeeze3A_495, %shift_right_arithmetic3A_496 : i32
    %shift_left3A_498 = arith.constant 7 : i32
    %shift_left3A_499 = arith.shli %shift_right_arithmetic3A_497, %shift_left3A_498 : i32
    %multiple_of3A_500 = tpu.assume_multiple %shift_left3A_499, 128 : i32
    %dma_start3A_501 = arith.constant 0 : i32
    %dma_start3A_502 = arith.constant 3584 : i32
    %dma_start3A_503 = tpu.memref_slice %arg6[%dma_start3A_501, %dma_start3A_502] : memref<16x6144xf32, #tpu.memory_space<vmem>> -> memref<16x128xf32, #tpu.memory_space<vmem>>
    %dma_start3A_504 = arith.constant 0 : i32
    %dma_start3A_505 = tpu.memref_slice %arg2[%dma_start3A_504, %multiple_of3A_500] : memref<16x1000000xf32, #tpu.memory_space<hbm>> -> memref<16x128xf32, #tpu.memory_space<hbm>>
    %dma_start3A_506 = arith.constant 0 : i32
    %dma_start3A_507 = arith.constant 3584 : i32
    %dma_start3A_508 = tpu.memref_slice %arg6[%dma_start3A_506, %dma_start3A_507] : memref<16x6144xf32, #tpu.memory_space<vmem>> -> memref<16x128xf32, #tpu.memory_space<vmem>>
    %dma_start3A_509 = arith.constant 0 : i32
    %dma_start3A_510 = tpu.memref_slice %arg2[%dma_start3A_509, %multiple_of3A_500] : memref<16x1000000xf32, #tpu.memory_space<hbm>> -> memref<16x128xf32, #tpu.memory_space<hbm>>
    tpu.enqueue_dma source(%dma_start3A_510 : memref<16x128xf32, #tpu.memory_space<hbm>>) target(%dma_start3A_508 : memref<16x128xf32, #tpu.memory_space<vmem>>) target_semaphore(%arg9 : memref<!tpu.dma_semaphore, #tpu.memory_space<semaphore_mem>>)
    %slice3A_511 = vector.extract_strided_slice %get3A_289 {offsets = [13], sizes = [1], strides = [1]} : vector<16xi32> to vector<1xi32>
    %squeeze3A_512 = vector.extract %slice3A_511[0] : i32 from vector<1xi32>
    %shift_right_arithmetic3A_513 = arith.constant 7 : i32
    %shift_right_arithmetic3A_514 = arith.shrsi %squeeze3A_512, %shift_right_arithmetic3A_513 : i32
    %shift_left3A_515 = arith.constant 7 : i32
    %shift_left3A_516 = arith.shli %shift_right_arithmetic3A_514, %shift_left3A_515 : i32
    %multiple_of3A_517 = tpu.assume_multiple %shift_left3A_516, 128 : i32
    %dma_start3A_518 = arith.constant 0 : i32
    %dma_start3A_519 = arith.constant 3712 : i32
    %dma_start3A_520 = tpu.memref_slice %arg6[%dma_start3A_518, %dma_start3A_519] : memref<16x6144xf32, #tpu.memory_space<vmem>> -> memref<16x128xf32, #tpu.memory_space<vmem>>
    %dma_start3A_521 = arith.constant 0 : i32
    %dma_start3A_522 = tpu.memref_slice %arg2[%dma_start3A_521, %multiple_of3A_517] : memref<16x1000000xf32, #tpu.memory_space<hbm>> -> memref<16x128xf32, #tpu.memory_space<hbm>>
    %dma_start3A_523 = arith.constant 0 : i32
    %dma_start3A_524 = arith.constant 3712 : i32
    %dma_start3A_525 = tpu.memref_slice %arg6[%dma_start3A_523, %dma_start3A_524] : memref<16x6144xf32, #tpu.memory_space<vmem>> -> memref<16x128xf32, #tpu.memory_space<vmem>>
    %dma_start3A_526 = arith.constant 0 : i32
    %dma_start3A_527 = tpu.memref_slice %arg2[%dma_start3A_526, %multiple_of3A_517] : memref<16x1000000xf32, #tpu.memory_space<hbm>> -> memref<16x128xf32, #tpu.memory_space<hbm>>
    tpu.enqueue_dma source(%dma_start3A_527 : memref<16x128xf32, #tpu.memory_space<hbm>>) target(%dma_start3A_525 : memref<16x128xf32, #tpu.memory_space<vmem>>) target_semaphore(%arg9 : memref<!tpu.dma_semaphore, #tpu.memory_space<semaphore_mem>>)
    %slice3A_528 = vector.extract_strided_slice %get3A_289 {offsets = [14], sizes = [1], strides = [1]} : vector<16xi32> to vector<1xi32>
    %squeeze3A_529 = vector.extract %slice3A_528[0] : i32 from vector<1xi32>
    %shift_right_arithmetic3A_530 = arith.constant 7 : i32
    %shift_right_arithmetic3A_531 = arith.shrsi %squeeze3A_529, %shift_right_arithmetic3A_530 : i32
    %shift_left3A_532 = arith.constant 7 : i32
    %shift_left3A_533 = arith.shli %shift_right_arithmetic3A_531, %shift_left3A_532 : i32
    %multiple_of3A_534 = tpu.assume_multiple %shift_left3A_533, 128 : i32
    %dma_start3A_535 = arith.constant 0 : i32
    %dma_start3A_536 = arith.constant 3840 : i32
    %dma_start3A_537 = tpu.memref_slice %arg6[%dma_start3A_535, %dma_start3A_536] : memref<16x6144xf32, #tpu.memory_space<vmem>> -> memref<16x128xf32, #tpu.memory_space<vmem>>
    %dma_start3A_538 = arith.constant 0 : i32
    %dma_start3A_539 = tpu.memref_slice %arg2[%dma_start3A_538, %multiple_of3A_534] : memref<16x1000000xf32, #tpu.memory_space<hbm>> -> memref<16x128xf32, #tpu.memory_space<hbm>>
    %dma_start3A_540 = arith.constant 0 : i32
    %dma_start3A_541 = arith.constant 3840 : i32
    %dma_start3A_542 = tpu.memref_slice %arg6[%dma_start3A_540, %dma_start3A_541] : memref<16x6144xf32, #tpu.memory_space<vmem>> -> memref<16x128xf32, #tpu.memory_space<vmem>>
    %dma_start3A_543 = arith.constant 0 : i32
    %dma_start3A_544 = tpu.memref_slice %arg2[%dma_start3A_543, %multiple_of3A_534] : memref<16x1000000xf32, #tpu.memory_space<hbm>> -> memref<16x128xf32, #tpu.memory_space<hbm>>
    tpu.enqueue_dma source(%dma_start3A_544 : memref<16x128xf32, #tpu.memory_space<hbm>>) target(%dma_start3A_542 : memref<16x128xf32, #tpu.memory_space<vmem>>) target_semaphore(%arg9 : memref<!tpu.dma_semaphore, #tpu.memory_space<semaphore_mem>>)
    %slice3A_545 = vector.extract_strided_slice %get3A_289 {offsets = [15], sizes = [1], strides = [1]} : vector<16xi32> to vector<1xi32>
    %squeeze3A_546 = vector.extract %slice3A_545[0] : i32 from vector<1xi32>
    %shift_right_arithmetic3A_547 = arith.constant 7 : i32
    %shift_right_arithmetic3A_548 = arith.shrsi %squeeze3A_546, %shift_right_arithmetic3A_547 : i32
    %shift_left3A_549 = arith.constant 7 : i32
    %shift_left3A_550 = arith.shli %shift_right_arithmetic3A_548, %shift_left3A_549 : i32
    %multiple_of3A_551 = tpu.assume_multiple %shift_left3A_550, 128 : i32
    %dma_start3A_552 = arith.constant 0 : i32
    %dma_start3A_553 = arith.constant 3968 : i32
    %dma_start3A_554 = tpu.memref_slice %arg6[%dma_start3A_552, %dma_start3A_553] : memref<16x6144xf32, #tpu.memory_space<vmem>> -> memref<16x128xf32, #tpu.memory_space<vmem>>
    %dma_start3A_555 = arith.constant 0 : i32
    %dma_start3A_556 = tpu.memref_slice %arg2[%dma_start3A_555, %multiple_of3A_551] : memref<16x1000000xf32, #tpu.memory_space<hbm>> -> memref<16x128xf32, #tpu.memory_space<hbm>>
    %dma_start3A_557 = arith.constant 0 : i32
    %dma_start3A_558 = arith.constant 3968 : i32
    %dma_start3A_559 = tpu.memref_slice %arg6[%dma_start3A_557, %dma_start3A_558] : memref<16x6144xf32, #tpu.memory_space<vmem>> -> memref<16x128xf32, #tpu.memory_space<vmem>>
    %dma_start3A_560 = arith.constant 0 : i32
    %dma_start3A_561 = tpu.memref_slice %arg2[%dma_start3A_560, %multiple_of3A_551] : memref<16x1000000xf32, #tpu.memory_space<hbm>> -> memref<16x128xf32, #tpu.memory_space<hbm>>
    tpu.enqueue_dma source(%dma_start3A_561 : memref<16x128xf32, #tpu.memory_space<hbm>>) target(%dma_start3A_559 : memref<16x128xf32, #tpu.memory_space<vmem>>) target_semaphore(%arg9 : memref<!tpu.dma_semaphore, #tpu.memory_space<semaphore_mem>>)
    %get3A_562 = arith.constant 32 : index
    %get3A_563 = tpu.vector_load %arg5[%get3A_562] {strides = array<i32>} : memref<512xi32, #tpu.memory_space<vmem>>, vector<16xi32>,
    %slice3A_564 = vector.extract_strided_slice %get3A_563 {offsets = [0], sizes = [1], strides = [1]} : vector<16xi32> to vector<1xi32>
    %squeeze3A_565 = vector.extract %slice3A_564[0] : i32 from vector<1xi32>
    %shift_right_arithmetic3A_566 = arith.constant 7 : i32
    %shift_right_arithmetic3A_567 = arith.shrsi %squeeze3A_565, %shift_right_arithmetic3A_566 : i32
    %shift_left3A_568 = arith.constant 7 : i32
    %shift_left3A_569 = arith.shli %shift_right_arithmetic3A_567, %shift_left3A_568 : i32
    %multiple_of3A_570 = tpu.assume_multiple %shift_left3A_569, 128 : i32
    %dma_start3A_571 = arith.constant 0 : i32
    %dma_start3A_572 = arith.constant 4096 : i32
    %dma_start3A_573 = tpu.memref_slice %arg6[%dma_start3A_571, %dma_start3A_572] : memref<16x6144xf32, #tpu.memory_space<vmem>> -> memref<16x128xf32, #tpu.memory_space<vmem>>
    %dma_start3A_574 = arith.constant 0 : i32
    %dma_start3A_575 = tpu.memref_slice %arg2[%dma_start3A_574, %multiple_of3A_570] : memref<16x1000000xf32, #tpu.memory_space<hbm>> -> memref<16x128xf32, #tpu.memory_space<hbm>>
    %dma_start3A_576 = arith.constant 0 : i32
    %dma_start3A_577 = arith.constant 4096 : i32
    %dma_start3A_578 = tpu.memref_slice %arg6[%dma_start3A_576, %dma_start3A_577] : memref<16x6144xf32, #tpu.memory_space<vmem>> -> memref<16x128xf32, #tpu.memory_space<vmem>>
    %dma_start3A_579 = arith.constant 0 : i32
    %dma_start3A_580 = tpu.memref_slice %arg2[%dma_start3A_579, %multiple_of3A_570] : memref<16x1000000xf32, #tpu.memory_space<hbm>> -> memref<16x128xf32, #tpu.memory_space<hbm>>
    tpu.enqueue_dma source(%dma_start3A_580 : memref<16x128xf32, #tpu.memory_space<hbm>>) target(%dma_start3A_578 : memref<16x128xf32, #tpu.memory_space<vmem>>) target_semaphore(%arg10 : memref<!tpu.dma_semaphore, #tpu.memory_space<semaphore_mem>>)
    %slice3A_581 = vector.extract_strided_slice %get3A_563 {offsets = [1], sizes = [1], strides = [1]} : vector<16xi32> to vector<1xi32>
    %squeeze3A_582 = vector.extract %slice3A_581[0] : i32 from vector<1xi32>
    %shift_right_arithmetic3A_583 = arith.constant 7 : i32
    %shift_right_arithmetic3A_584 = arith.shrsi %squeeze3A_582, %shift_right_arithmetic3A_583 : i32
    %shift_left3A_585 = arith.constant 7 : i32
    %shift_left3A_586 = arith.shli %shift_right_arithmetic3A_584, %shift_left3A_585 : i32
    %multiple_of3A_587 = tpu.assume_multiple %shift_left3A_586, 128 : i32
    %dma_start3A_588 = arith.constant 0 : i32
    %dma_start3A_589 = arith.constant 4224 : i32
    %dma_start3A_590 = tpu.memref_slice %arg6[%dma_start3A_588, %dma_start3A_589] : memref<16x6144xf32, #tpu.memory_space<vmem>> -> memref<16x128xf32, #tpu.memory_space<vmem>>
    %dma_start3A_591 = arith.constant 0 : i32
    %dma_start3A_592 = tpu.memref_slice %arg2[%dma_start3A_591, %multiple_of3A_587] : memref<16x1000000xf32, #tpu.memory_space<hbm>> -> memref<16x128xf32, #tpu.memory_space<hbm>>
    %dma_start3A_593 = arith.constant 0 : i32
    %dma_start3A_594 = arith.constant 4224 : i32
    %dma_start3A_595 = tpu.memref_slice %arg6[%dma_start3A_593, %dma_start3A_594] : memref<16x6144xf32, #tpu.memory_space<vmem>> -> memref<16x128xf32, #tpu.memory_space<vmem>>
    %dma_start3A_596 = arith.constant 0 : i32
    %dma_start3A_597 = tpu.memref_slice %arg2[%dma_start3A_596, %multiple_of3A_587] : memref<16x1000000xf32, #tpu.memory_space<hbm>> -> memref<16x128xf32, #tpu.memory_space<hbm>>
    tpu.enqueue_dma source(%dma_start3A_597 : memref<16x128xf32, #tpu.memory_space<hbm>>) target(%dma_start3A_595 : memref<16x128xf32, #tpu.memory_space<vmem>>) target_semaphore(%arg10 : memref<!tpu.dma_semaphore, #tpu.memory_space<semaphore_mem>>)
    %slice3A_598 = vector.extract_strided_slice %get3A_563 {offsets = [2], sizes = [1], strides = [1]} : vector<16xi32> to vector<1xi32>
    %squeeze3A_599 = vector.extract %slice3A_598[0] : i32 from vector<1xi32>
    %shift_right_arithmetic3A_600 = arith.constant 7 : i32
    %shift_right_arithmetic3A_601 = arith.shrsi %squeeze3A_599, %shift_right_arithmetic3A_600 : i32
    %shift_left3A_602 = arith.constant 7 : i32
    %shift_left3A_603 = arith.shli %shift_right_arithmetic3A_601, %shift_left3A_602 : i32
    %multiple_of3A_604 = tpu.assume_multiple %shift_left3A_603, 128 : i32
    %dma_start3A_605 = arith.constant 0 : i32
    %dma_start3A_606 = arith.constant 4352 : i32
    %dma_start3A_607 = tpu.memref_slice %arg6[%dma_start3A_605, %dma_start3A_606] : memref<16x6144xf32, #tpu.memory_space<vmem>> -> memref<16x128xf32, #tpu.memory_space<vmem>>
    %dma_start3A_608 = arith.constant 0 : i32
    %dma_start3A_609 = tpu.memref_slice %arg2[%dma_start3A_608, %multiple_of3A_604] : memref<16x1000000xf32, #tpu.memory_space<hbm>> -> memref<16x128xf32, #tpu.memory_space<hbm>>
    %dma_start3A_610 = arith.constant 0 : i32
    %dma_start3A_611 = arith.constant 4352 : i32
    %dma_start3A_612 = tpu.memref_slice %arg6[%dma_start3A_610, %dma_start3A_611] : memref<16x6144xf32, #tpu.memory_space<vmem>> -> memref<16x128xf32, #tpu.memory_space<vmem>>
    %dma_start3A_613 = arith.constant 0 : i32
    %dma_start3A_614 = tpu.memref_slice %arg2[%dma_start3A_613, %multiple_of3A_604] : memref<16x1000000xf32, #tpu.memory_space<hbm>> -> memref<16x128xf32, #tpu.memory_space<hbm>>
    tpu.enqueue_dma source(%dma_start3A_614 : memref<16x128xf32, #tpu.memory_space<hbm>>) target(%dma_start3A_612 : memref<16x128xf32, #tpu.memory_space<vmem>>) target_semaphore(%arg10 : memref<!tpu.dma_semaphore, #tpu.memory_space<semaphore_mem>>)
    %slice3A_615 = vector.extract_strided_slice %get3A_563 {offsets = [3], sizes = [1], strides = [1]} : vector<16xi32> to vector<1xi32>
    %squeeze3A_616 = vector.extract %slice3A_615[0] : i32 from vector<1xi32>
    %shift_right_arithmetic3A_617 = arith.constant 7 : i32
    %shift_right_arithmetic3A_618 = arith.shrsi %squeeze3A_616, %shift_right_arithmetic3A_617 : i32
    %shift_left3A_619 = arith.constant 7 : i32
    %shift_left3A_620 = arith.shli %shift_right_arithmetic3A_618, %shift_left3A_619 : i32
    %multiple_of3A_621 = tpu.assume_multiple %shift_left3A_620, 128 : i32
    %dma_start3A_622 = arith.constant 0 : i32
    %dma_start3A_623 = arith.constant 4480 : i32
    %dma_start3A_624 = tpu.memref_slice %arg6[%dma_start3A_622, %dma_start3A_623] : memref<16x6144xf32, #tpu.memory_space<vmem>> -> memref<16x128xf32, #tpu.memory_space<vmem>>
    %dma_start3A_625 = arith.constant 0 : i32
    %dma_start3A_626 = tpu.memref_slice %arg2[%dma_start3A_625, %multiple_of3A_621] : memref<16x1000000xf32, #tpu.memory_space<hbm>> -> memref<16x128xf32, #tpu.memory_space<hbm>>
    %dma_start3A_627 = arith.constant 0 : i32
    %dma_start3A_628 = arith.constant 4480 : i32
    %dma_start3A_629 = tpu.memref_slice %arg6[%dma_start3A_627, %dma_start3A_628] : memref<16x6144xf32, #tpu.memory_space<vmem>> -> memref<16x128xf32, #tpu.memory_space<vmem>>
    %dma_start3A_630 = arith.constant 0 : i32
    %dma_start3A_631 = tpu.memref_slice %arg2[%dma_start3A_630, %multiple_of3A_621] : memref<16x1000000xf32, #tpu.memory_space<hbm>> -> memref<16x128xf32, #tpu.memory_space<hbm>>
    tpu.enqueue_dma source(%dma_start3A_631 : memref<16x128xf32, #tpu.memory_space<hbm>>) target(%dma_start3A_629 : memref<16x128xf32, #tpu.memory_space<vmem>>) target_semaphore(%arg10 : memref<!tpu.dma_semaphore, #tpu.memory_space<semaphore_mem>>)
    %slice3A_632 = vector.extract_strided_slice %get3A_563 {offsets = [4], sizes = [1], strides = [1]} : vector<16xi32> to vector<1xi32>
    %squeeze3A_633 = vector.extract %slice3A_632[0] : i32 from vector<1xi32>
    %shift_right_arithmetic3A_634 = arith.constant 7 : i32
    %shift_right_arithmetic3A_635 = arith.shrsi %squeeze3A_633, %shift_right_arithmetic3A_634 : i32
    %shift_left3A_636 = arith.constant 7 : i32
    %shift_left3A_637 = arith.shli %shift_right_arithmetic3A_635, %shift_left3A_636 : i32
    %multiple_of3A_638 = tpu.assume_multiple %shift_left3A_637, 128 : i32
    %dma_start3A_639 = arith.constant 0 : i32
    %dma_start3A_640 = arith.constant 4608 : i32
    %dma_start3A_641 = tpu.memref_slice %arg6[%dma_start3A_639, %dma_start3A_640] : memref<16x6144xf32, #tpu.memory_space<vmem>> -> memref<16x128xf32, #tpu.memory_space<vmem>>
    %dma_start3A_642 = arith.constant 0 : i32
    %dma_start3A_643 = tpu.memref_slice %arg2[%dma_start3A_642, %multiple_of3A_638] : memref<16x1000000xf32, #tpu.memory_space<hbm>> -> memref<16x128xf32, #tpu.memory_space<hbm>>
    %dma_start3A_644 = arith.constant 0 : i32
    %dma_start3A_645 = arith.constant 4608 : i32
    %dma_start3A_646 = tpu.memref_slice %arg6[%dma_start3A_644, %dma_start3A_645] : memref<16x6144xf32, #tpu.memory_space<vmem>> -> memref<16x128xf32, #tpu.memory_space<vmem>>
    %dma_start3A_647 = arith.constant 0 : i32
    %dma_start3A_648 = tpu.memref_slice %arg2[%dma_start3A_647, %multiple_of3A_638] : memref<16x1000000xf32, #tpu.memory_space<hbm>> -> memref<16x128xf32, #tpu.memory_space<hbm>>
    tpu.enqueue_dma source(%dma_start3A_648 : memref<16x128xf32, #tpu.memory_space<hbm>>) target(%dma_start3A_646 : memref<16x128xf32, #tpu.memory_space<vmem>>) target_semaphore(%arg10 : memref<!tpu.dma_semaphore, #tpu.memory_space<semaphore_mem>>)
    %slice3A_649 = vector.extract_strided_slice %get3A_563 {offsets = [5], sizes = [1], strides = [1]} : vector<16xi32> to vector<1xi32>
    %squeeze3A_650 = vector.extract %slice3A_649[0] : i32 from vector<1xi32>
    %shift_right_arithmetic3A_651 = arith.constant 7 : i32
    %shift_right_arithmetic3A_652 = arith.shrsi %squeeze3A_650, %shift_right_arithmetic3A_651 : i32
    %shift_left3A_653 = arith.constant 7 : i32
    %shift_left3A_654 = arith.shli %shift_right_arithmetic3A_652, %shift_left3A_653 : i32
    %multiple_of3A_655 = tpu.assume_multiple %shift_left3A_654, 128 : i32
    %dma_start3A_656 = arith.constant 0 : i32
    %dma_start3A_657 = arith.constant 4736 : i32
    %dma_start3A_658 = tpu.memref_slice %arg6[%dma_start3A_656, %dma_start3A_657] : memref<16x6144xf32, #tpu.memory_space<vmem>> -> memref<16x128xf32, #tpu.memory_space<vmem>>
    %dma_start3A_659 = arith.constant 0 : i32
    %dma_start3A_660 = tpu.memref_slice %arg2[%dma_start3A_659, %multiple_of3A_655] : memref<16x1000000xf32, #tpu.memory_space<hbm>> -> memref<16x128xf32, #tpu.memory_space<hbm>>
    %dma_start3A_661 = arith.constant 0 : i32
    %dma_start3A_662 = arith.constant 4736 : i32
    %dma_start3A_663 = tpu.memref_slice %arg6[%dma_start3A_661, %dma_start3A_662] : memref<16x6144xf32, #tpu.memory_space<vmem>> -> memref<16x128xf32, #tpu.memory_space<vmem>>
    %dma_start3A_664 = arith.constant 0 : i32
    %dma_start3A_665 = tpu.memref_slice %arg2[%dma_start3A_664, %multiple_of3A_655] : memref<16x1000000xf32, #tpu.memory_space<hbm>> -> memref<16x128xf32, #tpu.memory_space<hbm>>
    tpu.enqueue_dma source(%dma_start3A_665 : memref<16x128xf32, #tpu.memory_space<hbm>>) target(%dma_start3A_663 : memref<16x128xf32, #tpu.memory_space<vmem>>) target_semaphore(%arg10 : memref<!tpu.dma_semaphore, #tpu.memory_space<semaphore_mem>>)
    %slice3A_666 = vector.extract_strided_slice %get3A_563 {offsets = [6], sizes = [1], strides = [1]} : vector<16xi32> to vector<1xi32>
    %squeeze3A_667 = vector.extract %slice3A_666[0] : i32 from vector<1xi32>
    %shift_right_arithmetic3A_668 = arith.constant 7 : i32
    %shift_right_arithmetic3A_669 = arith.shrsi %squeeze3A_667, %shift_right_arithmetic3A_668 : i32
    %shift_left3A_670 = arith.constant 7 : i32
    %shift_left3A_671 = arith.shli %shift_right_arithmetic3A_669, %shift_left3A_670 : i32
    %multiple_of3A_672 = tpu.assume_multiple %shift_left3A_671, 128 : i32
    %dma_start3A_673 = arith.constant 0 : i32
    %dma_start3A_674 = arith.constant 4864 : i32
    %dma_start3A_675 = tpu.memref_slice %arg6[%dma_start3A_673, %dma_start3A_674] : memref<16x6144xf32, #tpu.memory_space<vmem>> -> memref<16x128xf32, #tpu.memory_space<vmem>>
    %dma_start3A_676 = arith.constant 0 : i32
    %dma_start3A_677 = tpu.memref_slice %arg2[%dma_start3A_676, %multiple_of3A_672] : memref<16x1000000xf32, #tpu.memory_space<hbm>> -> memref<16x128xf32, #tpu.memory_space<hbm>>
    %dma_start3A_678 = arith.constant 0 : i32
    %dma_start3A_679 = arith.constant 4864 : i32
    %dma_start3A_680 = tpu.memref_slice %arg6[%dma_start3A_678, %dma_start3A_679] : memref<16x6144xf32, #tpu.memory_space<vmem>> -> memref<16x128xf32, #tpu.memory_space<vmem>>
    %dma_start3A_681 = arith.constant 0 : i32
    %dma_start3A_682 = tpu.memref_slice %arg2[%dma_start3A_681, %multiple_of3A_672] : memref<16x1000000xf32, #tpu.memory_space<hbm>> -> memref<16x128xf32, #tpu.memory_space<hbm>>
    tpu.enqueue_dma source(%dma_start3A_682 : memref<16x128xf32, #tpu.memory_space<hbm>>) target(%dma_start3A_680 : memref<16x128xf32, #tpu.memory_space<vmem>>) target_semaphore(%arg10 : memref<!tpu.dma_semaphore, #tpu.memory_space<semaphore_mem>>)
    %slice3A_683 = vector.extract_strided_slice %get3A_563 {offsets = [7], sizes = [1], strides = [1]} : vector<16xi32> to vector<1xi32>
    %squeeze3A_684 = vector.extract %slice3A_683[0] : i32 from vector<1xi32>
    %shift_right_arithmetic3A_685 = arith.constant 7 : i32
    %shift_right_arithmetic3A_686 = arith.shrsi %squeeze3A_684, %shift_right_arithmetic3A_685 : i32
    %shift_left3A_687 = arith.constant 7 : i32
    %shift_left3A_688 = arith.shli %shift_right_arithmetic3A_686, %shift_left3A_687 : i32
    %multiple_of3A_689 = tpu.assume_multiple %shift_left3A_688, 128 : i32
    %dma_start3A_690 = arith.constant 0 : i32
    %dma_start3A_691 = arith.constant 4992 : i32
    %dma_start3A_692 = tpu.memref_slice %arg6[%dma_start3A_690, %dma_start3A_691] : memref<16x6144xf32, #tpu.memory_space<vmem>> -> memref<16x128xf32, #tpu.memory_space<vmem>>
    %dma_start3A_693 = arith.constant 0 : i32
    %dma_start3A_694 = tpu.memref_slice %arg2[%dma_start3A_693, %multiple_of3A_689] : memref<16x1000000xf32, #tpu.memory_space<hbm>> -> memref<16x128xf32, #tpu.memory_space<hbm>>
    %dma_start3A_695 = arith.constant 0 : i32
    %dma_start3A_696 = arith.constant 4992 : i32
    %dma_start3A_697 = tpu.memref_slice %arg6[%dma_start3A_695, %dma_start3A_696] : memref<16x6144xf32, #tpu.memory_space<vmem>> -> memref<16x128xf32, #tpu.memory_space<vmem>>
    %dma_start3A_698 = arith.constant 0 : i32
    %dma_start3A_699 = tpu.memref_slice %arg2[%dma_start3A_698, %multiple_of3A_689] : memref<16x1000000xf32, #tpu.memory_space<hbm>> -> memref<16x128xf32, #tpu.memory_space<hbm>>
    tpu.enqueue_dma source(%dma_start3A_699 : memref<16x128xf32, #tpu.memory_space<hbm>>) target(%dma_start3A_697 : memref<16x128xf32, #tpu.memory_space<vmem>>) target_semaphore(%arg10 : memref<!tpu.dma_semaphore, #tpu.memory_space<semaphore_mem>>)
    %slice3A_700 = vector.extract_strided_slice %get3A_563 {offsets = [8], sizes = [1], strides = [1]} : vector<16xi32> to vector<1xi32>
    %squeeze3A_701 = vector.extract %slice3A_700[0] : i32 from vector<1xi32>
    %shift_right_arithmetic3A_702 = arith.constant 7 : i32
    %shift_right_arithmetic3A_703 = arith.shrsi %squeeze3A_701, %shift_right_arithmetic3A_702 : i32
    %shift_left3A_704 = arith.constant 7 : i32
    %shift_left3A_705 = arith.shli %shift_right_arithmetic3A_703, %shift_left3A_704 : i32
    %multiple_of3A_706 = tpu.assume_multiple %shift_left3A_705, 128 : i32
    %dma_start3A_707 = arith.constant 0 : i32
    %dma_start3A_708 = arith.constant 5120 : i32
    %dma_start3A_709 = tpu.memref_slice %arg6[%dma_start3A_707, %dma_start3A_708] : memref<16x6144xf32, #tpu.memory_space<vmem>> -> memref<16x128xf32, #tpu.memory_space<vmem>>
    %dma_start3A_710 = arith.constant 0 : i32
    %dma_start3A_711 = tpu.memref_slice %arg2[%dma_start3A_710, %multiple_of3A_706] : memref<16x1000000xf32, #tpu.memory_space<hbm>> -> memref<16x128xf32, #tpu.memory_space<hbm>>
    %dma_start3A_712 = arith.constant 0 : i32
    %dma_start3A_713 = arith.constant 5120 : i32
    %dma_start3A_714 = tpu.memref_slice %arg6[%dma_start3A_712, %dma_start3A_713] : memref<16x6144xf32, #tpu.memory_space<vmem>> -> memref<16x128xf32, #tpu.memory_space<vmem>>
    %dma_start3A_715 = arith.constant 0 : i32
    %dma_start3A_716 = tpu.memref_slice %arg2[%dma_start3A_715, %multiple_of3A_706] : memref<16x1000000xf32, #tpu.memory_space<hbm>> -> memref<16x128xf32, #tpu.memory_space<hbm>>
    tpu.enqueue_dma source(%dma_start3A_716 : memref<16x128xf32, #tpu.memory_space<hbm>>) target(%dma_start3A_714 : memref<16x128xf32, #tpu.memory_space<vmem>>) target_semaphore(%arg10 : memref<!tpu.dma_semaphore, #tpu.memory_space<semaphore_mem>>)
    %slice3A_717 = vector.extract_strided_slice %get3A_563 {offsets = [9], sizes = [1], strides = [1]} : vector<16xi32> to vector<1xi32>
    %squeeze3A_718 = vector.extract %slice3A_717[0] : i32 from vector<1xi32>
    %shift_right_arithmetic3A_719 = arith.constant 7 : i32
    %shift_right_arithmetic3A_720 = arith.shrsi %squeeze3A_718, %shift_right_arithmetic3A_719 : i32
    %shift_left3A_721 = arith.constant 7 : i32
    %shift_left3A_722 = arith.shli %shift_right_arithmetic3A_720, %shift_left3A_721 : i32
    %multiple_of3A_723 = tpu.assume_multiple %shift_left3A_722, 128 : i32
    %dma_start3A_724 = arith.constant 0 : i32
    %dma_start3A_725 = arith.constant 5248 : i32
    %dma_start3A_726 = tpu.memref_slice %arg6[%dma_start3A_724, %dma_start3A_725] : memref<16x6144xf32, #tpu.memory_space<vmem>> -> memref<16x128xf32, #tpu.memory_space<vmem>>
    %dma_start3A_727 = arith.constant 0 : i32
    %dma_start3A_728 = tpu.memref_slice %arg2[%dma_start3A_727, %multiple_of3A_723] : memref<16x1000000xf32, #tpu.memory_space<hbm>> -> memref<16x128xf32, #tpu.memory_space<hbm>>
    %dma_start3A_729 = arith.constant 0 : i32
    %dma_start3A_730 = arith.constant 5248 : i32
    %dma_start3A_731 = tpu.memref_slice %arg6[%dma_start3A_729, %dma_start3A_730] : memref<16x6144xf32, #tpu.memory_space<vmem>> -> memref<16x128xf32, #tpu.memory_space<vmem>>
    %dma_start3A_732 = arith.constant 0 : i32
    %dma_start3A_733 = tpu.memref_slice %arg2[%dma_start3A_732, %multiple_of3A_723] : memref<16x1000000xf32, #tpu.memory_space<hbm>> -> memref<16x128xf32, #tpu.memory_space<hbm>>
    tpu.enqueue_dma source(%dma_start3A_733 : memref<16x128xf32, #tpu.memory_space<hbm>>) target(%dma_start3A_731 : memref<16x128xf32, #tpu.memory_space<vmem>>) target_semaphore(%arg10 : memref<!tpu.dma_semaphore, #tpu.memory_space<semaphore_mem>>)
    %slice3A_734 = vector.extract_strided_slice %get3A_563 {offsets = [10], sizes = [1], strides = [1]} : vector<16xi32> to vector<1xi32>
    %squeeze3A_735 = vector.extract %slice3A_734[0] : i32 from vector<1xi32>
    %shift_right_arithmetic3A_736 = arith.constant 7 : i32
    %shift_right_arithmetic3A_737 = arith.shrsi %squeeze3A_735, %shift_right_arithmetic3A_736 : i32
    %shift_left3A_738 = arith.constant 7 : i32
    %shift_left3A_739 = arith.shli %shift_right_arithmetic3A_737, %shift_left3A_738 : i32
    %multiple_of3A_740 = tpu.assume_multiple %shift_left3A_739, 128 : i32
    %dma_start3A_741 = arith.constant 0 : i32
    %dma_start3A_742 = arith.constant 5376 : i32
    %dma_start3A_743 = tpu.memref_slice %arg6[%dma_start3A_741, %dma_start3A_742] : memref<16x6144xf32, #tpu.memory_space<vmem>> -> memref<16x128xf32, #tpu.memory_space<vmem>>
    %dma_start3A_744 = arith.constant 0 : i32
    %dma_start3A_745 = tpu.memref_slice %arg2[%dma_start3A_744, %multiple_of3A_740] : memref<16x1000000xf32, #tpu.memory_space<hbm>> -> memref<16x128xf32, #tpu.memory_space<hbm>>
    %dma_start3A_746 = arith.constant 0 : i32
    %dma_start3A_747 = arith.constant 5376 : i32
    %dma_start3A_748 = tpu.memref_slice %arg6[%dma_start3A_746, %dma_start3A_747] : memref<16x6144xf32, #tpu.memory_space<vmem>> -> memref<16x128xf32, #tpu.memory_space<vmem>>
    %dma_start3A_749 = arith.constant 0 : i32
    %dma_start3A_750 = tpu.memref_slice %arg2[%dma_start3A_749, %multiple_of3A_740] : memref<16x1000000xf32, #tpu.memory_space<hbm>> -> memref<16x128xf32, #tpu.memory_space<hbm>>
    tpu.enqueue_dma source(%dma_start3A_750 : memref<16x128xf32, #tpu.memory_space<hbm>>) target(%dma_start3A_748 : memref<16x128xf32, #tpu.memory_space<vmem>>) target_semaphore(%arg10 : memref<!tpu.dma_semaphore, #tpu.memory_space<semaphore_mem>>)
    %slice3A_751 = vector.extract_strided_slice %get3A_563 {offsets = [11], sizes = [1], strides = [1]} : vector<16xi32> to vector<1xi32>
    %squeeze3A_752 = vector.extract %slice3A_751[0] : i32 from vector<1xi32>
    %shift_right_arithmetic3A_753 = arith.constant 7 : i32
    %shift_right_arithmetic3A_754 = arith.shrsi %squeeze3A_752, %shift_right_arithmetic3A_753 : i32
    %shift_left3A_755 = arith.constant 7 : i32
    %shift_left3A_756 = arith.shli %shift_right_arithmetic3A_754, %shift_left3A_755 : i32
    %multiple_of3A_757 = tpu.assume_multiple %shift_left3A_756, 128 : i32
    %dma_start3A_758 = arith.constant 0 : i32
    %dma_start3A_759 = arith.constant 5504 : i32
    %dma_start3A_760 = tpu.memref_slice %arg6[%dma_start3A_758, %dma_start3A_759] : memref<16x6144xf32, #tpu.memory_space<vmem>> -> memref<16x128xf32, #tpu.memory_space<vmem>>
    %dma_start3A_761 = arith.constant 0 : i32
    %dma_start3A_762 = tpu.memref_slice %arg2[%dma_start3A_761, %multiple_of3A_757] : memref<16x1000000xf32, #tpu.memory_space<hbm>> -> memref<16x128xf32, #tpu.memory_space<hbm>>
    %dma_start3A_763 = arith.constant 0 : i32
    %dma_start3A_764 = arith.constant 5504 : i32
    %dma_start3A_765 = tpu.memref_slice %arg6[%dma_start3A_763, %dma_start3A_764] : memref<16x6144xf32, #tpu.memory_space<vmem>> -> memref<16x128xf32, #tpu.memory_space<vmem>>
    %dma_start3A_766 = arith.constant 0 : i32
    %dma_start3A_767 = tpu.memref_slice %arg2[%dma_start3A_766, %multiple_of3A_757] : memref<16x1000000xf32, #tpu.memory_space<hbm>> -> memref<16x128xf32, #tpu.memory_space<hbm>>
    tpu.enqueue_dma source(%dma_start3A_767 : memref<16x128xf32, #tpu.memory_space<hbm>>) target(%dma_start3A_765 : memref<16x128xf32, #tpu.memory_space<vmem>>) target_semaphore(%arg10 : memref<!tpu.dma_semaphore, #tpu.memory_space<semaphore_mem>>)
    %slice3A_768 = vector.extract_strided_slice %get3A_563 {offsets = [12], sizes = [1], strides = [1]} : vector<16xi32> to vector<1xi32>
    %squeeze3A_769 = vector.extract %slice3A_768[0] : i32 from vector<1xi32>
    %shift_right_arithmetic3A_770 = arith.constant 7 : i32
    %shift_right_arithmetic3A_771 = arith.shrsi %squeeze3A_769, %shift_right_arithmetic3A_770 : i32
    %shift_left3A_772 = arith.constant 7 : i32
    %shift_left3A_773 = arith.shli %shift_right_arithmetic3A_771, %shift_left3A_772 : i32
    %multiple_of3A_774 = tpu.assume_multiple %shift_left3A_773, 128 : i32
    %dma_start3A_775 = arith.constant 0 : i32
    %dma_start3A_776 = arith.constant 5632 : i32
    %dma_start3A_777 = tpu.memref_slice %arg6[%dma_start3A_775, %dma_start3A_776] : memref<16x6144xf32, #tpu.memory_space<vmem>> -> memref<16x128xf32, #tpu.memory_space<vmem>>
    %dma_start3A_778 = arith.constant 0 : i32
    %dma_start3A_779 = tpu.memref_slice %arg2[%dma_start3A_778, %multiple_of3A_774] : memref<16x1000000xf32, #tpu.memory_space<hbm>> -> memref<16x128xf32, #tpu.memory_space<hbm>>
    %dma_start3A_780 = arith.constant 0 : i32
    %dma_start3A_781 = arith.constant 5632 : i32
    %dma_start3A_782 = tpu.memref_slice %arg6[%dma_start3A_780, %dma_start3A_781] : memref<16x6144xf32, #tpu.memory_space<vmem>> -> memref<16x128xf32, #tpu.memory_space<vmem>>
    %dma_start3A_783 = arith.constant 0 : i32
    %dma_start3A_784 = tpu.memref_slice %arg2[%dma_start3A_783, %multiple_of3A_774] : memref<16x1000000xf32, #tpu.memory_space<hbm>> -> memref<16x128xf32, #tpu.memory_space<hbm>>
    tpu.enqueue_dma source(%dma_start3A_784 : memref<16x128xf32, #tpu.memory_space<hbm>>) target(%dma_start3A_782 : memref<16x128xf32, #tpu.memory_space<vmem>>) target_semaphore(%arg10 : memref<!tpu.dma_semaphore, #tpu.memory_space<semaphore_mem>>)
    %slice3A_785 = vector.extract_strided_slice %get3A_563 {offsets = [13], sizes = [1], strides = [1]} : vector<16xi32> to vector<1xi32>
    %squeeze3A_786 = vector.extract %slice3A_785[0] : i32 from vector<1xi32>
    %shift_right_arithmetic3A_787 = arith.constant 7 : i32
    %shift_right_arithmetic3A_788 = arith.shrsi %squeeze3A_786, %shift_right_arithmetic3A_787 : i32
    %shift_left3A_789 = arith.constant 7 : i32
    %shift_left3A_790 = arith.shli %shift_right_arithmetic3A_788, %shift_left3A_789 : i32
    %multiple_of3A_791 = tpu.assume_multiple %shift_left3A_790, 128 : i32
    %dma_start3A_792 = arith.constant 0 : i32
    %dma_start3A_793 = arith.constant 5760 : i32
    %dma_start3A_794 = tpu.memref_slice %arg6[%dma_start3A_792, %dma_start3A_793] : memref<16x6144xf32, #tpu.memory_space<vmem>> -> memref<16x128xf32, #tpu.memory_space<vmem>>
    %dma_start3A_795 = arith.constant 0 : i32
    %dma_start3A_796 = tpu.memref_slice %arg2[%dma_start3A_795, %multiple_of3A_791] : memref<16x1000000xf32, #tpu.memory_space<hbm>> -> memref<16x128xf32, #tpu.memory_space<hbm>>
    %dma_start3A_797 = arith.constant 0 : i32
    %dma_start3A_798 = arith.constant 5760 : i32
    %dma_start3A_799 = tpu.memref_slice %arg6[%dma_start3A_797, %dma_start3A_798] : memref<16x6144xf32, #tpu.memory_space<vmem>> -> memref<16x128xf32, #tpu.memory_space<vmem>>
    %dma_start3A_800 = arith.constant 0 : i32
    %dma_start3A_801 = tpu.memref_slice %arg2[%dma_start3A_800, %multiple_of3A_791] : memref<16x1000000xf32, #tpu.memory_space<hbm>> -> memref<16x128xf32, #tpu.memory_space<hbm>>
    tpu.enqueue_dma source(%dma_start3A_801 : memref<16x128xf32, #tpu.memory_space<hbm>>) target(%dma_start3A_799 : memref<16x128xf32, #tpu.memory_space<vmem>>) target_semaphore(%arg10 : memref<!tpu.dma_semaphore, #tpu.memory_space<semaphore_mem>>)
    %slice3A_802 = vector.extract_strided_slice %get3A_563 {offsets = [14], sizes = [1], strides = [1]} : vector<16xi32> to vector<1xi32>
    %squeeze3A_803 = vector.extract %slice3A_802[0] : i32 from vector<1xi32>
    %shift_right_arithmetic3A_804 = arith.constant 7 : i32
    %shift_right_arithmetic3A_805 = arith.shrsi %squeeze3A_803, %shift_right_arithmetic3A_804 : i32
    %shift_left3A_806 = arith.constant 7 : i32
    %shift_left3A_807 = arith.shli %shift_right_arithmetic3A_805, %shift_left3A_806 : i32
    %multiple_of3A_808 = tpu.assume_multiple %shift_left3A_807, 128 : i32
    %dma_start3A_809 = arith.constant 0 : i32
    %dma_start3A_810 = arith.constant 5888 : i32
    %dma_start3A_811 = tpu.memref_slice %arg6[%dma_start3A_809, %dma_start3A_810] : memref<16x6144xf32, #tpu.memory_space<vmem>> -> memref<16x128xf32, #tpu.memory_space<vmem>>
    %dma_start3A_812 = arith.constant 0 : i32
    %dma_start3A_813 = tpu.memref_slice %arg2[%dma_start3A_812, %multiple_of3A_808] : memref<16x1000000xf32, #tpu.memory_space<hbm>> -> memref<16x128xf32, #tpu.memory_space<hbm>>
    %dma_start3A_814 = arith.constant 0 : i32
    %dma_start3A_815 = arith.constant 5888 : i32
    %dma_start3A_816 = tpu.memref_slice %arg6[%dma_start3A_814, %dma_start3A_815] : memref<16x6144xf32, #tpu.memory_space<vmem>> -> memref<16x128xf32, #tpu.memory_space<vmem>>
    %dma_start3A_817 = arith.constant 0 : i32
    %dma_start3A_818 = tpu.memref_slice %arg2[%dma_start3A_817, %multiple_of3A_808] : memref<16x1000000xf32, #tpu.memory_space<hbm>> -> memref<16x128xf32, #tpu.memory_space<hbm>>
    tpu.enqueue_dma source(%dma_start3A_818 : memref<16x128xf32, #tpu.memory_space<hbm>>) target(%dma_start3A_816 : memref<16x128xf32, #tpu.memory_space<vmem>>) target_semaphore(%arg10 : memref<!tpu.dma_semaphore, #tpu.memory_space<semaphore_mem>>)
    %slice3A_819 = vector.extract_strided_slice %get3A_563 {offsets = [15], sizes = [1], strides = [1]} : vector<16xi32> to vector<1xi32>
    %squeeze3A_820 = vector.extract %slice3A_819[0] : i32 from vector<1xi32>
    %shift_right_arithmetic3A_821 = arith.constant 7 : i32
    %shift_right_arithmetic3A_822 = arith.shrsi %squeeze3A_820, %shift_right_arithmetic3A_821 : i32
    %shift_left3A_823 = arith.constant 7 : i32
    %shift_left3A_824 = arith.shli %shift_right_arithmetic3A_822, %shift_left3A_823 : i32
    %multiple_of3A_825 = tpu.assume_multiple %shift_left3A_824, 128 : i32
    %dma_start3A_826 = arith.constant 0 : i32
    %dma_start3A_827 = arith.constant 6016 : i32
    %dma_start3A_828 = tpu.memref_slice %arg6[%dma_start3A_826, %dma_start3A_827] : memref<16x6144xf32, #tpu.memory_space<vmem>> -> memref<16x128xf32, #tpu.memory_space<vmem>>
    %dma_start3A_829 = arith.constant 0 : i32
    %dma_start3A_830 = tpu.memref_slice %arg2[%dma_start3A_829, %multiple_of3A_825] : memref<16x1000000xf32, #tpu.memory_space<hbm>> -> memref<16x128xf32, #tpu.memory_space<hbm>>
    %dma_start3A_831 = arith.constant 0 : i32
    %dma_start3A_832 = arith.constant 6016 : i32
    %dma_start3A_833 = tpu.memref_slice %arg6[%dma_start3A_831, %dma_start3A_832] : memref<16x6144xf32, #tpu.memory_space<vmem>> -> memref<16x128xf32, #tpu.memory_space<vmem>>
    %dma_start3A_834 = arith.constant 0 : i32
    %dma_start3A_835 = tpu.memref_slice %arg2[%dma_start3A_834, %multiple_of3A_825] : memref<16x1000000xf32, #tpu.memory_space<hbm>> -> memref<16x128xf32, #tpu.memory_space<hbm>>
    tpu.enqueue_dma source(%dma_start3A_835 : memref<16x128xf32, #tpu.memory_space<hbm>>) target(%dma_start3A_833 : memref<16x128xf32, #tpu.memory_space<vmem>>) target_semaphore(%arg10 : memref<!tpu.dma_semaphore, #tpu.memory_space<semaphore_mem>>)
    %scan3A = arith.constant 0 : i32
    %scan3A_836 = arith.constant 0 : i32
    %scan3A_837 = arith.constant 10 : i32
    %scan3A_838 = arith.addi %scan3A_836, %scan3A_837 : i32
    %scan3A_839 = arith.constant 1 : i32
    %scan3A_840 = scf.for %scan3A_1457 = %scan3A_836 to %scan3A_838 step %scan3A_839 iter_args(%scan3A_1458 = %scan3A) -> (i32)  : i32 {
      %mul3A_1459 = arith.constant 3 : i32
      %mul3A_1460 = arith.muli %mul3A_1459, %scan3A_1457 : i32
      %add3A_1461 = arith.constant 0 : i32
      %add3A_1462 = arith.addi %mul3A_1460, %add3A_1461 : i32
      %dma_wait3A_1463 = arith.constant 0 : i32
      %dma_wait3A_1464 = arith.constant 0 : i32
      %dma_wait3A_1465 = tpu.memref_slice %arg6[%dma_wait3A_1463, %dma_wait3A_1464] : memref<16x6144xf32, #tpu.memory_space<vmem>> -> memref<16x128xf32, #tpu.memory_space<vmem>>
      %dma_wait3A_1466 = arith.constant 0 : i32
      %dma_wait3A_1467 = arith.constant 0 : i32
      %dma_wait3A_1468 = tpu.memref_slice %arg2[%dma_wait3A_1466, %dma_wait3A_1467] : memref<16x1000000xf32, #tpu.memory_space<hbm>> -> memref<16x128xf32, #tpu.memory_space<hbm>>
      %dma_wait3A_1469 = arith.constant 0 : i32
      %dma_wait3A_1470 = arith.constant 0 : i32
      %dma_wait3A_1471 = tpu.memref_slice %arg6[%dma_wait3A_1469, %dma_wait3A_1470] : memref<16x6144xf32, #tpu.memory_space<vmem>> -> memref<16x128xf32, #tpu.memory_space<vmem>>
      %dma_wait3A_1472 = arith.constant 0 : i32
      %dma_wait3A_1473 = arith.constant 0 : i32
      %dma_wait3A_1474 = tpu.memref_slice %arg2[%dma_wait3A_1472, %dma_wait3A_1473] : memref<16x1000000xf32, #tpu.memory_space<hbm>> -> memref<16x128xf32, #tpu.memory_space<hbm>>
      tpu.wait_dma2 semaphore(%arg8 : memref<!tpu.dma_semaphore, #tpu.memory_space<semaphore_mem>>) src(%dma_wait3A_1474 : memref<16x128xf32, #tpu.memory_space<hbm>>) dst(%dma_wait3A_1471 : memref<16x128xf32, #tpu.memory_space<vmem>>)
      %dma_wait3A_1475 = arith.constant 0 : i32
      %dma_wait3A_1476 = arith.constant 128 : i32
      %dma_wait3A_1477 = tpu.memref_slice %arg6[%dma_wait3A_1475, %dma_wait3A_1476] : memref<16x6144xf32, #tpu.memory_space<vmem>> -> memref<16x128xf32, #tpu.memory_space<vmem>>
      %dma_wait3A_1478 = arith.constant 0 : i32
      %dma_wait3A_1479 = arith.constant 0 : i32
      %dma_wait3A_1480 = tpu.memref_slice %arg2[%dma_wait3A_1478, %dma_wait3A_1479] : memref<16x1000000xf32, #tpu.memory_space<hbm>> -> memref<16x128xf32, #tpu.memory_space<hbm>>
      %dma_wait3A_1481 = arith.constant 0 : i32
      %dma_wait3A_1482 = arith.constant 128 : i32
      %dma_wait3A_1483 = tpu.memref_slice %arg6[%dma_wait3A_1481, %dma_wait3A_1482] : memref<16x6144xf32, #tpu.memory_space<vmem>> -> memref<16x128xf32, #tpu.memory_space<vmem>>
      %dma_wait3A_1484 = arith.constant 0 : i32
      %dma_wait3A_1485 = arith.constant 0 : i32
      %dma_wait3A_1486 = tpu.memref_slice %arg2[%dma_wait3A_1484, %dma_wait3A_1485] : memref<16x1000000xf32, #tpu.memory_space<hbm>> -> memref<16x128xf32, #tpu.memory_space<hbm>>
      tpu.wait_dma2 semaphore(%arg8 : memref<!tpu.dma_semaphore, #tpu.memory_space<semaphore_mem>>) src(%dma_wait3A_1486 : memref<16x128xf32, #tpu.memory_space<hbm>>) dst(%dma_wait3A_1483 : memref<16x128xf32, #tpu.memory_space<vmem>>)
      %dma_wait3A_1487 = arith.constant 0 : i32
      %dma_wait3A_1488 = arith.constant 256 : i32
      %dma_wait3A_1489 = tpu.memref_slice %arg6[%dma_wait3A_1487, %dma_wait3A_1488] : memref<16x6144xf32, #tpu.memory_space<vmem>> -> memref<16x128xf32, #tpu.memory_space<vmem>>
      %dma_wait3A_1490 = arith.constant 0 : i32
      %dma_wait3A_1491 = arith.constant 0 : i32
      %dma_wait3A_1492 = tpu.memref_slice %arg2[%dma_wait3A_1490, %dma_wait3A_1491] : memref<16x1000000xf32, #tpu.memory_space<hbm>> -> memref<16x128xf32, #tpu.memory_space<hbm>>
      %dma_wait3A_1493 = arith.constant 0 : i32
      %dma_wait3A_1494 = arith.constant 256 : i32
      %dma_wait3A_1495 = tpu.memref_slice %arg6[%dma_wait3A_1493, %dma_wait3A_1494] : memref<16x6144xf32, #tpu.memory_space<vmem>> -> memref<16x128xf32, #tpu.memory_space<vmem>>
      %dma_wait3A_1496 = arith.constant 0 : i32
      %dma_wait3A_1497 = arith.constant 0 : i32
      %dma_wait3A_1498 = tpu.memref_slice %arg2[%dma_wait3A_1496, %dma_wait3A_1497] : memref<16x1000000xf32, #tpu.memory_space<hbm>> -> memref<16x128xf32, #tpu.memory_space<hbm>>
      tpu.wait_dma2 semaphore(%arg8 : memref<!tpu.dma_semaphore, #tpu.memory_space<semaphore_mem>>) src(%dma_wait3A_1498 : memref<16x128xf32, #tpu.memory_space<hbm>>) dst(%dma_wait3A_1495 : memref<16x128xf32, #tpu.memory_space<vmem>>)
      %dma_wait3A_1499 = arith.constant 0 : i32
      %dma_wait3A_1500 = arith.constant 384 : i32
      %dma_wait3A_1501 = tpu.memref_slice %arg6[%dma_wait3A_1499, %dma_wait3A_1500] : memref<16x6144xf32, #tpu.memory_space<vmem>> -> memref<16x128xf32, #tpu.memory_space<vmem>>
      %dma_wait3A_1502 = arith.constant 0 : i32
      %dma_wait3A_1503 = arith.constant 0 : i32
      %dma_wait3A_1504 = tpu.memref_slice %arg2[%dma_wait3A_1502, %dma_wait3A_1503] : memref<16x1000000xf32, #tpu.memory_space<hbm>> -> memref<16x128xf32, #tpu.memory_space<hbm>>
      %dma_wait3A_1505 = arith.constant 0 : i32
      %dma_wait3A_1506 = arith.constant 384 : i32
      %dma_wait3A_1507 = tpu.memref_slice %arg6[%dma_wait3A_1505, %dma_wait3A_1506] : memref<16x6144xf32, #tpu.memory_space<vmem>> -> memref<16x128xf32, #tpu.memory_space<vmem>>
      %dma_wait3A_1508 = arith.constant 0 : i32
      %dma_wait3A_1509 = arith.constant 0 : i32
      %dma_wait3A_1510 = tpu.memref_slice %arg2[%dma_wait3A_1508, %dma_wait3A_1509] : memref<16x1000000xf32, #tpu.memory_space<hbm>> -> memref<16x128xf32, #tpu.memory_space<hbm>>
      tpu.wait_dma2 semaphore(%arg8 : memref<!tpu.dma_semaphore, #tpu.memory_space<semaphore_mem>>) src(%dma_wait3A_1510 : memref<16x128xf32, #tpu.memory_space<hbm>>) dst(%dma_wait3A_1507 : memref<16x128xf32, #tpu.memory_space<vmem>>)
      %dma_wait3A_1511 = arith.constant 0 : i32
      %dma_wait3A_1512 = arith.constant 512 : i32
      %dma_wait3A_1513 = tpu.memref_slice %arg6[%dma_wait3A_1511, %dma_wait3A_1512] : memref<16x6144xf32, #tpu.memory_space<vmem>> -> memref<16x128xf32, #tpu.memory_space<vmem>>
      %dma_wait3A_1514 = arith.constant 0 : i32
      %dma_wait3A_1515 = arith.constant 0 : i32
      %dma_wait3A_1516 = tpu.memref_slice %arg2[%dma_wait3A_1514, %dma_wait3A_1515] : memref<16x1000000xf32, #tpu.memory_space<hbm>> -> memref<16x128xf32, #tpu.memory_space<hbm>>
      %dma_wait3A_1517 = arith.constant 0 : i32
      %dma_wait3A_1518 = arith.constant 512 : i32
      %dma_wait3A_1519 = tpu.memref_slice %arg6[%dma_wait3A_1517, %dma_wait3A_1518] : memref<16x6144xf32, #tpu.memory_space<vmem>> -> memref<16x128xf32, #tpu.memory_space<vmem>>
      %dma_wait3A_1520 = arith.constant 0 : i32
      %dma_wait3A_1521 = arith.constant 0 : i32
      %dma_wait3A_1522 = tpu.memref_slice %arg2[%dma_wait3A_1520, %dma_wait3A_1521] : memref<16x1000000xf32, #tpu.memory_space<hbm>> -> memref<16x128xf32, #tpu.memory_space<hbm>>
      tpu.wait_dma2 semaphore(%arg8 : memref<!tpu.dma_semaphore, #tpu.memory_space<semaphore_mem>>) src(%dma_wait3A_1522 : memref<16x128xf32, #tpu.memory_space<hbm>>) dst(%dma_wait3A_1519 : memref<16x128xf32, #tpu.memory_space<vmem>>)
      %dma_wait3A_1523 = arith.constant 0 : i32
      %dma_wait3A_1524 = arith.constant 640 : i32
      %dma_wait3A_1525 = tpu.memref_slice %arg6[%dma_wait3A_1523, %dma_wait3A_1524] : memref<16x6144xf32, #tpu.memory_space<vmem>> -> memref<16x128xf32, #tpu.memory_space<vmem>>
      %dma_wait3A_1526 = arith.constant 0 : i32
      %dma_wait3A_1527 = arith.constant 0 : i32
      %dma_wait3A_1528 = tpu.memref_slice %arg2[%dma_wait3A_1526, %dma_wait3A_1527] : memref<16x1000000xf32, #tpu.memory_space<hbm>> -> memref<16x128xf32, #tpu.memory_space<hbm>>
      %dma_wait3A_1529 = arith.constant 0 : i32
      %dma_wait3A_1530 = arith.constant 640 : i32
      %dma_wait3A_1531 = tpu.memref_slice %arg6[%dma_wait3A_1529, %dma_wait3A_1530] : memref<16x6144xf32, #tpu.memory_space<vmem>> -> memref<16x128xf32, #tpu.memory_space<vmem>>
      %dma_wait3A_1532 = arith.constant 0 : i32
      %dma_wait3A_1533 = arith.constant 0 : i32
      %dma_wait3A_1534 = tpu.memref_slice %arg2[%dma_wait3A_1532, %dma_wait3A_1533] : memref<16x1000000xf32, #tpu.memory_space<hbm>> -> memref<16x128xf32, #tpu.memory_space<hbm>>
      tpu.wait_dma2 semaphore(%arg8 : memref<!tpu.dma_semaphore, #tpu.memory_space<semaphore_mem>>) src(%dma_wait3A_1534 : memref<16x128xf32, #tpu.memory_space<hbm>>) dst(%dma_wait3A_1531 : memref<16x128xf32, #tpu.memory_space<vmem>>)
      %dma_wait3A_1535 = arith.constant 0 : i32
      %dma_wait3A_1536 = arith.constant 768 : i32
      %dma_wait3A_1537 = tpu.memref_slice %arg6[%dma_wait3A_1535, %dma_wait3A_1536] : memref<16x6144xf32, #tpu.memory_space<vmem>> -> memref<16x128xf32, #tpu.memory_space<vmem>>
      %dma_wait3A_1538 = arith.constant 0 : i32
      %dma_wait3A_1539 = arith.constant 0 : i32
      %dma_wait3A_1540 = tpu.memref_slice %arg2[%dma_wait3A_1538, %dma_wait3A_1539] : memref<16x1000000xf32, #tpu.memory_space<hbm>> -> memref<16x128xf32, #tpu.memory_space<hbm>>
      %dma_wait3A_1541 = arith.constant 0 : i32
      %dma_wait3A_1542 = arith.constant 768 : i32
      %dma_wait3A_1543 = tpu.memref_slice %arg6[%dma_wait3A_1541, %dma_wait3A_1542] : memref<16x6144xf32, #tpu.memory_space<vmem>> -> memref<16x128xf32, #tpu.memory_space<vmem>>
      %dma_wait3A_1544 = arith.constant 0 : i32
      %dma_wait3A_1545 = arith.constant 0 : i32
      %dma_wait3A_1546 = tpu.memref_slice %arg2[%dma_wait3A_1544, %dma_wait3A_1545] : memref<16x1000000xf32, #tpu.memory_space<hbm>> -> memref<16x128xf32, #tpu.memory_space<hbm>>
      tpu.wait_dma2 semaphore(%arg8 : memref<!tpu.dma_semaphore, #tpu.memory_space<semaphore_mem>>) src(%dma_wait3A_1546 : memref<16x128xf32, #tpu.memory_space<hbm>>) dst(%dma_wait3A_1543 : memref<16x128xf32, #tpu.memory_space<vmem>>)
      %dma_wait3A_1547 = arith.constant 0 : i32
      %dma_wait3A_1548 = arith.constant 896 : i32
      %dma_wait3A_1549 = tpu.memref_slice %arg6[%dma_wait3A_1547, %dma_wait3A_1548] : memref<16x6144xf32, #tpu.memory_space<vmem>> -> memref<16x128xf32, #tpu.memory_space<vmem>>
      %dma_wait3A_1550 = arith.constant 0 : i32
      %dma_wait3A_1551 = arith.constant 0 : i32
      %dma_wait3A_1552 = tpu.memref_slice %arg2[%dma_wait3A_1550, %dma_wait3A_1551] : memref<16x1000000xf32, #tpu.memory_space<hbm>> -> memref<16x128xf32, #tpu.memory_space<hbm>>
      %dma_wait3A_1553 = arith.constant 0 : i32
      %dma_wait3A_1554 = arith.constant 896 : i32
      %dma_wait3A_1555 = tpu.memref_slice %arg6[%dma_wait3A_1553, %dma_wait3A_1554] : memref<16x6144xf32, #tpu.memory_space<vmem>> -> memref<16x128xf32, #tpu.memory_space<vmem>>
      %dma_wait3A_1556 = arith.constant 0 : i32
      %dma_wait3A_1557 = arith.constant 0 : i32
      %dma_wait3A_1558 = tpu.memref_slice %arg2[%dma_wait3A_1556, %dma_wait3A_1557] : memref<16x1000000xf32, #tpu.memory_space<hbm>> -> memref<16x128xf32, #tpu.memory_space<hbm>>
      tpu.wait_dma2 semaphore(%arg8 : memref<!tpu.dma_semaphore, #tpu.memory_space<semaphore_mem>>) src(%dma_wait3A_1558 : memref<16x128xf32, #tpu.memory_space<hbm>>) dst(%dma_wait3A_1555 : memref<16x128xf32, #tpu.memory_space<vmem>>)
      %dma_wait3A_1559 = arith.constant 0 : i32
      %dma_wait3A_1560 = arith.constant 1024 : i32
      %dma_wait3A_1561 = tpu.memref_slice %arg6[%dma_wait3A_1559, %dma_wait3A_1560] : memref<16x6144xf32, #tpu.memory_space<vmem>> -> memref<16x128xf32, #tpu.memory_space<vmem>>
      %dma_wait3A_1562 = arith.constant 0 : i32
      %dma_wait3A_1563 = arith.constant 0 : i32
      %dma_wait3A_1564 = tpu.memref_slice %arg2[%dma_wait3A_1562, %dma_wait3A_1563] : memref<16x1000000xf32, #tpu.memory_space<hbm>> -> memref<16x128xf32, #tpu.memory_space<hbm>>
      %dma_wait3A_1565 = arith.constant 0 : i32
      %dma_wait3A_1566 = arith.constant 1024 : i32
      %dma_wait3A_1567 = tpu.memref_slice %arg6[%dma_wait3A_1565, %dma_wait3A_1566] : memref<16x6144xf32, #tpu.memory_space<vmem>> -> memref<16x128xf32, #tpu.memory_space<vmem>>
      %dma_wait3A_1568 = arith.constant 0 : i32
      %dma_wait3A_1569 = arith.constant 0 : i32
      %dma_wait3A_1570 = tpu.memref_slice %arg2[%dma_wait3A_1568, %dma_wait3A_1569] : memref<16x1000000xf32, #tpu.memory_space<hbm>> -> memref<16x128xf32, #tpu.memory_space<hbm>>
      tpu.wait_dma2 semaphore(%arg8 : memref<!tpu.dma_semaphore, #tpu.memory_space<semaphore_mem>>) src(%dma_wait3A_1570 : memref<16x128xf32, #tpu.memory_space<hbm>>) dst(%dma_wait3A_1567 : memref<16x128xf32, #tpu.memory_space<vmem>>)
      %dma_wait3A_1571 = arith.constant 0 : i32
      %dma_wait3A_1572 = arith.constant 1152 : i32
      %dma_wait3A_1573 = tpu.memref_slice %arg6[%dma_wait3A_1571, %dma_wait3A_1572] : memref<16x6144xf32, #tpu.memory_space<vmem>> -> memref<16x128xf32, #tpu.memory_space<vmem>>
      %dma_wait3A_1574 = arith.constant 0 : i32
      %dma_wait3A_1575 = arith.constant 0 : i32
      %dma_wait3A_1576 = tpu.memref_slice %arg2[%dma_wait3A_1574, %dma_wait3A_1575] : memref<16x1000000xf32, #tpu.memory_space<hbm>> -> memref<16x128xf32, #tpu.memory_space<hbm>>
      %dma_wait3A_1577 = arith.constant 0 : i32
      %dma_wait3A_1578 = arith.constant 1152 : i32
      %dma_wait3A_1579 = tpu.memref_slice %arg6[%dma_wait3A_1577, %dma_wait3A_1578] : memref<16x6144xf32, #tpu.memory_space<vmem>> -> memref<16x128xf32, #tpu.memory_space<vmem>>
      %dma_wait3A_1580 = arith.constant 0 : i32
      %dma_wait3A_1581 = arith.constant 0 : i32
      %dma_wait3A_1582 = tpu.memref_slice %arg2[%dma_wait3A_1580, %dma_wait3A_1581] : memref<16x1000000xf32, #tpu.memory_space<hbm>> -> memref<16x128xf32, #tpu.memory_space<hbm>>
      tpu.wait_dma2 semaphore(%arg8 : memref<!tpu.dma_semaphore, #tpu.memory_space<semaphore_mem>>) src(%dma_wait3A_1582 : memref<16x128xf32, #tpu.memory_space<hbm>>) dst(%dma_wait3A_1579 : memref<16x128xf32, #tpu.memory_space<vmem>>)
      %dma_wait3A_1583 = arith.constant 0 : i32
      %dma_wait3A_1584 = arith.constant 1280 : i32
      %dma_wait3A_1585 = tpu.memref_slice %arg6[%dma_wait3A_1583, %dma_wait3A_1584] : memref<16x6144xf32, #tpu.memory_space<vmem>> -> memref<16x128xf32, #tpu.memory_space<vmem>>
      %dma_wait3A_1586 = arith.constant 0 : i32
      %dma_wait3A_1587 = arith.constant 0 : i32
      %dma_wait3A_1588 = tpu.memref_slice %arg2[%dma_wait3A_1586, %dma_wait3A_1587] : memref<16x1000000xf32, #tpu.memory_space<hbm>> -> memref<16x128xf32, #tpu.memory_space<hbm>>
      %dma_wait3A_1589 = arith.constant 0 : i32
      %dma_wait3A_1590 = arith.constant 1280 : i32
      %dma_wait3A_1591 = tpu.memref_slice %arg6[%dma_wait3A_1589, %dma_wait3A_1590] : memref<16x6144xf32, #tpu.memory_space<vmem>> -> memref<16x128xf32, #tpu.memory_space<vmem>>
      %dma_wait3A_1592 = arith.constant 0 : i32
      %dma_wait3A_1593 = arith.constant 0 : i32
      %dma_wait3A_1594 = tpu.memref_slice %arg2[%dma_wait3A_1592, %dma_wait3A_1593] : memref<16x1000000xf32, #tpu.memory_space<hbm>> -> memref<16x128xf32, #tpu.memory_space<hbm>>
      tpu.wait_dma2 semaphore(%arg8 : memref<!tpu.dma_semaphore, #tpu.memory_space<semaphore_mem>>) src(%dma_wait3A_1594 : memref<16x128xf32, #tpu.memory_space<hbm>>) dst(%dma_wait3A_1591 : memref<16x128xf32, #tpu.memory_space<vmem>>)
      %dma_wait3A_1595 = arith.constant 0 : i32
      %dma_wait3A_1596 = arith.constant 1408 : i32
      %dma_wait3A_1597 = tpu.memref_slice %arg6[%dma_wait3A_1595, %dma_wait3A_1596] : memref<16x6144xf32, #tpu.memory_space<vmem>> -> memref<16x128xf32, #tpu.memory_space<vmem>>
      %dma_wait3A_1598 = arith.constant 0 : i32
      %dma_wait3A_1599 = arith.constant 0 : i32
      %dma_wait3A_1600 = tpu.memref_slice %arg2[%dma_wait3A_1598, %dma_wait3A_1599] : memref<16x1000000xf32, #tpu.memory_space<hbm>> -> memref<16x128xf32, #tpu.memory_space<hbm>>
      %dma_wait3A_1601 = arith.constant 0 : i32
      %dma_wait3A_1602 = arith.constant 1408 : i32
      %dma_wait3A_1603 = tpu.memref_slice %arg6[%dma_wait3A_1601, %dma_wait3A_1602] : memref<16x6144xf32, #tpu.memory_space<vmem>> -> memref<16x128xf32, #tpu.memory_space<vmem>>
      %dma_wait3A_1604 = arith.constant 0 : i32
      %dma_wait3A_1605 = arith.constant 0 : i32
      %dma_wait3A_1606 = tpu.memref_slice %arg2[%dma_wait3A_1604, %dma_wait3A_1605] : memref<16x1000000xf32, #tpu.memory_space<hbm>> -> memref<16x128xf32, #tpu.memory_space<hbm>>
      tpu.wait_dma2 semaphore(%arg8 : memref<!tpu.dma_semaphore, #tpu.memory_space<semaphore_mem>>) src(%dma_wait3A_1606 : memref<16x128xf32, #tpu.memory_space<hbm>>) dst(%dma_wait3A_1603 : memref<16x128xf32, #tpu.memory_space<vmem>>)
      %dma_wait3A_1607 = arith.constant 0 : i32
      %dma_wait3A_1608 = arith.constant 1536 : i32
      %dma_wait3A_1609 = tpu.memref_slice %arg6[%dma_wait3A_1607, %dma_wait3A_1608] : memref<16x6144xf32, #tpu.memory_space<vmem>> -> memref<16x128xf32, #tpu.memory_space<vmem>>
      %dma_wait3A_1610 = arith.constant 0 : i32
      %dma_wait3A_1611 = arith.constant 0 : i32
      %dma_wait3A_1612 = tpu.memref_slice %arg2[%dma_wait3A_1610, %dma_wait3A_1611] : memref<16x1000000xf32, #tpu.memory_space<hbm>> -> memref<16x128xf32, #tpu.memory_space<hbm>>
      %dma_wait3A_1613 = arith.constant 0 : i32
      %dma_wait3A_1614 = arith.constant 1536 : i32
      %dma_wait3A_1615 = tpu.memref_slice %arg6[%dma_wait3A_1613, %dma_wait3A_1614] : memref<16x6144xf32, #tpu.memory_space<vmem>> -> memref<16x128xf32, #tpu.memory_space<vmem>>
      %dma_wait3A_1616 = arith.constant 0 : i32
      %dma_wait3A_1617 = arith.constant 0 : i32
      %dma_wait3A_1618 = tpu.memref_slice %arg2[%dma_wait3A_1616, %dma_wait3A_1617] : memref<16x1000000xf32, #tpu.memory_space<hbm>> -> memref<16x128xf32, #tpu.memory_space<hbm>>
      tpu.wait_dma2 semaphore(%arg8 : memref<!tpu.dma_semaphore, #tpu.memory_space<semaphore_mem>>) src(%dma_wait3A_1618 : memref<16x128xf32, #tpu.memory_space<hbm>>) dst(%dma_wait3A_1615 : memref<16x128xf32, #tpu.memory_space<vmem>>)
      %dma_wait3A_1619 = arith.constant 0 : i32
      %dma_wait3A_1620 = arith.constant 1664 : i32
      %dma_wait3A_1621 = tpu.memref_slice %arg6[%dma_wait3A_1619, %dma_wait3A_1620] : memref<16x6144xf32, #tpu.memory_space<vmem>> -> memref<16x128xf32, #tpu.memory_space<vmem>>
      %dma_wait3A_1622 = arith.constant 0 : i32
      %dma_wait3A_1623 = arith.constant 0 : i32
      %dma_wait3A_1624 = tpu.memref_slice %arg2[%dma_wait3A_1622, %dma_wait3A_1623] : memref<16x1000000xf32, #tpu.memory_space<hbm>> -> memref<16x128xf32, #tpu.memory_space<hbm>>
      %dma_wait3A_1625 = arith.constant 0 : i32
      %dma_wait3A_1626 = arith.constant 1664 : i32
      %dma_wait3A_1627 = tpu.memref_slice %arg6[%dma_wait3A_1625, %dma_wait3A_1626] : memref<16x6144xf32, #tpu.memory_space<vmem>> -> memref<16x128xf32, #tpu.memory_space<vmem>>
      %dma_wait3A_1628 = arith.constant 0 : i32
      %dma_wait3A_1629 = arith.constant 0 : i32
      %dma_wait3A_1630 = tpu.memref_slice %arg2[%dma_wait3A_1628, %dma_wait3A_1629] : memref<16x1000000xf32, #tpu.memory_space<hbm>> -> memref<16x128xf32, #tpu.memory_space<hbm>>
      tpu.wait_dma2 semaphore(%arg8 : memref<!tpu.dma_semaphore, #tpu.memory_space<semaphore_mem>>) src(%dma_wait3A_1630 : memref<16x128xf32, #tpu.memory_space<hbm>>) dst(%dma_wait3A_1627 : memref<16x128xf32, #tpu.memory_space<vmem>>)
      %dma_wait3A_1631 = arith.constant 0 : i32
      %dma_wait3A_1632 = arith.constant 1792 : i32
      %dma_wait3A_1633 = tpu.memref_slice %arg6[%dma_wait3A_1631, %dma_wait3A_1632] : memref<16x6144xf32, #tpu.memory_space<vmem>> -> memref<16x128xf32, #tpu.memory_space<vmem>>
      %dma_wait3A_1634 = arith.constant 0 : i32
      %dma_wait3A_1635 = arith.constant 0 : i32
      %dma_wait3A_1636 = tpu.memref_slice %arg2[%dma_wait3A_1634, %dma_wait3A_1635] : memref<16x1000000xf32, #tpu.memory_space<hbm>> -> memref<16x128xf32, #tpu.memory_space<hbm>>
      %dma_wait3A_1637 = arith.constant 0 : i32
      %dma_wait3A_1638 = arith.constant 1792 : i32
      %dma_wait3A_1639 = tpu.memref_slice %arg6[%dma_wait3A_1637, %dma_wait3A_1638] : memref<16x6144xf32, #tpu.memory_space<vmem>> -> memref<16x128xf32, #tpu.memory_space<vmem>>
      %dma_wait3A_1640 = arith.constant 0 : i32
      %dma_wait3A_1641 = arith.constant 0 : i32
      %dma_wait3A_1642 = tpu.memref_slice %arg2[%dma_wait3A_1640, %dma_wait3A_1641] : memref<16x1000000xf32, #tpu.memory_space<hbm>> -> memref<16x128xf32, #tpu.memory_space<hbm>>
      tpu.wait_dma2 semaphore(%arg8 : memref<!tpu.dma_semaphore, #tpu.memory_space<semaphore_mem>>) src(%dma_wait3A_1642 : memref<16x128xf32, #tpu.memory_space<hbm>>) dst(%dma_wait3A_1639 : memref<16x128xf32, #tpu.memory_space<vmem>>)
      %dma_wait3A_1643 = arith.constant 0 : i32
      %dma_wait3A_1644 = arith.constant 1920 : i32
      %dma_wait3A_1645 = tpu.memref_slice %arg6[%dma_wait3A_1643, %dma_wait3A_1644] : memref<16x6144xf32, #tpu.memory_space<vmem>> -> memref<16x128xf32, #tpu.memory_space<vmem>>
      %dma_wait3A_1646 = arith.constant 0 : i32
      %dma_wait3A_1647 = arith.constant 0 : i32
      %dma_wait3A_1648 = tpu.memref_slice %arg2[%dma_wait3A_1646, %dma_wait3A_1647] : memref<16x1000000xf32, #tpu.memory_space<hbm>> -> memref<16x128xf32, #tpu.memory_space<hbm>>
      %dma_wait3A_1649 = arith.constant 0 : i32
      %dma_wait3A_1650 = arith.constant 1920 : i32
      %dma_wait3A_1651 = tpu.memref_slice %arg6[%dma_wait3A_1649, %dma_wait3A_1650] : memref<16x6144xf32, #tpu.memory_space<vmem>> -> memref<16x128xf32, #tpu.memory_space<vmem>>
      %dma_wait3A_1652 = arith.constant 0 : i32
      %dma_wait3A_1653 = arith.constant 0 : i32
      %dma_wait3A_1654 = tpu.memref_slice %arg2[%dma_wait3A_1652, %dma_wait3A_1653] : memref<16x1000000xf32, #tpu.memory_space<hbm>> -> memref<16x128xf32, #tpu.memory_space<hbm>>
      tpu.wait_dma2 semaphore(%arg8 : memref<!tpu.dma_semaphore, #tpu.memory_space<semaphore_mem>>) src(%dma_wait3A_1654 : memref<16x128xf32, #tpu.memory_space<hbm>>) dst(%dma_wait3A_1651 : memref<16x128xf32, #tpu.memory_space<vmem>>)
      %mul3A_1655 = arith.constant 16 : i32
      %mul3A_1656 = arith.muli %add3A_1462, %mul3A_1655 : i32
      %get3A_1657 = arith.index_cast %mul3A_1656 : i32 to index
      %get3A_1658 = tpu.vector_load %arg5[%get3A_1657] {strides = array<i32>} : memref<512xi32, #tpu.memory_space<vmem>>, vector<16xi32>,
      %and3A_1659 = arith.constant 127 : i32
      %and3A_1660 = vector.broadcast %and3A_1659 : i32 to vector<16xi32>
      %and3A_1661 = arith.andi %get3A_1658, %and3A_1660 : vector<16xi32>
      %add3A_1662 = arith.addi %mul3A_8, %and3A_1661 : vector<16xi32>
      %broadcast_in_dim3A_1663 = arith.constant 0 : i32
      %broadcast_in_dim3A_1664 = vector.broadcast %broadcast_in_dim3A_1663 : i32 to vector<16xi32>
      %gather3A_1665 = tpu.vector_load_idx %arg6[%broadcast_in_dim3A_1664, %add3A_1662] : memref<16x6144xf32, #tpu.memory_space<vmem>>[vector<16xi32>, vector<16xi32>], vector<16xf32>,
      %mul3A_1666 = arith.constant 16 : i32
      %mul3A_1667 = arith.muli %add3A_1462, %mul3A_1666 : i32
      %swap3A_1668 = arith.constant 0 : i32
      %swap3A_1669 = arith.index_cast %swap3A_1668 : i32 to index
      %swap3A_1670 = arith.index_cast %mul3A_1667 : i32 to index
      %swap3A_1671 = tpu.vector_load %arg7[%swap3A_1669, %swap3A_1670] {strides = array<i32>} : memref<16x512xf32, #tpu.memory_space<vmem>>, vector<16xf32>,
      tpu.vector_store %arg7[%swap3A_1669, %swap3A_1670], %gather3A_1665 {strides = array<i32>} : memref<16x512xf32, #tpu.memory_space<vmem>>, vector<16xf32>,
      %broadcast_in_dim3A_1672 = arith.constant 1 : i32
      %broadcast_in_dim3A_1673 = vector.broadcast %broadcast_in_dim3A_1672 : i32 to vector<16xi32>
      %gather3A_1674 = tpu.vector_load_idx %arg6[%broadcast_in_dim3A_1673, %add3A_1662] : memref<16x6144xf32, #tpu.memory_space<vmem>>[vector<16xi32>, vector<16xi32>], vector<16xf32>,
      %mul3A_1675 = arith.constant 16 : i32
      %mul3A_1676 = arith.muli %add3A_1462, %mul3A_1675 : i32
      %swap3A_1677 = arith.constant 1 : i32
      %swap3A_1678 = arith.index_cast %swap3A_1677 : i32 to index
      %swap3A_1679 = arith.index_cast %mul3A_1676 : i32 to index
      %swap3A_1680 = tpu.vector_load %arg7[%swap3A_1678, %swap3A_1679] {strides = array<i32>} : memref<16x512xf32, #tpu.memory_space<vmem>>, vector<16xf32>,
      tpu.vector_store %arg7[%swap3A_1678, %swap3A_1679], %gather3A_1674 {strides = array<i32>} : memref<16x512xf32, #tpu.memory_space<vmem>>, vector<16xf32>,
      %broadcast_in_dim3A_1681 = arith.constant 2 : i32
      %broadcast_in_dim3A_1682 = vector.broadcast %broadcast_in_dim3A_1681 : i32 to vector<16xi32>
      %gather3A_1683 = tpu.vector_load_idx %arg6[%broadcast_in_dim3A_1682, %add3A_1662] : memref<16x6144xf32, #tpu.memory_space<vmem>>[vector<16xi32>, vector<16xi32>], vector<16xf32>,
      %mul3A_1684 = arith.constant 16 : i32
      %mul3A_1685 = arith.muli %add3A_1462, %mul3A_1684 : i32
      %swap3A_1686 = arith.constant 2 : i32
      %swap3A_1687 = arith.index_cast %swap3A_1686 : i32 to index
      %swap3A_1688 = arith.index_cast %mul3A_1685 : i32 to index
      %swap3A_1689 = tpu.vector_load %arg7[%swap3A_1687, %swap3A_1688] {strides = array<i32>} : memref<16x512xf32, #tpu.memory_space<vmem>>, vector<16xf32>,
      tpu.vector_store %arg7[%swap3A_1687, %swap3A_1688], %gather3A_1683 {strides = array<i32>} : memref<16x512xf32, #tpu.memory_space<vmem>>, vector<16xf32>,
      %broadcast_in_dim3A_1690 = arith.constant 3 : i32
      %broadcast_in_dim3A_1691 = vector.broadcast %broadcast_in_dim3A_1690 : i32 to vector<16xi32>
      %gather3A_1692 = tpu.vector_load_idx %arg6[%broadcast_in_dim3A_1691, %add3A_1662] : memref<16x6144xf32, #tpu.memory_space<vmem>>[vector<16xi32>, vector<16xi32>], vector<16xf32>,
      %mul3A_1693 = arith.constant 16 : i32
      %mul3A_1694 = arith.muli %add3A_1462, %mul3A_1693 : i32
      %swap3A_1695 = arith.constant 3 : i32
      %swap3A_1696 = arith.index_cast %swap3A_1695 : i32 to index
      %swap3A_1697 = arith.index_cast %mul3A_1694 : i32 to index
      %swap3A_1698 = tpu.vector_load %arg7[%swap3A_1696, %swap3A_1697] {strides = array<i32>} : memref<16x512xf32, #tpu.memory_space<vmem>>, vector<16xf32>,
      tpu.vector_store %arg7[%swap3A_1696, %swap3A_1697], %gather3A_1692 {strides = array<i32>} : memref<16x512xf32, #tpu.memory_space<vmem>>, vector<16xf32>,
      %broadcast_in_dim3A_1699 = arith.constant 4 : i32
      %broadcast_in_dim3A_1700 = vector.broadcast %broadcast_in_dim3A_1699 : i32 to vector<16xi32>
      %gather3A_1701 = tpu.vector_load_idx %arg6[%broadcast_in_dim3A_1700, %add3A_1662] : memref<16x6144xf32, #tpu.memory_space<vmem>>[vector<16xi32>, vector<16xi32>], vector<16xf32>,
      %mul3A_1702 = arith.constant 16 : i32
      %mul3A_1703 = arith.muli %add3A_1462, %mul3A_1702 : i32
      %swap3A_1704 = arith.constant 4 : i32
      %swap3A_1705 = arith.index_cast %swap3A_1704 : i32 to index
      %swap3A_1706 = arith.index_cast %mul3A_1703 : i32 to index
      %swap3A_1707 = tpu.vector_load %arg7[%swap3A_1705, %swap3A_1706] {strides = array<i32>} : memref<16x512xf32, #tpu.memory_space<vmem>>, vector<16xf32>,
      tpu.vector_store %arg7[%swap3A_1705, %swap3A_1706], %gather3A_1701 {strides = array<i32>} : memref<16x512xf32, #tpu.memory_space<vmem>>, vector<16xf32>,
      %broadcast_in_dim3A_1708 = arith.constant 5 : i32
      %broadcast_in_dim3A_1709 = vector.broadcast %broadcast_in_dim3A_1708 : i32 to vector<16xi32>
      %gather3A_1710 = tpu.vector_load_idx %arg6[%broadcast_in_dim3A_1709, %add3A_1662] : memref<16x6144xf32, #tpu.memory_space<vmem>>[vector<16xi32>, vector<16xi32>], vector<16xf32>,
      %mul3A_1711 = arith.constant 16 : i32
      %mul3A_1712 = arith.muli %add3A_1462, %mul3A_1711 : i32
      %swap3A_1713 = arith.constant 5 : i32
      %swap3A_1714 = arith.index_cast %swap3A_1713 : i32 to index
      %swap3A_1715 = arith.index_cast %mul3A_1712 : i32 to index
      %swap3A_1716 = tpu.vector_load %arg7[%swap3A_1714, %swap3A_1715] {strides = array<i32>} : memref<16x512xf32, #tpu.memory_space<vmem>>, vector<16xf32>,
      tpu.vector_store %arg7[%swap3A_1714, %swap3A_1715], %gather3A_1710 {strides = array<i32>} : memref<16x512xf32, #tpu.memory_space<vmem>>, vector<16xf32>,
      %broadcast_in_dim3A_1717 = arith.constant 6 : i32
      %broadcast_in_dim3A_1718 = vector.broadcast %broadcast_in_dim3A_1717 : i32 to vector<16xi32>
      %gather3A_1719 = tpu.vector_load_idx %arg6[%broadcast_in_dim3A_1718, %add3A_1662] : memref<16x6144xf32, #tpu.memory_space<vmem>>[vector<16xi32>, vector<16xi32>], vector<16xf32>,
      %mul3A_1720 = arith.constant 16 : i32
      %mul3A_1721 = arith.muli %add3A_1462, %mul3A_1720 : i32
      %swap3A_1722 = arith.constant 6 : i32
      %swap3A_1723 = arith.index_cast %swap3A_1722 : i32 to index
      %swap3A_1724 = arith.index_cast %mul3A_1721 : i32 to index
      %swap3A_1725 = tpu.vector_load %arg7[%swap3A_1723, %swap3A_1724] {strides = array<i32>} : memref<16x512xf32, #tpu.memory_space<vmem>>, vector<16xf32>,
      tpu.vector_store %arg7[%swap3A_1723, %swap3A_1724], %gather3A_1719 {strides = array<i32>} : memref<16x512xf32, #tpu.memory_space<vmem>>, vector<16xf32>,
      %broadcast_in_dim3A_1726 = arith.constant 7 : i32
      %broadcast_in_dim3A_1727 = vector.broadcast %broadcast_in_dim3A_1726 : i32 to vector<16xi32>
      %gather3A_1728 = tpu.vector_load_idx %arg6[%broadcast_in_dim3A_1727, %add3A_1662] : memref<16x6144xf32, #tpu.memory_space<vmem>>[vector<16xi32>, vector<16xi32>], vector<16xf32>,
      %mul3A_1729 = arith.constant 16 : i32
      %mul3A_1730 = arith.muli %add3A_1462, %mul3A_1729 : i32
      %swap3A_1731 = arith.constant 7 : i32
      %swap3A_1732 = arith.index_cast %swap3A_1731 : i32 to index
      %swap3A_1733 = arith.index_cast %mul3A_1730 : i32 to index
      %swap3A_1734 = tpu.vector_load %arg7[%swap3A_1732, %swap3A_1733] {strides = array<i32>} : memref<16x512xf32, #tpu.memory_space<vmem>>, vector<16xf32>,
      tpu.vector_store %arg7[%swap3A_1732, %swap3A_1733], %gather3A_1728 {strides = array<i32>} : memref<16x512xf32, #tpu.memory_space<vmem>>, vector<16xf32>,
      %broadcast_in_dim3A_1735 = arith.constant 8 : i32
      %broadcast_in_dim3A_1736 = vector.broadcast %broadcast_in_dim3A_1735 : i32 to vector<16xi32>
      %gather3A_1737 = tpu.vector_load_idx %arg6[%broadcast_in_dim3A_1736, %add3A_1662] : memref<16x6144xf32, #tpu.memory_space<vmem>>[vector<16xi32>, vector<16xi32>], vector<16xf32>,
      %mul3A_1738 = arith.constant 16 : i32
      %mul3A_1739 = arith.muli %add3A_1462, %mul3A_1738 : i32
      %swap3A_1740 = arith.constant 8 : i32
      %swap3A_1741 = arith.index_cast %swap3A_1740 : i32 to index
      %swap3A_1742 = arith.index_cast %mul3A_1739 : i32 to index
      %swap3A_1743 = tpu.vector_load %arg7[%swap3A_1741, %swap3A_1742] {strides = array<i32>} : memref<16x512xf32, #tpu.memory_space<vmem>>, vector<16xf32>,
      tpu.vector_store %arg7[%swap3A_1741, %swap3A_1742], %gather3A_1737 {strides = array<i32>} : memref<16x512xf32, #tpu.memory_space<vmem>>, vector<16xf32>,
      %broadcast_in_dim3A_1744 = arith.constant 9 : i32
      %broadcast_in_dim3A_1745 = vector.broadcast %broadcast_in_dim3A_1744 : i32 to vector<16xi32>
      %gather3A_1746 = tpu.vector_load_idx %arg6[%broadcast_in_dim3A_1745, %add3A_1662] : memref<16x6144xf32, #tpu.memory_space<vmem>>[vector<16xi32>, vector<16xi32>], vector<16xf32>,
      %mul3A_1747 = arith.constant 16 : i32
      %mul3A_1748 = arith.muli %add3A_1462, %mul3A_1747 : i32
      %swap3A_1749 = arith.constant 9 : i32
      %swap3A_1750 = arith.index_cast %swap3A_1749 : i32 to index
      %swap3A_1751 = arith.index_cast %mul3A_1748 : i32 to index
      %swap3A_1752 = tpu.vector_load %arg7[%swap3A_1750, %swap3A_1751] {strides = array<i32>} : memref<16x512xf32, #tpu.memory_space<vmem>>, vector<16xf32>,
      tpu.vector_store %arg7[%swap3A_1750, %swap3A_1751], %gather3A_1746 {strides = array<i32>} : memref<16x512xf32, #tpu.memory_space<vmem>>, vector<16xf32>,
      %broadcast_in_dim3A_1753 = arith.constant 10 : i32
      %broadcast_in_dim3A_1754 = vector.broadcast %broadcast_in_dim3A_1753 : i32 to vector<16xi32>
      %gather3A_1755 = tpu.vector_load_idx %arg6[%broadcast_in_dim3A_1754, %add3A_1662] : memref<16x6144xf32, #tpu.memory_space<vmem>>[vector<16xi32>, vector<16xi32>], vector<16xf32>,
      %mul3A_1756 = arith.constant 16 : i32
      %mul3A_1757 = arith.muli %add3A_1462, %mul3A_1756 : i32
      %swap3A_1758 = arith.constant 10 : i32
      %swap3A_1759 = arith.index_cast %swap3A_1758 : i32 to index
      %swap3A_1760 = arith.index_cast %mul3A_1757 : i32 to index
      %swap3A_1761 = tpu.vector_load %arg7[%swap3A_1759, %swap3A_1760] {strides = array<i32>} : memref<16x512xf32, #tpu.memory_space<vmem>>, vector<16xf32>,
      tpu.vector_store %arg7[%swap3A_1759, %swap3A_1760], %gather3A_1755 {strides = array<i32>} : memref<16x512xf32, #tpu.memory_space<vmem>>, vector<16xf32>,
      %broadcast_in_dim3A_1762 = arith.constant 11 : i32
      %broadcast_in_dim3A_1763 = vector.broadcast %broadcast_in_dim3A_1762 : i32 to vector<16xi32>
      %gather3A_1764 = tpu.vector_load_idx %arg6[%broadcast_in_dim3A_1763, %add3A_1662] : memref<16x6144xf32, #tpu.memory_space<vmem>>[vector<16xi32>, vector<16xi32>], vector<16xf32>,
      %mul3A_1765 = arith.constant 16 : i32
      %mul3A_1766 = arith.muli %add3A_1462, %mul3A_1765 : i32
      %swap3A_1767 = arith.constant 11 : i32
      %swap3A_1768 = arith.index_cast %swap3A_1767 : i32 to index
      %swap3A_1769 = arith.index_cast %mul3A_1766 : i32 to index
      %swap3A_1770 = tpu.vector_load %arg7[%swap3A_1768, %swap3A_1769] {strides = array<i32>} : memref<16x512xf32, #tpu.memory_space<vmem>>, vector<16xf32>,
      tpu.vector_store %arg7[%swap3A_1768, %swap3A_1769], %gather3A_1764 {strides = array<i32>} : memref<16x512xf32, #tpu.memory_space<vmem>>, vector<16xf32>,
      %broadcast_in_dim3A_1771 = arith.constant 12 : i32
      %broadcast_in_dim3A_1772 = vector.broadcast %broadcast_in_dim3A_1771 : i32 to vector<16xi32>
      %gather3A_1773 = tpu.vector_load_idx %arg6[%broadcast_in_dim3A_1772, %add3A_1662] : memref<16x6144xf32, #tpu.memory_space<vmem>>[vector<16xi32>, vector<16xi32>], vector<16xf32>,
      %mul3A_1774 = arith.constant 16 : i32
      %mul3A_1775 = arith.muli %add3A_1462, %mul3A_1774 : i32
      %swap3A_1776 = arith.constant 12 : i32
      %swap3A_1777 = arith.index_cast %swap3A_1776 : i32 to index
      %swap3A_1778 = arith.index_cast %mul3A_1775 : i32 to index
      %swap3A_1779 = tpu.vector_load %arg7[%swap3A_1777, %swap3A_1778] {strides = array<i32>} : memref<16x512xf32, #tpu.memory_space<vmem>>, vector<16xf32>,
      tpu.vector_store %arg7[%swap3A_1777, %swap3A_1778], %gather3A_1773 {strides = array<i32>} : memref<16x512xf32, #tpu.memory_space<vmem>>, vector<16xf32>,
      %broadcast_in_dim3A_1780 = arith.constant 13 : i32
      %broadcast_in_dim3A_1781 = vector.broadcast %broadcast_in_dim3A_1780 : i32 to vector<16xi32>
      %gather3A_1782 = tpu.vector_load_idx %arg6[%broadcast_in_dim3A_1781, %add3A_1662] : memref<16x6144xf32, #tpu.memory_space<vmem>>[vector<16xi32>, vector<16xi32>], vector<16xf32>,
      %mul3A_1783 = arith.constant 16 : i32
      %mul3A_1784 = arith.muli %add3A_1462, %mul3A_1783 : i32
      %swap3A_1785 = arith.constant 13 : i32
      %swap3A_1786 = arith.index_cast %swap3A_1785 : i32 to index
      %swap3A_1787 = arith.index_cast %mul3A_1784 : i32 to index
      %swap3A_1788 = tpu.vector_load %arg7[%swap3A_1786, %swap3A_1787] {strides = array<i32>} : memref<16x512xf32, #tpu.memory_space<vmem>>, vector<16xf32>,
      tpu.vector_store %arg7[%swap3A_1786, %swap3A_1787], %gather3A_1782 {strides = array<i32>} : memref<16x512xf32, #tpu.memory_space<vmem>>, vector<16xf32>,
      %broadcast_in_dim3A_1789 = arith.constant 14 : i32
      %broadcast_in_dim3A_1790 = vector.broadcast %broadcast_in_dim3A_1789 : i32 to vector<16xi32>
      %gather3A_1791 = tpu.vector_load_idx %arg6[%broadcast_in_dim3A_1790, %add3A_1662] : memref<16x6144xf32, #tpu.memory_space<vmem>>[vector<16xi32>, vector<16xi32>], vector<16xf32>,
      %mul3A_1792 = arith.constant 16 : i32
      %mul3A_1793 = arith.muli %add3A_1462, %mul3A_1792 : i32
      %swap3A_1794 = arith.constant 14 : i32
      %swap3A_1795 = arith.index_cast %swap3A_1794 : i32 to index
      %swap3A_1796 = arith.index_cast %mul3A_1793 : i32 to index
      %swap3A_1797 = tpu.vector_load %arg7[%swap3A_1795, %swap3A_1796] {strides = array<i32>} : memref<16x512xf32, #tpu.memory_space<vmem>>, vector<16xf32>,
      tpu.vector_store %arg7[%swap3A_1795, %swap3A_1796], %gather3A_1791 {strides = array<i32>} : memref<16x512xf32, #tpu.memory_space<vmem>>, vector<16xf32>,
      %broadcast_in_dim3A_1798 = arith.constant 15 : i32
      %broadcast_in_dim3A_1799 = vector.broadcast %broadcast_in_dim3A_1798 : i32 to vector<16xi32>
      %gather3A_1800 = tpu.vector_load_idx %arg6[%broadcast_in_dim3A_1799, %add3A_1662] : memref<16x6144xf32, #tpu.memory_space<vmem>>[vector<16xi32>, vector<16xi32>], vector<16xf32>,
      %mul3A_1801 = arith.constant 16 : i32
      %mul3A_1802 = arith.muli %add3A_1462, %mul3A_1801 : i32
      %swap3A_1803 = arith.constant 15 : i32
      %swap3A_1804 = arith.index_cast %swap3A_1803 : i32 to index
      %swap3A_1805 = arith.index_cast %mul3A_1802 : i32 to index
      %swap3A_1806 = tpu.vector_load %arg7[%swap3A_1804, %swap3A_1805] {strides = array<i32>} : memref<16x512xf32, #tpu.memory_space<vmem>>, vector<16xf32>,
      tpu.vector_store %arg7[%swap3A_1804, %swap3A_1805], %gather3A_1800 {strides = array<i32>} : memref<16x512xf32, #tpu.memory_space<vmem>>, vector<16xf32>,
      %add3A_1807 = arith.constant 3 : i32
      %add3A_1808 = arith.addi %add3A_1462, %add3A_1807 : i32
      %lt3A = arith.constant 32 : i32
      %lt3A_1809 = arith.cmpi slt, %add3A_1808, %lt3A : i32
      %convert_element_type3A = arith.extui %lt3A_1809 : i1 to i32
      %cond3A = arith.constant 0 : i32
      %cond3A_1810 = arith.cmpi ne, %convert_element_type3A, %cond3A : i32
      scf.if %cond3A_1810 {
        %add3A_2522 = arith.constant 3 : i32
        %add3A_2523 = arith.addi %add3A_1462, %add3A_2522 : i32
        %mul3A_2524 = arith.constant 16 : i32
        %mul3A_2525 = arith.muli %add3A_2523, %mul3A_2524 : i32
        %get3A_2526 = arith.index_cast %mul3A_2525 : i32 to index
        %get3A_2527 = tpu.vector_load %arg5[%get3A_2526] {strides = array<i32>} : memref<512xi32, #tpu.memory_space<vmem>>, vector<16xi32>,
        %slice3A_2528 = vector.extract_strided_slice %get3A_2527 {offsets = [0], sizes = [1], strides = [1]} : vector<16xi32> to vector<1xi32>
        %squeeze3A_2529 = vector.extract %slice3A_2528[0] : i32 from vector<1xi32>
        %shift_right_arithmetic3A_2530 = arith.constant 7 : i32
        %shift_right_arithmetic3A_2531 = arith.shrsi %squeeze3A_2529, %shift_right_arithmetic3A_2530 : i32
        %shift_left3A_2532 = arith.constant 7 : i32
        %shift_left3A_2533 = arith.shli %shift_right_arithmetic3A_2531, %shift_left3A_2532 : i32
        %multiple_of3A_2534 = tpu.assume_multiple %shift_left3A_2533, 128 : i32
        %dma_start3A_2535 = arith.constant 0 : i32
        %dma_start3A_2536 = arith.constant 0 : i32
        %dma_start3A_2537 = tpu.memref_slice %arg6[%dma_start3A_2535, %dma_start3A_2536] : memref<16x6144xf32, #tpu.memory_space<vmem>> -> memref<16x128xf32, #tpu.memory_space<vmem>>
        %dma_start3A_2538 = arith.constant 0 : i32
        %dma_start3A_2539 = tpu.memref_slice %arg2[%dma_start3A_2538, %multiple_of3A_2534] : memref<16x1000000xf32, #tpu.memory_space<hbm>> -> memref<16x128xf32, #tpu.memory_space<hbm>>
        %dma_start3A_2540 = arith.constant 0 : i32
        %dma_start3A_2541 = arith.constant 0 : i32
        %dma_start3A_2542 = tpu.memref_slice %arg6[%dma_start3A_2540, %dma_start3A_2541] : memref<16x6144xf32, #tpu.memory_space<vmem>> -> memref<16x128xf32, #tpu.memory_space<vmem>>
        %dma_start3A_2543 = arith.constant 0 : i32
        %dma_start3A_2544 = tpu.memref_slice %arg2[%dma_start3A_2543, %multiple_of3A_2534] : memref<16x1000000xf32, #tpu.memory_space<hbm>> -> memref<16x128xf32, #tpu.memory_space<hbm>>
        tpu.enqueue_dma source(%dma_start3A_2544 : memref<16x128xf32, #tpu.memory_space<hbm>>) target(%dma_start3A_2542 : memref<16x128xf32, #tpu.memory_space<vmem>>) target_semaphore(%arg8 : memref<!tpu.dma_semaphore, #tpu.memory_space<semaphore_mem>>)
        %slice3A_2545 = vector.extract_strided_slice %get3A_2527 {offsets = [1], sizes = [1], strides = [1]} : vector<16xi32> to vector<1xi32>
        %squeeze3A_2546 = vector.extract %slice3A_2545[0] : i32 from vector<1xi32>
        %shift_right_arithmetic3A_2547 = arith.constant 7 : i32
        %shift_right_arithmetic3A_2548 = arith.shrsi %squeeze3A_2546, %shift_right_arithmetic3A_2547 : i32
        %shift_left3A_2549 = arith.constant 7 : i32
        %shift_left3A_2550 = arith.shli %shift_right_arithmetic3A_2548, %shift_left3A_2549 : i32
        %multiple_of3A_2551 = tpu.assume_multiple %shift_left3A_2550, 128 : i32
        %dma_start3A_2552 = arith.constant 0 : i32
        %dma_start3A_2553 = arith.constant 128 : i32
        %dma_start3A_2554 = tpu.memref_slice %arg6[%dma_start3A_2552, %dma_start3A_2553] : memref<16x6144xf32, #tpu.memory_space<vmem>> -> memref<16x128xf32, #tpu.memory_space<vmem>>
        %dma_start3A_2555 = arith.constant 0 : i32
        %dma_start3A_2556 = tpu.memref_slice %arg2[%dma_start3A_2555, %multiple_of3A_2551] : memref<16x1000000xf32, #tpu.memory_space<hbm>> -> memref<16x128xf32, #tpu.memory_space<hbm>>
        %dma_start3A_2557 = arith.constant 0 : i32
        %dma_start3A_2558 = arith.constant 128 : i32
        %dma_start3A_2559 = tpu.memref_slice %arg6[%dma_start3A_2557, %dma_start3A_2558] : memref<16x6144xf32, #tpu.memory_space<vmem>> -> memref<16x128xf32, #tpu.memory_space<vmem>>
        %dma_start3A_2560 = arith.constant 0 : i32
        %dma_start3A_2561 = tpu.memref_slice %arg2[%dma_start3A_2560, %multiple_of3A_2551] : memref<16x1000000xf32, #tpu.memory_space<hbm>> -> memref<16x128xf32, #tpu.memory_space<hbm>>
        tpu.enqueue_dma source(%dma_start3A_2561 : memref<16x128xf32, #tpu.memory_space<hbm>>) target(%dma_start3A_2559 : memref<16x128xf32, #tpu.memory_space<vmem>>) target_semaphore(%arg8 : memref<!tpu.dma_semaphore, #tpu.memory_space<semaphore_mem>>)
        %slice3A_2562 = vector.extract_strided_slice %get3A_2527 {offsets = [2], sizes = [1], strides = [1]} : vector<16xi32> to vector<1xi32>
        %squeeze3A_2563 = vector.extract %slice3A_2562[0] : i32 from vector<1xi32>
        %shift_right_arithmetic3A_2564 = arith.constant 7 : i32
        %shift_right_arithmetic3A_2565 = arith.shrsi %squeeze3A_2563, %shift_right_arithmetic3A_2564 : i32
        %shift_left3A_2566 = arith.constant 7 : i32
        %shift_left3A_2567 = arith.shli %shift_right_arithmetic3A_2565, %shift_left3A_2566 : i32
        %multiple_of3A_2568 = tpu.assume_multiple %shift_left3A_2567, 128 : i32
        %dma_start3A_2569 = arith.constant 0 : i32
        %dma_start3A_2570 = arith.constant 256 : i32
        %dma_start3A_2571 = tpu.memref_slice %arg6[%dma_start3A_2569, %dma_start3A_2570] : memref<16x6144xf32, #tpu.memory_space<vmem>> -> memref<16x128xf32, #tpu.memory_space<vmem>>
        %dma_start3A_2572 = arith.constant 0 : i32
        %dma_start3A_2573 = tpu.memref_slice %arg2[%dma_start3A_2572, %multiple_of3A_2568] : memref<16x1000000xf32, #tpu.memory_space<hbm>> -> memref<16x128xf32, #tpu.memory_space<hbm>>
        %dma_start3A_2574 = arith.constant 0 : i32
        %dma_start3A_2575 = arith.constant 256 : i32
        %dma_start3A_2576 = tpu.memref_slice %arg6[%dma_start3A_2574, %dma_start3A_2575] : memref<16x6144xf32, #tpu.memory_space<vmem>> -> memref<16x128xf32, #tpu.memory_space<vmem>>
        %dma_start3A_2577 = arith.constant 0 : i32
        %dma_start3A_2578 = tpu.memref_slice %arg2[%dma_start3A_2577, %multiple_of3A_2568] : memref<16x1000000xf32, #tpu.memory_space<hbm>> -> memref<16x128xf32, #tpu.memory_space<hbm>>
        tpu.enqueue_dma source(%dma_start3A_2578 : memref<16x128xf32, #tpu.memory_space<hbm>>) target(%dma_start3A_2576 : memref<16x128xf32, #tpu.memory_space<vmem>>) target_semaphore(%arg8 : memref<!tpu.dma_semaphore, #tpu.memory_space<semaphore_mem>>)
        %slice3A_2579 = vector.extract_strided_slice %get3A_2527 {offsets = [3], sizes = [1], strides = [1]} : vector<16xi32> to vector<1xi32>
        %squeeze3A_2580 = vector.extract %slice3A_2579[0] : i32 from vector<1xi32>
        %shift_right_arithmetic3A_2581 = arith.constant 7 : i32
        %shift_right_arithmetic3A_2582 = arith.shrsi %squeeze3A_2580, %shift_right_arithmetic3A_2581 : i32
        %shift_left3A_2583 = arith.constant 7 : i32
        %shift_left3A_2584 = arith.shli %shift_right_arithmetic3A_2582, %shift_left3A_2583 : i32
        %multiple_of3A_2585 = tpu.assume_multiple %shift_left3A_2584, 128 : i32
        %dma_start3A_2586 = arith.constant 0 : i32
        %dma_start3A_2587 = arith.constant 384 : i32
        %dma_start3A_2588 = tpu.memref_slice %arg6[%dma_start3A_2586, %dma_start3A_2587] : memref<16x6144xf32, #tpu.memory_space<vmem>> -> memref<16x128xf32, #tpu.memory_space<vmem>>
        %dma_start3A_2589 = arith.constant 0 : i32
        %dma_start3A_2590 = tpu.memref_slice %arg2[%dma_start3A_2589, %multiple_of3A_2585] : memref<16x1000000xf32, #tpu.memory_space<hbm>> -> memref<16x128xf32, #tpu.memory_space<hbm>>
        %dma_start3A_2591 = arith.constant 0 : i32
        %dma_start3A_2592 = arith.constant 384 : i32
        %dma_start3A_2593 = tpu.memref_slice %arg6[%dma_start3A_2591, %dma_start3A_2592] : memref<16x6144xf32, #tpu.memory_space<vmem>> -> memref<16x128xf32, #tpu.memory_space<vmem>>
        %dma_start3A_2594 = arith.constant 0 : i32
        %dma_start3A_2595 = tpu.memref_slice %arg2[%dma_start3A_2594, %multiple_of3A_2585] : memref<16x1000000xf32, #tpu.memory_space<hbm>> -> memref<16x128xf32, #tpu.memory_space<hbm>>
        tpu.enqueue_dma source(%dma_start3A_2595 : memref<16x128xf32, #tpu.memory_space<hbm>>) target(%dma_start3A_2593 : memref<16x128xf32, #tpu.memory_space<vmem>>) target_semaphore(%arg8 : memref<!tpu.dma_semaphore, #tpu.memory_space<semaphore_mem>>)
        %slice3A_2596 = vector.extract_strided_slice %get3A_2527 {offsets = [4], sizes = [1], strides = [1]} : vector<16xi32> to vector<1xi32>
        %squeeze3A_2597 = vector.extract %slice3A_2596[0] : i32 from vector<1xi32>
        %shift_right_arithmetic3A_2598 = arith.constant 7 : i32
        %shift_right_arithmetic3A_2599 = arith.shrsi %squeeze3A_2597, %shift_right_arithmetic3A_2598 : i32
        %shift_left3A_2600 = arith.constant 7 : i32
        %shift_left3A_2601 = arith.shli %shift_right_arithmetic3A_2599, %shift_left3A_2600 : i32
        %multiple_of3A_2602 = tpu.assume_multiple %shift_left3A_2601, 128 : i32
        %dma_start3A_2603 = arith.constant 0 : i32
        %dma_start3A_2604 = arith.constant 512 : i32
        %dma_start3A_2605 = tpu.memref_slice %arg6[%dma_start3A_2603, %dma_start3A_2604] : memref<16x6144xf32, #tpu.memory_space<vmem>> -> memref<16x128xf32, #tpu.memory_space<vmem>>
        %dma_start3A_2606 = arith.constant 0 : i32
        %dma_start3A_2607 = tpu.memref_slice %arg2[%dma_start3A_2606, %multiple_of3A_2602] : memref<16x1000000xf32, #tpu.memory_space<hbm>> -> memref<16x128xf32, #tpu.memory_space<hbm>>
        %dma_start3A_2608 = arith.constant 0 : i32
        %dma_start3A_2609 = arith.constant 512 : i32
        %dma_start3A_2610 = tpu.memref_slice %arg6[%dma_start3A_2608, %dma_start3A_2609] : memref<16x6144xf32, #tpu.memory_space<vmem>> -> memref<16x128xf32, #tpu.memory_space<vmem>>
        %dma_start3A_2611 = arith.constant 0 : i32
        %dma_start3A_2612 = tpu.memref_slice %arg2[%dma_start3A_2611, %multiple_of3A_2602] : memref<16x1000000xf32, #tpu.memory_space<hbm>> -> memref<16x128xf32, #tpu.memory_space<hbm>>
        tpu.enqueue_dma source(%dma_start3A_2612 : memref<16x128xf32, #tpu.memory_space<hbm>>) target(%dma_start3A_2610 : memref<16x128xf32, #tpu.memory_space<vmem>>) target_semaphore(%arg8 : memref<!tpu.dma_semaphore, #tpu.memory_space<semaphore_mem>>)
        %slice3A_2613 = vector.extract_strided_slice %get3A_2527 {offsets = [5], sizes = [1], strides = [1]} : vector<16xi32> to vector<1xi32>
        %squeeze3A_2614 = vector.extract %slice3A_2613[0] : i32 from vector<1xi32>
        %shift_right_arithmetic3A_2615 = arith.constant 7 : i32
        %shift_right_arithmetic3A_2616 = arith.shrsi %squeeze3A_2614, %shift_right_arithmetic3A_2615 : i32
        %shift_left3A_2617 = arith.constant 7 : i32
        %shift_left3A_2618 = arith.shli %shift_right_arithmetic3A_2616, %shift_left3A_2617 : i32
        %multiple_of3A_2619 = tpu.assume_multiple %shift_left3A_2618, 128 : i32
        %dma_start3A_2620 = arith.constant 0 : i32
        %dma_start3A_2621 = arith.constant 640 : i32
        %dma_start3A_2622 = tpu.memref_slice %arg6[%dma_start3A_2620, %dma_start3A_2621] : memref<16x6144xf32, #tpu.memory_space<vmem>> -> memref<16x128xf32, #tpu.memory_space<vmem>>
        %dma_start3A_2623 = arith.constant 0 : i32
        %dma_start3A_2624 = tpu.memref_slice %arg2[%dma_start3A_2623, %multiple_of3A_2619] : memref<16x1000000xf32, #tpu.memory_space<hbm>> -> memref<16x128xf32, #tpu.memory_space<hbm>>
        %dma_start3A_2625 = arith.constant 0 : i32
        %dma_start3A_2626 = arith.constant 640 : i32
        %dma_start3A_2627 = tpu.memref_slice %arg6[%dma_start3A_2625, %dma_start3A_2626] : memref<16x6144xf32, #tpu.memory_space<vmem>> -> memref<16x128xf32, #tpu.memory_space<vmem>>
        %dma_start3A_2628 = arith.constant 0 : i32
        %dma_start3A_2629 = tpu.memref_slice %arg2[%dma_start3A_2628, %multiple_of3A_2619] : memref<16x1000000xf32, #tpu.memory_space<hbm>> -> memref<16x128xf32, #tpu.memory_space<hbm>>
        tpu.enqueue_dma source(%dma_start3A_2629 : memref<16x128xf32, #tpu.memory_space<hbm>>) target(%dma_start3A_2627 : memref<16x128xf32, #tpu.memory_space<vmem>>) target_semaphore(%arg8 : memref<!tpu.dma_semaphore, #tpu.memory_space<semaphore_mem>>)
        %slice3A_2630 = vector.extract_strided_slice %get3A_2527 {offsets = [6], sizes = [1], strides = [1]} : vector<16xi32> to vector<1xi32>
        %squeeze3A_2631 = vector.extract %slice3A_2630[0] : i32 from vector<1xi32>
        %shift_right_arithmetic3A_2632 = arith.constant 7 : i32
        %shift_right_arithmetic3A_2633 = arith.shrsi %squeeze3A_2631, %shift_right_arithmetic3A_2632 : i32
        %shift_left3A_2634 = arith.constant 7 : i32
        %shift_left3A_2635 = arith.shli %shift_right_arithmetic3A_2633, %shift_left3A_2634 : i32
        %multiple_of3A_2636 = tpu.assume_multiple %shift_left3A_2635, 128 : i32
        %dma_start3A_2637 = arith.constant 0 : i32
        %dma_start3A_2638 = arith.constant 768 : i32
        %dma_start3A_2639 = tpu.memref_slice %arg6[%dma_start3A_2637, %dma_start3A_2638] : memref<16x6144xf32, #tpu.memory_space<vmem>> -> memref<16x128xf32, #tpu.memory_space<vmem>>
        %dma_start3A_2640 = arith.constant 0 : i32
        %dma_start3A_2641 = tpu.memref_slice %arg2[%dma_start3A_2640, %multiple_of3A_2636] : memref<16x1000000xf32, #tpu.memory_space<hbm>> -> memref<16x128xf32, #tpu.memory_space<hbm>>
        %dma_start3A_2642 = arith.constant 0 : i32
        %dma_start3A_2643 = arith.constant 768 : i32
        %dma_start3A_2644 = tpu.memref_slice %arg6[%dma_start3A_2642, %dma_start3A_2643] : memref<16x6144xf32, #tpu.memory_space<vmem>> -> memref<16x128xf32, #tpu.memory_space<vmem>>
        %dma_start3A_2645 = arith.constant 0 : i32
        %dma_start3A_2646 = tpu.memref_slice %arg2[%dma_start3A_2645, %multiple_of3A_2636] : memref<16x1000000xf32, #tpu.memory_space<hbm>> -> memref<16x128xf32, #tpu.memory_space<hbm>>
        tpu.enqueue_dma source(%dma_start3A_2646 : memref<16x128xf32, #tpu.memory_space<hbm>>) target(%dma_start3A_2644 : memref<16x128xf32, #tpu.memory_space<vmem>>) target_semaphore(%arg8 : memref<!tpu.dma_semaphore, #tpu.memory_space<semaphore_mem>>)
        %slice3A_2647 = vector.extract_strided_slice %get3A_2527 {offsets = [7], sizes = [1], strides = [1]} : vector<16xi32> to vector<1xi32>
        %squeeze3A_2648 = vector.extract %slice3A_2647[0] : i32 from vector<1xi32>
        %shift_right_arithmetic3A_2649 = arith.constant 7 : i32
        %shift_right_arithmetic3A_2650 = arith.shrsi %squeeze3A_2648, %shift_right_arithmetic3A_2649 : i32
        %shift_left3A_2651 = arith.constant 7 : i32
        %shift_left3A_2652 = arith.shli %shift_right_arithmetic3A_2650, %shift_left3A_2651 : i32
        %multiple_of3A_2653 = tpu.assume_multiple %shift_left3A_2652, 128 : i32
        %dma_start3A_2654 = arith.constant 0 : i32
        %dma_start3A_2655 = arith.constant 896 : i32
        %dma_start3A_2656 = tpu.memref_slice %arg6[%dma_start3A_2654, %dma_start3A_2655] : memref<16x6144xf32, #tpu.memory_space<vmem>> -> memref<16x128xf32, #tpu.memory_space<vmem>>
        %dma_start3A_2657 = arith.constant 0 : i32
        %dma_start3A_2658 = tpu.memref_slice %arg2[%dma_start3A_2657, %multiple_of3A_2653] : memref<16x1000000xf32, #tpu.memory_space<hbm>> -> memref<16x128xf32, #tpu.memory_space<hbm>>
        %dma_start3A_2659 = arith.constant 0 : i32
        %dma_start3A_2660 = arith.constant 896 : i32
        %dma_start3A_2661 = tpu.memref_slice %arg6[%dma_start3A_2659, %dma_start3A_2660] : memref<16x6144xf32, #tpu.memory_space<vmem>> -> memref<16x128xf32, #tpu.memory_space<vmem>>
        %dma_start3A_2662 = arith.constant 0 : i32
        %dma_start3A_2663 = tpu.memref_slice %arg2[%dma_start3A_2662, %multiple_of3A_2653] : memref<16x1000000xf32, #tpu.memory_space<hbm>> -> memref<16x128xf32, #tpu.memory_space<hbm>>
        tpu.enqueue_dma source(%dma_start3A_2663 : memref<16x128xf32, #tpu.memory_space<hbm>>) target(%dma_start3A_2661 : memref<16x128xf32, #tpu.memory_space<vmem>>) target_semaphore(%arg8 : memref<!tpu.dma_semaphore, #tpu.memory_space<semaphore_mem>>)
        %slice3A_2664 = vector.extract_strided_slice %get3A_2527 {offsets = [8], sizes = [1], strides = [1]} : vector<16xi32> to vector<1xi32>
        %squeeze3A_2665 = vector.extract %slice3A_2664[0] : i32 from vector<1xi32>
        %shift_right_arithmetic3A_2666 = arith.constant 7 : i32
        %shift_right_arithmetic3A_2667 = arith.shrsi %squeeze3A_2665, %shift_right_arithmetic3A_2666 : i32
        %shift_left3A_2668 = arith.constant 7 : i32
        %shift_left3A_2669 = arith.shli %shift_right_arithmetic3A_2667, %shift_left3A_2668 : i32
        %multiple_of3A_2670 = tpu.assume_multiple %shift_left3A_2669, 128 : i32
        %dma_start3A_2671 = arith.constant 0 : i32
        %dma_start3A_2672 = arith.constant 1024 : i32
        %dma_start3A_2673 = tpu.memref_slice %arg6[%dma_start3A_2671, %dma_start3A_2672] : memref<16x6144xf32, #tpu.memory_space<vmem>> -> memref<16x128xf32, #tpu.memory_space<vmem>>
        %dma_start3A_2674 = arith.constant 0 : i32
        %dma_start3A_2675 = tpu.memref_slice %arg2[%dma_start3A_2674, %multiple_of3A_2670] : memref<16x1000000xf32, #tpu.memory_space<hbm>> -> memref<16x128xf32, #tpu.memory_space<hbm>>
        %dma_start3A_2676 = arith.constant 0 : i32
        %dma_start3A_2677 = arith.constant 1024 : i32
        %dma_start3A_2678 = tpu.memref_slice %arg6[%dma_start3A_2676, %dma_start3A_2677] : memref<16x6144xf32, #tpu.memory_space<vmem>> -> memref<16x128xf32, #tpu.memory_space<vmem>>
        %dma_start3A_2679 = arith.constant 0 : i32
        %dma_start3A_2680 = tpu.memref_slice %arg2[%dma_start3A_2679, %multiple_of3A_2670] : memref<16x1000000xf32, #tpu.memory_space<hbm>> -> memref<16x128xf32, #tpu.memory_space<hbm>>
        tpu.enqueue_dma source(%dma_start3A_2680 : memref<16x128xf32, #tpu.memory_space<hbm>>) target(%dma_start3A_2678 : memref<16x128xf32, #tpu.memory_space<vmem>>) target_semaphore(%arg8 : memref<!tpu.dma_semaphore, #tpu.memory_space<semaphore_mem>>)
        %slice3A_2681 = vector.extract_strided_slice %get3A_2527 {offsets = [9], sizes = [1], strides = [1]} : vector<16xi32> to vector<1xi32>
        %squeeze3A_2682 = vector.extract %slice3A_2681[0] : i32 from vector<1xi32>
        %shift_right_arithmetic3A_2683 = arith.constant 7 : i32
        %shift_right_arithmetic3A_2684 = arith.shrsi %squeeze3A_2682, %shift_right_arithmetic3A_2683 : i32
        %shift_left3A_2685 = arith.constant 7 : i32
        %shift_left3A_2686 = arith.shli %shift_right_arithmetic3A_2684, %shift_left3A_2685 : i32
        %multiple_of3A_2687 = tpu.assume_multiple %shift_left3A_2686, 128 : i32
        %dma_start3A_2688 = arith.constant 0 : i32
        %dma_start3A_2689 = arith.constant 1152 : i32
        %dma_start3A_2690 = tpu.memref_slice %arg6[%dma_start3A_2688, %dma_start3A_2689] : memref<16x6144xf32, #tpu.memory_space<vmem>> -> memref<16x128xf32, #tpu.memory_space<vmem>>
        %dma_start3A_2691 = arith.constant 0 : i32
        %dma_start3A_2692 = tpu.memref_slice %arg2[%dma_start3A_2691, %multiple_of3A_2687] : memref<16x1000000xf32, #tpu.memory_space<hbm>> -> memref<16x128xf32, #tpu.memory_space<hbm>>
        %dma_start3A_2693 = arith.constant 0 : i32
        %dma_start3A_2694 = arith.constant 1152 : i32
        %dma_start3A_2695 = tpu.memref_slice %arg6[%dma_start3A_2693, %dma_start3A_2694] : memref<16x6144xf32, #tpu.memory_space<vmem>> -> memref<16x128xf32, #tpu.memory_space<vmem>>
        %dma_start3A_2696 = arith.constant 0 : i32
        %dma_start3A_2697 = tpu.memref_slice %arg2[%dma_start3A_2696, %multiple_of3A_2687] : memref<16x1000000xf32, #tpu.memory_space<hbm>> -> memref<16x128xf32, #tpu.memory_space<hbm>>
        tpu.enqueue_dma source(%dma_start3A_2697 : memref<16x128xf32, #tpu.memory_space<hbm>>) target(%dma_start3A_2695 : memref<16x128xf32, #tpu.memory_space<vmem>>) target_semaphore(%arg8 : memref<!tpu.dma_semaphore, #tpu.memory_space<semaphore_mem>>)
        %slice3A_2698 = vector.extract_strided_slice %get3A_2527 {offsets = [10], sizes = [1], strides = [1]} : vector<16xi32> to vector<1xi32>
        %squeeze3A_2699 = vector.extract %slice3A_2698[0] : i32 from vector<1xi32>
        %shift_right_arithmetic3A_2700 = arith.constant 7 : i32
        %shift_right_arithmetic3A_2701 = arith.shrsi %squeeze3A_2699, %shift_right_arithmetic3A_2700 : i32
        %shift_left3A_2702 = arith.constant 7 : i32
        %shift_left3A_2703 = arith.shli %shift_right_arithmetic3A_2701, %shift_left3A_2702 : i32
        %multiple_of3A_2704 = tpu.assume_multiple %shift_left3A_2703, 128 : i32
        %dma_start3A_2705 = arith.constant 0 : i32
        %dma_start3A_2706 = arith.constant 1280 : i32
        %dma_start3A_2707 = tpu.memref_slice %arg6[%dma_start3A_2705, %dma_start3A_2706] : memref<16x6144xf32, #tpu.memory_space<vmem>> -> memref<16x128xf32, #tpu.memory_space<vmem>>
        %dma_start3A_2708 = arith.constant 0 : i32
        %dma_start3A_2709 = tpu.memref_slice %arg2[%dma_start3A_2708, %multiple_of3A_2704] : memref<16x1000000xf32, #tpu.memory_space<hbm>> -> memref<16x128xf32, #tpu.memory_space<hbm>>
        %dma_start3A_2710 = arith.constant 0 : i32
        %dma_start3A_2711 = arith.constant 1280 : i32
        %dma_start3A_2712 = tpu.memref_slice %arg6[%dma_start3A_2710, %dma_start3A_2711] : memref<16x6144xf32, #tpu.memory_space<vmem>> -> memref<16x128xf32, #tpu.memory_space<vmem>>
        %dma_start3A_2713 = arith.constant 0 : i32
        %dma_start3A_2714 = tpu.memref_slice %arg2[%dma_start3A_2713, %multiple_of3A_2704] : memref<16x1000000xf32, #tpu.memory_space<hbm>> -> memref<16x128xf32, #tpu.memory_space<hbm>>
        tpu.enqueue_dma source(%dma_start3A_2714 : memref<16x128xf32, #tpu.memory_space<hbm>>) target(%dma_start3A_2712 : memref<16x128xf32, #tpu.memory_space<vmem>>) target_semaphore(%arg8 : memref<!tpu.dma_semaphore, #tpu.memory_space<semaphore_mem>>)
        %slice3A_2715 = vector.extract_strided_slice %get3A_2527 {offsets = [11], sizes = [1], strides = [1]} : vector<16xi32> to vector<1xi32>
        %squeeze3A_2716 = vector.extract %slice3A_2715[0] : i32 from vector<1xi32>
        %shift_right_arithmetic3A_2717 = arith.constant 7 : i32
        %shift_right_arithmetic3A_2718 = arith.shrsi %squeeze3A_2716, %shift_right_arithmetic3A_2717 : i32
        %shift_left3A_2719 = arith.constant 7 : i32
        %shift_left3A_2720 = arith.shli %shift_right_arithmetic3A_2718, %shift_left3A_2719 : i32
        %multiple_of3A_2721 = tpu.assume_multiple %shift_left3A_2720, 128 : i32
        %dma_start3A_2722 = arith.constant 0 : i32
        %dma_start3A_2723 = arith.constant 1408 : i32
        %dma_start3A_2724 = tpu.memref_slice %arg6[%dma_start3A_2722, %dma_start3A_2723] : memref<16x6144xf32, #tpu.memory_space<vmem>> -> memref<16x128xf32, #tpu.memory_space<vmem>>
        %dma_start3A_2725 = arith.constant 0 : i32
        %dma_start3A_2726 = tpu.memref_slice %arg2[%dma_start3A_2725, %multiple_of3A_2721] : memref<16x1000000xf32, #tpu.memory_space<hbm>> -> memref<16x128xf32, #tpu.memory_space<hbm>>
        %dma_start3A_2727 = arith.constant 0 : i32
        %dma_start3A_2728 = arith.constant 1408 : i32
        %dma_start3A_2729 = tpu.memref_slice %arg6[%dma_start3A_2727, %dma_start3A_2728] : memref<16x6144xf32, #tpu.memory_space<vmem>> -> memref<16x128xf32, #tpu.memory_space<vmem>>
        %dma_start3A_2730 = arith.constant 0 : i32
        %dma_start3A_2731 = tpu.memref_slice %arg2[%dma_start3A_2730, %multiple_of3A_2721] : memref<16x1000000xf32, #tpu.memory_space<hbm>> -> memref<16x128xf32, #tpu.memory_space<hbm>>
        tpu.enqueue_dma source(%dma_start3A_2731 : memref<16x128xf32, #tpu.memory_space<hbm>>) target(%dma_start3A_2729 : memref<16x128xf32, #tpu.memory_space<vmem>>) target_semaphore(%arg8 : memref<!tpu.dma_semaphore, #tpu.memory_space<semaphore_mem>>)
        %slice3A_2732 = vector.extract_strided_slice %get3A_2527 {offsets = [12], sizes = [1], strides = [1]} : vector<16xi32> to vector<1xi32>
        %squeeze3A_2733 = vector.extract %slice3A_2732[0] : i32 from vector<1xi32>
        %shift_right_arithmetic3A_2734 = arith.constant 7 : i32
        %shift_right_arithmetic3A_2735 = arith.shrsi %squeeze3A_2733, %shift_right_arithmetic3A_2734 : i32
        %shift_left3A_2736 = arith.constant 7 : i32
        %shift_left3A_2737 = arith.shli %shift_right_arithmetic3A_2735, %shift_left3A_2736 : i32
        %multiple_of3A_2738 = tpu.assume_multiple %shift_left3A_2737, 128 : i32
        %dma_start3A_2739 = arith.constant 0 : i32
        %dma_start3A_2740 = arith.constant 1536 : i32
        %dma_start3A_2741 = tpu.memref_slice %arg6[%dma_start3A_2739, %dma_start3A_2740] : memref<16x6144xf32, #tpu.memory_space<vmem>> -> memref<16x128xf32, #tpu.memory_space<vmem>>
        %dma_start3A_2742 = arith.constant 0 : i32
        %dma_start3A_2743 = tpu.memref_slice %arg2[%dma_start3A_2742, %multiple_of3A_2738] : memref<16x1000000xf32, #tpu.memory_space<hbm>> -> memref<16x128xf32, #tpu.memory_space<hbm>>
        %dma_start3A_2744 = arith.constant 0 : i32
        %dma_start3A_2745 = arith.constant 1536 : i32
        %dma_start3A_2746 = tpu.memref_slice %arg6[%dma_start3A_2744, %dma_start3A_2745] : memref<16x6144xf32, #tpu.memory_space<vmem>> -> memref<16x128xf32, #tpu.memory_space<vmem>>
        %dma_start3A_2747 = arith.constant 0 : i32
        %dma_start3A_2748 = tpu.memref_slice %arg2[%dma_start3A_2747, %multiple_of3A_2738] : memref<16x1000000xf32, #tpu.memory_space<hbm>> -> memref<16x128xf32, #tpu.memory_space<hbm>>
        tpu.enqueue_dma source(%dma_start3A_2748 : memref<16x128xf32, #tpu.memory_space<hbm>>) target(%dma_start3A_2746 : memref<16x128xf32, #tpu.memory_space<vmem>>) target_semaphore(%arg8 : memref<!tpu.dma_semaphore, #tpu.memory_space<semaphore_mem>>)
        %slice3A_2749 = vector.extract_strided_slice %get3A_2527 {offsets = [13], sizes = [1], strides = [1]} : vector<16xi32> to vector<1xi32>
        %squeeze3A_2750 = vector.extract %slice3A_2749[0] : i32 from vector<1xi32>
        %shift_right_arithmetic3A_2751 = arith.constant 7 : i32
        %shift_right_arithmetic3A_2752 = arith.shrsi %squeeze3A_2750, %shift_right_arithmetic3A_2751 : i32
        %shift_left3A_2753 = arith.constant 7 : i32
        %shift_left3A_2754 = arith.shli %shift_right_arithmetic3A_2752, %shift_left3A_2753 : i32
        %multiple_of3A_2755 = tpu.assume_multiple %shift_left3A_2754, 128 : i32
        %dma_start3A_2756 = arith.constant 0 : i32
        %dma_start3A_2757 = arith.constant 1664 : i32
        %dma_start3A_2758 = tpu.memref_slice %arg6[%dma_start3A_2756, %dma_start3A_2757] : memref<16x6144xf32, #tpu.memory_space<vmem>> -> memref<16x128xf32, #tpu.memory_space<vmem>>
        %dma_start3A_2759 = arith.constant 0 : i32
        %dma_start3A_2760 = tpu.memref_slice %arg2[%dma_start3A_2759, %multiple_of3A_2755] : memref<16x1000000xf32, #tpu.memory_space<hbm>> -> memref<16x128xf32, #tpu.memory_space<hbm>>
        %dma_start3A_2761 = arith.constant 0 : i32
        %dma_start3A_2762 = arith.constant 1664 : i32
        %dma_start3A_2763 = tpu.memref_slice %arg6[%dma_start3A_2761, %dma_start3A_2762] : memref<16x6144xf32, #tpu.memory_space<vmem>> -> memref<16x128xf32, #tpu.memory_space<vmem>>
        %dma_start3A_2764 = arith.constant 0 : i32
        %dma_start3A_2765 = tpu.memref_slice %arg2[%dma_start3A_2764, %multiple_of3A_2755] : memref<16x1000000xf32, #tpu.memory_space<hbm>> -> memref<16x128xf32, #tpu.memory_space<hbm>>
        tpu.enqueue_dma source(%dma_start3A_2765 : memref<16x128xf32, #tpu.memory_space<hbm>>) target(%dma_start3A_2763 : memref<16x128xf32, #tpu.memory_space<vmem>>) target_semaphore(%arg8 : memref<!tpu.dma_semaphore, #tpu.memory_space<semaphore_mem>>)
        %slice3A_2766 = vector.extract_strided_slice %get3A_2527 {offsets = [14], sizes = [1], strides = [1]} : vector<16xi32> to vector<1xi32>
        %squeeze3A_2767 = vector.extract %slice3A_2766[0] : i32 from vector<1xi32>
        %shift_right_arithmetic3A_2768 = arith.constant 7 : i32
        %shift_right_arithmetic3A_2769 = arith.shrsi %squeeze3A_2767, %shift_right_arithmetic3A_2768 : i32
        %shift_left3A_2770 = arith.constant 7 : i32
        %shift_left3A_2771 = arith.shli %shift_right_arithmetic3A_2769, %shift_left3A_2770 : i32
        %multiple_of3A_2772 = tpu.assume_multiple %shift_left3A_2771, 128 : i32
        %dma_start3A_2773 = arith.constant 0 : i32
        %dma_start3A_2774 = arith.constant 1792 : i32
        %dma_start3A_2775 = tpu.memref_slice %arg6[%dma_start3A_2773, %dma_start3A_2774] : memref<16x6144xf32, #tpu.memory_space<vmem>> -> memref<16x128xf32, #tpu.memory_space<vmem>>
        %dma_start3A_2776 = arith.constant 0 : i32
        %dma_start3A_2777 = tpu.memref_slice %arg2[%dma_start3A_2776, %multiple_of3A_2772] : memref<16x1000000xf32, #tpu.memory_space<hbm>> -> memref<16x128xf32, #tpu.memory_space<hbm>>
        %dma_start3A_2778 = arith.constant 0 : i32
        %dma_start3A_2779 = arith.constant 1792 : i32
        %dma_start3A_2780 = tpu.memref_slice %arg6[%dma_start3A_2778, %dma_start3A_2779] : memref<16x6144xf32, #tpu.memory_space<vmem>> -> memref<16x128xf32, #tpu.memory_space<vmem>>
        %dma_start3A_2781 = arith.constant 0 : i32
        %dma_start3A_2782 = tpu.memref_slice %arg2[%dma_start3A_2781, %multiple_of3A_2772] : memref<16x1000000xf32, #tpu.memory_space<hbm>> -> memref<16x128xf32, #tpu.memory_space<hbm>>
        tpu.enqueue_dma source(%dma_start3A_2782 : memref<16x128xf32, #tpu.memory_space<hbm>>) target(%dma_start3A_2780 : memref<16x128xf32, #tpu.memory_space<vmem>>) target_semaphore(%arg8 : memref<!tpu.dma_semaphore, #tpu.memory_space<semaphore_mem>>)
        %slice3A_2783 = vector.extract_strided_slice %get3A_2527 {offsets = [15], sizes = [1], strides = [1]} : vector<16xi32> to vector<1xi32>
        %squeeze3A_2784 = vector.extract %slice3A_2783[0] : i32 from vector<1xi32>
        %shift_right_arithmetic3A_2785 = arith.constant 7 : i32
        %shift_right_arithmetic3A_2786 = arith.shrsi %squeeze3A_2784, %shift_right_arithmetic3A_2785 : i32
        %shift_left3A_2787 = arith.constant 7 : i32
        %shift_left3A_2788 = arith.shli %shift_right_arithmetic3A_2786, %shift_left3A_2787 : i32
        %multiple_of3A_2789 = tpu.assume_multiple %shift_left3A_2788, 128 : i32
        %dma_start3A_2790 = arith.constant 0 : i32
        %dma_start3A_2791 = arith.constant 1920 : i32
        %dma_start3A_2792 = tpu.memref_slice %arg6[%dma_start3A_2790, %dma_start3A_2791] : memref<16x6144xf32, #tpu.memory_space<vmem>> -> memref<16x128xf32, #tpu.memory_space<vmem>>
        %dma_start3A_2793 = arith.constant 0 : i32
        %dma_start3A_2794 = tpu.memref_slice %arg2[%dma_start3A_2793, %multiple_of3A_2789] : memref<16x1000000xf32, #tpu.memory_space<hbm>> -> memref<16x128xf32, #tpu.memory_space<hbm>>
        %dma_start3A_2795 = arith.constant 0 : i32
        %dma_start3A_2796 = arith.constant 1920 : i32
        %dma_start3A_2797 = tpu.memref_slice %arg6[%dma_start3A_2795, %dma_start3A_2796] : memref<16x6144xf32, #tpu.memory_space<vmem>> -> memref<16x128xf32, #tpu.memory_space<vmem>>
        %dma_start3A_2798 = arith.constant 0 : i32
        %dma_start3A_2799 = tpu.memref_slice %arg2[%dma_start3A_2798, %multiple_of3A_2789] : memref<16x1000000xf32, #tpu.memory_space<hbm>> -> memref<16x128xf32, #tpu.memory_space<hbm>>
        tpu.enqueue_dma source(%dma_start3A_2799 : memref<16x128xf32, #tpu.memory_space<hbm>>) target(%dma_start3A_2797 : memref<16x128xf32, #tpu.memory_space<vmem>>) target_semaphore(%arg8 : memref<!tpu.dma_semaphore, #tpu.memory_space<semaphore_mem>>)
      } else {
      }
      %mul3A_1811 = arith.constant 3 : i32
      %mul3A_1812 = arith.muli %mul3A_1811, %scan3A_1457 : i32
      %add3A_1813 = arith.constant 1 : i32
      %add3A_1814 = arith.addi %mul3A_1812, %add3A_1813 : i32
      %dma_wait3A_1815 = arith.constant 0 : i32
      %dma_wait3A_1816 = arith.constant 2048 : i32
      %dma_wait3A_1817 = tpu.memref_slice %arg6[%dma_wait3A_1815, %dma_wait3A_1816] : memref<16x6144xf32, #tpu.memory_space<vmem>> -> memref<16x128xf32, #tpu.memory_space<vmem>>
      %dma_wait3A_1818 = arith.constant 0 : i32
      %dma_wait3A_1819 = arith.constant 0 : i32
      %dma_wait3A_1820 = tpu.memref_slice %arg2[%dma_wait3A_1818, %dma_wait3A_1819] : memref<16x1000000xf32, #tpu.memory_space<hbm>> -> memref<16x128xf32, #tpu.memory_space<hbm>>
      %dma_wait3A_1821 = arith.constant 0 : i32
      %dma_wait3A_1822 = arith.constant 2048 : i32
      %dma_wait3A_1823 = tpu.memref_slice %arg6[%dma_wait3A_1821, %dma_wait3A_1822] : memref<16x6144xf32, #tpu.memory_space<vmem>> -> memref<16x128xf32, #tpu.memory_space<vmem>>
      %dma_wait3A_1824 = arith.constant 0 : i32
      %dma_wait3A_1825 = arith.constant 0 : i32
      %dma_wait3A_1826 = tpu.memref_slice %arg2[%dma_wait3A_1824, %dma_wait3A_1825] : memref<16x1000000xf32, #tpu.memory_space<hbm>> -> memref<16x128xf32, #tpu.memory_space<hbm>>
      tpu.wait_dma2 semaphore(%arg9 : memref<!tpu.dma_semaphore, #tpu.memory_space<semaphore_mem>>) src(%dma_wait3A_1826 : memref<16x128xf32, #tpu.memory_space<hbm>>) dst(%dma_wait3A_1823 : memref<16x128xf32, #tpu.memory_space<vmem>>)
      %dma_wait3A_1827 = arith.constant 0 : i32
      %dma_wait3A_1828 = arith.constant 2176 : i32
      %dma_wait3A_1829 = tpu.memref_slice %arg6[%dma_wait3A_1827, %dma_wait3A_1828] : memref<16x6144xf32, #tpu.memory_space<vmem>> -> memref<16x128xf32, #tpu.memory_space<vmem>>
      %dma_wait3A_1830 = arith.constant 0 : i32
      %dma_wait3A_1831 = arith.constant 0 : i32
      %dma_wait3A_1832 = tpu.memref_slice %arg2[%dma_wait3A_1830, %dma_wait3A_1831] : memref<16x1000000xf32, #tpu.memory_space<hbm>> -> memref<16x128xf32, #tpu.memory_space<hbm>>
      %dma_wait3A_1833 = arith.constant 0 : i32
      %dma_wait3A_1834 = arith.constant 2176 : i32
      %dma_wait3A_1835 = tpu.memref_slice %arg6[%dma_wait3A_1833, %dma_wait3A_1834] : memref<16x6144xf32, #tpu.memory_space<vmem>> -> memref<16x128xf32, #tpu.memory_space<vmem>>
      %dma_wait3A_1836 = arith.constant 0 : i32
      %dma_wait3A_1837 = arith.constant 0 : i32
      %dma_wait3A_1838 = tpu.memref_slice %arg2[%dma_wait3A_1836, %dma_wait3A_1837] : memref<16x1000000xf32, #tpu.memory_space<hbm>> -> memref<16x128xf32, #tpu.memory_space<hbm>>
      tpu.wait_dma2 semaphore(%arg9 : memref<!tpu.dma_semaphore, #tpu.memory_space<semaphore_mem>>) src(%dma_wait3A_1838 : memref<16x128xf32, #tpu.memory_space<hbm>>) dst(%dma_wait3A_1835 : memref<16x128xf32, #tpu.memory_space<vmem>>)
      %dma_wait3A_1839 = arith.constant 0 : i32
      %dma_wait3A_1840 = arith.constant 2304 : i32
      %dma_wait3A_1841 = tpu.memref_slice %arg6[%dma_wait3A_1839, %dma_wait3A_1840] : memref<16x6144xf32, #tpu.memory_space<vmem>> -> memref<16x128xf32, #tpu.memory_space<vmem>>
      %dma_wait3A_1842 = arith.constant 0 : i32
      %dma_wait3A_1843 = arith.constant 0 : i32
      %dma_wait3A_1844 = tpu.memref_slice %arg2[%dma_wait3A_1842, %dma_wait3A_1843] : memref<16x1000000xf32, #tpu.memory_space<hbm>> -> memref<16x128xf32, #tpu.memory_space<hbm>>
      %dma_wait3A_1845 = arith.constant 0 : i32
      %dma_wait3A_1846 = arith.constant 2304 : i32
      %dma_wait3A_1847 = tpu.memref_slice %arg6[%dma_wait3A_1845, %dma_wait3A_1846] : memref<16x6144xf32, #tpu.memory_space<vmem>> -> memref<16x128xf32, #tpu.memory_space<vmem>>
      %dma_wait3A_1848 = arith.constant 0 : i32
      %dma_wait3A_1849 = arith.constant 0 : i32
      %dma_wait3A_1850 = tpu.memref_slice %arg2[%dma_wait3A_1848, %dma_wait3A_1849] : memref<16x1000000xf32, #tpu.memory_space<hbm>> -> memref<16x128xf32, #tpu.memory_space<hbm>>
      tpu.wait_dma2 semaphore(%arg9 : memref<!tpu.dma_semaphore, #tpu.memory_space<semaphore_mem>>) src(%dma_wait3A_1850 : memref<16x128xf32, #tpu.memory_space<hbm>>) dst(%dma_wait3A_1847 : memref<16x128xf32, #tpu.memory_space<vmem>>)
      %dma_wait3A_1851 = arith.constant 0 : i32
      %dma_wait3A_1852 = arith.constant 2432 : i32
      %dma_wait3A_1853 = tpu.memref_slice %arg6[%dma_wait3A_1851, %dma_wait3A_1852] : memref<16x6144xf32, #tpu.memory_space<vmem>> -> memref<16x128xf32, #tpu.memory_space<vmem>>
      %dma_wait3A_1854 = arith.constant 0 : i32
      %dma_wait3A_1855 = arith.constant 0 : i32
      %dma_wait3A_1856 = tpu.memref_slice %arg2[%dma_wait3A_1854, %dma_wait3A_1855] : memref<16x1000000xf32, #tpu.memory_space<hbm>> -> memref<16x128xf32, #tpu.memory_space<hbm>>
      %dma_wait3A_1857 = arith.constant 0 : i32
      %dma_wait3A_1858 = arith.constant 2432 : i32
      %dma_wait3A_1859 = tpu.memref_slice %arg6[%dma_wait3A_1857, %dma_wait3A_1858] : memref<16x6144xf32, #tpu.memory_space<vmem>> -> memref<16x128xf32, #tpu.memory_space<vmem>>
      %dma_wait3A_1860 = arith.constant 0 : i32
      %dma_wait3A_1861 = arith.constant 0 : i32
      %dma_wait3A_1862 = tpu.memref_slice %arg2[%dma_wait3A_1860, %dma_wait3A_1861] : memref<16x1000000xf32, #tpu.memory_space<hbm>> -> memref<16x128xf32, #tpu.memory_space<hbm>>
      tpu.wait_dma2 semaphore(%arg9 : memref<!tpu.dma_semaphore, #tpu.memory_space<semaphore_mem>>) src(%dma_wait3A_1862 : memref<16x128xf32, #tpu.memory_space<hbm>>) dst(%dma_wait3A_1859 : memref<16x128xf32, #tpu.memory_space<vmem>>)
      %dma_wait3A_1863 = arith.constant 0 : i32
      %dma_wait3A_1864 = arith.constant 2560 : i32
      %dma_wait3A_1865 = tpu.memref_slice %arg6[%dma_wait3A_1863, %dma_wait3A_1864] : memref<16x6144xf32, #tpu.memory_space<vmem>> -> memref<16x128xf32, #tpu.memory_space<vmem>>
      %dma_wait3A_1866 = arith.constant 0 : i32
      %dma_wait3A_1867 = arith.constant 0 : i32
      %dma_wait3A_1868 = tpu.memref_slice %arg2[%dma_wait3A_1866, %dma_wait3A_1867] : memref<16x1000000xf32, #tpu.memory_space<hbm>> -> memref<16x128xf32, #tpu.memory_space<hbm>>
      %dma_wait3A_1869 = arith.constant 0 : i32
      %dma_wait3A_1870 = arith.constant 2560 : i32
      %dma_wait3A_1871 = tpu.memref_slice %arg6[%dma_wait3A_1869, %dma_wait3A_1870] : memref<16x6144xf32, #tpu.memory_space<vmem>> -> memref<16x128xf32, #tpu.memory_space<vmem>>
      %dma_wait3A_1872 = arith.constant 0 : i32
      %dma_wait3A_1873 = arith.constant 0 : i32
      %dma_wait3A_1874 = tpu.memref_slice %arg2[%dma_wait3A_1872, %dma_wait3A_1873] : memref<16x1000000xf32, #tpu.memory_space<hbm>> -> memref<16x128xf32, #tpu.memory_space<hbm>>
      tpu.wait_dma2 semaphore(%arg9 : memref<!tpu.dma_semaphore, #tpu.memory_space<semaphore_mem>>) src(%dma_wait3A_1874 : memref<16x128xf32, #tpu.memory_space<hbm>>) dst(%dma_wait3A_1871 : memref<16x128xf32, #tpu.memory_space<vmem>>)
      %dma_wait3A_1875 = arith.constant 0 : i32
      %dma_wait3A_1876 = arith.constant 2688 : i32
      %dma_wait3A_1877 = tpu.memref_slice %arg6[%dma_wait3A_1875, %dma_wait3A_1876] : memref<16x6144xf32, #tpu.memory_space<vmem>> -> memref<16x128xf32, #tpu.memory_space<vmem>>
      %dma_wait3A_1878 = arith.constant 0 : i32
      %dma_wait3A_1879 = arith.constant 0 : i32
      %dma_wait3A_1880 = tpu.memref_slice %arg2[%dma_wait3A_1878, %dma_wait3A_1879] : memref<16x1000000xf32, #tpu.memory_space<hbm>> -> memref<16x128xf32, #tpu.memory_space<hbm>>
      %dma_wait3A_1881 = arith.constant 0 : i32
      %dma_wait3A_1882 = arith.constant 2688 : i32
      %dma_wait3A_1883 = tpu.memref_slice %arg6[%dma_wait3A_1881, %dma_wait3A_1882] : memref<16x6144xf32, #tpu.memory_space<vmem>> -> memref<16x128xf32, #tpu.memory_space<vmem>>
      %dma_wait3A_1884 = arith.constant 0 : i32
      %dma_wait3A_1885 = arith.constant 0 : i32
      %dma_wait3A_1886 = tpu.memref_slice %arg2[%dma_wait3A_1884, %dma_wait3A_1885] : memref<16x1000000xf32, #tpu.memory_space<hbm>> -> memref<16x128xf32, #tpu.memory_space<hbm>>
      tpu.wait_dma2 semaphore(%arg9 : memref<!tpu.dma_semaphore, #tpu.memory_space<semaphore_mem>>) src(%dma_wait3A_1886 : memref<16x128xf32, #tpu.memory_space<hbm>>) dst(%dma_wait3A_1883 : memref<16x128xf32, #tpu.memory_space<vmem>>)
      %dma_wait3A_1887 = arith.constant 0 : i32
      %dma_wait3A_1888 = arith.constant 2816 : i32
      %dma_wait3A_1889 = tpu.memref_slice %arg6[%dma_wait3A_1887, %dma_wait3A_1888] : memref<16x6144xf32, #tpu.memory_space<vmem>> -> memref<16x128xf32, #tpu.memory_space<vmem>>
      %dma_wait3A_1890 = arith.constant 0 : i32
      %dma_wait3A_1891 = arith.constant 0 : i32
      %dma_wait3A_1892 = tpu.memref_slice %arg2[%dma_wait3A_1890, %dma_wait3A_1891] : memref<16x1000000xf32, #tpu.memory_space<hbm>> -> memref<16x128xf32, #tpu.memory_space<hbm>>
      %dma_wait3A_1893 = arith.constant 0 : i32
      %dma_wait3A_1894 = arith.constant 2816 : i32
      %dma_wait3A_1895 = tpu.memref_slice %arg6[%dma_wait3A_1893, %dma_wait3A_1894] : memref<16x6144xf32, #tpu.memory_space<vmem>> -> memref<16x128xf32, #tpu.memory_space<vmem>>
      %dma_wait3A_1896 = arith.constant 0 : i32
      %dma_wait3A_1897 = arith.constant 0 : i32
      %dma_wait3A_1898 = tpu.memref_slice %arg2[%dma_wait3A_1896, %dma_wait3A_1897] : memref<16x1000000xf32, #tpu.memory_space<hbm>> -> memref<16x128xf32, #tpu.memory_space<hbm>>
      tpu.wait_dma2 semaphore(%arg9 : memref<!tpu.dma_semaphore, #tpu.memory_space<semaphore_mem>>) src(%dma_wait3A_1898 : memref<16x128xf32, #tpu.memory_space<hbm>>) dst(%dma_wait3A_1895 : memref<16x128xf32, #tpu.memory_space<vmem>>)
      %dma_wait3A_1899 = arith.constant 0 : i32
      %dma_wait3A_1900 = arith.constant 2944 : i32
      %dma_wait3A_1901 = tpu.memref_slice %arg6[%dma_wait3A_1899, %dma_wait3A_1900] : memref<16x6144xf32, #tpu.memory_space<vmem>> -> memref<16x128xf32, #tpu.memory_space<vmem>>
      %dma_wait3A_1902 = arith.constant 0 : i32
      %dma_wait3A_1903 = arith.constant 0 : i32
      %dma_wait3A_1904 = tpu.memref_slice %arg2[%dma_wait3A_1902, %dma_wait3A_1903] : memref<16x1000000xf32, #tpu.memory_space<hbm>> -> memref<16x128xf32, #tpu.memory_space<hbm>>
      %dma_wait3A_1905 = arith.constant 0 : i32
      %dma_wait3A_1906 = arith.constant 2944 : i32
      %dma_wait3A_1907 = tpu.memref_slice %arg6[%dma_wait3A_1905, %dma_wait3A_1906] : memref<16x6144xf32, #tpu.memory_space<vmem>> -> memref<16x128xf32, #tpu.memory_space<vmem>>
      %dma_wait3A_1908 = arith.constant 0 : i32
      %dma_wait3A_1909 = arith.constant 0 : i32
      %dma_wait3A_1910 = tpu.memref_slice %arg2[%dma_wait3A_1908, %dma_wait3A_1909] : memref<16x1000000xf32, #tpu.memory_space<hbm>> -> memref<16x128xf32, #tpu.memory_space<hbm>>
      tpu.wait_dma2 semaphore(%arg9 : memref<!tpu.dma_semaphore, #tpu.memory_space<semaphore_mem>>) src(%dma_wait3A_1910 : memref<16x128xf32, #tpu.memory_space<hbm>>) dst(%dma_wait3A_1907 : memref<16x128xf32, #tpu.memory_space<vmem>>)
      %dma_wait3A_1911 = arith.constant 0 : i32
      %dma_wait3A_1912 = arith.constant 3072 : i32
      %dma_wait3A_1913 = tpu.memref_slice %arg6[%dma_wait3A_1911, %dma_wait3A_1912] : memref<16x6144xf32, #tpu.memory_space<vmem>> -> memref<16x128xf32, #tpu.memory_space<vmem>>
      %dma_wait3A_1914 = arith.constant 0 : i32
      %dma_wait3A_1915 = arith.constant 0 : i32
      %dma_wait3A_1916 = tpu.memref_slice %arg2[%dma_wait3A_1914, %dma_wait3A_1915] : memref<16x1000000xf32, #tpu.memory_space<hbm>> -> memref<16x128xf32, #tpu.memory_space<hbm>>
      %dma_wait3A_1917 = arith.constant 0 : i32
      %dma_wait3A_1918 = arith.constant 3072 : i32
      %dma_wait3A_1919 = tpu.memref_slice %arg6[%dma_wait3A_1917, %dma_wait3A_1918] : memref<16x6144xf32, #tpu.memory_space<vmem>> -> memref<16x128xf32, #tpu.memory_space<vmem>>
      %dma_wait3A_1920 = arith.constant 0 : i32
      %dma_wait3A_1921 = arith.constant 0 : i32
      %dma_wait3A_1922 = tpu.memref_slice %arg2[%dma_wait3A_1920, %dma_wait3A_1921] : memref<16x1000000xf32, #tpu.memory_space<hbm>> -> memref<16x128xf32, #tpu.memory_space<hbm>>
      tpu.wait_dma2 semaphore(%arg9 : memref<!tpu.dma_semaphore, #tpu.memory_space<semaphore_mem>>) src(%dma_wait3A_1922 : memref<16x128xf32, #tpu.memory_space<hbm>>) dst(%dma_wait3A_1919 : memref<16x128xf32, #tpu.memory_space<vmem>>)
      %dma_wait3A_1923 = arith.constant 0 : i32
      %dma_wait3A_1924 = arith.constant 3200 : i32
      %dma_wait3A_1925 = tpu.memref_slice %arg6[%dma_wait3A_1923, %dma_wait3A_1924] : memref<16x6144xf32, #tpu.memory_space<vmem>> -> memref<16x128xf32, #tpu.memory_space<vmem>>
      %dma_wait3A_1926 = arith.constant 0 : i32
      %dma_wait3A_1927 = arith.constant 0 : i32
      %dma_wait3A_1928 = tpu.memref_slice %arg2[%dma_wait3A_1926, %dma_wait3A_1927] : memref<16x1000000xf32, #tpu.memory_space<hbm>> -> memref<16x128xf32, #tpu.memory_space<hbm>>
      %dma_wait3A_1929 = arith.constant 0 : i32
      %dma_wait3A_1930 = arith.constant 3200 : i32
      %dma_wait3A_1931 = tpu.memref_slice %arg6[%dma_wait3A_1929, %dma_wait3A_1930] : memref<16x6144xf32, #tpu.memory_space<vmem>> -> memref<16x128xf32, #tpu.memory_space<vmem>>
      %dma_wait3A_1932 = arith.constant 0 : i32
      %dma_wait3A_1933 = arith.constant 0 : i32
      %dma_wait3A_1934 = tpu.memref_slice %arg2[%dma_wait3A_1932, %dma_wait3A_1933] : memref<16x1000000xf32, #tpu.memory_space<hbm>> -> memref<16x128xf32, #tpu.memory_space<hbm>>
      tpu.wait_dma2 semaphore(%arg9 : memref<!tpu.dma_semaphore, #tpu.memory_space<semaphore_mem>>) src(%dma_wait3A_1934 : memref<16x128xf32, #tpu.memory_space<hbm>>) dst(%dma_wait3A_1931 : memref<16x128xf32, #tpu.memory_space<vmem>>)
      %dma_wait3A_1935 = arith.constant 0 : i32
      %dma_wait3A_1936 = arith.constant 3328 : i32
      %dma_wait3A_1937 = tpu.memref_slice %arg6[%dma_wait3A_1935, %dma_wait3A_1936] : memref<16x6144xf32, #tpu.memory_space<vmem>> -> memref<16x128xf32, #tpu.memory_space<vmem>>
      %dma_wait3A_1938 = arith.constant 0 : i32
      %dma_wait3A_1939 = arith.constant 0 : i32
      %dma_wait3A_1940 = tpu.memref_slice %arg2[%dma_wait3A_1938, %dma_wait3A_1939] : memref<16x1000000xf32, #tpu.memory_space<hbm>> -> memref<16x128xf32, #tpu.memory_space<hbm>>
      %dma_wait3A_1941 = arith.constant 0 : i32
      %dma_wait3A_1942 = arith.constant 3328 : i32
      %dma_wait3A_1943 = tpu.memref_slice %arg6[%dma_wait3A_1941, %dma_wait3A_1942] : memref<16x6144xf32, #tpu.memory_space<vmem>> -> memref<16x128xf32, #tpu.memory_space<vmem>>
      %dma_wait3A_1944 = arith.constant 0 : i32
      %dma_wait3A_1945 = arith.constant 0 : i32
      %dma_wait3A_1946 = tpu.memref_slice %arg2[%dma_wait3A_1944, %dma_wait3A_1945] : memref<16x1000000xf32, #tpu.memory_space<hbm>> -> memref<16x128xf32, #tpu.memory_space<hbm>>
      tpu.wait_dma2 semaphore(%arg9 : memref<!tpu.dma_semaphore, #tpu.memory_space<semaphore_mem>>) src(%dma_wait3A_1946 : memref<16x128xf32, #tpu.memory_space<hbm>>) dst(%dma_wait3A_1943 : memref<16x128xf32, #tpu.memory_space<vmem>>)
      %dma_wait3A_1947 = arith.constant 0 : i32
      %dma_wait3A_1948 = arith.constant 3456 : i32
      %dma_wait3A_1949 = tpu.memref_slice %arg6[%dma_wait3A_1947, %dma_wait3A_1948] : memref<16x6144xf32, #tpu.memory_space<vmem>> -> memref<16x128xf32, #tpu.memory_space<vmem>>
      %dma_wait3A_1950 = arith.constant 0 : i32
      %dma_wait3A_1951 = arith.constant 0 : i32
      %dma_wait3A_1952 = tpu.memref_slice %arg2[%dma_wait3A_1950, %dma_wait3A_1951] : memref<16x1000000xf32, #tpu.memory_space<hbm>> -> memref<16x128xf32, #tpu.memory_space<hbm>>
      %dma_wait3A_1953 = arith.constant 0 : i32
      %dma_wait3A_1954 = arith.constant 3456 : i32
      %dma_wait3A_1955 = tpu.memref_slice %arg6[%dma_wait3A_1953, %dma_wait3A_1954] : memref<16x6144xf32, #tpu.memory_space<vmem>> -> memref<16x128xf32, #tpu.memory_space<vmem>>
      %dma_wait3A_1956 = arith.constant 0 : i32
      %dma_wait3A_1957 = arith.constant 0 : i32
      %dma_wait3A_1958 = tpu.memref_slice %arg2[%dma_wait3A_1956, %dma_wait3A_1957] : memref<16x1000000xf32, #tpu.memory_space<hbm>> -> memref<16x128xf32, #tpu.memory_space<hbm>>
      tpu.wait_dma2 semaphore(%arg9 : memref<!tpu.dma_semaphore, #tpu.memory_space<semaphore_mem>>) src(%dma_wait3A_1958 : memref<16x128xf32, #tpu.memory_space<hbm>>) dst(%dma_wait3A_1955 : memref<16x128xf32, #tpu.memory_space<vmem>>)
      %dma_wait3A_1959 = arith.constant 0 : i32
      %dma_wait3A_1960 = arith.constant 3584 : i32
      %dma_wait3A_1961 = tpu.memref_slice %arg6[%dma_wait3A_1959, %dma_wait3A_1960] : memref<16x6144xf32, #tpu.memory_space<vmem>> -> memref<16x128xf32, #tpu.memory_space<vmem>>
      %dma_wait3A_1962 = arith.constant 0 : i32
      %dma_wait3A_1963 = arith.constant 0 : i32
      %dma_wait3A_1964 = tpu.memref_slice %arg2[%dma_wait3A_1962, %dma_wait3A_1963] : memref<16x1000000xf32, #tpu.memory_space<hbm>> -> memref<16x128xf32, #tpu.memory_space<hbm>>
      %dma_wait3A_1965 = arith.constant 0 : i32
      %dma_wait3A_1966 = arith.constant 3584 : i32
      %dma_wait3A_1967 = tpu.memref_slice %arg6[%dma_wait3A_1965, %dma_wait3A_1966] : memref<16x6144xf32, #tpu.memory_space<vmem>> -> memref<16x128xf32, #tpu.memory_space<vmem>>
      %dma_wait3A_1968 = arith.constant 0 : i32
      %dma_wait3A_1969 = arith.constant 0 : i32
      %dma_wait3A_1970 = tpu.memref_slice %arg2[%dma_wait3A_1968, %dma_wait3A_1969] : memref<16x1000000xf32, #tpu.memory_space<hbm>> -> memref<16x128xf32, #tpu.memory_space<hbm>>
      tpu.wait_dma2 semaphore(%arg9 : memref<!tpu.dma_semaphore, #tpu.memory_space<semaphore_mem>>) src(%dma_wait3A_1970 : memref<16x128xf32, #tpu.memory_space<hbm>>) dst(%dma_wait3A_1967 : memref<16x128xf32, #tpu.memory_space<vmem>>)
      %dma_wait3A_1971 = arith.constant 0 : i32
      %dma_wait3A_1972 = arith.constant 3712 : i32
      %dma_wait3A_1973 = tpu.memref_slice %arg6[%dma_wait3A_1971, %dma_wait3A_1972] : memref<16x6144xf32, #tpu.memory_space<vmem>> -> memref<16x128xf32, #tpu.memory_space<vmem>>
      %dma_wait3A_1974 = arith.constant 0 : i32
      %dma_wait3A_1975 = arith.constant 0 : i32
      %dma_wait3A_1976 = tpu.memref_slice %arg2[%dma_wait3A_1974, %dma_wait3A_1975] : memref<16x1000000xf32, #tpu.memory_space<hbm>> -> memref<16x128xf32, #tpu.memory_space<hbm>>
      %dma_wait3A_1977 = arith.constant 0 : i32
      %dma_wait3A_1978 = arith.constant 3712 : i32
      %dma_wait3A_1979 = tpu.memref_slice %arg6[%dma_wait3A_1977, %dma_wait3A_1978] : memref<16x6144xf32, #tpu.memory_space<vmem>> -> memref<16x128xf32, #tpu.memory_space<vmem>>
      %dma_wait3A_1980 = arith.constant 0 : i32
      %dma_wait3A_1981 = arith.constant 0 : i32
      %dma_wait3A_1982 = tpu.memref_slice %arg2[%dma_wait3A_1980, %dma_wait3A_1981] : memref<16x1000000xf32, #tpu.memory_space<hbm>> -> memref<16x128xf32, #tpu.memory_space<hbm>>
      tpu.wait_dma2 semaphore(%arg9 : memref<!tpu.dma_semaphore, #tpu.memory_space<semaphore_mem>>) src(%dma_wait3A_1982 : memref<16x128xf32, #tpu.memory_space<hbm>>) dst(%dma_wait3A_1979 : memref<16x128xf32, #tpu.memory_space<vmem>>)
      %dma_wait3A_1983 = arith.constant 0 : i32
      %dma_wait3A_1984 = arith.constant 3840 : i32
      %dma_wait3A_1985 = tpu.memref_slice %arg6[%dma_wait3A_1983, %dma_wait3A_1984] : memref<16x6144xf32, #tpu.memory_space<vmem>> -> memref<16x128xf32, #tpu.memory_space<vmem>>
      %dma_wait3A_1986 = arith.constant 0 : i32
      %dma_wait3A_1987 = arith.constant 0 : i32
      %dma_wait3A_1988 = tpu.memref_slice %arg2[%dma_wait3A_1986, %dma_wait3A_1987] : memref<16x1000000xf32, #tpu.memory_space<hbm>> -> memref<16x128xf32, #tpu.memory_space<hbm>>
      %dma_wait3A_1989 = arith.constant 0 : i32
      %dma_wait3A_1990 = arith.constant 3840 : i32
      %dma_wait3A_1991 = tpu.memref_slice %arg6[%dma_wait3A_1989, %dma_wait3A_1990] : memref<16x6144xf32, #tpu.memory_space<vmem>> -> memref<16x128xf32, #tpu.memory_space<vmem>>
      %dma_wait3A_1992 = arith.constant 0 : i32
      %dma_wait3A_1993 = arith.constant 0 : i32
      %dma_wait3A_1994 = tpu.memref_slice %arg2[%dma_wait3A_1992, %dma_wait3A_1993] : memref<16x1000000xf32, #tpu.memory_space<hbm>> -> memref<16x128xf32, #tpu.memory_space<hbm>>
      tpu.wait_dma2 semaphore(%arg9 : memref<!tpu.dma_semaphore, #tpu.memory_space<semaphore_mem>>) src(%dma_wait3A_1994 : memref<16x128xf32, #tpu.memory_space<hbm>>) dst(%dma_wait3A_1991 : memref<16x128xf32, #tpu.memory_space<vmem>>)
      %dma_wait3A_1995 = arith.constant 0 : i32
      %dma_wait3A_1996 = arith.constant 3968 : i32
      %dma_wait3A_1997 = tpu.memref_slice %arg6[%dma_wait3A_1995, %dma_wait3A_1996] : memref<16x6144xf32, #tpu.memory_space<vmem>> -> memref<16x128xf32, #tpu.memory_space<vmem>>
      %dma_wait3A_1998 = arith.constant 0 : i32
      %dma_wait3A_1999 = arith.constant 0 : i32
      %dma_wait3A_2000 = tpu.memref_slice %arg2[%dma_wait3A_1998, %dma_wait3A_1999] : memref<16x1000000xf32, #tpu.memory_space<hbm>> -> memref<16x128xf32, #tpu.memory_space<hbm>>
      %dma_wait3A_2001 = arith.constant 0 : i32
      %dma_wait3A_2002 = arith.constant 3968 : i32
      %dma_wait3A_2003 = tpu.memref_slice %arg6[%dma_wait3A_2001, %dma_wait3A_2002] : memref<16x6144xf32, #tpu.memory_space<vmem>> -> memref<16x128xf32, #tpu.memory_space<vmem>>
      %dma_wait3A_2004 = arith.constant 0 : i32
      %dma_wait3A_2005 = arith.constant 0 : i32
      %dma_wait3A_2006 = tpu.memref_slice %arg2[%dma_wait3A_2004, %dma_wait3A_2005] : memref<16x1000000xf32, #tpu.memory_space<hbm>> -> memref<16x128xf32, #tpu.memory_space<hbm>>
      tpu.wait_dma2 semaphore(%arg9 : memref<!tpu.dma_semaphore, #tpu.memory_space<semaphore_mem>>) src(%dma_wait3A_2006 : memref<16x128xf32, #tpu.memory_space<hbm>>) dst(%dma_wait3A_2003 : memref<16x128xf32, #tpu.memory_space<vmem>>)
      %mul3A_2007 = arith.constant 16 : i32
      %mul3A_2008 = arith.muli %add3A_1814, %mul3A_2007 : i32
      %get3A_2009 = arith.index_cast %mul3A_2008 : i32 to index
      %get3A_2010 = tpu.vector_load %arg5[%get3A_2009] {strides = array<i32>} : memref<512xi32, #tpu.memory_space<vmem>>, vector<16xi32>,
      %and3A_2011 = arith.constant 127 : i32
      %and3A_2012 = vector.broadcast %and3A_2011 : i32 to vector<16xi32>
      %and3A_2013 = arith.andi %get3A_2010, %and3A_2012 : vector<16xi32>
      %add3A_2014 = arith.addi %mul3A_14, %and3A_2013 : vector<16xi32>
      %broadcast_in_dim3A_2015 = arith.constant 0 : i32
      %broadcast_in_dim3A_2016 = vector.broadcast %broadcast_in_dim3A_2015 : i32 to vector<16xi32>
      %gather3A_2017 = tpu.vector_load_idx %arg6[%broadcast_in_dim3A_2016, %add3A_2014] : memref<16x6144xf32, #tpu.memory_space<vmem>>[vector<16xi32>, vector<16xi32>], vector<16xf32>,
      %mul3A_2018 = arith.constant 16 : i32
      %mul3A_2019 = arith.muli %add3A_1814, %mul3A_2018 : i32
      %swap3A_2020 = arith.constant 0 : i32
      %swap3A_2021 = arith.index_cast %swap3A_2020 : i32 to index
      %swap3A_2022 = arith.index_cast %mul3A_2019 : i32 to index
      %swap3A_2023 = tpu.vector_load %arg7[%swap3A_2021, %swap3A_2022] {strides = array<i32>} : memref<16x512xf32, #tpu.memory_space<vmem>>, vector<16xf32>,
      tpu.vector_store %arg7[%swap3A_2021, %swap3A_2022], %gather3A_2017 {strides = array<i32>} : memref<16x512xf32, #tpu.memory_space<vmem>>, vector<16xf32>,
      %broadcast_in_dim3A_2024 = arith.constant 1 : i32
      %broadcast_in_dim3A_2025 = vector.broadcast %broadcast_in_dim3A_2024 : i32 to vector<16xi32>
      %gather3A_2026 = tpu.vector_load_idx %arg6[%broadcast_in_dim3A_2025, %add3A_2014] : memref<16x6144xf32, #tpu.memory_space<vmem>>[vector<16xi32>, vector<16xi32>], vector<16xf32>,
      %mul3A_2027 = arith.constant 16 : i32
      %mul3A_2028 = arith.muli %add3A_1814, %mul3A_2027 : i32
      %swap3A_2029 = arith.constant 1 : i32
      %swap3A_2030 = arith.index_cast %swap3A_2029 : i32 to index
      %swap3A_2031 = arith.index_cast %mul3A_2028 : i32 to index
      %swap3A_2032 = tpu.vector_load %arg7[%swap3A_2030, %swap3A_2031] {strides = array<i32>} : memref<16x512xf32, #tpu.memory_space<vmem>>, vector<16xf32>,
      tpu.vector_store %arg7[%swap3A_2030, %swap3A_2031], %gather3A_2026 {strides = array<i32>} : memref<16x512xf32, #tpu.memory_space<vmem>>, vector<16xf32>,
      %broadcast_in_dim3A_2033 = arith.constant 2 : i32
      %broadcast_in_dim3A_2034 = vector.broadcast %broadcast_in_dim3A_2033 : i32 to vector<16xi32>
      %gather3A_2035 = tpu.vector_load_idx %arg6[%broadcast_in_dim3A_2034, %add3A_2014] : memref<16x6144xf32, #tpu.memory_space<vmem>>[vector<16xi32>, vector<16xi32>], vector<16xf32>,
      %mul3A_2036 = arith.constant 16 : i32
      %mul3A_2037 = arith.muli %add3A_1814, %mul3A_2036 : i32
      %swap3A_2038 = arith.constant 2 : i32
      %swap3A_2039 = arith.index_cast %swap3A_2038 : i32 to index
      %swap3A_2040 = arith.index_cast %mul3A_2037 : i32 to index
      %swap3A_2041 = tpu.vector_load %arg7[%swap3A_2039, %swap3A_2040] {strides = array<i32>} : memref<16x512xf32, #tpu.memory_space<vmem>>, vector<16xf32>,
      tpu.vector_store %arg7[%swap3A_2039, %swap3A_2040], %gather3A_2035 {strides = array<i32>} : memref<16x512xf32, #tpu.memory_space<vmem>>, vector<16xf32>,
      %broadcast_in_dim3A_2042 = arith.constant 3 : i32
      %broadcast_in_dim3A_2043 = vector.broadcast %broadcast_in_dim3A_2042 : i32 to vector<16xi32>
      %gather3A_2044 = tpu.vector_load_idx %arg6[%broadcast_in_dim3A_2043, %add3A_2014] : memref<16x6144xf32, #tpu.memory_space<vmem>>[vector<16xi32>, vector<16xi32>], vector<16xf32>,
      %mul3A_2045 = arith.constant 16 : i32
      %mul3A_2046 = arith.muli %add3A_1814, %mul3A_2045 : i32
      %swap3A_2047 = arith.constant 3 : i32
      %swap3A_2048 = arith.index_cast %swap3A_2047 : i32 to index
      %swap3A_2049 = arith.index_cast %mul3A_2046 : i32 to index
      %swap3A_2050 = tpu.vector_load %arg7[%swap3A_2048, %swap3A_2049] {strides = array<i32>} : memref<16x512xf32, #tpu.memory_space<vmem>>, vector<16xf32>,
      tpu.vector_store %arg7[%swap3A_2048, %swap3A_2049], %gather3A_2044 {strides = array<i32>} : memref<16x512xf32, #tpu.memory_space<vmem>>, vector<16xf32>,
      %broadcast_in_dim3A_2051 = arith.constant 4 : i32
      %broadcast_in_dim3A_2052 = vector.broadcast %broadcast_in_dim3A_2051 : i32 to vector<16xi32>
      %gather3A_2053 = tpu.vector_load_idx %arg6[%broadcast_in_dim3A_2052, %add3A_2014] : memref<16x6144xf32, #tpu.memory_space<vmem>>[vector<16xi32>, vector<16xi32>], vector<16xf32>,
      %mul3A_2054 = arith.constant 16 : i32
      %mul3A_2055 = arith.muli %add3A_1814, %mul3A_2054 : i32
      %swap3A_2056 = arith.constant 4 : i32
      %swap3A_2057 = arith.index_cast %swap3A_2056 : i32 to index
      %swap3A_2058 = arith.index_cast %mul3A_2055 : i32 to index
      %swap3A_2059 = tpu.vector_load %arg7[%swap3A_2057, %swap3A_2058] {strides = array<i32>} : memref<16x512xf32, #tpu.memory_space<vmem>>, vector<16xf32>,
      tpu.vector_store %arg7[%swap3A_2057, %swap3A_2058], %gather3A_2053 {strides = array<i32>} : memref<16x512xf32, #tpu.memory_space<vmem>>, vector<16xf32>,
      %broadcast_in_dim3A_2060 = arith.constant 5 : i32
      %broadcast_in_dim3A_2061 = vector.broadcast %broadcast_in_dim3A_2060 : i32 to vector<16xi32>
      %gather3A_2062 = tpu.vector_load_idx %arg6[%broadcast_in_dim3A_2061, %add3A_2014] : memref<16x6144xf32, #tpu.memory_space<vmem>>[vector<16xi32>, vector<16xi32>], vector<16xf32>,
      %mul3A_2063 = arith.constant 16 : i32
      %mul3A_2064 = arith.muli %add3A_1814, %mul3A_2063 : i32
      %swap3A_2065 = arith.constant 5 : i32
      %swap3A_2066 = arith.index_cast %swap3A_2065 : i32 to index
      %swap3A_2067 = arith.index_cast %mul3A_2064 : i32 to index
      %swap3A_2068 = tpu.vector_load %arg7[%swap3A_2066, %swap3A_2067] {strides = array<i32>} : memref<16x512xf32, #tpu.memory_space<vmem>>, vector<16xf32>,
      tpu.vector_store %arg7[%swap3A_2066, %swap3A_2067], %gather3A_2062 {strides = array<i32>} : memref<16x512xf32, #tpu.memory_space<vmem>>, vector<16xf32>,
      %broadcast_in_dim3A_2069 = arith.constant 6 : i32
      %broadcast_in_dim3A_2070 = vector.broadcast %broadcast_in_dim3A_2069 : i32 to vector<16xi32>
      %gather3A_2071 = tpu.vector_load_idx %arg6[%broadcast_in_dim3A_2070, %add3A_2014] : memref<16x6144xf32, #tpu.memory_space<vmem>>[vector<16xi32>, vector<16xi32>], vector<16xf32>,
      %mul3A_2072 = arith.constant 16 : i32
      %mul3A_2073 = arith.muli %add3A_1814, %mul3A_2072 : i32
      %swap3A_2074 = arith.constant 6 : i32
      %swap3A_2075 = arith.index_cast %swap3A_2074 : i32 to index
      %swap3A_2076 = arith.index_cast %mul3A_2073 : i32 to index
      %swap3A_2077 = tpu.vector_load %arg7[%swap3A_2075, %swap3A_2076] {strides = array<i32>} : memref<16x512xf32, #tpu.memory_space<vmem>>, vector<16xf32>,
      tpu.vector_store %arg7[%swap3A_2075, %swap3A_2076], %gather3A_2071 {strides = array<i32>} : memref<16x512xf32, #tpu.memory_space<vmem>>, vector<16xf32>,
      %broadcast_in_dim3A_2078 = arith.constant 7 : i32
      %broadcast_in_dim3A_2079 = vector.broadcast %broadcast_in_dim3A_2078 : i32 to vector<16xi32>
      %gather3A_2080 = tpu.vector_load_idx %arg6[%broadcast_in_dim3A_2079, %add3A_2014] : memref<16x6144xf32, #tpu.memory_space<vmem>>[vector<16xi32>, vector<16xi32>], vector<16xf32>,
      %mul3A_2081 = arith.constant 16 : i32
      %mul3A_2082 = arith.muli %add3A_1814, %mul3A_2081 : i32
      %swap3A_2083 = arith.constant 7 : i32
      %swap3A_2084 = arith.index_cast %swap3A_2083 : i32 to index
      %swap3A_2085 = arith.index_cast %mul3A_2082 : i32 to index
      %swap3A_2086 = tpu.vector_load %arg7[%swap3A_2084, %swap3A_2085] {strides = array<i32>} : memref<16x512xf32, #tpu.memory_space<vmem>>, vector<16xf32>,
      tpu.vector_store %arg7[%swap3A_2084, %swap3A_2085], %gather3A_2080 {strides = array<i32>} : memref<16x512xf32, #tpu.memory_space<vmem>>, vector<16xf32>,
      %broadcast_in_dim3A_2087 = arith.constant 8 : i32
      %broadcast_in_dim3A_2088 = vector.broadcast %broadcast_in_dim3A_2087 : i32 to vector<16xi32>
      %gather3A_2089 = tpu.vector_load_idx %arg6[%broadcast_in_dim3A_2088, %add3A_2014] : memref<16x6144xf32, #tpu.memory_space<vmem>>[vector<16xi32>, vector<16xi32>], vector<16xf32>,
      %mul3A_2090 = arith.constant 16 : i32
      %mul3A_2091 = arith.muli %add3A_1814, %mul3A_2090 : i32
      %swap3A_2092 = arith.constant 8 : i32
      %swap3A_2093 = arith.index_cast %swap3A_2092 : i32 to index
      %swap3A_2094 = arith.index_cast %mul3A_2091 : i32 to index
      %swap3A_2095 = tpu.vector_load %arg7[%swap3A_2093, %swap3A_2094] {strides = array<i32>} : memref<16x512xf32, #tpu.memory_space<vmem>>, vector<16xf32>,
      tpu.vector_store %arg7[%swap3A_2093, %swap3A_2094], %gather3A_2089 {strides = array<i32>} : memref<16x512xf32, #tpu.memory_space<vmem>>, vector<16xf32>,
      %broadcast_in_dim3A_2096 = arith.constant 9 : i32
      %broadcast_in_dim3A_2097 = vector.broadcast %broadcast_in_dim3A_2096 : i32 to vector<16xi32>
      %gather3A_2098 = tpu.vector_load_idx %arg6[%broadcast_in_dim3A_2097, %add3A_2014] : memref<16x6144xf32, #tpu.memory_space<vmem>>[vector<16xi32>, vector<16xi32>], vector<16xf32>,
      %mul3A_2099 = arith.constant 16 : i32
      %mul3A_2100 = arith.muli %add3A_1814, %mul3A_2099 : i32
      %swap3A_2101 = arith.constant 9 : i32
      %swap3A_2102 = arith.index_cast %swap3A_2101 : i32 to index
      %swap3A_2103 = arith.index_cast %mul3A_2100 : i32 to index
      %swap3A_2104 = tpu.vector_load %arg7[%swap3A_2102, %swap3A_2103] {strides = array<i32>} : memref<16x512xf32, #tpu.memory_space<vmem>>, vector<16xf32>,
      tpu.vector_store %arg7[%swap3A_2102, %swap3A_2103], %gather3A_2098 {strides = array<i32>} : memref<16x512xf32, #tpu.memory_space<vmem>>, vector<16xf32>,
      %broadcast_in_dim3A_2105 = arith.constant 10 : i32
      %broadcast_in_dim3A_2106 = vector.broadcast %broadcast_in_dim3A_2105 : i32 to vector<16xi32>
      %gather3A_2107 = tpu.vector_load_idx %arg6[%broadcast_in_dim3A_2106, %add3A_2014] : memref<16x6144xf32, #tpu.memory_space<vmem>>[vector<16xi32>, vector<16xi32>], vector<16xf32>,
      %mul3A_2108 = arith.constant 16 : i32
      %mul3A_2109 = arith.muli %add3A_1814, %mul3A_2108 : i32
      %swap3A_2110 = arith.constant 10 : i32
      %swap3A_2111 = arith.index_cast %swap3A_2110 : i32 to index
      %swap3A_2112 = arith.index_cast %mul3A_2109 : i32 to index
      %swap3A_2113 = tpu.vector_load %arg7[%swap3A_2111, %swap3A_2112] {strides = array<i32>} : memref<16x512xf32, #tpu.memory_space<vmem>>, vector<16xf32>,
      tpu.vector_store %arg7[%swap3A_2111, %swap3A_2112], %gather3A_2107 {strides = array<i32>} : memref<16x512xf32, #tpu.memory_space<vmem>>, vector<16xf32>,
      %broadcast_in_dim3A_2114 = arith.constant 11 : i32
      %broadcast_in_dim3A_2115 = vector.broadcast %broadcast_in_dim3A_2114 : i32 to vector<16xi32>
      %gather3A_2116 = tpu.vector_load_idx %arg6[%broadcast_in_dim3A_2115, %add3A_2014] : memref<16x6144xf32, #tpu.memory_space<vmem>>[vector<16xi32>, vector<16xi32>], vector<16xf32>,
      %mul3A_2117 = arith.constant 16 : i32
      %mul3A_2118 = arith.muli %add3A_1814, %mul3A_2117 : i32
      %swap3A_2119 = arith.constant 11 : i32
      %swap3A_2120 = arith.index_cast %swap3A_2119 : i32 to index
      %swap3A_2121 = arith.index_cast %mul3A_2118 : i32 to index
      %swap3A_2122 = tpu.vector_load %arg7[%swap3A_2120, %swap3A_2121] {strides = array<i32>} : memref<16x512xf32, #tpu.memory_space<vmem>>, vector<16xf32>,
      tpu.vector_store %arg7[%swap3A_2120, %swap3A_2121], %gather3A_2116 {strides = array<i32>} : memref<16x512xf32, #tpu.memory_space<vmem>>, vector<16xf32>,
      %broadcast_in_dim3A_2123 = arith.constant 12 : i32
      %broadcast_in_dim3A_2124 = vector.broadcast %broadcast_in_dim3A_2123 : i32 to vector<16xi32>
      %gather3A_2125 = tpu.vector_load_idx %arg6[%broadcast_in_dim3A_2124, %add3A_2014] : memref<16x6144xf32, #tpu.memory_space<vmem>>[vector<16xi32>, vector<16xi32>], vector<16xf32>,
      %mul3A_2126 = arith.constant 16 : i32
      %mul3A_2127 = arith.muli %add3A_1814, %mul3A_2126 : i32
      %swap3A_2128 = arith.constant 12 : i32
      %swap3A_2129 = arith.index_cast %swap3A_2128 : i32 to index
      %swap3A_2130 = arith.index_cast %mul3A_2127 : i32 to index
      %swap3A_2131 = tpu.vector_load %arg7[%swap3A_2129, %swap3A_2130] {strides = array<i32>} : memref<16x512xf32, #tpu.memory_space<vmem>>, vector<16xf32>,
      tpu.vector_store %arg7[%swap3A_2129, %swap3A_2130], %gather3A_2125 {strides = array<i32>} : memref<16x512xf32, #tpu.memory_space<vmem>>, vector<16xf32>,
      %broadcast_in_dim3A_2132 = arith.constant 13 : i32
      %broadcast_in_dim3A_2133 = vector.broadcast %broadcast_in_dim3A_2132 : i32 to vector<16xi32>
      %gather3A_2134 = tpu.vector_load_idx %arg6[%broadcast_in_dim3A_2133, %add3A_2014] : memref<16x6144xf32, #tpu.memory_space<vmem>>[vector<16xi32>, vector<16xi32>], vector<16xf32>,
      %mul3A_2135 = arith.constant 16 : i32
      %mul3A_2136 = arith.muli %add3A_1814, %mul3A_2135 : i32
      %swap3A_2137 = arith.constant 13 : i32
      %swap3A_2138 = arith.index_cast %swap3A_2137 : i32 to index
      %swap3A_2139 = arith.index_cast %mul3A_2136 : i32 to index
      %swap3A_2140 = tpu.vector_load %arg7[%swap3A_2138, %swap3A_2139] {strides = array<i32>} : memref<16x512xf32, #tpu.memory_space<vmem>>, vector<16xf32>,
      tpu.vector_store %arg7[%swap3A_2138, %swap3A_2139], %gather3A_2134 {strides = array<i32>} : memref<16x512xf32, #tpu.memory_space<vmem>>, vector<16xf32>,
      %broadcast_in_dim3A_2141 = arith.constant 14 : i32
      %broadcast_in_dim3A_2142 = vector.broadcast %broadcast_in_dim3A_2141 : i32 to vector<16xi32>
      %gather3A_2143 = tpu.vector_load_idx %arg6[%broadcast_in_dim3A_2142, %add3A_2014] : memref<16x6144xf32, #tpu.memory_space<vmem>>[vector<16xi32>, vector<16xi32>], vector<16xf32>,
      %mul3A_2144 = arith.constant 16 : i32
      %mul3A_2145 = arith.muli %add3A_1814, %mul3A_2144 : i32
      %swap3A_2146 = arith.constant 14 : i32
      %swap3A_2147 = arith.index_cast %swap3A_2146 : i32 to index
      %swap3A_2148 = arith.index_cast %mul3A_2145 : i32 to index
      %swap3A_2149 = tpu.vector_load %arg7[%swap3A_2147, %swap3A_2148] {strides = array<i32>} : memref<16x512xf32, #tpu.memory_space<vmem>>, vector<16xf32>,
      tpu.vector_store %arg7[%swap3A_2147, %swap3A_2148], %gather3A_2143 {strides = array<i32>} : memref<16x512xf32, #tpu.memory_space<vmem>>, vector<16xf32>,
      %broadcast_in_dim3A_2150 = arith.constant 15 : i32
      %broadcast_in_dim3A_2151 = vector.broadcast %broadcast_in_dim3A_2150 : i32 to vector<16xi32>
      %gather3A_2152 = tpu.vector_load_idx %arg6[%broadcast_in_dim3A_2151, %add3A_2014] : memref<16x6144xf32, #tpu.memory_space<vmem>>[vector<16xi32>, vector<16xi32>], vector<16xf32>,
      %mul3A_2153 = arith.constant 16 : i32
      %mul3A_2154 = arith.muli %add3A_1814, %mul3A_2153 : i32
      %swap3A_2155 = arith.constant 15 : i32
      %swap3A_2156 = arith.index_cast %swap3A_2155 : i32 to index
      %swap3A_2157 = arith.index_cast %mul3A_2154 : i32 to index
      %swap3A_2158 = tpu.vector_load %arg7[%swap3A_2156, %swap3A_2157] {strides = array<i32>} : memref<16x512xf32, #tpu.memory_space<vmem>>, vector<16xf32>,
      tpu.vector_store %arg7[%swap3A_2156, %swap3A_2157], %gather3A_2152 {strides = array<i32>} : memref<16x512xf32, #tpu.memory_space<vmem>>, vector<16xf32>,
      %add3A_2159 = arith.constant 3 : i32
      %add3A_2160 = arith.addi %add3A_1814, %add3A_2159 : i32
      %lt3A_2161 = arith.constant 32 : i32
      %lt3A_2162 = arith.cmpi slt, %add3A_2160, %lt3A_2161 : i32
      %convert_element_type3A_2163 = arith.extui %lt3A_2162 : i1 to i32
      %cond3A_2164 = arith.constant 0 : i32
      %cond3A_2165 = arith.cmpi ne, %convert_element_type3A_2163, %cond3A_2164 : i32
      scf.if %cond3A_2165 {
        %add3A_2522 = arith.constant 3 : i32
        %add3A_2523 = arith.addi %add3A_1814, %add3A_2522 : i32
        %mul3A_2524 = arith.constant 16 : i32
        %mul3A_2525 = arith.muli %add3A_2523, %mul3A_2524 : i32
        %get3A_2526 = arith.index_cast %mul3A_2525 : i32 to index
        %get3A_2527 = tpu.vector_load %arg5[%get3A_2526] {strides = array<i32>} : memref<512xi32, #tpu.memory_space<vmem>>, vector<16xi32>,
        %slice3A_2528 = vector.extract_strided_slice %get3A_2527 {offsets = [0], sizes = [1], strides = [1]} : vector<16xi32> to vector<1xi32>
        %squeeze3A_2529 = vector.extract %slice3A_2528[0] : i32 from vector<1xi32>
        %shift_right_arithmetic3A_2530 = arith.constant 7 : i32
        %shift_right_arithmetic3A_2531 = arith.shrsi %squeeze3A_2529, %shift_right_arithmetic3A_2530 : i32
        %shift_left3A_2532 = arith.constant 7 : i32
        %shift_left3A_2533 = arith.shli %shift_right_arithmetic3A_2531, %shift_left3A_2532 : i32
        %multiple_of3A_2534 = tpu.assume_multiple %shift_left3A_2533, 128 : i32
        %dma_start3A_2535 = arith.constant 0 : i32
        %dma_start3A_2536 = arith.constant 2048 : i32
        %dma_start3A_2537 = tpu.memref_slice %arg6[%dma_start3A_2535, %dma_start3A_2536] : memref<16x6144xf32, #tpu.memory_space<vmem>> -> memref<16x128xf32, #tpu.memory_space<vmem>>
        %dma_start3A_2538 = arith.constant 0 : i32
        %dma_start3A_2539 = tpu.memref_slice %arg2[%dma_start3A_2538, %multiple_of3A_2534] : memref<16x1000000xf32, #tpu.memory_space<hbm>> -> memref<16x128xf32, #tpu.memory_space<hbm>>
        %dma_start3A_2540 = arith.constant 0 : i32
        %dma_start3A_2541 = arith.constant 2048 : i32
        %dma_start3A_2542 = tpu.memref_slice %arg6[%dma_start3A_2540, %dma_start3A_2541] : memref<16x6144xf32, #tpu.memory_space<vmem>> -> memref<16x128xf32, #tpu.memory_space<vmem>>
        %dma_start3A_2543 = arith.constant 0 : i32
        %dma_start3A_2544 = tpu.memref_slice %arg2[%dma_start3A_2543, %multiple_of3A_2534] : memref<16x1000000xf32, #tpu.memory_space<hbm>> -> memref<16x128xf32, #tpu.memory_space<hbm>>
        tpu.enqueue_dma source(%dma_start3A_2544 : memref<16x128xf32, #tpu.memory_space<hbm>>) target(%dma_start3A_2542 : memref<16x128xf32, #tpu.memory_space<vmem>>) target_semaphore(%arg9 : memref<!tpu.dma_semaphore, #tpu.memory_space<semaphore_mem>>)
        %slice3A_2545 = vector.extract_strided_slice %get3A_2527 {offsets = [1], sizes = [1], strides = [1]} : vector<16xi32> to vector<1xi32>
        %squeeze3A_2546 = vector.extract %slice3A_2545[0] : i32 from vector<1xi32>
        %shift_right_arithmetic3A_2547 = arith.constant 7 : i32
        %shift_right_arithmetic3A_2548 = arith.shrsi %squeeze3A_2546, %shift_right_arithmetic3A_2547 : i32
        %shift_left3A_2549 = arith.constant 7 : i32
        %shift_left3A_2550 = arith.shli %shift_right_arithmetic3A_2548, %shift_left3A_2549 : i32
        %multiple_of3A_2551 = tpu.assume_multiple %shift_left3A_2550, 128 : i32
        %dma_start3A_2552 = arith.constant 0 : i32
        %dma_start3A_2553 = arith.constant 2176 : i32
        %dma_start3A_2554 = tpu.memref_slice %arg6[%dma_start3A_2552, %dma_start3A_2553] : memref<16x6144xf32, #tpu.memory_space<vmem>> -> memref<16x128xf32, #tpu.memory_space<vmem>>
        %dma_start3A_2555 = arith.constant 0 : i32
        %dma_start3A_2556 = tpu.memref_slice %arg2[%dma_start3A_2555, %multiple_of3A_2551] : memref<16x1000000xf32, #tpu.memory_space<hbm>> -> memref<16x128xf32, #tpu.memory_space<hbm>>
        %dma_start3A_2557 = arith.constant 0 : i32
        %dma_start3A_2558 = arith.constant 2176 : i32
        %dma_start3A_2559 = tpu.memref_slice %arg6[%dma_start3A_2557, %dma_start3A_2558] : memref<16x6144xf32, #tpu.memory_space<vmem>> -> memref<16x128xf32, #tpu.memory_space<vmem>>
        %dma_start3A_2560 = arith.constant 0 : i32
        %dma_start3A_2561 = tpu.memref_slice %arg2[%dma_start3A_2560, %multiple_of3A_2551] : memref<16x1000000xf32, #tpu.memory_space<hbm>> -> memref<16x128xf32, #tpu.memory_space<hbm>>
        tpu.enqueue_dma source(%dma_start3A_2561 : memref<16x128xf32, #tpu.memory_space<hbm>>) target(%dma_start3A_2559 : memref<16x128xf32, #tpu.memory_space<vmem>>) target_semaphore(%arg9 : memref<!tpu.dma_semaphore, #tpu.memory_space<semaphore_mem>>)
        %slice3A_2562 = vector.extract_strided_slice %get3A_2527 {offsets = [2], sizes = [1], strides = [1]} : vector<16xi32> to vector<1xi32>
        %squeeze3A_2563 = vector.extract %slice3A_2562[0] : i32 from vector<1xi32>
        %shift_right_arithmetic3A_2564 = arith.constant 7 : i32
        %shift_right_arithmetic3A_2565 = arith.shrsi %squeeze3A_2563, %shift_right_arithmetic3A_2564 : i32
        %shift_left3A_2566 = arith.constant 7 : i32
        %shift_left3A_2567 = arith.shli %shift_right_arithmetic3A_2565, %shift_left3A_2566 : i32
        %multiple_of3A_2568 = tpu.assume_multiple %shift_left3A_2567, 128 : i32
        %dma_start3A_2569 = arith.constant 0 : i32
        %dma_start3A_2570 = arith.constant 2304 : i32
        %dma_start3A_2571 = tpu.memref_slice %arg6[%dma_start3A_2569, %dma_start3A_2570] : memref<16x6144xf32, #tpu.memory_space<vmem>> -> memref<16x128xf32, #tpu.memory_space<vmem>>
        %dma_start3A_2572 = arith.constant 0 : i32
        %dma_start3A_2573 = tpu.memref_slice %arg2[%dma_start3A_2572, %multiple_of3A_2568] : memref<16x1000000xf32, #tpu.memory_space<hbm>> -> memref<16x128xf32, #tpu.memory_space<hbm>>
        %dma_start3A_2574 = arith.constant 0 : i32
        %dma_start3A_2575 = arith.constant 2304 : i32
        %dma_start3A_2576 = tpu.memref_slice %arg6[%dma_start3A_2574, %dma_start3A_2575] : memref<16x6144xf32, #tpu.memory_space<vmem>> -> memref<16x128xf32, #tpu.memory_space<vmem>>
        %dma_start3A_2577 = arith.constant 0 : i32
        %dma_start3A_2578 = tpu.memref_slice %arg2[%dma_start3A_2577, %multiple_of3A_2568] : memref<16x1000000xf32, #tpu.memory_space<hbm>> -> memref<16x128xf32, #tpu.memory_space<hbm>>
        tpu.enqueue_dma source(%dma_start3A_2578 : memref<16x128xf32, #tpu.memory_space<hbm>>) target(%dma_start3A_2576 : memref<16x128xf32, #tpu.memory_space<vmem>>) target_semaphore(%arg9 : memref<!tpu.dma_semaphore, #tpu.memory_space<semaphore_mem>>)
        %slice3A_2579 = vector.extract_strided_slice %get3A_2527 {offsets = [3], sizes = [1], strides = [1]} : vector<16xi32> to vector<1xi32>
        %squeeze3A_2580 = vector.extract %slice3A_2579[0] : i32 from vector<1xi32>
        %shift_right_arithmetic3A_2581 = arith.constant 7 : i32
        %shift_right_arithmetic3A_2582 = arith.shrsi %squeeze3A_2580, %shift_right_arithmetic3A_2581 : i32
        %shift_left3A_2583 = arith.constant 7 : i32
        %shift_left3A_2584 = arith.shli %shift_right_arithmetic3A_2582, %shift_left3A_2583 : i32
        %multiple_of3A_2585 = tpu.assume_multiple %shift_left3A_2584, 128 : i32
        %dma_start3A_2586 = arith.constant 0 : i32
        %dma_start3A_2587 = arith.constant 2432 : i32
        %dma_start3A_2588 = tpu.memref_slice %arg6[%dma_start3A_2586, %dma_start3A_2587] : memref<16x6144xf32, #tpu.memory_space<vmem>> -> memref<16x128xf32, #tpu.memory_space<vmem>>
        %dma_start3A_2589 = arith.constant 0 : i32
        %dma_start3A_2590 = tpu.memref_slice %arg2[%dma_start3A_2589, %multiple_of3A_2585] : memref<16x1000000xf32, #tpu.memory_space<hbm>> -> memref<16x128xf32, #tpu.memory_space<hbm>>
        %dma_start3A_2591 = arith.constant 0 : i32
        %dma_start3A_2592 = arith.constant 2432 : i32
        %dma_start3A_2593 = tpu.memref_slice %arg6[%dma_start3A_2591, %dma_start3A_2592] : memref<16x6144xf32, #tpu.memory_space<vmem>> -> memref<16x128xf32, #tpu.memory_space<vmem>>
        %dma_start3A_2594 = arith.constant 0 : i32
        %dma_start3A_2595 = tpu.memref_slice %arg2[%dma_start3A_2594, %multiple_of3A_2585] : memref<16x1000000xf32, #tpu.memory_space<hbm>> -> memref<16x128xf32, #tpu.memory_space<hbm>>
        tpu.enqueue_dma source(%dma_start3A_2595 : memref<16x128xf32, #tpu.memory_space<hbm>>) target(%dma_start3A_2593 : memref<16x128xf32, #tpu.memory_space<vmem>>) target_semaphore(%arg9 : memref<!tpu.dma_semaphore, #tpu.memory_space<semaphore_mem>>)
        %slice3A_2596 = vector.extract_strided_slice %get3A_2527 {offsets = [4], sizes = [1], strides = [1]} : vector<16xi32> to vector<1xi32>
        %squeeze3A_2597 = vector.extract %slice3A_2596[0] : i32 from vector<1xi32>
        %shift_right_arithmetic3A_2598 = arith.constant 7 : i32
        %shift_right_arithmetic3A_2599 = arith.shrsi %squeeze3A_2597, %shift_right_arithmetic3A_2598 : i32
        %shift_left3A_2600 = arith.constant 7 : i32
        %shift_left3A_2601 = arith.shli %shift_right_arithmetic3A_2599, %shift_left3A_2600 : i32
        %multiple_of3A_2602 = tpu.assume_multiple %shift_left3A_2601, 128 : i32
        %dma_start3A_2603 = arith.constant 0 : i32
        %dma_start3A_2604 = arith.constant 2560 : i32
        %dma_start3A_2605 = tpu.memref_slice %arg6[%dma_start3A_2603, %dma_start3A_2604] : memref<16x6144xf32, #tpu.memory_space<vmem>> -> memref<16x128xf32, #tpu.memory_space<vmem>>
        %dma_start3A_2606 = arith.constant 0 : i32
        %dma_start3A_2607 = tpu.memref_slice %arg2[%dma_start3A_2606, %multiple_of3A_2602] : memref<16x1000000xf32, #tpu.memory_space<hbm>> -> memref<16x128xf32, #tpu.memory_space<hbm>>
        %dma_start3A_2608 = arith.constant 0 : i32
        %dma_start3A_2609 = arith.constant 2560 : i32
        %dma_start3A_2610 = tpu.memref_slice %arg6[%dma_start3A_2608, %dma_start3A_2609] : memref<16x6144xf32, #tpu.memory_space<vmem>> -> memref<16x128xf32, #tpu.memory_space<vmem>>
        %dma_start3A_2611 = arith.constant 0 : i32
        %dma_start3A_2612 = tpu.memref_slice %arg2[%dma_start3A_2611, %multiple_of3A_2602] : memref<16x1000000xf32, #tpu.memory_space<hbm>> -> memref<16x128xf32, #tpu.memory_space<hbm>>
        tpu.enqueue_dma source(%dma_start3A_2612 : memref<16x128xf32, #tpu.memory_space<hbm>>) target(%dma_start3A_2610 : memref<16x128xf32, #tpu.memory_space<vmem>>) target_semaphore(%arg9 : memref<!tpu.dma_semaphore, #tpu.memory_space<semaphore_mem>>)
        %slice3A_2613 = vector.extract_strided_slice %get3A_2527 {offsets = [5], sizes = [1], strides = [1]} : vector<16xi32> to vector<1xi32>
        %squeeze3A_2614 = vector.extract %slice3A_2613[0] : i32 from vector<1xi32>
        %shift_right_arithmetic3A_2615 = arith.constant 7 : i32
        %shift_right_arithmetic3A_2616 = arith.shrsi %squeeze3A_2614, %shift_right_arithmetic3A_2615 : i32
        %shift_left3A_2617 = arith.constant 7 : i32
        %shift_left3A_2618 = arith.shli %shift_right_arithmetic3A_2616, %shift_left3A_2617 : i32
        %multiple_of3A_2619 = tpu.assume_multiple %shift_left3A_2618, 128 : i32
        %dma_start3A_2620 = arith.constant 0 : i32
        %dma_start3A_2621 = arith.constant 2688 : i32
        %dma_start3A_2622 = tpu.memref_slice %arg6[%dma_start3A_2620, %dma_start3A_2621] : memref<16x6144xf32, #tpu.memory_space<vmem>> -> memref<16x128xf32, #tpu.memory_space<vmem>>
        %dma_start3A_2623 = arith.constant 0 : i32
        %dma_start3A_2624 = tpu.memref_slice %arg2[%dma_start3A_2623, %multiple_of3A_2619] : memref<16x1000000xf32, #tpu.memory_space<hbm>> -> memref<16x128xf32, #tpu.memory_space<hbm>>
        %dma_start3A_2625 = arith.constant 0 : i32
        %dma_start3A_2626 = arith.constant 2688 : i32
        %dma_start3A_2627 = tpu.memref_slice %arg6[%dma_start3A_2625, %dma_start3A_2626] : memref<16x6144xf32, #tpu.memory_space<vmem>> -> memref<16x128xf32, #tpu.memory_space<vmem>>
        %dma_start3A_2628 = arith.constant 0 : i32
        %dma_start3A_2629 = tpu.memref_slice %arg2[%dma_start3A_2628, %multiple_of3A_2619] : memref<16x1000000xf32, #tpu.memory_space<hbm>> -> memref<16x128xf32, #tpu.memory_space<hbm>>
        tpu.enqueue_dma source(%dma_start3A_2629 : memref<16x128xf32, #tpu.memory_space<hbm>>) target(%dma_start3A_2627 : memref<16x128xf32, #tpu.memory_space<vmem>>) target_semaphore(%arg9 : memref<!tpu.dma_semaphore, #tpu.memory_space<semaphore_mem>>)
        %slice3A_2630 = vector.extract_strided_slice %get3A_2527 {offsets = [6], sizes = [1], strides = [1]} : vector<16xi32> to vector<1xi32>
        %squeeze3A_2631 = vector.extract %slice3A_2630[0] : i32 from vector<1xi32>
        %shift_right_arithmetic3A_2632 = arith.constant 7 : i32
        %shift_right_arithmetic3A_2633 = arith.shrsi %squeeze3A_2631, %shift_right_arithmetic3A_2632 : i32
        %shift_left3A_2634 = arith.constant 7 : i32
        %shift_left3A_2635 = arith.shli %shift_right_arithmetic3A_2633, %shift_left3A_2634 : i32
        %multiple_of3A_2636 = tpu.assume_multiple %shift_left3A_2635, 128 : i32
        %dma_start3A_2637 = arith.constant 0 : i32
        %dma_start3A_2638 = arith.constant 2816 : i32
        %dma_start3A_2639 = tpu.memref_slice %arg6[%dma_start3A_2637, %dma_start3A_2638] : memref<16x6144xf32, #tpu.memory_space<vmem>> -> memref<16x128xf32, #tpu.memory_space<vmem>>
        %dma_start3A_2640 = arith.constant 0 : i32
        %dma_start3A_2641 = tpu.memref_slice %arg2[%dma_start3A_2640, %multiple_of3A_2636] : memref<16x1000000xf32, #tpu.memory_space<hbm>> -> memref<16x128xf32, #tpu.memory_space<hbm>>
        %dma_start3A_2642 = arith.constant 0 : i32
        %dma_start3A_2643 = arith.constant 2816 : i32
        %dma_start3A_2644 = tpu.memref_slice %arg6[%dma_start3A_2642, %dma_start3A_2643] : memref<16x6144xf32, #tpu.memory_space<vmem>> -> memref<16x128xf32, #tpu.memory_space<vmem>>
        %dma_start3A_2645 = arith.constant 0 : i32
        %dma_start3A_2646 = tpu.memref_slice %arg2[%dma_start3A_2645, %multiple_of3A_2636] : memref<16x1000000xf32, #tpu.memory_space<hbm>> -> memref<16x128xf32, #tpu.memory_space<hbm>>
        tpu.enqueue_dma source(%dma_start3A_2646 : memref<16x128xf32, #tpu.memory_space<hbm>>) target(%dma_start3A_2644 : memref<16x128xf32, #tpu.memory_space<vmem>>) target_semaphore(%arg9 : memref<!tpu.dma_semaphore, #tpu.memory_space<semaphore_mem>>)
        %slice3A_2647 = vector.extract_strided_slice %get3A_2527 {offsets = [7], sizes = [1], strides = [1]} : vector<16xi32> to vector<1xi32>
        %squeeze3A_2648 = vector.extract %slice3A_2647[0] : i32 from vector<1xi32>
        %shift_right_arithmetic3A_2649 = arith.constant 7 : i32
        %shift_right_arithmetic3A_2650 = arith.shrsi %squeeze3A_2648, %shift_right_arithmetic3A_2649 : i32
        %shift_left3A_2651 = arith.constant 7 : i32
        %shift_left3A_2652 = arith.shli %shift_right_arithmetic3A_2650, %shift_left3A_2651 : i32
        %multiple_of3A_2653 = tpu.assume_multiple %shift_left3A_2652, 128 : i32
        %dma_start3A_2654 = arith.constant 0 : i32
        %dma_start3A_2655 = arith.constant 2944 : i32
        %dma_start3A_2656 = tpu.memref_slice %arg6[%dma_start3A_2654, %dma_start3A_2655] : memref<16x6144xf32, #tpu.memory_space<vmem>> -> memref<16x128xf32, #tpu.memory_space<vmem>>
        %dma_start3A_2657 = arith.constant 0 : i32
        %dma_start3A_2658 = tpu.memref_slice %arg2[%dma_start3A_2657, %multiple_of3A_2653] : memref<16x1000000xf32, #tpu.memory_space<hbm>> -> memref<16x128xf32, #tpu.memory_space<hbm>>
        %dma_start3A_2659 = arith.constant 0 : i32
        %dma_start3A_2660 = arith.constant 2944 : i32
        %dma_start3A_2661 = tpu.memref_slice %arg6[%dma_start3A_2659, %dma_start3A_2660] : memref<16x6144xf32, #tpu.memory_space<vmem>> -> memref<16x128xf32, #tpu.memory_space<vmem>>
        %dma_start3A_2662 = arith.constant 0 : i32
        %dma_start3A_2663 = tpu.memref_slice %arg2[%dma_start3A_2662, %multiple_of3A_2653] : memref<16x1000000xf32, #tpu.memory_space<hbm>> -> memref<16x128xf32, #tpu.memory_space<hbm>>
        tpu.enqueue_dma source(%dma_start3A_2663 : memref<16x128xf32, #tpu.memory_space<hbm>>) target(%dma_start3A_2661 : memref<16x128xf32, #tpu.memory_space<vmem>>) target_semaphore(%arg9 : memref<!tpu.dma_semaphore, #tpu.memory_space<semaphore_mem>>)
        %slice3A_2664 = vector.extract_strided_slice %get3A_2527 {offsets = [8], sizes = [1], strides = [1]} : vector<16xi32> to vector<1xi32>
        %squeeze3A_2665 = vector.extract %slice3A_2664[0] : i32 from vector<1xi32>
        %shift_right_arithmetic3A_2666 = arith.constant 7 : i32
        %shift_right_arithmetic3A_2667 = arith.shrsi %squeeze3A_2665, %shift_right_arithmetic3A_2666 : i32
        %shift_left3A_2668 = arith.constant 7 : i32
        %shift_left3A_2669 = arith.shli %shift_right_arithmetic3A_2667, %shift_left3A_2668 : i32
        %multiple_of3A_2670 = tpu.assume_multiple %shift_left3A_2669, 128 : i32
        %dma_start3A_2671 = arith.constant 0 : i32
        %dma_start3A_2672 = arith.constant 3072 : i32
        %dma_start3A_2673 = tpu.memref_slice %arg6[%dma_start3A_2671, %dma_start3A_2672] : memref<16x6144xf32, #tpu.memory_space<vmem>> -> memref<16x128xf32, #tpu.memory_space<vmem>>
        %dma_start3A_2674 = arith.constant 0 : i32
        %dma_start3A_2675 = tpu.memref_slice %arg2[%dma_start3A_2674, %multiple_of3A_2670] : memref<16x1000000xf32, #tpu.memory_space<hbm>> -> memref<16x128xf32, #tpu.memory_space<hbm>>
        %dma_start3A_2676 = arith.constant 0 : i32
        %dma_start3A_2677 = arith.constant 3072 : i32
        %dma_start3A_2678 = tpu.memref_slice %arg6[%dma_start3A_2676, %dma_start3A_2677] : memref<16x6144xf32, #tpu.memory_space<vmem>> -> memref<16x128xf32, #tpu.memory_space<vmem>>
        %dma_start3A_2679 = arith.constant 0 : i32
        %dma_start3A_2680 = tpu.memref_slice %arg2[%dma_start3A_2679, %multiple_of3A_2670] : memref<16x1000000xf32, #tpu.memory_space<hbm>> -> memref<16x128xf32, #tpu.memory_space<hbm>>
        tpu.enqueue_dma source(%dma_start3A_2680 : memref<16x128xf32, #tpu.memory_space<hbm>>) target(%dma_start3A_2678 : memref<16x128xf32, #tpu.memory_space<vmem>>) target_semaphore(%arg9 : memref<!tpu.dma_semaphore, #tpu.memory_space<semaphore_mem>>)
        %slice3A_2681 = vector.extract_strided_slice %get3A_2527 {offsets = [9], sizes = [1], strides = [1]} : vector<16xi32> to vector<1xi32>
        %squeeze3A_2682 = vector.extract %slice3A_2681[0] : i32 from vector<1xi32>
        %shift_right_arithmetic3A_2683 = arith.constant 7 : i32
        %shift_right_arithmetic3A_2684 = arith.shrsi %squeeze3A_2682, %shift_right_arithmetic3A_2683 : i32
        %shift_left3A_2685 = arith.constant 7 : i32
        %shift_left3A_2686 = arith.shli %shift_right_arithmetic3A_2684, %shift_left3A_2685 : i32
        %multiple_of3A_2687 = tpu.assume_multiple %shift_left3A_2686, 128 : i32
        %dma_start3A_2688 = arith.constant 0 : i32
        %dma_start3A_2689 = arith.constant 3200 : i32
        %dma_start3A_2690 = tpu.memref_slice %arg6[%dma_start3A_2688, %dma_start3A_2689] : memref<16x6144xf32, #tpu.memory_space<vmem>> -> memref<16x128xf32, #tpu.memory_space<vmem>>
        %dma_start3A_2691 = arith.constant 0 : i32
        %dma_start3A_2692 = tpu.memref_slice %arg2[%dma_start3A_2691, %multiple_of3A_2687] : memref<16x1000000xf32, #tpu.memory_space<hbm>> -> memref<16x128xf32, #tpu.memory_space<hbm>>
        %dma_start3A_2693 = arith.constant 0 : i32
        %dma_start3A_2694 = arith.constant 3200 : i32
        %dma_start3A_2695 = tpu.memref_slice %arg6[%dma_start3A_2693, %dma_start3A_2694] : memref<16x6144xf32, #tpu.memory_space<vmem>> -> memref<16x128xf32, #tpu.memory_space<vmem>>
        %dma_start3A_2696 = arith.constant 0 : i32
        %dma_start3A_2697 = tpu.memref_slice %arg2[%dma_start3A_2696, %multiple_of3A_2687] : memref<16x1000000xf32, #tpu.memory_space<hbm>> -> memref<16x128xf32, #tpu.memory_space<hbm>>
        tpu.enqueue_dma source(%dma_start3A_2697 : memref<16x128xf32, #tpu.memory_space<hbm>>) target(%dma_start3A_2695 : memref<16x128xf32, #tpu.memory_space<vmem>>) target_semaphore(%arg9 : memref<!tpu.dma_semaphore, #tpu.memory_space<semaphore_mem>>)
        %slice3A_2698 = vector.extract_strided_slice %get3A_2527 {offsets = [10], sizes = [1], strides = [1]} : vector<16xi32> to vector<1xi32>
        %squeeze3A_2699 = vector.extract %slice3A_2698[0] : i32 from vector<1xi32>
        %shift_right_arithmetic3A_2700 = arith.constant 7 : i32
        %shift_right_arithmetic3A_2701 = arith.shrsi %squeeze3A_2699, %shift_right_arithmetic3A_2700 : i32
        %shift_left3A_2702 = arith.constant 7 : i32
        %shift_left3A_2703 = arith.shli %shift_right_arithmetic3A_2701, %shift_left3A_2702 : i32
        %multiple_of3A_2704 = tpu.assume_multiple %shift_left3A_2703, 128 : i32
        %dma_start3A_2705 = arith.constant 0 : i32
        %dma_start3A_2706 = arith.constant 3328 : i32
        %dma_start3A_2707 = tpu.memref_slice %arg6[%dma_start3A_2705, %dma_start3A_2706] : memref<16x6144xf32, #tpu.memory_space<vmem>> -> memref<16x128xf32, #tpu.memory_space<vmem>>
        %dma_start3A_2708 = arith.constant 0 : i32
        %dma_start3A_2709 = tpu.memref_slice %arg2[%dma_start3A_2708, %multiple_of3A_2704] : memref<16x1000000xf32, #tpu.memory_space<hbm>> -> memref<16x128xf32, #tpu.memory_space<hbm>>
        %dma_start3A_2710 = arith.constant 0 : i32
        %dma_start3A_2711 = arith.constant 3328 : i32
        %dma_start3A_2712 = tpu.memref_slice %arg6[%dma_start3A_2710, %dma_start3A_2711] : memref<16x6144xf32, #tpu.memory_space<vmem>> -> memref<16x128xf32, #tpu.memory_space<vmem>>
        %dma_start3A_2713 = arith.constant 0 : i32
        %dma_start3A_2714 = tpu.memref_slice %arg2[%dma_start3A_2713, %multiple_of3A_2704] : memref<16x1000000xf32, #tpu.memory_space<hbm>> -> memref<16x128xf32, #tpu.memory_space<hbm>>
        tpu.enqueue_dma source(%dma_start3A_2714 : memref<16x128xf32, #tpu.memory_space<hbm>>) target(%dma_start3A_2712 : memref<16x128xf32, #tpu.memory_space<vmem>>) target_semaphore(%arg9 : memref<!tpu.dma_semaphore, #tpu.memory_space<semaphore_mem>>)
        %slice3A_2715 = vector.extract_strided_slice %get3A_2527 {offsets = [11], sizes = [1], strides = [1]} : vector<16xi32> to vector<1xi32>
        %squeeze3A_2716 = vector.extract %slice3A_2715[0] : i32 from vector<1xi32>
        %shift_right_arithmetic3A_2717 = arith.constant 7 : i32
        %shift_right_arithmetic3A_2718 = arith.shrsi %squeeze3A_2716, %shift_right_arithmetic3A_2717 : i32
        %shift_left3A_2719 = arith.constant 7 : i32
        %shift_left3A_2720 = arith.shli %shift_right_arithmetic3A_2718, %shift_left3A_2719 : i32
        %multiple_of3A_2721 = tpu.assume_multiple %shift_left3A_2720, 128 : i32
        %dma_start3A_2722 = arith.constant 0 : i32
        %dma_start3A_2723 = arith.constant 3456 : i32
        %dma_start3A_2724 = tpu.memref_slice %arg6[%dma_start3A_2722, %dma_start3A_2723] : memref<16x6144xf32, #tpu.memory_space<vmem>> -> memref<16x128xf32, #tpu.memory_space<vmem>>
        %dma_start3A_2725 = arith.constant 0 : i32
        %dma_start3A_2726 = tpu.memref_slice %arg2[%dma_start3A_2725, %multiple_of3A_2721] : memref<16x1000000xf32, #tpu.memory_space<hbm>> -> memref<16x128xf32, #tpu.memory_space<hbm>>
        %dma_start3A_2727 = arith.constant 0 : i32
        %dma_start3A_2728 = arith.constant 3456 : i32
        %dma_start3A_2729 = tpu.memref_slice %arg6[%dma_start3A_2727, %dma_start3A_2728] : memref<16x6144xf32, #tpu.memory_space<vmem>> -> memref<16x128xf32, #tpu.memory_space<vmem>>
        %dma_start3A_2730 = arith.constant 0 : i32
        %dma_start3A_2731 = tpu.memref_slice %arg2[%dma_start3A_2730, %multiple_of3A_2721] : memref<16x1000000xf32, #tpu.memory_space<hbm>> -> memref<16x128xf32, #tpu.memory_space<hbm>>
        tpu.enqueue_dma source(%dma_start3A_2731 : memref<16x128xf32, #tpu.memory_space<hbm>>) target(%dma_start3A_2729 : memref<16x128xf32, #tpu.memory_space<vmem>>) target_semaphore(%arg9 : memref<!tpu.dma_semaphore, #tpu.memory_space<semaphore_mem>>)
        %slice3A_2732 = vector.extract_strided_slice %get3A_2527 {offsets = [12], sizes = [1], strides = [1]} : vector<16xi32> to vector<1xi32>
        %squeeze3A_2733 = vector.extract %slice3A_2732[0] : i32 from vector<1xi32>
        %shift_right_arithmetic3A_2734 = arith.constant 7 : i32
        %shift_right_arithmetic3A_2735 = arith.shrsi %squeeze3A_2733, %shift_right_arithmetic3A_2734 : i32
        %shift_left3A_2736 = arith.constant 7 : i32
        %shift_left3A_2737 = arith.shli %shift_right_arithmetic3A_2735, %shift_left3A_2736 : i32
        %multiple_of3A_2738 = tpu.assume_multiple %shift_left3A_2737, 128 : i32
        %dma_start3A_2739 = arith.constant 0 : i32
        %dma_start3A_2740 = arith.constant 3584 : i32
        %dma_start3A_2741 = tpu.memref_slice %arg6[%dma_start3A_2739, %dma_start3A_2740] : memref<16x6144xf32, #tpu.memory_space<vmem>> -> memref<16x128xf32, #tpu.memory_space<vmem>>
        %dma_start3A_2742 = arith.constant 0 : i32
        %dma_start3A_2743 = tpu.memref_slice %arg2[%dma_start3A_2742, %multiple_of3A_2738] : memref<16x1000000xf32, #tpu.memory_space<hbm>> -> memref<16x128xf32, #tpu.memory_space<hbm>>
        %dma_start3A_2744 = arith.constant 0 : i32
        %dma_start3A_2745 = arith.constant 3584 : i32
        %dma_start3A_2746 = tpu.memref_slice %arg6[%dma_start3A_2744, %dma_start3A_2745] : memref<16x6144xf32, #tpu.memory_space<vmem>> -> memref<16x128xf32, #tpu.memory_space<vmem>>
        %dma_start3A_2747 = arith.constant 0 : i32
        %dma_start3A_2748 = tpu.memref_slice %arg2[%dma_start3A_2747, %multiple_of3A_2738] : memref<16x1000000xf32, #tpu.memory_space<hbm>> -> memref<16x128xf32, #tpu.memory_space<hbm>>
        tpu.enqueue_dma source(%dma_start3A_2748 : memref<16x128xf32, #tpu.memory_space<hbm>>) target(%dma_start3A_2746 : memref<16x128xf32, #tpu.memory_space<vmem>>) target_semaphore(%arg9 : memref<!tpu.dma_semaphore, #tpu.memory_space<semaphore_mem>>)
        %slice3A_2749 = vector.extract_strided_slice %get3A_2527 {offsets = [13], sizes = [1], strides = [1]} : vector<16xi32> to vector<1xi32>
        %squeeze3A_2750 = vector.extract %slice3A_2749[0] : i32 from vector<1xi32>
        %shift_right_arithmetic3A_2751 = arith.constant 7 : i32
        %shift_right_arithmetic3A_2752 = arith.shrsi %squeeze3A_2750, %shift_right_arithmetic3A_2751 : i32
        %shift_left3A_2753 = arith.constant 7 : i32
        %shift_left3A_2754 = arith.shli %shift_right_arithmetic3A_2752, %shift_left3A_2753 : i32
        %multiple_of3A_2755 = tpu.assume_multiple %shift_left3A_2754, 128 : i32
        %dma_start3A_2756 = arith.constant 0 : i32
        %dma_start3A_2757 = arith.constant 3712 : i32
        %dma_start3A_2758 = tpu.memref_slice %arg6[%dma_start3A_2756, %dma_start3A_2757] : memref<16x6144xf32, #tpu.memory_space<vmem>> -> memref<16x128xf32, #tpu.memory_space<vmem>>
        %dma_start3A_2759 = arith.constant 0 : i32
        %dma_start3A_2760 = tpu.memref_slice %arg2[%dma_start3A_2759, %multiple_of3A_2755] : memref<16x1000000xf32, #tpu.memory_space<hbm>> -> memref<16x128xf32, #tpu.memory_space<hbm>>
        %dma_start3A_2761 = arith.constant 0 : i32
        %dma_start3A_2762 = arith.constant 3712 : i32
        %dma_start3A_2763 = tpu.memref_slice %arg6[%dma_start3A_2761, %dma_start3A_2762] : memref<16x6144xf32, #tpu.memory_space<vmem>> -> memref<16x128xf32, #tpu.memory_space<vmem>>
        %dma_start3A_2764 = arith.constant 0 : i32
        %dma_start3A_2765 = tpu.memref_slice %arg2[%dma_start3A_2764, %multiple_of3A_2755] : memref<16x1000000xf32, #tpu.memory_space<hbm>> -> memref<16x128xf32, #tpu.memory_space<hbm>>
        tpu.enqueue_dma source(%dma_start3A_2765 : memref<16x128xf32, #tpu.memory_space<hbm>>) target(%dma_start3A_2763 : memref<16x128xf32, #tpu.memory_space<vmem>>) target_semaphore(%arg9 : memref<!tpu.dma_semaphore, #tpu.memory_space<semaphore_mem>>)
        %slice3A_2766 = vector.extract_strided_slice %get3A_2527 {offsets = [14], sizes = [1], strides = [1]} : vector<16xi32> to vector<1xi32>
        %squeeze3A_2767 = vector.extract %slice3A_2766[0] : i32 from vector<1xi32>
        %shift_right_arithmetic3A_2768 = arith.constant 7 : i32
        %shift_right_arithmetic3A_2769 = arith.shrsi %squeeze3A_2767, %shift_right_arithmetic3A_2768 : i32
        %shift_left3A_2770 = arith.constant 7 : i32
        %shift_left3A_2771 = arith.shli %shift_right_arithmetic3A_2769, %shift_left3A_2770 : i32
        %multiple_of3A_2772 = tpu.assume_multiple %shift_left3A_2771, 128 : i32
        %dma_start3A_2773 = arith.constant 0 : i32
        %dma_start3A_2774 = arith.constant 3840 : i32
        %dma_start3A_2775 = tpu.memref_slice %arg6[%dma_start3A_2773, %dma_start3A_2774] : memref<16x6144xf32, #tpu.memory_space<vmem>> -> memref<16x128xf32, #tpu.memory_space<vmem>>
        %dma_start3A_2776 = arith.constant 0 : i32
        %dma_start3A_2777 = tpu.memref_slice %arg2[%dma_start3A_2776, %multiple_of3A_2772] : memref<16x1000000xf32, #tpu.memory_space<hbm>> -> memref<16x128xf32, #tpu.memory_space<hbm>>
        %dma_start3A_2778 = arith.constant 0 : i32
        %dma_start3A_2779 = arith.constant 3840 : i32
        %dma_start3A_2780 = tpu.memref_slice %arg6[%dma_start3A_2778, %dma_start3A_2779] : memref<16x6144xf32, #tpu.memory_space<vmem>> -> memref<16x128xf32, #tpu.memory_space<vmem>>
        %dma_start3A_2781 = arith.constant 0 : i32
        %dma_start3A_2782 = tpu.memref_slice %arg2[%dma_start3A_2781, %multiple_of3A_2772] : memref<16x1000000xf32, #tpu.memory_space<hbm>> -> memref<16x128xf32, #tpu.memory_space<hbm>>
        tpu.enqueue_dma source(%dma_start3A_2782 : memref<16x128xf32, #tpu.memory_space<hbm>>) target(%dma_start3A_2780 : memref<16x128xf32, #tpu.memory_space<vmem>>) target_semaphore(%arg9 : memref<!tpu.dma_semaphore, #tpu.memory_space<semaphore_mem>>)
        %slice3A_2783 = vector.extract_strided_slice %get3A_2527 {offsets = [15], sizes = [1], strides = [1]} : vector<16xi32> to vector<1xi32>
        %squeeze3A_2784 = vector.extract %slice3A_2783[0] : i32 from vector<1xi32>
        %shift_right_arithmetic3A_2785 = arith.constant 7 : i32
        %shift_right_arithmetic3A_2786 = arith.shrsi %squeeze3A_2784, %shift_right_arithmetic3A_2785 : i32
        %shift_left3A_2787 = arith.constant 7 : i32
        %shift_left3A_2788 = arith.shli %shift_right_arithmetic3A_2786, %shift_left3A_2787 : i32
        %multiple_of3A_2789 = tpu.assume_multiple %shift_left3A_2788, 128 : i32
        %dma_start3A_2790 = arith.constant 0 : i32
        %dma_start3A_2791 = arith.constant 3968 : i32
        %dma_start3A_2792 = tpu.memref_slice %arg6[%dma_start3A_2790, %dma_start3A_2791] : memref<16x6144xf32, #tpu.memory_space<vmem>> -> memref<16x128xf32, #tpu.memory_space<vmem>>
        %dma_start3A_2793 = arith.constant 0 : i32
        %dma_start3A_2794 = tpu.memref_slice %arg2[%dma_start3A_2793, %multiple_of3A_2789] : memref<16x1000000xf32, #tpu.memory_space<hbm>> -> memref<16x128xf32, #tpu.memory_space<hbm>>
        %dma_start3A_2795 = arith.constant 0 : i32
        %dma_start3A_2796 = arith.constant 3968 : i32
        %dma_start3A_2797 = tpu.memref_slice %arg6[%dma_start3A_2795, %dma_start3A_2796] : memref<16x6144xf32, #tpu.memory_space<vmem>> -> memref<16x128xf32, #tpu.memory_space<vmem>>
        %dma_start3A_2798 = arith.constant 0 : i32
        %dma_start3A_2799 = tpu.memref_slice %arg2[%dma_start3A_2798, %multiple_of3A_2789] : memref<16x1000000xf32, #tpu.memory_space<hbm>> -> memref<16x128xf32, #tpu.memory_space<hbm>>
        tpu.enqueue_dma source(%dma_start3A_2799 : memref<16x128xf32, #tpu.memory_space<hbm>>) target(%dma_start3A_2797 : memref<16x128xf32, #tpu.memory_space<vmem>>) target_semaphore(%arg9 : memref<!tpu.dma_semaphore, #tpu.memory_space<semaphore_mem>>)
      } else {
      }
      %mul3A_2166 = arith.constant 3 : i32
      %mul3A_2167 = arith.muli %mul3A_2166, %scan3A_1457 : i32
      %add3A_2168 = arith.constant 2 : i32
      %add3A_2169 = arith.addi %mul3A_2167, %add3A_2168 : i32
      %dma_wait3A_2170 = arith.constant 0 : i32
      %dma_wait3A_2171 = arith.constant 4096 : i32
      %dma_wait3A_2172 = tpu.memref_slice %arg6[%dma_wait3A_2170, %dma_wait3A_2171] : memref<16x6144xf32, #tpu.memory_space<vmem>> -> memref<16x128xf32, #tpu.memory_space<vmem>>
      %dma_wait3A_2173 = arith.constant 0 : i32
      %dma_wait3A_2174 = arith.constant 0 : i32
      %dma_wait3A_2175 = tpu.memref_slice %arg2[%dma_wait3A_2173, %dma_wait3A_2174] : memref<16x1000000xf32, #tpu.memory_space<hbm>> -> memref<16x128xf32, #tpu.memory_space<hbm>>
      %dma_wait3A_2176 = arith.constant 0 : i32
      %dma_wait3A_2177 = arith.constant 4096 : i32
      %dma_wait3A_2178 = tpu.memref_slice %arg6[%dma_wait3A_2176, %dma_wait3A_2177] : memref<16x6144xf32, #tpu.memory_space<vmem>> -> memref<16x128xf32, #tpu.memory_space<vmem>>
      %dma_wait3A_2179 = arith.constant 0 : i32
      %dma_wait3A_2180 = arith.constant 0 : i32
      %dma_wait3A_2181 = tpu.memref_slice %arg2[%dma_wait3A_2179, %dma_wait3A_2180] : memref<16x1000000xf32, #tpu.memory_space<hbm>> -> memref<16x128xf32, #tpu.memory_space<hbm>>
      tpu.wait_dma2 semaphore(%arg10 : memref<!tpu.dma_semaphore, #tpu.memory_space<semaphore_mem>>) src(%dma_wait3A_2181 : memref<16x128xf32, #tpu.memory_space<hbm>>) dst(%dma_wait3A_2178 : memref<16x128xf32, #tpu.memory_space<vmem>>)
      %dma_wait3A_2182 = arith.constant 0 : i32
      %dma_wait3A_2183 = arith.constant 4224 : i32
      %dma_wait3A_2184 = tpu.memref_slice %arg6[%dma_wait3A_2182, %dma_wait3A_2183] : memref<16x6144xf32, #tpu.memory_space<vmem>> -> memref<16x128xf32, #tpu.memory_space<vmem>>
      %dma_wait3A_2185 = arith.constant 0 : i32
      %dma_wait3A_2186 = arith.constant 0 : i32
      %dma_wait3A_2187 = tpu.memref_slice %arg2[%dma_wait3A_2185, %dma_wait3A_2186] : memref<16x1000000xf32, #tpu.memory_space<hbm>> -> memref<16x128xf32, #tpu.memory_space<hbm>>
      %dma_wait3A_2188 = arith.constant 0 : i32
      %dma_wait3A_2189 = arith.constant 4224 : i32
      %dma_wait3A_2190 = tpu.memref_slice %arg6[%dma_wait3A_2188, %dma_wait3A_2189] : memref<16x6144xf32, #tpu.memory_space<vmem>> -> memref<16x128xf32, #tpu.memory_space<vmem>>
      %dma_wait3A_2191 = arith.constant 0 : i32
      %dma_wait3A_2192 = arith.constant 0 : i32
      %dma_wait3A_2193 = tpu.memref_slice %arg2[%dma_wait3A_2191, %dma_wait3A_2192] : memref<16x1000000xf32, #tpu.memory_space<hbm>> -> memref<16x128xf32, #tpu.memory_space<hbm>>
      tpu.wait_dma2 semaphore(%arg10 : memref<!tpu.dma_semaphore, #tpu.memory_space<semaphore_mem>>) src(%dma_wait3A_2193 : memref<16x128xf32, #tpu.memory_space<hbm>>) dst(%dma_wait3A_2190 : memref<16x128xf32, #tpu.memory_space<vmem>>)
      %dma_wait3A_2194 = arith.constant 0 : i32
      %dma_wait3A_2195 = arith.constant 4352 : i32
      %dma_wait3A_2196 = tpu.memref_slice %arg6[%dma_wait3A_2194, %dma_wait3A_2195] : memref<16x6144xf32, #tpu.memory_space<vmem>> -> memref<16x128xf32, #tpu.memory_space<vmem>>
      %dma_wait3A_2197 = arith.constant 0 : i32
      %dma_wait3A_2198 = arith.constant 0 : i32
      %dma_wait3A_2199 = tpu.memref_slice %arg2[%dma_wait3A_2197, %dma_wait3A_2198] : memref<16x1000000xf32, #tpu.memory_space<hbm>> -> memref<16x128xf32, #tpu.memory_space<hbm>>
      %dma_wait3A_2200 = arith.constant 0 : i32
      %dma_wait3A_2201 = arith.constant 4352 : i32
      %dma_wait3A_2202 = tpu.memref_slice %arg6[%dma_wait3A_2200, %dma_wait3A_2201] : memref<16x6144xf32, #tpu.memory_space<vmem>> -> memref<16x128xf32, #tpu.memory_space<vmem>>
      %dma_wait3A_2203 = arith.constant 0 : i32
      %dma_wait3A_2204 = arith.constant 0 : i32
      %dma_wait3A_2205 = tpu.memref_slice %arg2[%dma_wait3A_2203, %dma_wait3A_2204] : memref<16x1000000xf32, #tpu.memory_space<hbm>> -> memref<16x128xf32, #tpu.memory_space<hbm>>
      tpu.wait_dma2 semaphore(%arg10 : memref<!tpu.dma_semaphore, #tpu.memory_space<semaphore_mem>>) src(%dma_wait3A_2205 : memref<16x128xf32, #tpu.memory_space<hbm>>) dst(%dma_wait3A_2202 : memref<16x128xf32, #tpu.memory_space<vmem>>)
      %dma_wait3A_2206 = arith.constant 0 : i32
      %dma_wait3A_2207 = arith.constant 4480 : i32
      %dma_wait3A_2208 = tpu.memref_slice %arg6[%dma_wait3A_2206, %dma_wait3A_2207] : memref<16x6144xf32, #tpu.memory_space<vmem>> -> memref<16x128xf32, #tpu.memory_space<vmem>>
      %dma_wait3A_2209 = arith.constant 0 : i32
      %dma_wait3A_2210 = arith.constant 0 : i32
      %dma_wait3A_2211 = tpu.memref_slice %arg2[%dma_wait3A_2209, %dma_wait3A_2210] : memref<16x1000000xf32, #tpu.memory_space<hbm>> -> memref<16x128xf32, #tpu.memory_space<hbm>>
      %dma_wait3A_2212 = arith.constant 0 : i32
      %dma_wait3A_2213 = arith.constant 4480 : i32
      %dma_wait3A_2214 = tpu.memref_slice %arg6[%dma_wait3A_2212, %dma_wait3A_2213] : memref<16x6144xf32, #tpu.memory_space<vmem>> -> memref<16x128xf32, #tpu.memory_space<vmem>>
      %dma_wait3A_2215 = arith.constant 0 : i32
      %dma_wait3A_2216 = arith.constant 0 : i32
      %dma_wait3A_2217 = tpu.memref_slice %arg2[%dma_wait3A_2215, %dma_wait3A_2216] : memref<16x1000000xf32, #tpu.memory_space<hbm>> -> memref<16x128xf32, #tpu.memory_space<hbm>>
      tpu.wait_dma2 semaphore(%arg10 : memref<!tpu.dma_semaphore, #tpu.memory_space<semaphore_mem>>) src(%dma_wait3A_2217 : memref<16x128xf32, #tpu.memory_space<hbm>>) dst(%dma_wait3A_2214 : memref<16x128xf32, #tpu.memory_space<vmem>>)
      %dma_wait3A_2218 = arith.constant 0 : i32
      %dma_wait3A_2219 = arith.constant 4608 : i32
      %dma_wait3A_2220 = tpu.memref_slice %arg6[%dma_wait3A_2218, %dma_wait3A_2219] : memref<16x6144xf32, #tpu.memory_space<vmem>> -> memref<16x128xf32, #tpu.memory_space<vmem>>
      %dma_wait3A_2221 = arith.constant 0 : i32
      %dma_wait3A_2222 = arith.constant 0 : i32
      %dma_wait3A_2223 = tpu.memref_slice %arg2[%dma_wait3A_2221, %dma_wait3A_2222] : memref<16x1000000xf32, #tpu.memory_space<hbm>> -> memref<16x128xf32, #tpu.memory_space<hbm>>
      %dma_wait3A_2224 = arith.constant 0 : i32
      %dma_wait3A_2225 = arith.constant 4608 : i32
      %dma_wait3A_2226 = tpu.memref_slice %arg6[%dma_wait3A_2224, %dma_wait3A_2225] : memref<16x6144xf32, #tpu.memory_space<vmem>> -> memref<16x128xf32, #tpu.memory_space<vmem>>
      %dma_wait3A_2227 = arith.constant 0 : i32
      %dma_wait3A_2228 = arith.constant 0 : i32
      %dma_wait3A_2229 = tpu.memref_slice %arg2[%dma_wait3A_2227, %dma_wait3A_2228] : memref<16x1000000xf32, #tpu.memory_space<hbm>> -> memref<16x128xf32, #tpu.memory_space<hbm>>
      tpu.wait_dma2 semaphore(%arg10 : memref<!tpu.dma_semaphore, #tpu.memory_space<semaphore_mem>>) src(%dma_wait3A_2229 : memref<16x128xf32, #tpu.memory_space<hbm>>) dst(%dma_wait3A_2226 : memref<16x128xf32, #tpu.memory_space<vmem>>)
      %dma_wait3A_2230 = arith.constant 0 : i32
      %dma_wait3A_2231 = arith.constant 4736 : i32
      %dma_wait3A_2232 = tpu.memref_slice %arg6[%dma_wait3A_2230, %dma_wait3A_2231] : memref<16x6144xf32, #tpu.memory_space<vmem>> -> memref<16x128xf32, #tpu.memory_space<vmem>>
      %dma_wait3A_2233 = arith.constant 0 : i32
      %dma_wait3A_2234 = arith.constant 0 : i32
      %dma_wait3A_2235 = tpu.memref_slice %arg2[%dma_wait3A_2233, %dma_wait3A_2234] : memref<16x1000000xf32, #tpu.memory_space<hbm>> -> memref<16x128xf32, #tpu.memory_space<hbm>>
      %dma_wait3A_2236 = arith.constant 0 : i32
      %dma_wait3A_2237 = arith.constant 4736 : i32
      %dma_wait3A_2238 = tpu.memref_slice %arg6[%dma_wait3A_2236, %dma_wait3A_2237] : memref<16x6144xf32, #tpu.memory_space<vmem>> -> memref<16x128xf32, #tpu.memory_space<vmem>>
      %dma_wait3A_2239 = arith.constant 0 : i32
      %dma_wait3A_2240 = arith.constant 0 : i32
      %dma_wait3A_2241 = tpu.memref_slice %arg2[%dma_wait3A_2239, %dma_wait3A_2240] : memref<16x1000000xf32, #tpu.memory_space<hbm>> -> memref<16x128xf32, #tpu.memory_space<hbm>>
      tpu.wait_dma2 semaphore(%arg10 : memref<!tpu.dma_semaphore, #tpu.memory_space<semaphore_mem>>) src(%dma_wait3A_2241 : memref<16x128xf32, #tpu.memory_space<hbm>>) dst(%dma_wait3A_2238 : memref<16x128xf32, #tpu.memory_space<vmem>>)
      %dma_wait3A_2242 = arith.constant 0 : i32
      %dma_wait3A_2243 = arith.constant 4864 : i32
      %dma_wait3A_2244 = tpu.memref_slice %arg6[%dma_wait3A_2242, %dma_wait3A_2243] : memref<16x6144xf32, #tpu.memory_space<vmem>> -> memref<16x128xf32, #tpu.memory_space<vmem>>
      %dma_wait3A_2245 = arith.constant 0 : i32
      %dma_wait3A_2246 = arith.constant 0 : i32
      %dma_wait3A_2247 = tpu.memref_slice %arg2[%dma_wait3A_2245, %dma_wait3A_2246] : memref<16x1000000xf32, #tpu.memory_space<hbm>> -> memref<16x128xf32, #tpu.memory_space<hbm>>
      %dma_wait3A_2248 = arith.constant 0 : i32
      %dma_wait3A_2249 = arith.constant 4864 : i32
      %dma_wait3A_2250 = tpu.memref_slice %arg6[%dma_wait3A_2248, %dma_wait3A_2249] : memref<16x6144xf32, #tpu.memory_space<vmem>> -> memref<16x128xf32, #tpu.memory_space<vmem>>
      %dma_wait3A_2251 = arith.constant 0 : i32
      %dma_wait3A_2252 = arith.constant 0 : i32
      %dma_wait3A_2253 = tpu.memref_slice %arg2[%dma_wait3A_2251, %dma_wait3A_2252] : memref<16x1000000xf32, #tpu.memory_space<hbm>> -> memref<16x128xf32, #tpu.memory_space<hbm>>
      tpu.wait_dma2 semaphore(%arg10 : memref<!tpu.dma_semaphore, #tpu.memory_space<semaphore_mem>>) src(%dma_wait3A_2253 : memref<16x128xf32, #tpu.memory_space<hbm>>) dst(%dma_wait3A_2250 : memref<16x128xf32, #tpu.memory_space<vmem>>)
      %dma_wait3A_2254 = arith.constant 0 : i32
      %dma_wait3A_2255 = arith.constant 4992 : i32
      %dma_wait3A_2256 = tpu.memref_slice %arg6[%dma_wait3A_2254, %dma_wait3A_2255] : memref<16x6144xf32, #tpu.memory_space<vmem>> -> memref<16x128xf32, #tpu.memory_space<vmem>>
      %dma_wait3A_2257 = arith.constant 0 : i32
      %dma_wait3A_2258 = arith.constant 0 : i32
      %dma_wait3A_2259 = tpu.memref_slice %arg2[%dma_wait3A_2257, %dma_wait3A_2258] : memref<16x1000000xf32, #tpu.memory_space<hbm>> -> memref<16x128xf32, #tpu.memory_space<hbm>>
      %dma_wait3A_2260 = arith.constant 0 : i32
      %dma_wait3A_2261 = arith.constant 4992 : i32
      %dma_wait3A_2262 = tpu.memref_slice %arg6[%dma_wait3A_2260, %dma_wait3A_2261] : memref<16x6144xf32, #tpu.memory_space<vmem>> -> memref<16x128xf32, #tpu.memory_space<vmem>>
      %dma_wait3A_2263 = arith.constant 0 : i32
      %dma_wait3A_2264 = arith.constant 0 : i32
      %dma_wait3A_2265 = tpu.memref_slice %arg2[%dma_wait3A_2263, %dma_wait3A_2264] : memref<16x1000000xf32, #tpu.memory_space<hbm>> -> memref<16x128xf32, #tpu.memory_space<hbm>>
      tpu.wait_dma2 semaphore(%arg10 : memref<!tpu.dma_semaphore, #tpu.memory_space<semaphore_mem>>) src(%dma_wait3A_2265 : memref<16x128xf32, #tpu.memory_space<hbm>>) dst(%dma_wait3A_2262 : memref<16x128xf32, #tpu.memory_space<vmem>>)
      %dma_wait3A_2266 = arith.constant 0 : i32
      %dma_wait3A_2267 = arith.constant 5120 : i32
      %dma_wait3A_2268 = tpu.memref_slice %arg6[%dma_wait3A_2266, %dma_wait3A_2267] : memref<16x6144xf32, #tpu.memory_space<vmem>> -> memref<16x128xf32, #tpu.memory_space<vmem>>
      %dma_wait3A_2269 = arith.constant 0 : i32
      %dma_wait3A_2270 = arith.constant 0 : i32
      %dma_wait3A_2271 = tpu.memref_slice %arg2[%dma_wait3A_2269, %dma_wait3A_2270] : memref<16x1000000xf32, #tpu.memory_space<hbm>> -> memref<16x128xf32, #tpu.memory_space<hbm>>
      %dma_wait3A_2272 = arith.constant 0 : i32
      %dma_wait3A_2273 = arith.constant 5120 : i32
      %dma_wait3A_2274 = tpu.memref_slice %arg6[%dma_wait3A_2272, %dma_wait3A_2273] : memref<16x6144xf32, #tpu.memory_space<vmem>> -> memref<16x128xf32, #tpu.memory_space<vmem>>
      %dma_wait3A_2275 = arith.constant 0 : i32
      %dma_wait3A_2276 = arith.constant 0 : i32
      %dma_wait3A_2277 = tpu.memref_slice %arg2[%dma_wait3A_2275, %dma_wait3A_2276] : memref<16x1000000xf32, #tpu.memory_space<hbm>> -> memref<16x128xf32, #tpu.memory_space<hbm>>
      tpu.wait_dma2 semaphore(%arg10 : memref<!tpu.dma_semaphore, #tpu.memory_space<semaphore_mem>>) src(%dma_wait3A_2277 : memref<16x128xf32, #tpu.memory_space<hbm>>) dst(%dma_wait3A_2274 : memref<16x128xf32, #tpu.memory_space<vmem>>)
      %dma_wait3A_2278 = arith.constant 0 : i32
      %dma_wait3A_2279 = arith.constant 5248 : i32
      %dma_wait3A_2280 = tpu.memref_slice %arg6[%dma_wait3A_2278, %dma_wait3A_2279] : memref<16x6144xf32, #tpu.memory_space<vmem>> -> memref<16x128xf32, #tpu.memory_space<vmem>>
      %dma_wait3A_2281 = arith.constant 0 : i32
      %dma_wait3A_2282 = arith.constant 0 : i32
      %dma_wait3A_2283 = tpu.memref_slice %arg2[%dma_wait3A_2281, %dma_wait3A_2282] : memref<16x1000000xf32, #tpu.memory_space<hbm>> -> memref<16x128xf32, #tpu.memory_space<hbm>>
      %dma_wait3A_2284 = arith.constant 0 : i32
      %dma_wait3A_2285 = arith.constant 5248 : i32
      %dma_wait3A_2286 = tpu.memref_slice %arg6[%dma_wait3A_2284, %dma_wait3A_2285] : memref<16x6144xf32, #tpu.memory_space<vmem>> -> memref<16x128xf32, #tpu.memory_space<vmem>>
      %dma_wait3A_2287 = arith.constant 0 : i32
      %dma_wait3A_2288 = arith.constant 0 : i32
      %dma_wait3A_2289 = tpu.memref_slice %arg2[%dma_wait3A_2287, %dma_wait3A_2288] : memref<16x1000000xf32, #tpu.memory_space<hbm>> -> memref<16x128xf32, #tpu.memory_space<hbm>>
      tpu.wait_dma2 semaphore(%arg10 : memref<!tpu.dma_semaphore, #tpu.memory_space<semaphore_mem>>) src(%dma_wait3A_2289 : memref<16x128xf32, #tpu.memory_space<hbm>>) dst(%dma_wait3A_2286 : memref<16x128xf32, #tpu.memory_space<vmem>>)
      %dma_wait3A_2290 = arith.constant 0 : i32
      %dma_wait3A_2291 = arith.constant 5376 : i32
      %dma_wait3A_2292 = tpu.memref_slice %arg6[%dma_wait3A_2290, %dma_wait3A_2291] : memref<16x6144xf32, #tpu.memory_space<vmem>> -> memref<16x128xf32, #tpu.memory_space<vmem>>
      %dma_wait3A_2293 = arith.constant 0 : i32
      %dma_wait3A_2294 = arith.constant 0 : i32
      %dma_wait3A_2295 = tpu.memref_slice %arg2[%dma_wait3A_2293, %dma_wait3A_2294] : memref<16x1000000xf32, #tpu.memory_space<hbm>> -> memref<16x128xf32, #tpu.memory_space<hbm>>
      %dma_wait3A_2296 = arith.constant 0 : i32
      %dma_wait3A_2297 = arith.constant 5376 : i32
      %dma_wait3A_2298 = tpu.memref_slice %arg6[%dma_wait3A_2296, %dma_wait3A_2297] : memref<16x6144xf32, #tpu.memory_space<vmem>> -> memref<16x128xf32, #tpu.memory_space<vmem>>
      %dma_wait3A_2299 = arith.constant 0 : i32
      %dma_wait3A_2300 = arith.constant 0 : i32
      %dma_wait3A_2301 = tpu.memref_slice %arg2[%dma_wait3A_2299, %dma_wait3A_2300] : memref<16x1000000xf32, #tpu.memory_space<hbm>> -> memref<16x128xf32, #tpu.memory_space<hbm>>
      tpu.wait_dma2 semaphore(%arg10 : memref<!tpu.dma_semaphore, #tpu.memory_space<semaphore_mem>>) src(%dma_wait3A_2301 : memref<16x128xf32, #tpu.memory_space<hbm>>) dst(%dma_wait3A_2298 : memref<16x128xf32, #tpu.memory_space<vmem>>)
      %dma_wait3A_2302 = arith.constant 0 : i32
      %dma_wait3A_2303 = arith.constant 5504 : i32
      %dma_wait3A_2304 = tpu.memref_slice %arg6[%dma_wait3A_2302, %dma_wait3A_2303] : memref<16x6144xf32, #tpu.memory_space<vmem>> -> memref<16x128xf32, #tpu.memory_space<vmem>>
      %dma_wait3A_2305 = arith.constant 0 : i32
      %dma_wait3A_2306 = arith.constant 0 : i32
      %dma_wait3A_2307 = tpu.memref_slice %arg2[%dma_wait3A_2305, %dma_wait3A_2306] : memref<16x1000000xf32, #tpu.memory_space<hbm>> -> memref<16x128xf32, #tpu.memory_space<hbm>>
      %dma_wait3A_2308 = arith.constant 0 : i32
      %dma_wait3A_2309 = arith.constant 5504 : i32
      %dma_wait3A_2310 = tpu.memref_slice %arg6[%dma_wait3A_2308, %dma_wait3A_2309] : memref<16x6144xf32, #tpu.memory_space<vmem>> -> memref<16x128xf32, #tpu.memory_space<vmem>>
      %dma_wait3A_2311 = arith.constant 0 : i32
      %dma_wait3A_2312 = arith.constant 0 : i32
      %dma_wait3A_2313 = tpu.memref_slice %arg2[%dma_wait3A_2311, %dma_wait3A_2312] : memref<16x1000000xf32, #tpu.memory_space<hbm>> -> memref<16x128xf32, #tpu.memory_space<hbm>>
      tpu.wait_dma2 semaphore(%arg10 : memref<!tpu.dma_semaphore, #tpu.memory_space<semaphore_mem>>) src(%dma_wait3A_2313 : memref<16x128xf32, #tpu.memory_space<hbm>>) dst(%dma_wait3A_2310 : memref<16x128xf32, #tpu.memory_space<vmem>>)
      %dma_wait3A_2314 = arith.constant 0 : i32
      %dma_wait3A_2315 = arith.constant 5632 : i32
      %dma_wait3A_2316 = tpu.memref_slice %arg6[%dma_wait3A_2314, %dma_wait3A_2315] : memref<16x6144xf32, #tpu.memory_space<vmem>> -> memref<16x128xf32, #tpu.memory_space<vmem>>
      %dma_wait3A_2317 = arith.constant 0 : i32
      %dma_wait3A_2318 = arith.constant 0 : i32
      %dma_wait3A_2319 = tpu.memref_slice %arg2[%dma_wait3A_2317, %dma_wait3A_2318] : memref<16x1000000xf32, #tpu.memory_space<hbm>> -> memref<16x128xf32, #tpu.memory_space<hbm>>
      %dma_wait3A_2320 = arith.constant 0 : i32
      %dma_wait3A_2321 = arith.constant 5632 : i32
      %dma_wait3A_2322 = tpu.memref_slice %arg6[%dma_wait3A_2320, %dma_wait3A_2321] : memref<16x6144xf32, #tpu.memory_space<vmem>> -> memref<16x128xf32, #tpu.memory_space<vmem>>
      %dma_wait3A_2323 = arith.constant 0 : i32
      %dma_wait3A_2324 = arith.constant 0 : i32
      %dma_wait3A_2325 = tpu.memref_slice %arg2[%dma_wait3A_2323, %dma_wait3A_2324] : memref<16x1000000xf32, #tpu.memory_space<hbm>> -> memref<16x128xf32, #tpu.memory_space<hbm>>
      tpu.wait_dma2 semaphore(%arg10 : memref<!tpu.dma_semaphore, #tpu.memory_space<semaphore_mem>>) src(%dma_wait3A_2325 : memref<16x128xf32, #tpu.memory_space<hbm>>) dst(%dma_wait3A_2322 : memref<16x128xf32, #tpu.memory_space<vmem>>)
      %dma_wait3A_2326 = arith.constant 0 : i32
      %dma_wait3A_2327 = arith.constant 5760 : i32
      %dma_wait3A_2328 = tpu.memref_slice %arg6[%dma_wait3A_2326, %dma_wait3A_2327] : memref<16x6144xf32, #tpu.memory_space<vmem>> -> memref<16x128xf32, #tpu.memory_space<vmem>>
      %dma_wait3A_2329 = arith.constant 0 : i32
      %dma_wait3A_2330 = arith.constant 0 : i32
      %dma_wait3A_2331 = tpu.memref_slice %arg2[%dma_wait3A_2329, %dma_wait3A_2330] : memref<16x1000000xf32, #tpu.memory_space<hbm>> -> memref<16x128xf32, #tpu.memory_space<hbm>>
      %dma_wait3A_2332 = arith.constant 0 : i32
      %dma_wait3A_2333 = arith.constant 5760 : i32
      %dma_wait3A_2334 = tpu.memref_slice %arg6[%dma_wait3A_2332, %dma_wait3A_2333] : memref<16x6144xf32, #tpu.memory_space<vmem>> -> memref<16x128xf32, #tpu.memory_space<vmem>>
      %dma_wait3A_2335 = arith.constant 0 : i32
      %dma_wait3A_2336 = arith.constant 0 : i32
      %dma_wait3A_2337 = tpu.memref_slice %arg2[%dma_wait3A_2335, %dma_wait3A_2336] : memref<16x1000000xf32, #tpu.memory_space<hbm>> -> memref<16x128xf32, #tpu.memory_space<hbm>>
      tpu.wait_dma2 semaphore(%arg10 : memref<!tpu.dma_semaphore, #tpu.memory_space<semaphore_mem>>) src(%dma_wait3A_2337 : memref<16x128xf32, #tpu.memory_space<hbm>>) dst(%dma_wait3A_2334 : memref<16x128xf32, #tpu.memory_space<vmem>>)
      %dma_wait3A_2338 = arith.constant 0 : i32
      %dma_wait3A_2339 = arith.constant 5888 : i32
      %dma_wait3A_2340 = tpu.memref_slice %arg6[%dma_wait3A_2338, %dma_wait3A_2339] : memref<16x6144xf32, #tpu.memory_space<vmem>> -> memref<16x128xf32, #tpu.memory_space<vmem>>
      %dma_wait3A_2341 = arith.constant 0 : i32
      %dma_wait3A_2342 = arith.constant 0 : i32
      %dma_wait3A_2343 = tpu.memref_slice %arg2[%dma_wait3A_2341, %dma_wait3A_2342] : memref<16x1000000xf32, #tpu.memory_space<hbm>> -> memref<16x128xf32, #tpu.memory_space<hbm>>
      %dma_wait3A_2344 = arith.constant 0 : i32
      %dma_wait3A_2345 = arith.constant 5888 : i32
      %dma_wait3A_2346 = tpu.memref_slice %arg6[%dma_wait3A_2344, %dma_wait3A_2345] : memref<16x6144xf32, #tpu.memory_space<vmem>> -> memref<16x128xf32, #tpu.memory_space<vmem>>
      %dma_wait3A_2347 = arith.constant 0 : i32
      %dma_wait3A_2348 = arith.constant 0 : i32
      %dma_wait3A_2349 = tpu.memref_slice %arg2[%dma_wait3A_2347, %dma_wait3A_2348] : memref<16x1000000xf32, #tpu.memory_space<hbm>> -> memref<16x128xf32, #tpu.memory_space<hbm>>
      tpu.wait_dma2 semaphore(%arg10 : memref<!tpu.dma_semaphore, #tpu.memory_space<semaphore_mem>>) src(%dma_wait3A_2349 : memref<16x128xf32, #tpu.memory_space<hbm>>) dst(%dma_wait3A_2346 : memref<16x128xf32, #tpu.memory_space<vmem>>)
      %dma_wait3A_2350 = arith.constant 0 : i32
      %dma_wait3A_2351 = arith.constant 6016 : i32
      %dma_wait3A_2352 = tpu.memref_slice %arg6[%dma_wait3A_2350, %dma_wait3A_2351] : memref<16x6144xf32, #tpu.memory_space<vmem>> -> memref<16x128xf32, #tpu.memory_space<vmem>>
      %dma_wait3A_2353 = arith.constant 0 : i32
      %dma_wait3A_2354 = arith.constant 0 : i32
      %dma_wait3A_2355 = tpu.memref_slice %arg2[%dma_wait3A_2353, %dma_wait3A_2354] : memref<16x1000000xf32, #tpu.memory_space<hbm>> -> memref<16x128xf32, #tpu.memory_space<hbm>>
      %dma_wait3A_2356 = arith.constant 0 : i32
      %dma_wait3A_2357 = arith.constant 6016 : i32
      %dma_wait3A_2358 = tpu.memref_slice %arg6[%dma_wait3A_2356, %dma_wait3A_2357] : memref<16x6144xf32, #tpu.memory_space<vmem>> -> memref<16x128xf32, #tpu.memory_space<vmem>>
      %dma_wait3A_2359 = arith.constant 0 : i32
      %dma_wait3A_2360 = arith.constant 0 : i32
      %dma_wait3A_2361 = tpu.memref_slice %arg2[%dma_wait3A_2359, %dma_wait3A_2360] : memref<16x1000000xf32, #tpu.memory_space<hbm>> -> memref<16x128xf32, #tpu.memory_space<hbm>>
      tpu.wait_dma2 semaphore(%arg10 : memref<!tpu.dma_semaphore, #tpu.memory_space<semaphore_mem>>) src(%dma_wait3A_2361 : memref<16x128xf32, #tpu.memory_space<hbm>>) dst(%dma_wait3A_2358 : memref<16x128xf32, #tpu.memory_space<vmem>>)
      %mul3A_2362 = arith.constant 16 : i32
      %mul3A_2363 = arith.muli %add3A_2169, %mul3A_2362 : i32
      %get3A_2364 = arith.index_cast %mul3A_2363 : i32 to index
      %get3A_2365 = tpu.vector_load %arg5[%get3A_2364] {strides = array<i32>} : memref<512xi32, #tpu.memory_space<vmem>>, vector<16xi32>,
      %and3A_2366 = arith.constant 127 : i32
      %and3A_2367 = vector.broadcast %and3A_2366 : i32 to vector<16xi32>
      %and3A_2368 = arith.andi %get3A_2365, %and3A_2367 : vector<16xi32>
      %add3A_2369 = arith.addi %mul3A_20, %and3A_2368 : vector<16xi32>
      %broadcast_in_dim3A_2370 = arith.constant 0 : i32
      %broadcast_in_dim3A_2371 = vector.broadcast %broadcast_in_dim3A_2370 : i32 to vector<16xi32>
      %gather3A_2372 = tpu.vector_load_idx %arg6[%broadcast_in_dim3A_2371, %add3A_2369] : memref<16x6144xf32, #tpu.memory_space<vmem>>[vector<16xi32>, vector<16xi32>], vector<16xf32>,
      %mul3A_2373 = arith.constant 16 : i32
      %mul3A_2374 = arith.muli %add3A_2169, %mul3A_2373 : i32
      %swap3A_2375 = arith.constant 0 : i32
      %swap3A_2376 = arith.index_cast %swap3A_2375 : i32 to index
      %swap3A_2377 = arith.index_cast %mul3A_2374 : i32 to index
      %swap3A_2378 = tpu.vector_load %arg7[%swap3A_2376, %swap3A_2377] {strides = array<i32>} : memref<16x512xf32, #tpu.memory_space<vmem>>, vector<16xf32>,
      tpu.vector_store %arg7[%swap3A_2376, %swap3A_2377], %gather3A_2372 {strides = array<i32>} : memref<16x512xf32, #tpu.memory_space<vmem>>, vector<16xf32>,
      %broadcast_in_dim3A_2379 = arith.constant 1 : i32
      %broadcast_in_dim3A_2380 = vector.broadcast %broadcast_in_dim3A_2379 : i32 to vector<16xi32>
      %gather3A_2381 = tpu.vector_load_idx %arg6[%broadcast_in_dim3A_2380, %add3A_2369] : memref<16x6144xf32, #tpu.memory_space<vmem>>[vector<16xi32>, vector<16xi32>], vector<16xf32>,
      %mul3A_2382 = arith.constant 16 : i32
      %mul3A_2383 = arith.muli %add3A_2169, %mul3A_2382 : i32
      %swap3A_2384 = arith.constant 1 : i32
      %swap3A_2385 = arith.index_cast %swap3A_2384 : i32 to index
      %swap3A_2386 = arith.index_cast %mul3A_2383 : i32 to index
      %swap3A_2387 = tpu.vector_load %arg7[%swap3A_2385, %swap3A_2386] {strides = array<i32>} : memref<16x512xf32, #tpu.memory_space<vmem>>, vector<16xf32>,
      tpu.vector_store %arg7[%swap3A_2385, %swap3A_2386], %gather3A_2381 {strides = array<i32>} : memref<16x512xf32, #tpu.memory_space<vmem>>, vector<16xf32>,
      %broadcast_in_dim3A_2388 = arith.constant 2 : i32
      %broadcast_in_dim3A_2389 = vector.broadcast %broadcast_in_dim3A_2388 : i32 to vector<16xi32>
      %gather3A_2390 = tpu.vector_load_idx %arg6[%broadcast_in_dim3A_2389, %add3A_2369] : memref<16x6144xf32, #tpu.memory_space<vmem>>[vector<16xi32>, vector<16xi32>], vector<16xf32>,
      %mul3A_2391 = arith.constant 16 : i32
      %mul3A_2392 = arith.muli %add3A_2169, %mul3A_2391 : i32
      %swap3A_2393 = arith.constant 2 : i32
      %swap3A_2394 = arith.index_cast %swap3A_2393 : i32 to index
      %swap3A_2395 = arith.index_cast %mul3A_2392 : i32 to index
      %swap3A_2396 = tpu.vector_load %arg7[%swap3A_2394, %swap3A_2395] {strides = array<i32>} : memref<16x512xf32, #tpu.memory_space<vmem>>, vector<16xf32>,
      tpu.vector_store %arg7[%swap3A_2394, %swap3A_2395], %gather3A_2390 {strides = array<i32>} : memref<16x512xf32, #tpu.memory_space<vmem>>, vector<16xf32>,
      %broadcast_in_dim3A_2397 = arith.constant 3 : i32
      %broadcast_in_dim3A_2398 = vector.broadcast %broadcast_in_dim3A_2397 : i32 to vector<16xi32>
      %gather3A_2399 = tpu.vector_load_idx %arg6[%broadcast_in_dim3A_2398, %add3A_2369] : memref<16x6144xf32, #tpu.memory_space<vmem>>[vector<16xi32>, vector<16xi32>], vector<16xf32>,
      %mul3A_2400 = arith.constant 16 : i32
      %mul3A_2401 = arith.muli %add3A_2169, %mul3A_2400 : i32
      %swap3A_2402 = arith.constant 3 : i32
      %swap3A_2403 = arith.index_cast %swap3A_2402 : i32 to index
      %swap3A_2404 = arith.index_cast %mul3A_2401 : i32 to index
      %swap3A_2405 = tpu.vector_load %arg7[%swap3A_2403, %swap3A_2404] {strides = array<i32>} : memref<16x512xf32, #tpu.memory_space<vmem>>, vector<16xf32>,
      tpu.vector_store %arg7[%swap3A_2403, %swap3A_2404], %gather3A_2399 {strides = array<i32>} : memref<16x512xf32, #tpu.memory_space<vmem>>, vector<16xf32>,
      %broadcast_in_dim3A_2406 = arith.constant 4 : i32
      %broadcast_in_dim3A_2407 = vector.broadcast %broadcast_in_dim3A_2406 : i32 to vector<16xi32>
      %gather3A_2408 = tpu.vector_load_idx %arg6[%broadcast_in_dim3A_2407, %add3A_2369] : memref<16x6144xf32, #tpu.memory_space<vmem>>[vector<16xi32>, vector<16xi32>], vector<16xf32>,
      %mul3A_2409 = arith.constant 16 : i32
      %mul3A_2410 = arith.muli %add3A_2169, %mul3A_2409 : i32
      %swap3A_2411 = arith.constant 4 : i32
      %swap3A_2412 = arith.index_cast %swap3A_2411 : i32 to index
      %swap3A_2413 = arith.index_cast %mul3A_2410 : i32 to index
      %swap3A_2414 = tpu.vector_load %arg7[%swap3A_2412, %swap3A_2413] {strides = array<i32>} : memref<16x512xf32, #tpu.memory_space<vmem>>, vector<16xf32>,
      tpu.vector_store %arg7[%swap3A_2412, %swap3A_2413], %gather3A_2408 {strides = array<i32>} : memref<16x512xf32, #tpu.memory_space<vmem>>, vector<16xf32>,
      %broadcast_in_dim3A_2415 = arith.constant 5 : i32
      %broadcast_in_dim3A_2416 = vector.broadcast %broadcast_in_dim3A_2415 : i32 to vector<16xi32>
      %gather3A_2417 = tpu.vector_load_idx %arg6[%broadcast_in_dim3A_2416, %add3A_2369] : memref<16x6144xf32, #tpu.memory_space<vmem>>[vector<16xi32>, vector<16xi32>], vector<16xf32>,
      %mul3A_2418 = arith.constant 16 : i32
      %mul3A_2419 = arith.muli %add3A_2169, %mul3A_2418 : i32
      %swap3A_2420 = arith.constant 5 : i32
      %swap3A_2421 = arith.index_cast %swap3A_2420 : i32 to index
      %swap3A_2422 = arith.index_cast %mul3A_2419 : i32 to index
      %swap3A_2423 = tpu.vector_load %arg7[%swap3A_2421, %swap3A_2422] {strides = array<i32>} : memref<16x512xf32, #tpu.memory_space<vmem>>, vector<16xf32>,
      tpu.vector_store %arg7[%swap3A_2421, %swap3A_2422], %gather3A_2417 {strides = array<i32>} : memref<16x512xf32, #tpu.memory_space<vmem>>, vector<16xf32>,
      %broadcast_in_dim3A_2424 = arith.constant 6 : i32
      %broadcast_in_dim3A_2425 = vector.broadcast %broadcast_in_dim3A_2424 : i32 to vector<16xi32>
      %gather3A_2426 = tpu.vector_load_idx %arg6[%broadcast_in_dim3A_2425, %add3A_2369] : memref<16x6144xf32, #tpu.memory_space<vmem>>[vector<16xi32>, vector<16xi32>], vector<16xf32>,
      %mul3A_2427 = arith.constant 16 : i32
      %mul3A_2428 = arith.muli %add3A_2169, %mul3A_2427 : i32
      %swap3A_2429 = arith.constant 6 : i32
      %swap3A_2430 = arith.index_cast %swap3A_2429 : i32 to index
      %swap3A_2431 = arith.index_cast %mul3A_2428 : i32 to index
      %swap3A_2432 = tpu.vector_load %arg7[%swap3A_2430, %swap3A_2431] {strides = array<i32>} : memref<16x512xf32, #tpu.memory_space<vmem>>, vector<16xf32>,
      tpu.vector_store %arg7[%swap3A_2430, %swap3A_2431], %gather3A_2426 {strides = array<i32>} : memref<16x512xf32, #tpu.memory_space<vmem>>, vector<16xf32>,
      %broadcast_in_dim3A_2433 = arith.constant 7 : i32
      %broadcast_in_dim3A_2434 = vector.broadcast %broadcast_in_dim3A_2433 : i32 to vector<16xi32>
      %gather3A_2435 = tpu.vector_load_idx %arg6[%broadcast_in_dim3A_2434, %add3A_2369] : memref<16x6144xf32, #tpu.memory_space<vmem>>[vector<16xi32>, vector<16xi32>], vector<16xf32>,
      %mul3A_2436 = arith.constant 16 : i32
      %mul3A_2437 = arith.muli %add3A_2169, %mul3A_2436 : i32
      %swap3A_2438 = arith.constant 7 : i32
      %swap3A_2439 = arith.index_cast %swap3A_2438 : i32 to index
      %swap3A_2440 = arith.index_cast %mul3A_2437 : i32 to index
      %swap3A_2441 = tpu.vector_load %arg7[%swap3A_2439, %swap3A_2440] {strides = array<i32>} : memref<16x512xf32, #tpu.memory_space<vmem>>, vector<16xf32>,
      tpu.vector_store %arg7[%swap3A_2439, %swap3A_2440], %gather3A_2435 {strides = array<i32>} : memref<16x512xf32, #tpu.memory_space<vmem>>, vector<16xf32>,
      %broadcast_in_dim3A_2442 = arith.constant 8 : i32
      %broadcast_in_dim3A_2443 = vector.broadcast %broadcast_in_dim3A_2442 : i32 to vector<16xi32>
      %gather3A_2444 = tpu.vector_load_idx %arg6[%broadcast_in_dim3A_2443, %add3A_2369] : memref<16x6144xf32, #tpu.memory_space<vmem>>[vector<16xi32>, vector<16xi32>], vector<16xf32>,
      %mul3A_2445 = arith.constant 16 : i32
      %mul3A_2446 = arith.muli %add3A_2169, %mul3A_2445 : i32
      %swap3A_2447 = arith.constant 8 : i32
      %swap3A_2448 = arith.index_cast %swap3A_2447 : i32 to index
      %swap3A_2449 = arith.index_cast %mul3A_2446 : i32 to index
      %swap3A_2450 = tpu.vector_load %arg7[%swap3A_2448, %swap3A_2449] {strides = array<i32>} : memref<16x512xf32, #tpu.memory_space<vmem>>, vector<16xf32>,
      tpu.vector_store %arg7[%swap3A_2448, %swap3A_2449], %gather3A_2444 {strides = array<i32>} : memref<16x512xf32, #tpu.memory_space<vmem>>, vector<16xf32>,
      %broadcast_in_dim3A_2451 = arith.constant 9 : i32
      %broadcast_in_dim3A_2452 = vector.broadcast %broadcast_in_dim3A_2451 : i32 to vector<16xi32>
      %gather3A_2453 = tpu.vector_load_idx %arg6[%broadcast_in_dim3A_2452, %add3A_2369] : memref<16x6144xf32, #tpu.memory_space<vmem>>[vector<16xi32>, vector<16xi32>], vector<16xf32>,
      %mul3A_2454 = arith.constant 16 : i32
      %mul3A_2455 = arith.muli %add3A_2169, %mul3A_2454 : i32
      %swap3A_2456 = arith.constant 9 : i32
      %swap3A_2457 = arith.index_cast %swap3A_2456 : i32 to index
      %swap3A_2458 = arith.index_cast %mul3A_2455 : i32 to index
      %swap3A_2459 = tpu.vector_load %arg7[%swap3A_2457, %swap3A_2458] {strides = array<i32>} : memref<16x512xf32, #tpu.memory_space<vmem>>, vector<16xf32>,
      tpu.vector_store %arg7[%swap3A_2457, %swap3A_2458], %gather3A_2453 {strides = array<i32>} : memref<16x512xf32, #tpu.memory_space<vmem>>, vector<16xf32>,
      %broadcast_in_dim3A_2460 = arith.constant 10 : i32
      %broadcast_in_dim3A_2461 = vector.broadcast %broadcast_in_dim3A_2460 : i32 to vector<16xi32>
      %gather3A_2462 = tpu.vector_load_idx %arg6[%broadcast_in_dim3A_2461, %add3A_2369] : memref<16x6144xf32, #tpu.memory_space<vmem>>[vector<16xi32>, vector<16xi32>], vector<16xf32>,
      %mul3A_2463 = arith.constant 16 : i32
      %mul3A_2464 = arith.muli %add3A_2169, %mul3A_2463 : i32
      %swap3A_2465 = arith.constant 10 : i32
      %swap3A_2466 = arith.index_cast %swap3A_2465 : i32 to index
      %swap3A_2467 = arith.index_cast %mul3A_2464 : i32 to index
      %swap3A_2468 = tpu.vector_load %arg7[%swap3A_2466, %swap3A_2467] {strides = array<i32>} : memref<16x512xf32, #tpu.memory_space<vmem>>, vector<16xf32>,
      tpu.vector_store %arg7[%swap3A_2466, %swap3A_2467], %gather3A_2462 {strides = array<i32>} : memref<16x512xf32, #tpu.memory_space<vmem>>, vector<16xf32>,
      %broadcast_in_dim3A_2469 = arith.constant 11 : i32
      %broadcast_in_dim3A_2470 = vector.broadcast %broadcast_in_dim3A_2469 : i32 to vector<16xi32>
      %gather3A_2471 = tpu.vector_load_idx %arg6[%broadcast_in_dim3A_2470, %add3A_2369] : memref<16x6144xf32, #tpu.memory_space<vmem>>[vector<16xi32>, vector<16xi32>], vector<16xf32>,
      %mul3A_2472 = arith.constant 16 : i32
      %mul3A_2473 = arith.muli %add3A_2169, %mul3A_2472 : i32
      %swap3A_2474 = arith.constant 11 : i32
      %swap3A_2475 = arith.index_cast %swap3A_2474 : i32 to index
      %swap3A_2476 = arith.index_cast %mul3A_2473 : i32 to index
      %swap3A_2477 = tpu.vector_load %arg7[%swap3A_2475, %swap3A_2476] {strides = array<i32>} : memref<16x512xf32, #tpu.memory_space<vmem>>, vector<16xf32>,
      tpu.vector_store %arg7[%swap3A_2475, %swap3A_2476], %gather3A_2471 {strides = array<i32>} : memref<16x512xf32, #tpu.memory_space<vmem>>, vector<16xf32>,
      %broadcast_in_dim3A_2478 = arith.constant 12 : i32
      %broadcast_in_dim3A_2479 = vector.broadcast %broadcast_in_dim3A_2478 : i32 to vector<16xi32>
      %gather3A_2480 = tpu.vector_load_idx %arg6[%broadcast_in_dim3A_2479, %add3A_2369] : memref<16x6144xf32, #tpu.memory_space<vmem>>[vector<16xi32>, vector<16xi32>], vector<16xf32>,
      %mul3A_2481 = arith.constant 16 : i32
      %mul3A_2482 = arith.muli %add3A_2169, %mul3A_2481 : i32
      %swap3A_2483 = arith.constant 12 : i32
      %swap3A_2484 = arith.index_cast %swap3A_2483 : i32 to index
      %swap3A_2485 = arith.index_cast %mul3A_2482 : i32 to index
      %swap3A_2486 = tpu.vector_load %arg7[%swap3A_2484, %swap3A_2485] {strides = array<i32>} : memref<16x512xf32, #tpu.memory_space<vmem>>, vector<16xf32>,
      tpu.vector_store %arg7[%swap3A_2484, %swap3A_2485], %gather3A_2480 {strides = array<i32>} : memref<16x512xf32, #tpu.memory_space<vmem>>, vector<16xf32>,
      %broadcast_in_dim3A_2487 = arith.constant 13 : i32
      %broadcast_in_dim3A_2488 = vector.broadcast %broadcast_in_dim3A_2487 : i32 to vector<16xi32>
      %gather3A_2489 = tpu.vector_load_idx %arg6[%broadcast_in_dim3A_2488, %add3A_2369] : memref<16x6144xf32, #tpu.memory_space<vmem>>[vector<16xi32>, vector<16xi32>], vector<16xf32>,
      %mul3A_2490 = arith.constant 16 : i32
      %mul3A_2491 = arith.muli %add3A_2169, %mul3A_2490 : i32
      %swap3A_2492 = arith.constant 13 : i32
      %swap3A_2493 = arith.index_cast %swap3A_2492 : i32 to index
      %swap3A_2494 = arith.index_cast %mul3A_2491 : i32 to index
      %swap3A_2495 = tpu.vector_load %arg7[%swap3A_2493, %swap3A_2494] {strides = array<i32>} : memref<16x512xf32, #tpu.memory_space<vmem>>, vector<16xf32>,
      tpu.vector_store %arg7[%swap3A_2493, %swap3A_2494], %gather3A_2489 {strides = array<i32>} : memref<16x512xf32, #tpu.memory_space<vmem>>, vector<16xf32>,
      %broadcast_in_dim3A_2496 = arith.constant 14 : i32
      %broadcast_in_dim3A_2497 = vector.broadcast %broadcast_in_dim3A_2496 : i32 to vector<16xi32>
      %gather3A_2498 = tpu.vector_load_idx %arg6[%broadcast_in_dim3A_2497, %add3A_2369] : memref<16x6144xf32, #tpu.memory_space<vmem>>[vector<16xi32>, vector<16xi32>], vector<16xf32>,
      %mul3A_2499 = arith.constant 16 : i32
      %mul3A_2500 = arith.muli %add3A_2169, %mul3A_2499 : i32
      %swap3A_2501 = arith.constant 14 : i32
      %swap3A_2502 = arith.index_cast %swap3A_2501 : i32 to index
      %swap3A_2503 = arith.index_cast %mul3A_2500 : i32 to index
      %swap3A_2504 = tpu.vector_load %arg7[%swap3A_2502, %swap3A_2503] {strides = array<i32>} : memref<16x512xf32, #tpu.memory_space<vmem>>, vector<16xf32>,
      tpu.vector_store %arg7[%swap3A_2502, %swap3A_2503], %gather3A_2498 {strides = array<i32>} : memref<16x512xf32, #tpu.memory_space<vmem>>, vector<16xf32>,
      %broadcast_in_dim3A_2505 = arith.constant 15 : i32
      %broadcast_in_dim3A_2506 = vector.broadcast %broadcast_in_dim3A_2505 : i32 to vector<16xi32>
      %gather3A_2507 = tpu.vector_load_idx %arg6[%broadcast_in_dim3A_2506, %add3A_2369] : memref<16x6144xf32, #tpu.memory_space<vmem>>[vector<16xi32>, vector<16xi32>], vector<16xf32>,
      %mul3A_2508 = arith.constant 16 : i32
      %mul3A_2509 = arith.muli %add3A_2169, %mul3A_2508 : i32
      %swap3A_2510 = arith.constant 15 : i32
      %swap3A_2511 = arith.index_cast %swap3A_2510 : i32 to index
      %swap3A_2512 = arith.index_cast %mul3A_2509 : i32 to index
      %swap3A_2513 = tpu.vector_load %arg7[%swap3A_2511, %swap3A_2512] {strides = array<i32>} : memref<16x512xf32, #tpu.memory_space<vmem>>, vector<16xf32>,
      tpu.vector_store %arg7[%swap3A_2511, %swap3A_2512], %gather3A_2507 {strides = array<i32>} : memref<16x512xf32, #tpu.memory_space<vmem>>, vector<16xf32>,
      %add3A_2514 = arith.constant 3 : i32
      %add3A_2515 = arith.addi %add3A_2169, %add3A_2514 : i32
      %lt3A_2516 = arith.constant 32 : i32
      %lt3A_2517 = arith.cmpi slt, %add3A_2515, %lt3A_2516 : i32
      %convert_element_type3A_2518 = arith.extui %lt3A_2517 : i1 to i32
      %cond3A_2519 = arith.constant 0 : i32
      %cond3A_2520 = arith.cmpi ne, %convert_element_type3A_2518, %cond3A_2519 : i32
      scf.if %cond3A_2520 {
        %add3A_2522 = arith.constant 3 : i32
        %add3A_2523 = arith.addi %add3A_2169, %add3A_2522 : i32
        %mul3A_2524 = arith.constant 16 : i32
        %mul3A_2525 = arith.muli %add3A_2523, %mul3A_2524 : i32
        %get3A_2526 = arith.index_cast %mul3A_2525 : i32 to index
        %get3A_2527 = tpu.vector_load %arg5[%get3A_2526] {strides = array<i32>} : memref<512xi32, #tpu.memory_space<vmem>>, vector<16xi32>,
        %slice3A_2528 = vector.extract_strided_slice %get3A_2527 {offsets = [0], sizes = [1], strides = [1]} : vector<16xi32> to vector<1xi32>
        %squeeze3A_2529 = vector.extract %slice3A_2528[0] : i32 from vector<1xi32>
        %shift_right_arithmetic3A_2530 = arith.constant 7 : i32
        %shift_right_arithmetic3A_2531 = arith.shrsi %squeeze3A_2529, %shift_right_arithmetic3A_2530 : i32
        %shift_left3A_2532 = arith.constant 7 : i32
        %shift_left3A_2533 = arith.shli %shift_right_arithmetic3A_2531, %shift_left3A_2532 : i32
        %multiple_of3A_2534 = tpu.assume_multiple %shift_left3A_2533, 128 : i32
        %dma_start3A_2535 = arith.constant 0 : i32
        %dma_start3A_2536 = arith.constant 4096 : i32
        %dma_start3A_2537 = tpu.memref_slice %arg6[%dma_start3A_2535, %dma_start3A_2536] : memref<16x6144xf32, #tpu.memory_space<vmem>> -> memref<16x128xf32, #tpu.memory_space<vmem>>
        %dma_start3A_2538 = arith.constant 0 : i32
        %dma_start3A_2539 = tpu.memref_slice %arg2[%dma_start3A_2538, %multiple_of3A_2534] : memref<16x1000000xf32, #tpu.memory_space<hbm>> -> memref<16x128xf32, #tpu.memory_space<hbm>>
        %dma_start3A_2540 = arith.constant 0 : i32
        %dma_start3A_2541 = arith.constant 4096 : i32
        %dma_start3A_2542 = tpu.memref_slice %arg6[%dma_start3A_2540, %dma_start3A_2541] : memref<16x6144xf32, #tpu.memory_space<vmem>> -> memref<16x128xf32, #tpu.memory_space<vmem>>
        %dma_start3A_2543 = arith.constant 0 : i32
        %dma_start3A_2544 = tpu.memref_slice %arg2[%dma_start3A_2543, %multiple_of3A_2534] : memref<16x1000000xf32, #tpu.memory_space<hbm>> -> memref<16x128xf32, #tpu.memory_space<hbm>>
        tpu.enqueue_dma source(%dma_start3A_2544 : memref<16x128xf32, #tpu.memory_space<hbm>>) target(%dma_start3A_2542 : memref<16x128xf32, #tpu.memory_space<vmem>>) target_semaphore(%arg10 : memref<!tpu.dma_semaphore, #tpu.memory_space<semaphore_mem>>)
        %slice3A_2545 = vector.extract_strided_slice %get3A_2527 {offsets = [1], sizes = [1], strides = [1]} : vector<16xi32> to vector<1xi32>
        %squeeze3A_2546 = vector.extract %slice3A_2545[0] : i32 from vector<1xi32>
        %shift_right_arithmetic3A_2547 = arith.constant 7 : i32
        %shift_right_arithmetic3A_2548 = arith.shrsi %squeeze3A_2546, %shift_right_arithmetic3A_2547 : i32
        %shift_left3A_2549 = arith.constant 7 : i32
        %shift_left3A_2550 = arith.shli %shift_right_arithmetic3A_2548, %shift_left3A_2549 : i32
        %multiple_of3A_2551 = tpu.assume_multiple %shift_left3A_2550, 128 : i32
        %dma_start3A_2552 = arith.constant 0 : i32
        %dma_start3A_2553 = arith.constant 4224 : i32
        %dma_start3A_2554 = tpu.memref_slice %arg6[%dma_start3A_2552, %dma_start3A_2553] : memref<16x6144xf32, #tpu.memory_space<vmem>> -> memref<16x128xf32, #tpu.memory_space<vmem>>
        %dma_start3A_2555 = arith.constant 0 : i32
        %dma_start3A_2556 = tpu.memref_slice %arg2[%dma_start3A_2555, %multiple_of3A_2551] : memref<16x1000000xf32, #tpu.memory_space<hbm>> -> memref<16x128xf32, #tpu.memory_space<hbm>>
        %dma_start3A_2557 = arith.constant 0 : i32
        %dma_start3A_2558 = arith.constant 4224 : i32
        %dma_start3A_2559 = tpu.memref_slice %arg6[%dma_start3A_2557, %dma_start3A_2558] : memref<16x6144xf32, #tpu.memory_space<vmem>> -> memref<16x128xf32, #tpu.memory_space<vmem>>
        %dma_start3A_2560 = arith.constant 0 : i32
        %dma_start3A_2561 = tpu.memref_slice %arg2[%dma_start3A_2560, %multiple_of3A_2551] : memref<16x1000000xf32, #tpu.memory_space<hbm>> -> memref<16x128xf32, #tpu.memory_space<hbm>>
        tpu.enqueue_dma source(%dma_start3A_2561 : memref<16x128xf32, #tpu.memory_space<hbm>>) target(%dma_start3A_2559 : memref<16x128xf32, #tpu.memory_space<vmem>>) target_semaphore(%arg10 : memref<!tpu.dma_semaphore, #tpu.memory_space<semaphore_mem>>)
        %slice3A_2562 = vector.extract_strided_slice %get3A_2527 {offsets = [2], sizes = [1], strides = [1]} : vector<16xi32> to vector<1xi32>
        %squeeze3A_2563 = vector.extract %slice3A_2562[0] : i32 from vector<1xi32>
        %shift_right_arithmetic3A_2564 = arith.constant 7 : i32
        %shift_right_arithmetic3A_2565 = arith.shrsi %squeeze3A_2563, %shift_right_arithmetic3A_2564 : i32
        %shift_left3A_2566 = arith.constant 7 : i32
        %shift_left3A_2567 = arith.shli %shift_right_arithmetic3A_2565, %shift_left3A_2566 : i32
        %multiple_of3A_2568 = tpu.assume_multiple %shift_left3A_2567, 128 : i32
        %dma_start3A_2569 = arith.constant 0 : i32
        %dma_start3A_2570 = arith.constant 4352 : i32
        %dma_start3A_2571 = tpu.memref_slice %arg6[%dma_start3A_2569, %dma_start3A_2570] : memref<16x6144xf32, #tpu.memory_space<vmem>> -> memref<16x128xf32, #tpu.memory_space<vmem>>
        %dma_start3A_2572 = arith.constant 0 : i32
        %dma_start3A_2573 = tpu.memref_slice %arg2[%dma_start3A_2572, %multiple_of3A_2568] : memref<16x1000000xf32, #tpu.memory_space<hbm>> -> memref<16x128xf32, #tpu.memory_space<hbm>>
        %dma_start3A_2574 = arith.constant 0 : i32
        %dma_start3A_2575 = arith.constant 4352 : i32
        %dma_start3A_2576 = tpu.memref_slice %arg6[%dma_start3A_2574, %dma_start3A_2575] : memref<16x6144xf32, #tpu.memory_space<vmem>> -> memref<16x128xf32, #tpu.memory_space<vmem>>
        %dma_start3A_2577 = arith.constant 0 : i32
        %dma_start3A_2578 = tpu.memref_slice %arg2[%dma_start3A_2577, %multiple_of3A_2568] : memref<16x1000000xf32, #tpu.memory_space<hbm>> -> memref<16x128xf32, #tpu.memory_space<hbm>>
        tpu.enqueue_dma source(%dma_start3A_2578 : memref<16x128xf32, #tpu.memory_space<hbm>>) target(%dma_start3A_2576 : memref<16x128xf32, #tpu.memory_space<vmem>>) target_semaphore(%arg10 : memref<!tpu.dma_semaphore, #tpu.memory_space<semaphore_mem>>)
        %slice3A_2579 = vector.extract_strided_slice %get3A_2527 {offsets = [3], sizes = [1], strides = [1]} : vector<16xi32> to vector<1xi32>
        %squeeze3A_2580 = vector.extract %slice3A_2579[0] : i32 from vector<1xi32>
        %shift_right_arithmetic3A_2581 = arith.constant 7 : i32
        %shift_right_arithmetic3A_2582 = arith.shrsi %squeeze3A_2580, %shift_right_arithmetic3A_2581 : i32
        %shift_left3A_2583 = arith.constant 7 : i32
        %shift_left3A_2584 = arith.shli %shift_right_arithmetic3A_2582, %shift_left3A_2583 : i32
        %multiple_of3A_2585 = tpu.assume_multiple %shift_left3A_2584, 128 : i32
        %dma_start3A_2586 = arith.constant 0 : i32
        %dma_start3A_2587 = arith.constant 4480 : i32
        %dma_start3A_2588 = tpu.memref_slice %arg6[%dma_start3A_2586, %dma_start3A_2587] : memref<16x6144xf32, #tpu.memory_space<vmem>> -> memref<16x128xf32, #tpu.memory_space<vmem>>
        %dma_start3A_2589 = arith.constant 0 : i32
        %dma_start3A_2590 = tpu.memref_slice %arg2[%dma_start3A_2589, %multiple_of3A_2585] : memref<16x1000000xf32, #tpu.memory_space<hbm>> -> memref<16x128xf32, #tpu.memory_space<hbm>>
        %dma_start3A_2591 = arith.constant 0 : i32
        %dma_start3A_2592 = arith.constant 4480 : i32
        %dma_start3A_2593 = tpu.memref_slice %arg6[%dma_start3A_2591, %dma_start3A_2592] : memref<16x6144xf32, #tpu.memory_space<vmem>> -> memref<16x128xf32, #tpu.memory_space<vmem>>
        %dma_start3A_2594 = arith.constant 0 : i32
        %dma_start3A_2595 = tpu.memref_slice %arg2[%dma_start3A_2594, %multiple_of3A_2585] : memref<16x1000000xf32, #tpu.memory_space<hbm>> -> memref<16x128xf32, #tpu.memory_space<hbm>>
        tpu.enqueue_dma source(%dma_start3A_2595 : memref<16x128xf32, #tpu.memory_space<hbm>>) target(%dma_start3A_2593 : memref<16x128xf32, #tpu.memory_space<vmem>>) target_semaphore(%arg10 : memref<!tpu.dma_semaphore, #tpu.memory_space<semaphore_mem>>)
        %slice3A_2596 = vector.extract_strided_slice %get3A_2527 {offsets = [4], sizes = [1], strides = [1]} : vector<16xi32> to vector<1xi32>
        %squeeze3A_2597 = vector.extract %slice3A_2596[0] : i32 from vector<1xi32>
        %shift_right_arithmetic3A_2598 = arith.constant 7 : i32
        %shift_right_arithmetic3A_2599 = arith.shrsi %squeeze3A_2597, %shift_right_arithmetic3A_2598 : i32
        %shift_left3A_2600 = arith.constant 7 : i32
        %shift_left3A_2601 = arith.shli %shift_right_arithmetic3A_2599, %shift_left3A_2600 : i32
        %multiple_of3A_2602 = tpu.assume_multiple %shift_left3A_2601, 128 : i32
        %dma_start3A_2603 = arith.constant 0 : i32
        %dma_start3A_2604 = arith.constant 4608 : i32
        %dma_start3A_2605 = tpu.memref_slice %arg6[%dma_start3A_2603, %dma_start3A_2604] : memref<16x6144xf32, #tpu.memory_space<vmem>> -> memref<16x128xf32, #tpu.memory_space<vmem>>
        %dma_start3A_2606 = arith.constant 0 : i32
        %dma_start3A_2607 = tpu.memref_slice %arg2[%dma_start3A_2606, %multiple_of3A_2602] : memref<16x1000000xf32, #tpu.memory_space<hbm>> -> memref<16x128xf32, #tpu.memory_space<hbm>>
        %dma_start3A_2608 = arith.constant 0 : i32
        %dma_start3A_2609 = arith.constant 4608 : i32
        %dma_start3A_2610 = tpu.memref_slice %arg6[%dma_start3A_2608, %dma_start3A_2609] : memref<16x6144xf32, #tpu.memory_space<vmem>> -> memref<16x128xf32, #tpu.memory_space<vmem>>
        %dma_start3A_2611 = arith.constant 0 : i32
        %dma_start3A_2612 = tpu.memref_slice %arg2[%dma_start3A_2611, %multiple_of3A_2602] : memref<16x1000000xf32, #tpu.memory_space<hbm>> -> memref<16x128xf32, #tpu.memory_space<hbm>>
        tpu.enqueue_dma source(%dma_start3A_2612 : memref<16x128xf32, #tpu.memory_space<hbm>>) target(%dma_start3A_2610 : memref<16x128xf32, #tpu.memory_space<vmem>>) target_semaphore(%arg10 : memref<!tpu.dma_semaphore, #tpu.memory_space<semaphore_mem>>)
        %slice3A_2613 = vector.extract_strided_slice %get3A_2527 {offsets = [5], sizes = [1], strides = [1]} : vector<16xi32> to vector<1xi32>
        %squeeze3A_2614 = vector.extract %slice3A_2613[0] : i32 from vector<1xi32>
        %shift_right_arithmetic3A_2615 = arith.constant 7 : i32
        %shift_right_arithmetic3A_2616 = arith.shrsi %squeeze3A_2614, %shift_right_arithmetic3A_2615 : i32
        %shift_left3A_2617 = arith.constant 7 : i32
        %shift_left3A_2618 = arith.shli %shift_right_arithmetic3A_2616, %shift_left3A_2617 : i32
        %multiple_of3A_2619 = tpu.assume_multiple %shift_left3A_2618, 128 : i32
        %dma_start3A_2620 = arith.constant 0 : i32
        %dma_start3A_2621 = arith.constant 4736 : i32
        %dma_start3A_2622 = tpu.memref_slice %arg6[%dma_start3A_2620, %dma_start3A_2621] : memref<16x6144xf32, #tpu.memory_space<vmem>> -> memref<16x128xf32, #tpu.memory_space<vmem>>
        %dma_start3A_2623 = arith.constant 0 : i32
        %dma_start3A_2624 = tpu.memref_slice %arg2[%dma_start3A_2623, %multiple_of3A_2619] : memref<16x1000000xf32, #tpu.memory_space<hbm>> -> memref<16x128xf32, #tpu.memory_space<hbm>>
        %dma_start3A_2625 = arith.constant 0 : i32
        %dma_start3A_2626 = arith.constant 4736 : i32
        %dma_start3A_2627 = tpu.memref_slice %arg6[%dma_start3A_2625, %dma_start3A_2626] : memref<16x6144xf32, #tpu.memory_space<vmem>> -> memref<16x128xf32, #tpu.memory_space<vmem>>
        %dma_start3A_2628 = arith.constant 0 : i32
        %dma_start3A_2629 = tpu.memref_slice %arg2[%dma_start3A_2628, %multiple_of3A_2619] : memref<16x1000000xf32, #tpu.memory_space<hbm>> -> memref<16x128xf32, #tpu.memory_space<hbm>>
        tpu.enqueue_dma source(%dma_start3A_2629 : memref<16x128xf32, #tpu.memory_space<hbm>>) target(%dma_start3A_2627 : memref<16x128xf32, #tpu.memory_space<vmem>>) target_semaphore(%arg10 : memref<!tpu.dma_semaphore, #tpu.memory_space<semaphore_mem>>)
        %slice3A_2630 = vector.extract_strided_slice %get3A_2527 {offsets = [6], sizes = [1], strides = [1]} : vector<16xi32> to vector<1xi32>
        %squeeze3A_2631 = vector.extract %slice3A_2630[0] : i32 from vector<1xi32>
        %shift_right_arithmetic3A_2632 = arith.constant 7 : i32
        %shift_right_arithmetic3A_2633 = arith.shrsi %squeeze3A_2631, %shift_right_arithmetic3A_2632 : i32
        %shift_left3A_2634 = arith.constant 7 : i32
        %shift_left3A_2635 = arith.shli %shift_right_arithmetic3A_2633, %shift_left3A_2634 : i32
        %multiple_of3A_2636 = tpu.assume_multiple %shift_left3A_2635, 128 : i32
        %dma_start3A_2637 = arith.constant 0 : i32
        %dma_start3A_2638 = arith.constant 4864 : i32
        %dma_start3A_2639 = tpu.memref_slice %arg6[%dma_start3A_2637, %dma_start3A_2638] : memref<16x6144xf32, #tpu.memory_space<vmem>> -> memref<16x128xf32, #tpu.memory_space<vmem>>
        %dma_start3A_2640 = arith.constant 0 : i32
        %dma_start3A_2641 = tpu.memref_slice %arg2[%dma_start3A_2640, %multiple_of3A_2636] : memref<16x1000000xf32, #tpu.memory_space<hbm>> -> memref<16x128xf32, #tpu.memory_space<hbm>>
        %dma_start3A_2642 = arith.constant 0 : i32
        %dma_start3A_2643 = arith.constant 4864 : i32
        %dma_start3A_2644 = tpu.memref_slice %arg6[%dma_start3A_2642, %dma_start3A_2643] : memref<16x6144xf32, #tpu.memory_space<vmem>> -> memref<16x128xf32, #tpu.memory_space<vmem>>
        %dma_start3A_2645 = arith.constant 0 : i32
        %dma_start3A_2646 = tpu.memref_slice %arg2[%dma_start3A_2645, %multiple_of3A_2636] : memref<16x1000000xf32, #tpu.memory_space<hbm>> -> memref<16x128xf32, #tpu.memory_space<hbm>>
        tpu.enqueue_dma source(%dma_start3A_2646 : memref<16x128xf32, #tpu.memory_space<hbm>>) target(%dma_start3A_2644 : memref<16x128xf32, #tpu.memory_space<vmem>>) target_semaphore(%arg10 : memref<!tpu.dma_semaphore, #tpu.memory_space<semaphore_mem>>)
        %slice3A_2647 = vector.extract_strided_slice %get3A_2527 {offsets = [7], sizes = [1], strides = [1]} : vector<16xi32> to vector<1xi32>
        %squeeze3A_2648 = vector.extract %slice3A_2647[0] : i32 from vector<1xi32>
        %shift_right_arithmetic3A_2649 = arith.constant 7 : i32
        %shift_right_arithmetic3A_2650 = arith.shrsi %squeeze3A_2648, %shift_right_arithmetic3A_2649 : i32
        %shift_left3A_2651 = arith.constant 7 : i32
        %shift_left3A_2652 = arith.shli %shift_right_arithmetic3A_2650, %shift_left3A_2651 : i32
        %multiple_of3A_2653 = tpu.assume_multiple %shift_left3A_2652, 128 : i32
        %dma_start3A_2654 = arith.constant 0 : i32
        %dma_start3A_2655 = arith.constant 4992 : i32
        %dma_start3A_2656 = tpu.memref_slice %arg6[%dma_start3A_2654, %dma_start3A_2655] : memref<16x6144xf32, #tpu.memory_space<vmem>> -> memref<16x128xf32, #tpu.memory_space<vmem>>
        %dma_start3A_2657 = arith.constant 0 : i32
        %dma_start3A_2658 = tpu.memref_slice %arg2[%dma_start3A_2657, %multiple_of3A_2653] : memref<16x1000000xf32, #tpu.memory_space<hbm>> -> memref<16x128xf32, #tpu.memory_space<hbm>>
        %dma_start3A_2659 = arith.constant 0 : i32
        %dma_start3A_2660 = arith.constant 4992 : i32
        %dma_start3A_2661 = tpu.memref_slice %arg6[%dma_start3A_2659, %dma_start3A_2660] : memref<16x6144xf32, #tpu.memory_space<vmem>> -> memref<16x128xf32, #tpu.memory_space<vmem>>
        %dma_start3A_2662 = arith.constant 0 : i32
        %dma_start3A_2663 = tpu.memref_slice %arg2[%dma_start3A_2662, %multiple_of3A_2653] : memref<16x1000000xf32, #tpu.memory_space<hbm>> -> memref<16x128xf32, #tpu.memory_space<hbm>>
        tpu.enqueue_dma source(%dma_start3A_2663 : memref<16x128xf32, #tpu.memory_space<hbm>>) target(%dma_start3A_2661 : memref<16x128xf32, #tpu.memory_space<vmem>>) target_semaphore(%arg10 : memref<!tpu.dma_semaphore, #tpu.memory_space<semaphore_mem>>)
        %slice3A_2664 = vector.extract_strided_slice %get3A_2527 {offsets = [8], sizes = [1], strides = [1]} : vector<16xi32> to vector<1xi32>
        %squeeze3A_2665 = vector.extract %slice3A_2664[0] : i32 from vector<1xi32>
        %shift_right_arithmetic3A_2666 = arith.constant 7 : i32
        %shift_right_arithmetic3A_2667 = arith.shrsi %squeeze3A_2665, %shift_right_arithmetic3A_2666 : i32
        %shift_left3A_2668 = arith.constant 7 : i32
        %shift_left3A_2669 = arith.shli %shift_right_arithmetic3A_2667, %shift_left3A_2668 : i32
        %multiple_of3A_2670 = tpu.assume_multiple %shift_left3A_2669, 128 : i32
        %dma_start3A_2671 = arith.constant 0 : i32
        %dma_start3A_2672 = arith.constant 5120 : i32
        %dma_start3A_2673 = tpu.memref_slice %arg6[%dma_start3A_2671, %dma_start3A_2672] : memref<16x6144xf32, #tpu.memory_space<vmem>> -> memref<16x128xf32, #tpu.memory_space<vmem>>
        %dma_start3A_2674 = arith.constant 0 : i32
        %dma_start3A_2675 = tpu.memref_slice %arg2[%dma_start3A_2674, %multiple_of3A_2670] : memref<16x1000000xf32, #tpu.memory_space<hbm>> -> memref<16x128xf32, #tpu.memory_space<hbm>>
        %dma_start3A_2676 = arith.constant 0 : i32
        %dma_start3A_2677 = arith.constant 5120 : i32
        %dma_start3A_2678 = tpu.memref_slice %arg6[%dma_start3A_2676, %dma_start3A_2677] : memref<16x6144xf32, #tpu.memory_space<vmem>> -> memref<16x128xf32, #tpu.memory_space<vmem>>
        %dma_start3A_2679 = arith.constant 0 : i32
        %dma_start3A_2680 = tpu.memref_slice %arg2[%dma_start3A_2679, %multiple_of3A_2670] : memref<16x1000000xf32, #tpu.memory_space<hbm>> -> memref<16x128xf32, #tpu.memory_space<hbm>>
        tpu.enqueue_dma source(%dma_start3A_2680 : memref<16x128xf32, #tpu.memory_space<hbm>>) target(%dma_start3A_2678 : memref<16x128xf32, #tpu.memory_space<vmem>>) target_semaphore(%arg10 : memref<!tpu.dma_semaphore, #tpu.memory_space<semaphore_mem>>)
        %slice3A_2681 = vector.extract_strided_slice %get3A_2527 {offsets = [9], sizes = [1], strides = [1]} : vector<16xi32> to vector<1xi32>
        %squeeze3A_2682 = vector.extract %slice3A_2681[0] : i32 from vector<1xi32>
        %shift_right_arithmetic3A_2683 = arith.constant 7 : i32
        %shift_right_arithmetic3A_2684 = arith.shrsi %squeeze3A_2682, %shift_right_arithmetic3A_2683 : i32
        %shift_left3A_2685 = arith.constant 7 : i32
        %shift_left3A_2686 = arith.shli %shift_right_arithmetic3A_2684, %shift_left3A_2685 : i32
        %multiple_of3A_2687 = tpu.assume_multiple %shift_left3A_2686, 128 : i32
        %dma_start3A_2688 = arith.constant 0 : i32
        %dma_start3A_2689 = arith.constant 5248 : i32
        %dma_start3A_2690 = tpu.memref_slice %arg6[%dma_start3A_2688, %dma_start3A_2689] : memref<16x6144xf32, #tpu.memory_space<vmem>> -> memref<16x128xf32, #tpu.memory_space<vmem>>
        %dma_start3A_2691 = arith.constant 0 : i32
        %dma_start3A_2692 = tpu.memref_slice %arg2[%dma_start3A_2691, %multiple_of3A_2687] : memref<16x1000000xf32, #tpu.memory_space<hbm>> -> memref<16x128xf32, #tpu.memory_space<hbm>>
        %dma_start3A_2693 = arith.constant 0 : i32
        %dma_start3A_2694 = arith.constant 5248 : i32
        %dma_start3A_2695 = tpu.memref_slice %arg6[%dma_start3A_2693, %dma_start3A_2694] : memref<16x6144xf32, #tpu.memory_space<vmem>> -> memref<16x128xf32, #tpu.memory_space<vmem>>
        %dma_start3A_2696 = arith.constant 0 : i32
        %dma_start3A_2697 = tpu.memref_slice %arg2[%dma_start3A_2696, %multiple_of3A_2687] : memref<16x1000000xf32, #tpu.memory_space<hbm>> -> memref<16x128xf32, #tpu.memory_space<hbm>>
        tpu.enqueue_dma source(%dma_start3A_2697 : memref<16x128xf32, #tpu.memory_space<hbm>>) target(%dma_start3A_2695 : memref<16x128xf32, #tpu.memory_space<vmem>>) target_semaphore(%arg10 : memref<!tpu.dma_semaphore, #tpu.memory_space<semaphore_mem>>)
        %slice3A_2698 = vector.extract_strided_slice %get3A_2527 {offsets = [10], sizes = [1], strides = [1]} : vector<16xi32> to vector<1xi32>
        %squeeze3A_2699 = vector.extract %slice3A_2698[0] : i32 from vector<1xi32>
        %shift_right_arithmetic3A_2700 = arith.constant 7 : i32
        %shift_right_arithmetic3A_2701 = arith.shrsi %squeeze3A_2699, %shift_right_arithmetic3A_2700 : i32
        %shift_left3A_2702 = arith.constant 7 : i32
        %shift_left3A_2703 = arith.shli %shift_right_arithmetic3A_2701, %shift_left3A_2702 : i32
        %multiple_of3A_2704 = tpu.assume_multiple %shift_left3A_2703, 128 : i32
        %dma_start3A_2705 = arith.constant 0 : i32
        %dma_start3A_2706 = arith.constant 5376 : i32
        %dma_start3A_2707 = tpu.memref_slice %arg6[%dma_start3A_2705, %dma_start3A_2706] : memref<16x6144xf32, #tpu.memory_space<vmem>> -> memref<16x128xf32, #tpu.memory_space<vmem>>
        %dma_start3A_2708 = arith.constant 0 : i32
        %dma_start3A_2709 = tpu.memref_slice %arg2[%dma_start3A_2708, %multiple_of3A_2704] : memref<16x1000000xf32, #tpu.memory_space<hbm>> -> memref<16x128xf32, #tpu.memory_space<hbm>>
        %dma_start3A_2710 = arith.constant 0 : i32
        %dma_start3A_2711 = arith.constant 5376 : i32
        %dma_start3A_2712 = tpu.memref_slice %arg6[%dma_start3A_2710, %dma_start3A_2711] : memref<16x6144xf32, #tpu.memory_space<vmem>> -> memref<16x128xf32, #tpu.memory_space<vmem>>
        %dma_start3A_2713 = arith.constant 0 : i32
        %dma_start3A_2714 = tpu.memref_slice %arg2[%dma_start3A_2713, %multiple_of3A_2704] : memref<16x1000000xf32, #tpu.memory_space<hbm>> -> memref<16x128xf32, #tpu.memory_space<hbm>>
        tpu.enqueue_dma source(%dma_start3A_2714 : memref<16x128xf32, #tpu.memory_space<hbm>>) target(%dma_start3A_2712 : memref<16x128xf32, #tpu.memory_space<vmem>>) target_semaphore(%arg10 : memref<!tpu.dma_semaphore, #tpu.memory_space<semaphore_mem>>)
        %slice3A_2715 = vector.extract_strided_slice %get3A_2527 {offsets = [11], sizes = [1], strides = [1]} : vector<16xi32> to vector<1xi32>
        %squeeze3A_2716 = vector.extract %slice3A_2715[0] : i32 from vector<1xi32>
        %shift_right_arithmetic3A_2717 = arith.constant 7 : i32
        %shift_right_arithmetic3A_2718 = arith.shrsi %squeeze3A_2716, %shift_right_arithmetic3A_2717 : i32
        %shift_left3A_2719 = arith.constant 7 : i32
        %shift_left3A_2720 = arith.shli %shift_right_arithmetic3A_2718, %shift_left3A_2719 : i32
        %multiple_of3A_2721 = tpu.assume_multiple %shift_left3A_2720, 128 : i32
        %dma_start3A_2722 = arith.constant 0 : i32
        %dma_start3A_2723 = arith.constant 5504 : i32
        %dma_start3A_2724 = tpu.memref_slice %arg6[%dma_start3A_2722, %dma_start3A_2723] : memref<16x6144xf32, #tpu.memory_space<vmem>> -> memref<16x128xf32, #tpu.memory_space<vmem>>
        %dma_start3A_2725 = arith.constant 0 : i32
        %dma_start3A_2726 = tpu.memref_slice %arg2[%dma_start3A_2725, %multiple_of3A_2721] : memref<16x1000000xf32, #tpu.memory_space<hbm>> -> memref<16x128xf32, #tpu.memory_space<hbm>>
        %dma_start3A_2727 = arith.constant 0 : i32
        %dma_start3A_2728 = arith.constant 5504 : i32
        %dma_start3A_2729 = tpu.memref_slice %arg6[%dma_start3A_2727, %dma_start3A_2728] : memref<16x6144xf32, #tpu.memory_space<vmem>> -> memref<16x128xf32, #tpu.memory_space<vmem>>
        %dma_start3A_2730 = arith.constant 0 : i32
        %dma_start3A_2731 = tpu.memref_slice %arg2[%dma_start3A_2730, %multiple_of3A_2721] : memref<16x1000000xf32, #tpu.memory_space<hbm>> -> memref<16x128xf32, #tpu.memory_space<hbm>>
        tpu.enqueue_dma source(%dma_start3A_2731 : memref<16x128xf32, #tpu.memory_space<hbm>>) target(%dma_start3A_2729 : memref<16x128xf32, #tpu.memory_space<vmem>>) target_semaphore(%arg10 : memref<!tpu.dma_semaphore, #tpu.memory_space<semaphore_mem>>)
        %slice3A_2732 = vector.extract_strided_slice %get3A_2527 {offsets = [12], sizes = [1], strides = [1]} : vector<16xi32> to vector<1xi32>
        %squeeze3A_2733 = vector.extract %slice3A_2732[0] : i32 from vector<1xi32>
        %shift_right_arithmetic3A_2734 = arith.constant 7 : i32
        %shift_right_arithmetic3A_2735 = arith.shrsi %squeeze3A_2733, %shift_right_arithmetic3A_2734 : i32
        %shift_left3A_2736 = arith.constant 7 : i32
        %shift_left3A_2737 = arith.shli %shift_right_arithmetic3A_2735, %shift_left3A_2736 : i32
        %multiple_of3A_2738 = tpu.assume_multiple %shift_left3A_2737, 128 : i32
        %dma_start3A_2739 = arith.constant 0 : i32
        %dma_start3A_2740 = arith.constant 5632 : i32
        %dma_start3A_2741 = tpu.memref_slice %arg6[%dma_start3A_2739, %dma_start3A_2740] : memref<16x6144xf32, #tpu.memory_space<vmem>> -> memref<16x128xf32, #tpu.memory_space<vmem>>
        %dma_start3A_2742 = arith.constant 0 : i32
        %dma_start3A_2743 = tpu.memref_slice %arg2[%dma_start3A_2742, %multiple_of3A_2738] : memref<16x1000000xf32, #tpu.memory_space<hbm>> -> memref<16x128xf32, #tpu.memory_space<hbm>>
        %dma_start3A_2744 = arith.constant 0 : i32
        %dma_start3A_2745 = arith.constant 5632 : i32
        %dma_start3A_2746 = tpu.memref_slice %arg6[%dma_start3A_2744, %dma_start3A_2745] : memref<16x6144xf32, #tpu.memory_space<vmem>> -> memref<16x128xf32, #tpu.memory_space<vmem>>
        %dma_start3A_2747 = arith.constant 0 : i32
        %dma_start3A_2748 = tpu.memref_slice %arg2[%dma_start3A_2747, %multiple_of3A_2738] : memref<16x1000000xf32, #tpu.memory_space<hbm>> -> memref<16x128xf32, #tpu.memory_space<hbm>>
        tpu.enqueue_dma source(%dma_start3A_2748 : memref<16x128xf32, #tpu.memory_space<hbm>>) target(%dma_start3A_2746 : memref<16x128xf32, #tpu.memory_space<vmem>>) target_semaphore(%arg10 : memref<!tpu.dma_semaphore, #tpu.memory_space<semaphore_mem>>)
        %slice3A_2749 = vector.extract_strided_slice %get3A_2527 {offsets = [13], sizes = [1], strides = [1]} : vector<16xi32> to vector<1xi32>
        %squeeze3A_2750 = vector.extract %slice3A_2749[0] : i32 from vector<1xi32>
        %shift_right_arithmetic3A_2751 = arith.constant 7 : i32
        %shift_right_arithmetic3A_2752 = arith.shrsi %squeeze3A_2750, %shift_right_arithmetic3A_2751 : i32
        %shift_left3A_2753 = arith.constant 7 : i32
        %shift_left3A_2754 = arith.shli %shift_right_arithmetic3A_2752, %shift_left3A_2753 : i32
        %multiple_of3A_2755 = tpu.assume_multiple %shift_left3A_2754, 128 : i32
        %dma_start3A_2756 = arith.constant 0 : i32
        %dma_start3A_2757 = arith.constant 5760 : i32
        %dma_start3A_2758 = tpu.memref_slice %arg6[%dma_start3A_2756, %dma_start3A_2757] : memref<16x6144xf32, #tpu.memory_space<vmem>> -> memref<16x128xf32, #tpu.memory_space<vmem>>
        %dma_start3A_2759 = arith.constant 0 : i32
        %dma_start3A_2760 = tpu.memref_slice %arg2[%dma_start3A_2759, %multiple_of3A_2755] : memref<16x1000000xf32, #tpu.memory_space<hbm>> -> memref<16x128xf32, #tpu.memory_space<hbm>>
        %dma_start3A_2761 = arith.constant 0 : i32
        %dma_start3A_2762 = arith.constant 5760 : i32
        %dma_start3A_2763 = tpu.memref_slice %arg6[%dma_start3A_2761, %dma_start3A_2762] : memref<16x6144xf32, #tpu.memory_space<vmem>> -> memref<16x128xf32, #tpu.memory_space<vmem>>
        %dma_start3A_2764 = arith.constant 0 : i32
        %dma_start3A_2765 = tpu.memref_slice %arg2[%dma_start3A_2764, %multiple_of3A_2755] : memref<16x1000000xf32, #tpu.memory_space<hbm>> -> memref<16x128xf32, #tpu.memory_space<hbm>>
        tpu.enqueue_dma source(%dma_start3A_2765 : memref<16x128xf32, #tpu.memory_space<hbm>>) target(%dma_start3A_2763 : memref<16x128xf32, #tpu.memory_space<vmem>>) target_semaphore(%arg10 : memref<!tpu.dma_semaphore, #tpu.memory_space<semaphore_mem>>)
        %slice3A_2766 = vector.extract_strided_slice %get3A_2527 {offsets = [14], sizes = [1], strides = [1]} : vector<16xi32> to vector<1xi32>
        %squeeze3A_2767 = vector.extract %slice3A_2766[0] : i32 from vector<1xi32>
        %shift_right_arithmetic3A_2768 = arith.constant 7 : i32
        %shift_right_arithmetic3A_2769 = arith.shrsi %squeeze3A_2767, %shift_right_arithmetic3A_2768 : i32
        %shift_left3A_2770 = arith.constant 7 : i32
        %shift_left3A_2771 = arith.shli %shift_right_arithmetic3A_2769, %shift_left3A_2770 : i32
        %multiple_of3A_2772 = tpu.assume_multiple %shift_left3A_2771, 128 : i32
        %dma_start3A_2773 = arith.constant 0 : i32
        %dma_start3A_2774 = arith.constant 5888 : i32
        %dma_start3A_2775 = tpu.memref_slice %arg6[%dma_start3A_2773, %dma_start3A_2774] : memref<16x6144xf32, #tpu.memory_space<vmem>> -> memref<16x128xf32, #tpu.memory_space<vmem>>
        %dma_start3A_2776 = arith.constant 0 : i32
        %dma_start3A_2777 = tpu.memref_slice %arg2[%dma_start3A_2776, %multiple_of3A_2772] : memref<16x1000000xf32, #tpu.memory_space<hbm>> -> memref<16x128xf32, #tpu.memory_space<hbm>>
        %dma_start3A_2778 = arith.constant 0 : i32
        %dma_start3A_2779 = arith.constant 5888 : i32
        %dma_start3A_2780 = tpu.memref_slice %arg6[%dma_start3A_2778, %dma_start3A_2779] : memref<16x6144xf32, #tpu.memory_space<vmem>> -> memref<16x128xf32, #tpu.memory_space<vmem>>
        %dma_start3A_2781 = arith.constant 0 : i32
        %dma_start3A_2782 = tpu.memref_slice %arg2[%dma_start3A_2781, %multiple_of3A_2772] : memref<16x1000000xf32, #tpu.memory_space<hbm>> -> memref<16x128xf32, #tpu.memory_space<hbm>>
        tpu.enqueue_dma source(%dma_start3A_2782 : memref<16x128xf32, #tpu.memory_space<hbm>>) target(%dma_start3A_2780 : memref<16x128xf32, #tpu.memory_space<vmem>>) target_semaphore(%arg10 : memref<!tpu.dma_semaphore, #tpu.memory_space<semaphore_mem>>)
        %slice3A_2783 = vector.extract_strided_slice %get3A_2527 {offsets = [15], sizes = [1], strides = [1]} : vector<16xi32> to vector<1xi32>
        %squeeze3A_2784 = vector.extract %slice3A_2783[0] : i32 from vector<1xi32>
        %shift_right_arithmetic3A_2785 = arith.constant 7 : i32
        %shift_right_arithmetic3A_2786 = arith.shrsi %squeeze3A_2784, %shift_right_arithmetic3A_2785 : i32
        %shift_left3A_2787 = arith.constant 7 : i32
        %shift_left3A_2788 = arith.shli %shift_right_arithmetic3A_2786, %shift_left3A_2787 : i32
        %multiple_of3A_2789 = tpu.assume_multiple %shift_left3A_2788, 128 : i32
        %dma_start3A_2790 = arith.constant 0 : i32
        %dma_start3A_2791 = arith.constant 6016 : i32
        %dma_start3A_2792 = tpu.memref_slice %arg6[%dma_start3A_2790, %dma_start3A_2791] : memref<16x6144xf32, #tpu.memory_space<vmem>> -> memref<16x128xf32, #tpu.memory_space<vmem>>
        %dma_start3A_2793 = arith.constant 0 : i32
        %dma_start3A_2794 = tpu.memref_slice %arg2[%dma_start3A_2793, %multiple_of3A_2789] : memref<16x1000000xf32, #tpu.memory_space<hbm>> -> memref<16x128xf32, #tpu.memory_space<hbm>>
        %dma_start3A_2795 = arith.constant 0 : i32
        %dma_start3A_2796 = arith.constant 6016 : i32
        %dma_start3A_2797 = tpu.memref_slice %arg6[%dma_start3A_2795, %dma_start3A_2796] : memref<16x6144xf32, #tpu.memory_space<vmem>> -> memref<16x128xf32, #tpu.memory_space<vmem>>
        %dma_start3A_2798 = arith.constant 0 : i32
        %dma_start3A_2799 = tpu.memref_slice %arg2[%dma_start3A_2798, %multiple_of3A_2789] : memref<16x1000000xf32, #tpu.memory_space<hbm>> -> memref<16x128xf32, #tpu.memory_space<hbm>>
        tpu.enqueue_dma source(%dma_start3A_2799 : memref<16x128xf32, #tpu.memory_space<hbm>>) target(%dma_start3A_2797 : memref<16x128xf32, #tpu.memory_space<vmem>>) target_semaphore(%arg10 : memref<!tpu.dma_semaphore, #tpu.memory_space<semaphore_mem>>)
      } else {
      }
      %scan3A_2521 = arith.constant 0 : i32
      scf.yield %scan3A_2521 : i32
    }
    %scan3A_841 = arith.constant 10 : i32
    %dma_wait3A = arith.constant 0 : i32
    %dma_wait3A_842 = arith.constant 0 : i32
    %dma_wait3A_843 = tpu.memref_slice %arg6[%dma_wait3A, %dma_wait3A_842] : memref<16x6144xf32, #tpu.memory_space<vmem>> -> memref<16x128xf32, #tpu.memory_space<vmem>>
    %dma_wait3A_844 = arith.constant 0 : i32
    %dma_wait3A_845 = arith.constant 0 : i32
    %dma_wait3A_846 = tpu.memref_slice %arg2[%dma_wait3A_844, %dma_wait3A_845] : memref<16x1000000xf32, #tpu.memory_space<hbm>> -> memref<16x128xf32, #tpu.memory_space<hbm>>
    %dma_wait3A_847 = arith.constant 0 : i32
    %dma_wait3A_848 = arith.constant 0 : i32
    %dma_wait3A_849 = tpu.memref_slice %arg6[%dma_wait3A_847, %dma_wait3A_848] : memref<16x6144xf32, #tpu.memory_space<vmem>> -> memref<16x128xf32, #tpu.memory_space<vmem>>
    %dma_wait3A_850 = arith.constant 0 : i32
    %dma_wait3A_851 = arith.constant 0 : i32
    %dma_wait3A_852 = tpu.memref_slice %arg2[%dma_wait3A_850, %dma_wait3A_851] : memref<16x1000000xf32, #tpu.memory_space<hbm>> -> memref<16x128xf32, #tpu.memory_space<hbm>>
    tpu.wait_dma2 semaphore(%arg8 : memref<!tpu.dma_semaphore, #tpu.memory_space<semaphore_mem>>) src(%dma_wait3A_852 : memref<16x128xf32, #tpu.memory_space<hbm>>) dst(%dma_wait3A_849 : memref<16x128xf32, #tpu.memory_space<vmem>>)
    %dma_wait3A_853 = arith.constant 0 : i32
    %dma_wait3A_854 = arith.constant 128 : i32
    %dma_wait3A_855 = tpu.memref_slice %arg6[%dma_wait3A_853, %dma_wait3A_854] : memref<16x6144xf32, #tpu.memory_space<vmem>> -> memref<16x128xf32, #tpu.memory_space<vmem>>
    %dma_wait3A_856 = arith.constant 0 : i32
    %dma_wait3A_857 = arith.constant 0 : i32
    %dma_wait3A_858 = tpu.memref_slice %arg2[%dma_wait3A_856, %dma_wait3A_857] : memref<16x1000000xf32, #tpu.memory_space<hbm>> -> memref<16x128xf32, #tpu.memory_space<hbm>>
    %dma_wait3A_859 = arith.constant 0 : i32
    %dma_wait3A_860 = arith.constant 128 : i32
    %dma_wait3A_861 = tpu.memref_slice %arg6[%dma_wait3A_859, %dma_wait3A_860] : memref<16x6144xf32, #tpu.memory_space<vmem>> -> memref<16x128xf32, #tpu.memory_space<vmem>>
    %dma_wait3A_862 = arith.constant 0 : i32
    %dma_wait3A_863 = arith.constant 0 : i32
    %dma_wait3A_864 = tpu.memref_slice %arg2[%dma_wait3A_862, %dma_wait3A_863] : memref<16x1000000xf32, #tpu.memory_space<hbm>> -> memref<16x128xf32, #tpu.memory_space<hbm>>
    tpu.wait_dma2 semaphore(%arg8 : memref<!tpu.dma_semaphore, #tpu.memory_space<semaphore_mem>>) src(%dma_wait3A_864 : memref<16x128xf32, #tpu.memory_space<hbm>>) dst(%dma_wait3A_861 : memref<16x128xf32, #tpu.memory_space<vmem>>)
    %dma_wait3A_865 = arith.constant 0 : i32
    %dma_wait3A_866 = arith.constant 256 : i32
    %dma_wait3A_867 = tpu.memref_slice %arg6[%dma_wait3A_865, %dma_wait3A_866] : memref<16x6144xf32, #tpu.memory_space<vmem>> -> memref<16x128xf32, #tpu.memory_space<vmem>>
    %dma_wait3A_868 = arith.constant 0 : i32
    %dma_wait3A_869 = arith.constant 0 : i32
    %dma_wait3A_870 = tpu.memref_slice %arg2[%dma_wait3A_868, %dma_wait3A_869] : memref<16x1000000xf32, #tpu.memory_space<hbm>> -> memref<16x128xf32, #tpu.memory_space<hbm>>
    %dma_wait3A_871 = arith.constant 0 : i32
    %dma_wait3A_872 = arith.constant 256 : i32
    %dma_wait3A_873 = tpu.memref_slice %arg6[%dma_wait3A_871, %dma_wait3A_872] : memref<16x6144xf32, #tpu.memory_space<vmem>> -> memref<16x128xf32, #tpu.memory_space<vmem>>
    %dma_wait3A_874 = arith.constant 0 : i32
    %dma_wait3A_875 = arith.constant 0 : i32
    %dma_wait3A_876 = tpu.memref_slice %arg2[%dma_wait3A_874, %dma_wait3A_875] : memref<16x1000000xf32, #tpu.memory_space<hbm>> -> memref<16x128xf32, #tpu.memory_space<hbm>>
    tpu.wait_dma2 semaphore(%arg8 : memref<!tpu.dma_semaphore, #tpu.memory_space<semaphore_mem>>) src(%dma_wait3A_876 : memref<16x128xf32, #tpu.memory_space<hbm>>) dst(%dma_wait3A_873 : memref<16x128xf32, #tpu.memory_space<vmem>>)
    %dma_wait3A_877 = arith.constant 0 : i32
    %dma_wait3A_878 = arith.constant 384 : i32
    %dma_wait3A_879 = tpu.memref_slice %arg6[%dma_wait3A_877, %dma_wait3A_878] : memref<16x6144xf32, #tpu.memory_space<vmem>> -> memref<16x128xf32, #tpu.memory_space<vmem>>
    %dma_wait3A_880 = arith.constant 0 : i32
    %dma_wait3A_881 = arith.constant 0 : i32
    %dma_wait3A_882 = tpu.memref_slice %arg2[%dma_wait3A_880, %dma_wait3A_881] : memref<16x1000000xf32, #tpu.memory_space<hbm>> -> memref<16x128xf32, #tpu.memory_space<hbm>>
    %dma_wait3A_883 = arith.constant 0 : i32
    %dma_wait3A_884 = arith.constant 384 : i32
    %dma_wait3A_885 = tpu.memref_slice %arg6[%dma_wait3A_883, %dma_wait3A_884] : memref<16x6144xf32, #tpu.memory_space<vmem>> -> memref<16x128xf32, #tpu.memory_space<vmem>>
    %dma_wait3A_886 = arith.constant 0 : i32
    %dma_wait3A_887 = arith.constant 0 : i32
    %dma_wait3A_888 = tpu.memref_slice %arg2[%dma_wait3A_886, %dma_wait3A_887] : memref<16x1000000xf32, #tpu.memory_space<hbm>> -> memref<16x128xf32, #tpu.memory_space<hbm>>
    tpu.wait_dma2 semaphore(%arg8 : memref<!tpu.dma_semaphore, #tpu.memory_space<semaphore_mem>>) src(%dma_wait3A_888 : memref<16x128xf32, #tpu.memory_space<hbm>>) dst(%dma_wait3A_885 : memref<16x128xf32, #tpu.memory_space<vmem>>)
    %dma_wait3A_889 = arith.constant 0 : i32
    %dma_wait3A_890 = arith.constant 512 : i32
    %dma_wait3A_891 = tpu.memref_slice %arg6[%dma_wait3A_889, %dma_wait3A_890] : memref<16x6144xf32, #tpu.memory_space<vmem>> -> memref<16x128xf32, #tpu.memory_space<vmem>>
    %dma_wait3A_892 = arith.constant 0 : i32
    %dma_wait3A_893 = arith.constant 0 : i32
    %dma_wait3A_894 = tpu.memref_slice %arg2[%dma_wait3A_892, %dma_wait3A_893] : memref<16x1000000xf32, #tpu.memory_space<hbm>> -> memref<16x128xf32, #tpu.memory_space<hbm>>
    %dma_wait3A_895 = arith.constant 0 : i32
    %dma_wait3A_896 = arith.constant 512 : i32
    %dma_wait3A_897 = tpu.memref_slice %arg6[%dma_wait3A_895, %dma_wait3A_896] : memref<16x6144xf32, #tpu.memory_space<vmem>> -> memref<16x128xf32, #tpu.memory_space<vmem>>
    %dma_wait3A_898 = arith.constant 0 : i32
    %dma_wait3A_899 = arith.constant 0 : i32
    %dma_wait3A_900 = tpu.memref_slice %arg2[%dma_wait3A_898, %dma_wait3A_899] : memref<16x1000000xf32, #tpu.memory_space<hbm>> -> memref<16x128xf32, #tpu.memory_space<hbm>>
    tpu.wait_dma2 semaphore(%arg8 : memref<!tpu.dma_semaphore, #tpu.memory_space<semaphore_mem>>) src(%dma_wait3A_900 : memref<16x128xf32, #tpu.memory_space<hbm>>) dst(%dma_wait3A_897 : memref<16x128xf32, #tpu.memory_space<vmem>>)
    %dma_wait3A_901 = arith.constant 0 : i32
    %dma_wait3A_902 = arith.constant 640 : i32
    %dma_wait3A_903 = tpu.memref_slice %arg6[%dma_wait3A_901, %dma_wait3A_902] : memref<16x6144xf32, #tpu.memory_space<vmem>> -> memref<16x128xf32, #tpu.memory_space<vmem>>
    %dma_wait3A_904 = arith.constant 0 : i32
    %dma_wait3A_905 = arith.constant 0 : i32
    %dma_wait3A_906 = tpu.memref_slice %arg2[%dma_wait3A_904, %dma_wait3A_905] : memref<16x1000000xf32, #tpu.memory_space<hbm>> -> memref<16x128xf32, #tpu.memory_space<hbm>>
    %dma_wait3A_907 = arith.constant 0 : i32
    %dma_wait3A_908 = arith.constant 640 : i32
    %dma_wait3A_909 = tpu.memref_slice %arg6[%dma_wait3A_907, %dma_wait3A_908] : memref<16x6144xf32, #tpu.memory_space<vmem>> -> memref<16x128xf32, #tpu.memory_space<vmem>>
    %dma_wait3A_910 = arith.constant 0 : i32
    %dma_wait3A_911 = arith.constant 0 : i32
    %dma_wait3A_912 = tpu.memref_slice %arg2[%dma_wait3A_910, %dma_wait3A_911] : memref<16x1000000xf32, #tpu.memory_space<hbm>> -> memref<16x128xf32, #tpu.memory_space<hbm>>
    tpu.wait_dma2 semaphore(%arg8 : memref<!tpu.dma_semaphore, #tpu.memory_space<semaphore_mem>>) src(%dma_wait3A_912 : memref<16x128xf32, #tpu.memory_space<hbm>>) dst(%dma_wait3A_909 : memref<16x128xf32, #tpu.memory_space<vmem>>)
    %dma_wait3A_913 = arith.constant 0 : i32
    %dma_wait3A_914 = arith.constant 768 : i32
    %dma_wait3A_915 = tpu.memref_slice %arg6[%dma_wait3A_913, %dma_wait3A_914] : memref<16x6144xf32, #tpu.memory_space<vmem>> -> memref<16x128xf32, #tpu.memory_space<vmem>>
    %dma_wait3A_916 = arith.constant 0 : i32
    %dma_wait3A_917 = arith.constant 0 : i32
    %dma_wait3A_918 = tpu.memref_slice %arg2[%dma_wait3A_916, %dma_wait3A_917] : memref<16x1000000xf32, #tpu.memory_space<hbm>> -> memref<16x128xf32, #tpu.memory_space<hbm>>
    %dma_wait3A_919 = arith.constant 0 : i32
    %dma_wait3A_920 = arith.constant 768 : i32
    %dma_wait3A_921 = tpu.memref_slice %arg6[%dma_wait3A_919, %dma_wait3A_920] : memref<16x6144xf32, #tpu.memory_space<vmem>> -> memref<16x128xf32, #tpu.memory_space<vmem>>
    %dma_wait3A_922 = arith.constant 0 : i32
    %dma_wait3A_923 = arith.constant 0 : i32
    %dma_wait3A_924 = tpu.memref_slice %arg2[%dma_wait3A_922, %dma_wait3A_923] : memref<16x1000000xf32, #tpu.memory_space<hbm>> -> memref<16x128xf32, #tpu.memory_space<hbm>>
    tpu.wait_dma2 semaphore(%arg8 : memref<!tpu.dma_semaphore, #tpu.memory_space<semaphore_mem>>) src(%dma_wait3A_924 : memref<16x128xf32, #tpu.memory_space<hbm>>) dst(%dma_wait3A_921 : memref<16x128xf32, #tpu.memory_space<vmem>>)
    %dma_wait3A_925 = arith.constant 0 : i32
    %dma_wait3A_926 = arith.constant 896 : i32
    %dma_wait3A_927 = tpu.memref_slice %arg6[%dma_wait3A_925, %dma_wait3A_926] : memref<16x6144xf32, #tpu.memory_space<vmem>> -> memref<16x128xf32, #tpu.memory_space<vmem>>
    %dma_wait3A_928 = arith.constant 0 : i32
    %dma_wait3A_929 = arith.constant 0 : i32
    %dma_wait3A_930 = tpu.memref_slice %arg2[%dma_wait3A_928, %dma_wait3A_929] : memref<16x1000000xf32, #tpu.memory_space<hbm>> -> memref<16x128xf32, #tpu.memory_space<hbm>>
    %dma_wait3A_931 = arith.constant 0 : i32
    %dma_wait3A_932 = arith.constant 896 : i32
    %dma_wait3A_933 = tpu.memref_slice %arg6[%dma_wait3A_931, %dma_wait3A_932] : memref<16x6144xf32, #tpu.memory_space<vmem>> -> memref<16x128xf32, #tpu.memory_space<vmem>>
    %dma_wait3A_934 = arith.constant 0 : i32
    %dma_wait3A_935 = arith.constant 0 : i32
    %dma_wait3A_936 = tpu.memref_slice %arg2[%dma_wait3A_934, %dma_wait3A_935] : memref<16x1000000xf32, #tpu.memory_space<hbm>> -> memref<16x128xf32, #tpu.memory_space<hbm>>
    tpu.wait_dma2 semaphore(%arg8 : memref<!tpu.dma_semaphore, #tpu.memory_space<semaphore_mem>>) src(%dma_wait3A_936 : memref<16x128xf32, #tpu.memory_space<hbm>>) dst(%dma_wait3A_933 : memref<16x128xf32, #tpu.memory_space<vmem>>)
    %dma_wait3A_937 = arith.constant 0 : i32
    %dma_wait3A_938 = arith.constant 1024 : i32
    %dma_wait3A_939 = tpu.memref_slice %arg6[%dma_wait3A_937, %dma_wait3A_938] : memref<16x6144xf32, #tpu.memory_space<vmem>> -> memref<16x128xf32, #tpu.memory_space<vmem>>
    %dma_wait3A_940 = arith.constant 0 : i32
    %dma_wait3A_941 = arith.constant 0 : i32
    %dma_wait3A_942 = tpu.memref_slice %arg2[%dma_wait3A_940, %dma_wait3A_941] : memref<16x1000000xf32, #tpu.memory_space<hbm>> -> memref<16x128xf32, #tpu.memory_space<hbm>>
    %dma_wait3A_943 = arith.constant 0 : i32
    %dma_wait3A_944 = arith.constant 1024 : i32
    %dma_wait3A_945 = tpu.memref_slice %arg6[%dma_wait3A_943, %dma_wait3A_944] : memref<16x6144xf32, #tpu.memory_space<vmem>> -> memref<16x128xf32, #tpu.memory_space<vmem>>
    %dma_wait3A_946 = arith.constant 0 : i32
    %dma_wait3A_947 = arith.constant 0 : i32
    %dma_wait3A_948 = tpu.memref_slice %arg2[%dma_wait3A_946, %dma_wait3A_947] : memref<16x1000000xf32, #tpu.memory_space<hbm>> -> memref<16x128xf32, #tpu.memory_space<hbm>>
    tpu.wait_dma2 semaphore(%arg8 : memref<!tpu.dma_semaphore, #tpu.memory_space<semaphore_mem>>) src(%dma_wait3A_948 : memref<16x128xf32, #tpu.memory_space<hbm>>) dst(%dma_wait3A_945 : memref<16x128xf32, #tpu.memory_space<vmem>>)
    %dma_wait3A_949 = arith.constant 0 : i32
    %dma_wait3A_950 = arith.constant 1152 : i32
    %dma_wait3A_951 = tpu.memref_slice %arg6[%dma_wait3A_949, %dma_wait3A_950] : memref<16x6144xf32, #tpu.memory_space<vmem>> -> memref<16x128xf32, #tpu.memory_space<vmem>>
    %dma_wait3A_952 = arith.constant 0 : i32
    %dma_wait3A_953 = arith.constant 0 : i32
    %dma_wait3A_954 = tpu.memref_slice %arg2[%dma_wait3A_952, %dma_wait3A_953] : memref<16x1000000xf32, #tpu.memory_space<hbm>> -> memref<16x128xf32, #tpu.memory_space<hbm>>
    %dma_wait3A_955 = arith.constant 0 : i32
    %dma_wait3A_956 = arith.constant 1152 : i32
    %dma_wait3A_957 = tpu.memref_slice %arg6[%dma_wait3A_955, %dma_wait3A_956] : memref<16x6144xf32, #tpu.memory_space<vmem>> -> memref<16x128xf32, #tpu.memory_space<vmem>>
    %dma_wait3A_958 = arith.constant 0 : i32
    %dma_wait3A_959 = arith.constant 0 : i32
    %dma_wait3A_960 = tpu.memref_slice %arg2[%dma_wait3A_958, %dma_wait3A_959] : memref<16x1000000xf32, #tpu.memory_space<hbm>> -> memref<16x128xf32, #tpu.memory_space<hbm>>
    tpu.wait_dma2 semaphore(%arg8 : memref<!tpu.dma_semaphore, #tpu.memory_space<semaphore_mem>>) src(%dma_wait3A_960 : memref<16x128xf32, #tpu.memory_space<hbm>>) dst(%dma_wait3A_957 : memref<16x128xf32, #tpu.memory_space<vmem>>)
    %dma_wait3A_961 = arith.constant 0 : i32
    %dma_wait3A_962 = arith.constant 1280 : i32
    %dma_wait3A_963 = tpu.memref_slice %arg6[%dma_wait3A_961, %dma_wait3A_962] : memref<16x6144xf32, #tpu.memory_space<vmem>> -> memref<16x128xf32, #tpu.memory_space<vmem>>
    %dma_wait3A_964 = arith.constant 0 : i32
    %dma_wait3A_965 = arith.constant 0 : i32
    %dma_wait3A_966 = tpu.memref_slice %arg2[%dma_wait3A_964, %dma_wait3A_965] : memref<16x1000000xf32, #tpu.memory_space<hbm>> -> memref<16x128xf32, #tpu.memory_space<hbm>>
    %dma_wait3A_967 = arith.constant 0 : i32
    %dma_wait3A_968 = arith.constant 1280 : i32
    %dma_wait3A_969 = tpu.memref_slice %arg6[%dma_wait3A_967, %dma_wait3A_968] : memref<16x6144xf32, #tpu.memory_space<vmem>> -> memref<16x128xf32, #tpu.memory_space<vmem>>
    %dma_wait3A_970 = arith.constant 0 : i32
    %dma_wait3A_971 = arith.constant 0 : i32
    %dma_wait3A_972 = tpu.memref_slice %arg2[%dma_wait3A_970, %dma_wait3A_971] : memref<16x1000000xf32, #tpu.memory_space<hbm>> -> memref<16x128xf32, #tpu.memory_space<hbm>>
    tpu.wait_dma2 semaphore(%arg8 : memref<!tpu.dma_semaphore, #tpu.memory_space<semaphore_mem>>) src(%dma_wait3A_972 : memref<16x128xf32, #tpu.memory_space<hbm>>) dst(%dma_wait3A_969 : memref<16x128xf32, #tpu.memory_space<vmem>>)
    %dma_wait3A_973 = arith.constant 0 : i32
    %dma_wait3A_974 = arith.constant 1408 : i32
    %dma_wait3A_975 = tpu.memref_slice %arg6[%dma_wait3A_973, %dma_wait3A_974] : memref<16x6144xf32, #tpu.memory_space<vmem>> -> memref<16x128xf32, #tpu.memory_space<vmem>>
    %dma_wait3A_976 = arith.constant 0 : i32
    %dma_wait3A_977 = arith.constant 0 : i32
    %dma_wait3A_978 = tpu.memref_slice %arg2[%dma_wait3A_976, %dma_wait3A_977] : memref<16x1000000xf32, #tpu.memory_space<hbm>> -> memref<16x128xf32, #tpu.memory_space<hbm>>
    %dma_wait3A_979 = arith.constant 0 : i32
    %dma_wait3A_980 = arith.constant 1408 : i32
    %dma_wait3A_981 = tpu.memref_slice %arg6[%dma_wait3A_979, %dma_wait3A_980] : memref<16x6144xf32, #tpu.memory_space<vmem>> -> memref<16x128xf32, #tpu.memory_space<vmem>>
    %dma_wait3A_982 = arith.constant 0 : i32
    %dma_wait3A_983 = arith.constant 0 : i32
    %dma_wait3A_984 = tpu.memref_slice %arg2[%dma_wait3A_982, %dma_wait3A_983] : memref<16x1000000xf32, #tpu.memory_space<hbm>> -> memref<16x128xf32, #tpu.memory_space<hbm>>
    tpu.wait_dma2 semaphore(%arg8 : memref<!tpu.dma_semaphore, #tpu.memory_space<semaphore_mem>>) src(%dma_wait3A_984 : memref<16x128xf32, #tpu.memory_space<hbm>>) dst(%dma_wait3A_981 : memref<16x128xf32, #tpu.memory_space<vmem>>)
    %dma_wait3A_985 = arith.constant 0 : i32
    %dma_wait3A_986 = arith.constant 1536 : i32
    %dma_wait3A_987 = tpu.memref_slice %arg6[%dma_wait3A_985, %dma_wait3A_986] : memref<16x6144xf32, #tpu.memory_space<vmem>> -> memref<16x128xf32, #tpu.memory_space<vmem>>
    %dma_wait3A_988 = arith.constant 0 : i32
    %dma_wait3A_989 = arith.constant 0 : i32
    %dma_wait3A_990 = tpu.memref_slice %arg2[%dma_wait3A_988, %dma_wait3A_989] : memref<16x1000000xf32, #tpu.memory_space<hbm>> -> memref<16x128xf32, #tpu.memory_space<hbm>>
    %dma_wait3A_991 = arith.constant 0 : i32
    %dma_wait3A_992 = arith.constant 1536 : i32
    %dma_wait3A_993 = tpu.memref_slice %arg6[%dma_wait3A_991, %dma_wait3A_992] : memref<16x6144xf32, #tpu.memory_space<vmem>> -> memref<16x128xf32, #tpu.memory_space<vmem>>
    %dma_wait3A_994 = arith.constant 0 : i32
    %dma_wait3A_995 = arith.constant 0 : i32
    %dma_wait3A_996 = tpu.memref_slice %arg2[%dma_wait3A_994, %dma_wait3A_995] : memref<16x1000000xf32, #tpu.memory_space<hbm>> -> memref<16x128xf32, #tpu.memory_space<hbm>>
    tpu.wait_dma2 semaphore(%arg8 : memref<!tpu.dma_semaphore, #tpu.memory_space<semaphore_mem>>) src(%dma_wait3A_996 : memref<16x128xf32, #tpu.memory_space<hbm>>) dst(%dma_wait3A_993 : memref<16x128xf32, #tpu.memory_space<vmem>>)
    %dma_wait3A_997 = arith.constant 0 : i32
    %dma_wait3A_998 = arith.constant 1664 : i32
    %dma_wait3A_999 = tpu.memref_slice %arg6[%dma_wait3A_997, %dma_wait3A_998] : memref<16x6144xf32, #tpu.memory_space<vmem>> -> memref<16x128xf32, #tpu.memory_space<vmem>>
    %dma_wait3A_1000 = arith.constant 0 : i32
    %dma_wait3A_1001 = arith.constant 0 : i32
    %dma_wait3A_1002 = tpu.memref_slice %arg2[%dma_wait3A_1000, %dma_wait3A_1001] : memref<16x1000000xf32, #tpu.memory_space<hbm>> -> memref<16x128xf32, #tpu.memory_space<hbm>>
    %dma_wait3A_1003 = arith.constant 0 : i32
    %dma_wait3A_1004 = arith.constant 1664 : i32
    %dma_wait3A_1005 = tpu.memref_slice %arg6[%dma_wait3A_1003, %dma_wait3A_1004] : memref<16x6144xf32, #tpu.memory_space<vmem>> -> memref<16x128xf32, #tpu.memory_space<vmem>>
    %dma_wait3A_1006 = arith.constant 0 : i32
    %dma_wait3A_1007 = arith.constant 0 : i32
    %dma_wait3A_1008 = tpu.memref_slice %arg2[%dma_wait3A_1006, %dma_wait3A_1007] : memref<16x1000000xf32, #tpu.memory_space<hbm>> -> memref<16x128xf32, #tpu.memory_space<hbm>>
    tpu.wait_dma2 semaphore(%arg8 : memref<!tpu.dma_semaphore, #tpu.memory_space<semaphore_mem>>) src(%dma_wait3A_1008 : memref<16x128xf32, #tpu.memory_space<hbm>>) dst(%dma_wait3A_1005 : memref<16x128xf32, #tpu.memory_space<vmem>>)
    %dma_wait3A_1009 = arith.constant 0 : i32
    %dma_wait3A_1010 = arith.constant 1792 : i32
    %dma_wait3A_1011 = tpu.memref_slice %arg6[%dma_wait3A_1009, %dma_wait3A_1010] : memref<16x6144xf32, #tpu.memory_space<vmem>> -> memref<16x128xf32, #tpu.memory_space<vmem>>
    %dma_wait3A_1012 = arith.constant 0 : i32
    %dma_wait3A_1013 = arith.constant 0 : i32
    %dma_wait3A_1014 = tpu.memref_slice %arg2[%dma_wait3A_1012, %dma_wait3A_1013] : memref<16x1000000xf32, #tpu.memory_space<hbm>> -> memref<16x128xf32, #tpu.memory_space<hbm>>
    %dma_wait3A_1015 = arith.constant 0 : i32
    %dma_wait3A_1016 = arith.constant 1792 : i32
    %dma_wait3A_1017 = tpu.memref_slice %arg6[%dma_wait3A_1015, %dma_wait3A_1016] : memref<16x6144xf32, #tpu.memory_space<vmem>> -> memref<16x128xf32, #tpu.memory_space<vmem>>
    %dma_wait3A_1018 = arith.constant 0 : i32
    %dma_wait3A_1019 = arith.constant 0 : i32
    %dma_wait3A_1020 = tpu.memref_slice %arg2[%dma_wait3A_1018, %dma_wait3A_1019] : memref<16x1000000xf32, #tpu.memory_space<hbm>> -> memref<16x128xf32, #tpu.memory_space<hbm>>
    tpu.wait_dma2 semaphore(%arg8 : memref<!tpu.dma_semaphore, #tpu.memory_space<semaphore_mem>>) src(%dma_wait3A_1020 : memref<16x128xf32, #tpu.memory_space<hbm>>) dst(%dma_wait3A_1017 : memref<16x128xf32, #tpu.memory_space<vmem>>)
    %dma_wait3A_1021 = arith.constant 0 : i32
    %dma_wait3A_1022 = arith.constant 1920 : i32
    %dma_wait3A_1023 = tpu.memref_slice %arg6[%dma_wait3A_1021, %dma_wait3A_1022] : memref<16x6144xf32, #tpu.memory_space<vmem>> -> memref<16x128xf32, #tpu.memory_space<vmem>>
    %dma_wait3A_1024 = arith.constant 0 : i32
    %dma_wait3A_1025 = arith.constant 0 : i32
    %dma_wait3A_1026 = tpu.memref_slice %arg2[%dma_wait3A_1024, %dma_wait3A_1025] : memref<16x1000000xf32, #tpu.memory_space<hbm>> -> memref<16x128xf32, #tpu.memory_space<hbm>>
    %dma_wait3A_1027 = arith.constant 0 : i32
    %dma_wait3A_1028 = arith.constant 1920 : i32
    %dma_wait3A_1029 = tpu.memref_slice %arg6[%dma_wait3A_1027, %dma_wait3A_1028] : memref<16x6144xf32, #tpu.memory_space<vmem>> -> memref<16x128xf32, #tpu.memory_space<vmem>>
    %dma_wait3A_1030 = arith.constant 0 : i32
    %dma_wait3A_1031 = arith.constant 0 : i32
    %dma_wait3A_1032 = tpu.memref_slice %arg2[%dma_wait3A_1030, %dma_wait3A_1031] : memref<16x1000000xf32, #tpu.memory_space<hbm>> -> memref<16x128xf32, #tpu.memory_space<hbm>>
    tpu.wait_dma2 semaphore(%arg8 : memref<!tpu.dma_semaphore, #tpu.memory_space<semaphore_mem>>) src(%dma_wait3A_1032 : memref<16x128xf32, #tpu.memory_space<hbm>>) dst(%dma_wait3A_1029 : memref<16x128xf32, #tpu.memory_space<vmem>>)
    %get3A_1033 = arith.constant 480 : index
    %get3A_1034 = tpu.vector_load %arg5[%get3A_1033] {strides = array<i32>} : memref<512xi32, #tpu.memory_space<vmem>>, vector<16xi32>,
    %and3A = arith.constant 127 : i32
    %and3A_1035 = vector.broadcast %and3A : i32 to vector<16xi32>
    %and3A_1036 = arith.andi %get3A_1034, %and3A_1035 : vector<16xi32>
    %add3A_1037 = arith.addi %mul3A_8, %and3A_1036 : vector<16xi32>
    %broadcast_in_dim3A = arith.constant 0 : i32
    %broadcast_in_dim3A_1038 = vector.broadcast %broadcast_in_dim3A : i32 to vector<16xi32>
    %gather3A = tpu.vector_load_idx %arg6[%broadcast_in_dim3A_1038, %add3A_1037] : memref<16x6144xf32, #tpu.memory_space<vmem>>[vector<16xi32>, vector<16xi32>], vector<16xf32>,
    %swap3A = arith.constant 0 : i32
    %swap3A_1039 = arith.index_cast %swap3A : i32 to index
    %swap3A_1040 = arith.constant 480 : index
    %swap3A_1041 = tpu.vector_load %arg7[%swap3A_1039, %swap3A_1040] {strides = array<i32>} : memref<16x512xf32, #tpu.memory_space<vmem>>, vector<16xf32>,
    tpu.vector_store %arg7[%swap3A_1039, %swap3A_1040], %gather3A {strides = array<i32>} : memref<16x512xf32, #tpu.memory_space<vmem>>, vector<16xf32>,
    %broadcast_in_dim3A_1042 = arith.constant 1 : i32
    %broadcast_in_dim3A_1043 = vector.broadcast %broadcast_in_dim3A_1042 : i32 to vector<16xi32>
    %gather3A_1044 = tpu.vector_load_idx %arg6[%broadcast_in_dim3A_1043, %add3A_1037] : memref<16x6144xf32, #tpu.memory_space<vmem>>[vector<16xi32>, vector<16xi32>], vector<16xf32>,
    %swap3A_1045 = arith.constant 1 : i32
    %swap3A_1046 = arith.index_cast %swap3A_1045 : i32 to index
    %swap3A_1047 = arith.constant 480 : index
    %swap3A_1048 = tpu.vector_load %arg7[%swap3A_1046, %swap3A_1047] {strides = array<i32>} : memref<16x512xf32, #tpu.memory_space<vmem>>, vector<16xf32>,
    tpu.vector_store %arg7[%swap3A_1046, %swap3A_1047], %gather3A_1044 {strides = array<i32>} : memref<16x512xf32, #tpu.memory_space<vmem>>, vector<16xf32>,
    %broadcast_in_dim3A_1049 = arith.constant 2 : i32
    %broadcast_in_dim3A_1050 = vector.broadcast %broadcast_in_dim3A_1049 : i32 to vector<16xi32>
    %gather3A_1051 = tpu.vector_load_idx %arg6[%broadcast_in_dim3A_1050, %add3A_1037] : memref<16x6144xf32, #tpu.memory_space<vmem>>[vector<16xi32>, vector<16xi32>], vector<16xf32>,
    %swap3A_1052 = arith.constant 2 : i32
    %swap3A_1053 = arith.index_cast %swap3A_1052 : i32 to index
    %swap3A_1054 = arith.constant 480 : index
    %swap3A_1055 = tpu.vector_load %arg7[%swap3A_1053, %swap3A_1054] {strides = array<i32>} : memref<16x512xf32, #tpu.memory_space<vmem>>, vector<16xf32>,
    tpu.vector_store %arg7[%swap3A_1053, %swap3A_1054], %gather3A_1051 {strides = array<i32>} : memref<16x512xf32, #tpu.memory_space<vmem>>, vector<16xf32>,
    %broadcast_in_dim3A_1056 = arith.constant 3 : i32
    %broadcast_in_dim3A_1057 = vector.broadcast %broadcast_in_dim3A_1056 : i32 to vector<16xi32>
    %gather3A_1058 = tpu.vector_load_idx %arg6[%broadcast_in_dim3A_1057, %add3A_1037] : memref<16x6144xf32, #tpu.memory_space<vmem>>[vector<16xi32>, vector<16xi32>], vector<16xf32>,
    %swap3A_1059 = arith.constant 3 : i32
    %swap3A_1060 = arith.index_cast %swap3A_1059 : i32 to index
    %swap3A_1061 = arith.constant 480 : index
    %swap3A_1062 = tpu.vector_load %arg7[%swap3A_1060, %swap3A_1061] {strides = array<i32>} : memref<16x512xf32, #tpu.memory_space<vmem>>, vector<16xf32>,
    tpu.vector_store %arg7[%swap3A_1060, %swap3A_1061], %gather3A_1058 {strides = array<i32>} : memref<16x512xf32, #tpu.memory_space<vmem>>, vector<16xf32>,
    %broadcast_in_dim3A_1063 = arith.constant 4 : i32
    %broadcast_in_dim3A_1064 = vector.broadcast %broadcast_in_dim3A_1063 : i32 to vector<16xi32>
    %gather3A_1065 = tpu.vector_load_idx %arg6[%broadcast_in_dim3A_1064, %add3A_1037] : memref<16x6144xf32, #tpu.memory_space<vmem>>[vector<16xi32>, vector<16xi32>], vector<16xf32>,
    %swap3A_1066 = arith.constant 4 : i32
    %swap3A_1067 = arith.index_cast %swap3A_1066 : i32 to index
    %swap3A_1068 = arith.constant 480 : index
    %swap3A_1069 = tpu.vector_load %arg7[%swap3A_1067, %swap3A_1068] {strides = array<i32>} : memref<16x512xf32, #tpu.memory_space<vmem>>, vector<16xf32>,
    tpu.vector_store %arg7[%swap3A_1067, %swap3A_1068], %gather3A_1065 {strides = array<i32>} : memref<16x512xf32, #tpu.memory_space<vmem>>, vector<16xf32>,
    %broadcast_in_dim3A_1070 = arith.constant 5 : i32
    %broadcast_in_dim3A_1071 = vector.broadcast %broadcast_in_dim3A_1070 : i32 to vector<16xi32>
    %gather3A_1072 = tpu.vector_load_idx %arg6[%broadcast_in_dim3A_1071, %add3A_1037] : memref<16x6144xf32, #tpu.memory_space<vmem>>[vector<16xi32>, vector<16xi32>], vector<16xf32>,
    %swap3A_1073 = arith.constant 5 : i32
    %swap3A_1074 = arith.index_cast %swap3A_1073 : i32 to index
    %swap3A_1075 = arith.constant 480 : index
    %swap3A_1076 = tpu.vector_load %arg7[%swap3A_1074, %swap3A_1075] {strides = array<i32>} : memref<16x512xf32, #tpu.memory_space<vmem>>, vector<16xf32>,
    tpu.vector_store %arg7[%swap3A_1074, %swap3A_1075], %gather3A_1072 {strides = array<i32>} : memref<16x512xf32, #tpu.memory_space<vmem>>, vector<16xf32>,
    %broadcast_in_dim3A_1077 = arith.constant 6 : i32
    %broadcast_in_dim3A_1078 = vector.broadcast %broadcast_in_dim3A_1077 : i32 to vector<16xi32>
    %gather3A_1079 = tpu.vector_load_idx %arg6[%broadcast_in_dim3A_1078, %add3A_1037] : memref<16x6144xf32, #tpu.memory_space<vmem>>[vector<16xi32>, vector<16xi32>], vector<16xf32>,
    %swap3A_1080 = arith.constant 6 : i32
    %swap3A_1081 = arith.index_cast %swap3A_1080 : i32 to index
    %swap3A_1082 = arith.constant 480 : index
    %swap3A_1083 = tpu.vector_load %arg7[%swap3A_1081, %swap3A_1082] {strides = array<i32>} : memref<16x512xf32, #tpu.memory_space<vmem>>, vector<16xf32>,
    tpu.vector_store %arg7[%swap3A_1081, %swap3A_1082], %gather3A_1079 {strides = array<i32>} : memref<16x512xf32, #tpu.memory_space<vmem>>, vector<16xf32>,
    %broadcast_in_dim3A_1084 = arith.constant 7 : i32
    %broadcast_in_dim3A_1085 = vector.broadcast %broadcast_in_dim3A_1084 : i32 to vector<16xi32>
    %gather3A_1086 = tpu.vector_load_idx %arg6[%broadcast_in_dim3A_1085, %add3A_1037] : memref<16x6144xf32, #tpu.memory_space<vmem>>[vector<16xi32>, vector<16xi32>], vector<16xf32>,
    %swap3A_1087 = arith.constant 7 : i32
    %swap3A_1088 = arith.index_cast %swap3A_1087 : i32 to index
    %swap3A_1089 = arith.constant 480 : index
    %swap3A_1090 = tpu.vector_load %arg7[%swap3A_1088, %swap3A_1089] {strides = array<i32>} : memref<16x512xf32, #tpu.memory_space<vmem>>, vector<16xf32>,
    tpu.vector_store %arg7[%swap3A_1088, %swap3A_1089], %gather3A_1086 {strides = array<i32>} : memref<16x512xf32, #tpu.memory_space<vmem>>, vector<16xf32>,
    %broadcast_in_dim3A_1091 = arith.constant 8 : i32
    %broadcast_in_dim3A_1092 = vector.broadcast %broadcast_in_dim3A_1091 : i32 to vector<16xi32>
    %gather3A_1093 = tpu.vector_load_idx %arg6[%broadcast_in_dim3A_1092, %add3A_1037] : memref<16x6144xf32, #tpu.memory_space<vmem>>[vector<16xi32>, vector<16xi32>], vector<16xf32>,
    %swap3A_1094 = arith.constant 8 : i32
    %swap3A_1095 = arith.index_cast %swap3A_1094 : i32 to index
    %swap3A_1096 = arith.constant 480 : index
    %swap3A_1097 = tpu.vector_load %arg7[%swap3A_1095, %swap3A_1096] {strides = array<i32>} : memref<16x512xf32, #tpu.memory_space<vmem>>, vector<16xf32>,
    tpu.vector_store %arg7[%swap3A_1095, %swap3A_1096], %gather3A_1093 {strides = array<i32>} : memref<16x512xf32, #tpu.memory_space<vmem>>, vector<16xf32>,
    %broadcast_in_dim3A_1098 = arith.constant 9 : i32
    %broadcast_in_dim3A_1099 = vector.broadcast %broadcast_in_dim3A_1098 : i32 to vector<16xi32>
    %gather3A_1100 = tpu.vector_load_idx %arg6[%broadcast_in_dim3A_1099, %add3A_1037] : memref<16x6144xf32, #tpu.memory_space<vmem>>[vector<16xi32>, vector<16xi32>], vector<16xf32>,
    %swap3A_1101 = arith.constant 9 : i32
    %swap3A_1102 = arith.index_cast %swap3A_1101 : i32 to index
    %swap3A_1103 = arith.constant 480 : index
    %swap3A_1104 = tpu.vector_load %arg7[%swap3A_1102, %swap3A_1103] {strides = array<i32>} : memref<16x512xf32, #tpu.memory_space<vmem>>, vector<16xf32>,
    tpu.vector_store %arg7[%swap3A_1102, %swap3A_1103], %gather3A_1100 {strides = array<i32>} : memref<16x512xf32, #tpu.memory_space<vmem>>, vector<16xf32>,
    %broadcast_in_dim3A_1105 = arith.constant 10 : i32
    %broadcast_in_dim3A_1106 = vector.broadcast %broadcast_in_dim3A_1105 : i32 to vector<16xi32>
    %gather3A_1107 = tpu.vector_load_idx %arg6[%broadcast_in_dim3A_1106, %add3A_1037] : memref<16x6144xf32, #tpu.memory_space<vmem>>[vector<16xi32>, vector<16xi32>], vector<16xf32>,
    %swap3A_1108 = arith.constant 10 : i32
    %swap3A_1109 = arith.index_cast %swap3A_1108 : i32 to index
    %swap3A_1110 = arith.constant 480 : index
    %swap3A_1111 = tpu.vector_load %arg7[%swap3A_1109, %swap3A_1110] {strides = array<i32>} : memref<16x512xf32, #tpu.memory_space<vmem>>, vector<16xf32>,
    tpu.vector_store %arg7[%swap3A_1109, %swap3A_1110], %gather3A_1107 {strides = array<i32>} : memref<16x512xf32, #tpu.memory_space<vmem>>, vector<16xf32>,
    %broadcast_in_dim3A_1112 = arith.constant 11 : i32
    %broadcast_in_dim3A_1113 = vector.broadcast %broadcast_in_dim3A_1112 : i32 to vector<16xi32>
    %gather3A_1114 = tpu.vector_load_idx %arg6[%broadcast_in_dim3A_1113, %add3A_1037] : memref<16x6144xf32, #tpu.memory_space<vmem>>[vector<16xi32>, vector<16xi32>], vector<16xf32>,
    %swap3A_1115 = arith.constant 11 : i32
    %swap3A_1116 = arith.index_cast %swap3A_1115 : i32 to index
    %swap3A_1117 = arith.constant 480 : index
    %swap3A_1118 = tpu.vector_load %arg7[%swap3A_1116, %swap3A_1117] {strides = array<i32>} : memref<16x512xf32, #tpu.memory_space<vmem>>, vector<16xf32>,
    tpu.vector_store %arg7[%swap3A_1116, %swap3A_1117], %gather3A_1114 {strides = array<i32>} : memref<16x512xf32, #tpu.memory_space<vmem>>, vector<16xf32>,
    %broadcast_in_dim3A_1119 = arith.constant 12 : i32
    %broadcast_in_dim3A_1120 = vector.broadcast %broadcast_in_dim3A_1119 : i32 to vector<16xi32>
    %gather3A_1121 = tpu.vector_load_idx %arg6[%broadcast_in_dim3A_1120, %add3A_1037] : memref<16x6144xf32, #tpu.memory_space<vmem>>[vector<16xi32>, vector<16xi32>], vector<16xf32>,
    %swap3A_1122 = arith.constant 12 : i32
    %swap3A_1123 = arith.index_cast %swap3A_1122 : i32 to index
    %swap3A_1124 = arith.constant 480 : index
    %swap3A_1125 = tpu.vector_load %arg7[%swap3A_1123, %swap3A_1124] {strides = array<i32>} : memref<16x512xf32, #tpu.memory_space<vmem>>, vector<16xf32>,
    tpu.vector_store %arg7[%swap3A_1123, %swap3A_1124], %gather3A_1121 {strides = array<i32>} : memref<16x512xf32, #tpu.memory_space<vmem>>, vector<16xf32>,
    %broadcast_in_dim3A_1126 = arith.constant 13 : i32
    %broadcast_in_dim3A_1127 = vector.broadcast %broadcast_in_dim3A_1126 : i32 to vector<16xi32>
    %gather3A_1128 = tpu.vector_load_idx %arg6[%broadcast_in_dim3A_1127, %add3A_1037] : memref<16x6144xf32, #tpu.memory_space<vmem>>[vector<16xi32>, vector<16xi32>], vector<16xf32>,
    %swap3A_1129 = arith.constant 13 : i32
    %swap3A_1130 = arith.index_cast %swap3A_1129 : i32 to index
    %swap3A_1131 = arith.constant 480 : index
    %swap3A_1132 = tpu.vector_load %arg7[%swap3A_1130, %swap3A_1131] {strides = array<i32>} : memref<16x512xf32, #tpu.memory_space<vmem>>, vector<16xf32>,
    tpu.vector_store %arg7[%swap3A_1130, %swap3A_1131], %gather3A_1128 {strides = array<i32>} : memref<16x512xf32, #tpu.memory_space<vmem>>, vector<16xf32>,
    %broadcast_in_dim3A_1133 = arith.constant 14 : i32
    %broadcast_in_dim3A_1134 = vector.broadcast %broadcast_in_dim3A_1133 : i32 to vector<16xi32>
    %gather3A_1135 = tpu.vector_load_idx %arg6[%broadcast_in_dim3A_1134, %add3A_1037] : memref<16x6144xf32, #tpu.memory_space<vmem>>[vector<16xi32>, vector<16xi32>], vector<16xf32>,
    %swap3A_1136 = arith.constant 14 : i32
    %swap3A_1137 = arith.index_cast %swap3A_1136 : i32 to index
    %swap3A_1138 = arith.constant 480 : index
    %swap3A_1139 = tpu.vector_load %arg7[%swap3A_1137, %swap3A_1138] {strides = array<i32>} : memref<16x512xf32, #tpu.memory_space<vmem>>, vector<16xf32>,
    tpu.vector_store %arg7[%swap3A_1137, %swap3A_1138], %gather3A_1135 {strides = array<i32>} : memref<16x512xf32, #tpu.memory_space<vmem>>, vector<16xf32>,
    %broadcast_in_dim3A_1140 = arith.constant 15 : i32
    %broadcast_in_dim3A_1141 = vector.broadcast %broadcast_in_dim3A_1140 : i32 to vector<16xi32>
    %gather3A_1142 = tpu.vector_load_idx %arg6[%broadcast_in_dim3A_1141, %add3A_1037] : memref<16x6144xf32, #tpu.memory_space<vmem>>[vector<16xi32>, vector<16xi32>], vector<16xf32>,
    %swap3A_1143 = arith.constant 15 : i32
    %swap3A_1144 = arith.index_cast %swap3A_1143 : i32 to index
    %swap3A_1145 = arith.constant 480 : index
    %swap3A_1146 = tpu.vector_load %arg7[%swap3A_1144, %swap3A_1145] {strides = array<i32>} : memref<16x512xf32, #tpu.memory_space<vmem>>, vector<16xf32>,
    tpu.vector_store %arg7[%swap3A_1144, %swap3A_1145], %gather3A_1142 {strides = array<i32>} : memref<16x512xf32, #tpu.memory_space<vmem>>, vector<16xf32>,
    %dma_wait3A_1147 = arith.constant 0 : i32
    %dma_wait3A_1148 = arith.constant 2048 : i32
    %dma_wait3A_1149 = tpu.memref_slice %arg6[%dma_wait3A_1147, %dma_wait3A_1148] : memref<16x6144xf32, #tpu.memory_space<vmem>> -> memref<16x128xf32, #tpu.memory_space<vmem>>
    %dma_wait3A_1150 = arith.constant 0 : i32
    %dma_wait3A_1151 = arith.constant 0 : i32
    %dma_wait3A_1152 = tpu.memref_slice %arg2[%dma_wait3A_1150, %dma_wait3A_1151] : memref<16x1000000xf32, #tpu.memory_space<hbm>> -> memref<16x128xf32, #tpu.memory_space<hbm>>
    %dma_wait3A_1153 = arith.constant 0 : i32
    %dma_wait3A_1154 = arith.constant 2048 : i32
    %dma_wait3A_1155 = tpu.memref_slice %arg6[%dma_wait3A_1153, %dma_wait3A_1154] : memref<16x6144xf32, #tpu.memory_space<vmem>> -> memref<16x128xf32, #tpu.memory_space<vmem>>
    %dma_wait3A_1156 = arith.constant 0 : i32
    %dma_wait3A_1157 = arith.constant 0 : i32
    %dma_wait3A_1158 = tpu.memref_slice %arg2[%dma_wait3A_1156, %dma_wait3A_1157] : memref<16x1000000xf32, #tpu.memory_space<hbm>> -> memref<16x128xf32, #tpu.memory_space<hbm>>
    tpu.wait_dma2 semaphore(%arg9 : memref<!tpu.dma_semaphore, #tpu.memory_space<semaphore_mem>>) src(%dma_wait3A_1158 : memref<16x128xf32, #tpu.memory_space<hbm>>) dst(%dma_wait3A_1155 : memref<16x128xf32, #tpu.memory_space<vmem>>)
    %dma_wait3A_1159 = arith.constant 0 : i32
    %dma_wait3A_1160 = arith.constant 2176 : i32
    %dma_wait3A_1161 = tpu.memref_slice %arg6[%dma_wait3A_1159, %dma_wait3A_1160] : memref<16x6144xf32, #tpu.memory_space<vmem>> -> memref<16x128xf32, #tpu.memory_space<vmem>>
    %dma_wait3A_1162 = arith.constant 0 : i32
    %dma_wait3A_1163 = arith.constant 0 : i32
    %dma_wait3A_1164 = tpu.memref_slice %arg2[%dma_wait3A_1162, %dma_wait3A_1163] : memref<16x1000000xf32, #tpu.memory_space<hbm>> -> memref<16x128xf32, #tpu.memory_space<hbm>>
    %dma_wait3A_1165 = arith.constant 0 : i32
    %dma_wait3A_1166 = arith.constant 2176 : i32
    %dma_wait3A_1167 = tpu.memref_slice %arg6[%dma_wait3A_1165, %dma_wait3A_1166] : memref<16x6144xf32, #tpu.memory_space<vmem>> -> memref<16x128xf32, #tpu.memory_space<vmem>>
    %dma_wait3A_1168 = arith.constant 0 : i32
    %dma_wait3A_1169 = arith.constant 0 : i32
    %dma_wait3A_1170 = tpu.memref_slice %arg2[%dma_wait3A_1168, %dma_wait3A_1169] : memref<16x1000000xf32, #tpu.memory_space<hbm>> -> memref<16x128xf32, #tpu.memory_space<hbm>>
    tpu.wait_dma2 semaphore(%arg9 : memref<!tpu.dma_semaphore, #tpu.memory_space<semaphore_mem>>) src(%dma_wait3A_1170 : memref<16x128xf32, #tpu.memory_space<hbm>>) dst(%dma_wait3A_1167 : memref<16x128xf32, #tpu.memory_space<vmem>>)
    %dma_wait3A_1171 = arith.constant 0 : i32
    %dma_wait3A_1172 = arith.constant 2304 : i32
    %dma_wait3A_1173 = tpu.memref_slice %arg6[%dma_wait3A_1171, %dma_wait3A_1172] : memref<16x6144xf32, #tpu.memory_space<vmem>> -> memref<16x128xf32, #tpu.memory_space<vmem>>
    %dma_wait3A_1174 = arith.constant 0 : i32
    %dma_wait3A_1175 = arith.constant 0 : i32
    %dma_wait3A_1176 = tpu.memref_slice %arg2[%dma_wait3A_1174, %dma_wait3A_1175] : memref<16x1000000xf32, #tpu.memory_space<hbm>> -> memref<16x128xf32, #tpu.memory_space<hbm>>
    %dma_wait3A_1177 = arith.constant 0 : i32
    %dma_wait3A_1178 = arith.constant 2304 : i32
    %dma_wait3A_1179 = tpu.memref_slice %arg6[%dma_wait3A_1177, %dma_wait3A_1178] : memref<16x6144xf32, #tpu.memory_space<vmem>> -> memref<16x128xf32, #tpu.memory_space<vmem>>
    %dma_wait3A_1180 = arith.constant 0 : i32
    %dma_wait3A_1181 = arith.constant 0 : i32
    %dma_wait3A_1182 = tpu.memref_slice %arg2[%dma_wait3A_1180, %dma_wait3A_1181] : memref<16x1000000xf32, #tpu.memory_space<hbm>> -> memref<16x128xf32, #tpu.memory_space<hbm>>
    tpu.wait_dma2 semaphore(%arg9 : memref<!tpu.dma_semaphore, #tpu.memory_space<semaphore_mem>>) src(%dma_wait3A_1182 : memref<16x128xf32, #tpu.memory_space<hbm>>) dst(%dma_wait3A_1179 : memref<16x128xf32, #tpu.memory_space<vmem>>)
    %dma_wait3A_1183 = arith.constant 0 : i32
    %dma_wait3A_1184 = arith.constant 2432 : i32
    %dma_wait3A_1185 = tpu.memref_slice %arg6[%dma_wait3A_1183, %dma_wait3A_1184] : memref<16x6144xf32, #tpu.memory_space<vmem>> -> memref<16x128xf32, #tpu.memory_space<vmem>>
    %dma_wait3A_1186 = arith.constant 0 : i32
    %dma_wait3A_1187 = arith.constant 0 : i32
    %dma_wait3A_1188 = tpu.memref_slice %arg2[%dma_wait3A_1186, %dma_wait3A_1187] : memref<16x1000000xf32, #tpu.memory_space<hbm>> -> memref<16x128xf32, #tpu.memory_space<hbm>>
    %dma_wait3A_1189 = arith.constant 0 : i32
    %dma_wait3A_1190 = arith.constant 2432 : i32
    %dma_wait3A_1191 = tpu.memref_slice %arg6[%dma_wait3A_1189, %dma_wait3A_1190] : memref<16x6144xf32, #tpu.memory_space<vmem>> -> memref<16x128xf32, #tpu.memory_space<vmem>>
    %dma_wait3A_1192 = arith.constant 0 : i32
    %dma_wait3A_1193 = arith.constant 0 : i32
    %dma_wait3A_1194 = tpu.memref_slice %arg2[%dma_wait3A_1192, %dma_wait3A_1193] : memref<16x1000000xf32, #tpu.memory_space<hbm>> -> memref<16x128xf32, #tpu.memory_space<hbm>>
    tpu.wait_dma2 semaphore(%arg9 : memref<!tpu.dma_semaphore, #tpu.memory_space<semaphore_mem>>) src(%dma_wait3A_1194 : memref<16x128xf32, #tpu.memory_space<hbm>>) dst(%dma_wait3A_1191 : memref<16x128xf32, #tpu.memory_space<vmem>>)
    %dma_wait3A_1195 = arith.constant 0 : i32
    %dma_wait3A_1196 = arith.constant 2560 : i32
    %dma_wait3A_1197 = tpu.memref_slice %arg6[%dma_wait3A_1195, %dma_wait3A_1196] : memref<16x6144xf32, #tpu.memory_space<vmem>> -> memref<16x128xf32, #tpu.memory_space<vmem>>
    %dma_wait3A_1198 = arith.constant 0 : i32
    %dma_wait3A_1199 = arith.constant 0 : i32
    %dma_wait3A_1200 = tpu.memref_slice %arg2[%dma_wait3A_1198, %dma_wait3A_1199] : memref<16x1000000xf32, #tpu.memory_space<hbm>> -> memref<16x128xf32, #tpu.memory_space<hbm>>
    %dma_wait3A_1201 = arith.constant 0 : i32
    %dma_wait3A_1202 = arith.constant 2560 : i32
    %dma_wait3A_1203 = tpu.memref_slice %arg6[%dma_wait3A_1201, %dma_wait3A_1202] : memref<16x6144xf32, #tpu.memory_space<vmem>> -> memref<16x128xf32, #tpu.memory_space<vmem>>
    %dma_wait3A_1204 = arith.constant 0 : i32
    %dma_wait3A_1205 = arith.constant 0 : i32
    %dma_wait3A_1206 = tpu.memref_slice %arg2[%dma_wait3A_1204, %dma_wait3A_1205] : memref<16x1000000xf32, #tpu.memory_space<hbm>> -> memref<16x128xf32, #tpu.memory_space<hbm>>
    tpu.wait_dma2 semaphore(%arg9 : memref<!tpu.dma_semaphore, #tpu.memory_space<semaphore_mem>>) src(%dma_wait3A_1206 : memref<16x128xf32, #tpu.memory_space<hbm>>) dst(%dma_wait3A_1203 : memref<16x128xf32, #tpu.memory_space<vmem>>)
    %dma_wait3A_1207 = arith.constant 0 : i32
    %dma_wait3A_1208 = arith.constant 2688 : i32
    %dma_wait3A_1209 = tpu.memref_slice %arg6[%dma_wait3A_1207, %dma_wait3A_1208] : memref<16x6144xf32, #tpu.memory_space<vmem>> -> memref<16x128xf32, #tpu.memory_space<vmem>>
    %dma_wait3A_1210 = arith.constant 0 : i32
    %dma_wait3A_1211 = arith.constant 0 : i32
    %dma_wait3A_1212 = tpu.memref_slice %arg2[%dma_wait3A_1210, %dma_wait3A_1211] : memref<16x1000000xf32, #tpu.memory_space<hbm>> -> memref<16x128xf32, #tpu.memory_space<hbm>>
    %dma_wait3A_1213 = arith.constant 0 : i32
    %dma_wait3A_1214 = arith.constant 2688 : i32
    %dma_wait3A_1215 = tpu.memref_slice %arg6[%dma_wait3A_1213, %dma_wait3A_1214] : memref<16x6144xf32, #tpu.memory_space<vmem>> -> memref<16x128xf32, #tpu.memory_space<vmem>>
    %dma_wait3A_1216 = arith.constant 0 : i32
    %dma_wait3A_1217 = arith.constant 0 : i32
    %dma_wait3A_1218 = tpu.memref_slice %arg2[%dma_wait3A_1216, %dma_wait3A_1217] : memref<16x1000000xf32, #tpu.memory_space<hbm>> -> memref<16x128xf32, #tpu.memory_space<hbm>>
    tpu.wait_dma2 semaphore(%arg9 : memref<!tpu.dma_semaphore, #tpu.memory_space<semaphore_mem>>) src(%dma_wait3A_1218 : memref<16x128xf32, #tpu.memory_space<hbm>>) dst(%dma_wait3A_1215 : memref<16x128xf32, #tpu.memory_space<vmem>>)
    %dma_wait3A_1219 = arith.constant 0 : i32
    %dma_wait3A_1220 = arith.constant 2816 : i32
    %dma_wait3A_1221 = tpu.memref_slice %arg6[%dma_wait3A_1219, %dma_wait3A_1220] : memref<16x6144xf32, #tpu.memory_space<vmem>> -> memref<16x128xf32, #tpu.memory_space<vmem>>
    %dma_wait3A_1222 = arith.constant 0 : i32
    %dma_wait3A_1223 = arith.constant 0 : i32
    %dma_wait3A_1224 = tpu.memref_slice %arg2[%dma_wait3A_1222, %dma_wait3A_1223] : memref<16x1000000xf32, #tpu.memory_space<hbm>> -> memref<16x128xf32, #tpu.memory_space<hbm>>
    %dma_wait3A_1225 = arith.constant 0 : i32
    %dma_wait3A_1226 = arith.constant 2816 : i32
    %dma_wait3A_1227 = tpu.memref_slice %arg6[%dma_wait3A_1225, %dma_wait3A_1226] : memref<16x6144xf32, #tpu.memory_space<vmem>> -> memref<16x128xf32, #tpu.memory_space<vmem>>
    %dma_wait3A_1228 = arith.constant 0 : i32
    %dma_wait3A_1229 = arith.constant 0 : i32
    %dma_wait3A_1230 = tpu.memref_slice %arg2[%dma_wait3A_1228, %dma_wait3A_1229] : memref<16x1000000xf32, #tpu.memory_space<hbm>> -> memref<16x128xf32, #tpu.memory_space<hbm>>
    tpu.wait_dma2 semaphore(%arg9 : memref<!tpu.dma_semaphore, #tpu.memory_space<semaphore_mem>>) src(%dma_wait3A_1230 : memref<16x128xf32, #tpu.memory_space<hbm>>) dst(%dma_wait3A_1227 : memref<16x128xf32, #tpu.memory_space<vmem>>)
    %dma_wait3A_1231 = arith.constant 0 : i32
    %dma_wait3A_1232 = arith.constant 2944 : i32
    %dma_wait3A_1233 = tpu.memref_slice %arg6[%dma_wait3A_1231, %dma_wait3A_1232] : memref<16x6144xf32, #tpu.memory_space<vmem>> -> memref<16x128xf32, #tpu.memory_space<vmem>>
    %dma_wait3A_1234 = arith.constant 0 : i32
    %dma_wait3A_1235 = arith.constant 0 : i32
    %dma_wait3A_1236 = tpu.memref_slice %arg2[%dma_wait3A_1234, %dma_wait3A_1235] : memref<16x1000000xf32, #tpu.memory_space<hbm>> -> memref<16x128xf32, #tpu.memory_space<hbm>>
    %dma_wait3A_1237 = arith.constant 0 : i32
    %dma_wait3A_1238 = arith.constant 2944 : i32
    %dma_wait3A_1239 = tpu.memref_slice %arg6[%dma_wait3A_1237, %dma_wait3A_1238] : memref<16x6144xf32, #tpu.memory_space<vmem>> -> memref<16x128xf32, #tpu.memory_space<vmem>>
    %dma_wait3A_1240 = arith.constant 0 : i32
    %dma_wait3A_1241 = arith.constant 0 : i32
    %dma_wait3A_1242 = tpu.memref_slice %arg2[%dma_wait3A_1240, %dma_wait3A_1241] : memref<16x1000000xf32, #tpu.memory_space<hbm>> -> memref<16x128xf32, #tpu.memory_space<hbm>>
    tpu.wait_dma2 semaphore(%arg9 : memref<!tpu.dma_semaphore, #tpu.memory_space<semaphore_mem>>) src(%dma_wait3A_1242 : memref<16x128xf32, #tpu.memory_space<hbm>>) dst(%dma_wait3A_1239 : memref<16x128xf32, #tpu.memory_space<vmem>>)
    %dma_wait3A_1243 = arith.constant 0 : i32
    %dma_wait3A_1244 = arith.constant 3072 : i32
    %dma_wait3A_1245 = tpu.memref_slice %arg6[%dma_wait3A_1243, %dma_wait3A_1244] : memref<16x6144xf32, #tpu.memory_space<vmem>> -> memref<16x128xf32, #tpu.memory_space<vmem>>
    %dma_wait3A_1246 = arith.constant 0 : i32
    %dma_wait3A_1247 = arith.constant 0 : i32
    %dma_wait3A_1248 = tpu.memref_slice %arg2[%dma_wait3A_1246, %dma_wait3A_1247] : memref<16x1000000xf32, #tpu.memory_space<hbm>> -> memref<16x128xf32, #tpu.memory_space<hbm>>
    %dma_wait3A_1249 = arith.constant 0 : i32
    %dma_wait3A_1250 = arith.constant 3072 : i32
    %dma_wait3A_1251 = tpu.memref_slice %arg6[%dma_wait3A_1249, %dma_wait3A_1250] : memref<16x6144xf32, #tpu.memory_space<vmem>> -> memref<16x128xf32, #tpu.memory_space<vmem>>
    %dma_wait3A_1252 = arith.constant 0 : i32
    %dma_wait3A_1253 = arith.constant 0 : i32
    %dma_wait3A_1254 = tpu.memref_slice %arg2[%dma_wait3A_1252, %dma_wait3A_1253] : memref<16x1000000xf32, #tpu.memory_space<hbm>> -> memref<16x128xf32, #tpu.memory_space<hbm>>
    tpu.wait_dma2 semaphore(%arg9 : memref<!tpu.dma_semaphore, #tpu.memory_space<semaphore_mem>>) src(%dma_wait3A_1254 : memref<16x128xf32, #tpu.memory_space<hbm>>) dst(%dma_wait3A_1251 : memref<16x128xf32, #tpu.memory_space<vmem>>)
    %dma_wait3A_1255 = arith.constant 0 : i32
    %dma_wait3A_1256 = arith.constant 3200 : i32
    %dma_wait3A_1257 = tpu.memref_slice %arg6[%dma_wait3A_1255, %dma_wait3A_1256] : memref<16x6144xf32, #tpu.memory_space<vmem>> -> memref<16x128xf32, #tpu.memory_space<vmem>>
    %dma_wait3A_1258 = arith.constant 0 : i32
    %dma_wait3A_1259 = arith.constant 0 : i32
    %dma_wait3A_1260 = tpu.memref_slice %arg2[%dma_wait3A_1258, %dma_wait3A_1259] : memref<16x1000000xf32, #tpu.memory_space<hbm>> -> memref<16x128xf32, #tpu.memory_space<hbm>>
    %dma_wait3A_1261 = arith.constant 0 : i32
    %dma_wait3A_1262 = arith.constant 3200 : i32
    %dma_wait3A_1263 = tpu.memref_slice %arg6[%dma_wait3A_1261, %dma_wait3A_1262] : memref<16x6144xf32, #tpu.memory_space<vmem>> -> memref<16x128xf32, #tpu.memory_space<vmem>>
    %dma_wait3A_1264 = arith.constant 0 : i32
    %dma_wait3A_1265 = arith.constant 0 : i32
    %dma_wait3A_1266 = tpu.memref_slice %arg2[%dma_wait3A_1264, %dma_wait3A_1265] : memref<16x1000000xf32, #tpu.memory_space<hbm>> -> memref<16x128xf32, #tpu.memory_space<hbm>>
    tpu.wait_dma2 semaphore(%arg9 : memref<!tpu.dma_semaphore, #tpu.memory_space<semaphore_mem>>) src(%dma_wait3A_1266 : memref<16x128xf32, #tpu.memory_space<hbm>>) dst(%dma_wait3A_1263 : memref<16x128xf32, #tpu.memory_space<vmem>>)
    %dma_wait3A_1267 = arith.constant 0 : i32
    %dma_wait3A_1268 = arith.constant 3328 : i32
    %dma_wait3A_1269 = tpu.memref_slice %arg6[%dma_wait3A_1267, %dma_wait3A_1268] : memref<16x6144xf32, #tpu.memory_space<vmem>> -> memref<16x128xf32, #tpu.memory_space<vmem>>
    %dma_wait3A_1270 = arith.constant 0 : i32
    %dma_wait3A_1271 = arith.constant 0 : i32
    %dma_wait3A_1272 = tpu.memref_slice %arg2[%dma_wait3A_1270, %dma_wait3A_1271] : memref<16x1000000xf32, #tpu.memory_space<hbm>> -> memref<16x128xf32, #tpu.memory_space<hbm>>
    %dma_wait3A_1273 = arith.constant 0 : i32
    %dma_wait3A_1274 = arith.constant 3328 : i32
    %dma_wait3A_1275 = tpu.memref_slice %arg6[%dma_wait3A_1273, %dma_wait3A_1274] : memref<16x6144xf32, #tpu.memory_space<vmem>> -> memref<16x128xf32, #tpu.memory_space<vmem>>
    %dma_wait3A_1276 = arith.constant 0 : i32
    %dma_wait3A_1277 = arith.constant 0 : i32
    %dma_wait3A_1278 = tpu.memref_slice %arg2[%dma_wait3A_1276, %dma_wait3A_1277] : memref<16x1000000xf32, #tpu.memory_space<hbm>> -> memref<16x128xf32, #tpu.memory_space<hbm>>
    tpu.wait_dma2 semaphore(%arg9 : memref<!tpu.dma_semaphore, #tpu.memory_space<semaphore_mem>>) src(%dma_wait3A_1278 : memref<16x128xf32, #tpu.memory_space<hbm>>) dst(%dma_wait3A_1275 : memref<16x128xf32, #tpu.memory_space<vmem>>)
    %dma_wait3A_1279 = arith.constant 0 : i32
    %dma_wait3A_1280 = arith.constant 3456 : i32
    %dma_wait3A_1281 = tpu.memref_slice %arg6[%dma_wait3A_1279, %dma_wait3A_1280] : memref<16x6144xf32, #tpu.memory_space<vmem>> -> memref<16x128xf32, #tpu.memory_space<vmem>>
    %dma_wait3A_1282 = arith.constant 0 : i32
    %dma_wait3A_1283 = arith.constant 0 : i32
    %dma_wait3A_1284 = tpu.memref_slice %arg2[%dma_wait3A_1282, %dma_wait3A_1283] : memref<16x1000000xf32, #tpu.memory_space<hbm>> -> memref<16x128xf32, #tpu.memory_space<hbm>>
    %dma_wait3A_1285 = arith.constant 0 : i32
    %dma_wait3A_1286 = arith.constant 3456 : i32
    %dma_wait3A_1287 = tpu.memref_slice %arg6[%dma_wait3A_1285, %dma_wait3A_1286] : memref<16x6144xf32, #tpu.memory_space<vmem>> -> memref<16x128xf32, #tpu.memory_space<vmem>>
    %dma_wait3A_1288 = arith.constant 0 : i32
    %dma_wait3A_1289 = arith.constant 0 : i32
    %dma_wait3A_1290 = tpu.memref_slice %arg2[%dma_wait3A_1288, %dma_wait3A_1289] : memref<16x1000000xf32, #tpu.memory_space<hbm>> -> memref<16x128xf32, #tpu.memory_space<hbm>>
    tpu.wait_dma2 semaphore(%arg9 : memref<!tpu.dma_semaphore, #tpu.memory_space<semaphore_mem>>) src(%dma_wait3A_1290 : memref<16x128xf32, #tpu.memory_space<hbm>>) dst(%dma_wait3A_1287 : memref<16x128xf32, #tpu.memory_space<vmem>>)
    %dma_wait3A_1291 = arith.constant 0 : i32
    %dma_wait3A_1292 = arith.constant 3584 : i32
    %dma_wait3A_1293 = tpu.memref_slice %arg6[%dma_wait3A_1291, %dma_wait3A_1292] : memref<16x6144xf32, #tpu.memory_space<vmem>> -> memref<16x128xf32, #tpu.memory_space<vmem>>
    %dma_wait3A_1294 = arith.constant 0 : i32
    %dma_wait3A_1295 = arith.constant 0 : i32
    %dma_wait3A_1296 = tpu.memref_slice %arg2[%dma_wait3A_1294, %dma_wait3A_1295] : memref<16x1000000xf32, #tpu.memory_space<hbm>> -> memref<16x128xf32, #tpu.memory_space<hbm>>
    %dma_wait3A_1297 = arith.constant 0 : i32
    %dma_wait3A_1298 = arith.constant 3584 : i32
    %dma_wait3A_1299 = tpu.memref_slice %arg6[%dma_wait3A_1297, %dma_wait3A_1298] : memref<16x6144xf32, #tpu.memory_space<vmem>> -> memref<16x128xf32, #tpu.memory_space<vmem>>
    %dma_wait3A_1300 = arith.constant 0 : i32
    %dma_wait3A_1301 = arith.constant 0 : i32
    %dma_wait3A_1302 = tpu.memref_slice %arg2[%dma_wait3A_1300, %dma_wait3A_1301] : memref<16x1000000xf32, #tpu.memory_space<hbm>> -> memref<16x128xf32, #tpu.memory_space<hbm>>
    tpu.wait_dma2 semaphore(%arg9 : memref<!tpu.dma_semaphore, #tpu.memory_space<semaphore_mem>>) src(%dma_wait3A_1302 : memref<16x128xf32, #tpu.memory_space<hbm>>) dst(%dma_wait3A_1299 : memref<16x128xf32, #tpu.memory_space<vmem>>)
    %dma_wait3A_1303 = arith.constant 0 : i32
    %dma_wait3A_1304 = arith.constant 3712 : i32
    %dma_wait3A_1305 = tpu.memref_slice %arg6[%dma_wait3A_1303, %dma_wait3A_1304] : memref<16x6144xf32, #tpu.memory_space<vmem>> -> memref<16x128xf32, #tpu.memory_space<vmem>>
    %dma_wait3A_1306 = arith.constant 0 : i32
    %dma_wait3A_1307 = arith.constant 0 : i32
    %dma_wait3A_1308 = tpu.memref_slice %arg2[%dma_wait3A_1306, %dma_wait3A_1307] : memref<16x1000000xf32, #tpu.memory_space<hbm>> -> memref<16x128xf32, #tpu.memory_space<hbm>>
    %dma_wait3A_1309 = arith.constant 0 : i32
    %dma_wait3A_1310 = arith.constant 3712 : i32
    %dma_wait3A_1311 = tpu.memref_slice %arg6[%dma_wait3A_1309, %dma_wait3A_1310] : memref<16x6144xf32, #tpu.memory_space<vmem>> -> memref<16x128xf32, #tpu.memory_space<vmem>>
    %dma_wait3A_1312 = arith.constant 0 : i32
    %dma_wait3A_1313 = arith.constant 0 : i32
    %dma_wait3A_1314 = tpu.memref_slice %arg2[%dma_wait3A_1312, %dma_wait3A_1313] : memref<16x1000000xf32, #tpu.memory_space<hbm>> -> memref<16x128xf32, #tpu.memory_space<hbm>>
    tpu.wait_dma2 semaphore(%arg9 : memref<!tpu.dma_semaphore, #tpu.memory_space<semaphore_mem>>) src(%dma_wait3A_1314 : memref<16x128xf32, #tpu.memory_space<hbm>>) dst(%dma_wait3A_1311 : memref<16x128xf32, #tpu.memory_space<vmem>>)
    %dma_wait3A_1315 = arith.constant 0 : i32
    %dma_wait3A_1316 = arith.constant 3840 : i32
    %dma_wait3A_1317 = tpu.memref_slice %arg6[%dma_wait3A_1315, %dma_wait3A_1316] : memref<16x6144xf32, #tpu.memory_space<vmem>> -> memref<16x128xf32, #tpu.memory_space<vmem>>
    %dma_wait3A_1318 = arith.constant 0 : i32
    %dma_wait3A_1319 = arith.constant 0 : i32
    %dma_wait3A_1320 = tpu.memref_slice %arg2[%dma_wait3A_1318, %dma_wait3A_1319] : memref<16x1000000xf32, #tpu.memory_space<hbm>> -> memref<16x128xf32, #tpu.memory_space<hbm>>
    %dma_wait3A_1321 = arith.constant 0 : i32
    %dma_wait3A_1322 = arith.constant 3840 : i32
    %dma_wait3A_1323 = tpu.memref_slice %arg6[%dma_wait3A_1321, %dma_wait3A_1322] : memref<16x6144xf32, #tpu.memory_space<vmem>> -> memref<16x128xf32, #tpu.memory_space<vmem>>
    %dma_wait3A_1324 = arith.constant 0 : i32
    %dma_wait3A_1325 = arith.constant 0 : i32
    %dma_wait3A_1326 = tpu.memref_slice %arg2[%dma_wait3A_1324, %dma_wait3A_1325] : memref<16x1000000xf32, #tpu.memory_space<hbm>> -> memref<16x128xf32, #tpu.memory_space<hbm>>
    tpu.wait_dma2 semaphore(%arg9 : memref<!tpu.dma_semaphore, #tpu.memory_space<semaphore_mem>>) src(%dma_wait3A_1326 : memref<16x128xf32, #tpu.memory_space<hbm>>) dst(%dma_wait3A_1323 : memref<16x128xf32, #tpu.memory_space<vmem>>)
    %dma_wait3A_1327 = arith.constant 0 : i32
    %dma_wait3A_1328 = arith.constant 3968 : i32
    %dma_wait3A_1329 = tpu.memref_slice %arg6[%dma_wait3A_1327, %dma_wait3A_1328] : memref<16x6144xf32, #tpu.memory_space<vmem>> -> memref<16x128xf32, #tpu.memory_space<vmem>>
    %dma_wait3A_1330 = arith.constant 0 : i32
    %dma_wait3A_1331 = arith.constant 0 : i32
    %dma_wait3A_1332 = tpu.memref_slice %arg2[%dma_wait3A_1330, %dma_wait3A_1331] : memref<16x1000000xf32, #tpu.memory_space<hbm>> -> memref<16x128xf32, #tpu.memory_space<hbm>>
    %dma_wait3A_1333 = arith.constant 0 : i32
    %dma_wait3A_1334 = arith.constant 3968 : i32
    %dma_wait3A_1335 = tpu.memref_slice %arg6[%dma_wait3A_1333, %dma_wait3A_1334] : memref<16x6144xf32, #tpu.memory_space<vmem>> -> memref<16x128xf32, #tpu.memory_space<vmem>>
    %dma_wait3A_1336 = arith.constant 0 : i32
    %dma_wait3A_1337 = arith.constant 0 : i32
    %dma_wait3A_1338 = tpu.memref_slice %arg2[%dma_wait3A_1336, %dma_wait3A_1337] : memref<16x1000000xf32, #tpu.memory_space<hbm>> -> memref<16x128xf32, #tpu.memory_space<hbm>>
    tpu.wait_dma2 semaphore(%arg9 : memref<!tpu.dma_semaphore, #tpu.memory_space<semaphore_mem>>) src(%dma_wait3A_1338 : memref<16x128xf32, #tpu.memory_space<hbm>>) dst(%dma_wait3A_1335 : memref<16x128xf32, #tpu.memory_space<vmem>>)
    %get3A_1339 = arith.constant 496 : index
    %get3A_1340 = tpu.vector_load %arg5[%get3A_1339] {strides = array<i32>} : memref<512xi32, #tpu.memory_space<vmem>>, vector<16xi32>,
    %and3A_1341 = arith.constant 127 : i32
    %and3A_1342 = vector.broadcast %and3A_1341 : i32 to vector<16xi32>
    %and3A_1343 = arith.andi %get3A_1340, %and3A_1342 : vector<16xi32>
    %add3A_1344 = arith.addi %mul3A_14, %and3A_1343 : vector<16xi32>
    %broadcast_in_dim3A_1345 = arith.constant 0 : i32
    %broadcast_in_dim3A_1346 = vector.broadcast %broadcast_in_dim3A_1345 : i32 to vector<16xi32>
    %gather3A_1347 = tpu.vector_load_idx %arg6[%broadcast_in_dim3A_1346, %add3A_1344] : memref<16x6144xf32, #tpu.memory_space<vmem>>[vector<16xi32>, vector<16xi32>], vector<16xf32>,
    %swap3A_1348 = arith.constant 0 : i32
    %swap3A_1349 = arith.index_cast %swap3A_1348 : i32 to index
    %swap3A_1350 = arith.constant 496 : index
    %swap3A_1351 = tpu.vector_load %arg7[%swap3A_1349, %swap3A_1350] {strides = array<i32>} : memref<16x512xf32, #tpu.memory_space<vmem>>, vector<16xf32>,
    tpu.vector_store %arg7[%swap3A_1349, %swap3A_1350], %gather3A_1347 {strides = array<i32>} : memref<16x512xf32, #tpu.memory_space<vmem>>, vector<16xf32>,
    %broadcast_in_dim3A_1352 = arith.constant 1 : i32
    %broadcast_in_dim3A_1353 = vector.broadcast %broadcast_in_dim3A_1352 : i32 to vector<16xi32>
    %gather3A_1354 = tpu.vector_load_idx %arg6[%broadcast_in_dim3A_1353, %add3A_1344] : memref<16x6144xf32, #tpu.memory_space<vmem>>[vector<16xi32>, vector<16xi32>], vector<16xf32>,
    %swap3A_1355 = arith.constant 1 : i32
    %swap3A_1356 = arith.index_cast %swap3A_1355 : i32 to index
    %swap3A_1357 = arith.constant 496 : index
    %swap3A_1358 = tpu.vector_load %arg7[%swap3A_1356, %swap3A_1357] {strides = array<i32>} : memref<16x512xf32, #tpu.memory_space<vmem>>, vector<16xf32>,
    tpu.vector_store %arg7[%swap3A_1356, %swap3A_1357], %gather3A_1354 {strides = array<i32>} : memref<16x512xf32, #tpu.memory_space<vmem>>, vector<16xf32>,
    %broadcast_in_dim3A_1359 = arith.constant 2 : i32
    %broadcast_in_dim3A_1360 = vector.broadcast %broadcast_in_dim3A_1359 : i32 to vector<16xi32>
    %gather3A_1361 = tpu.vector_load_idx %arg6[%broadcast_in_dim3A_1360, %add3A_1344] : memref<16x6144xf32, #tpu.memory_space<vmem>>[vector<16xi32>, vector<16xi32>], vector<16xf32>,
    %swap3A_1362 = arith.constant 2 : i32
    %swap3A_1363 = arith.index_cast %swap3A_1362 : i32 to index
    %swap3A_1364 = arith.constant 496 : index
    %swap3A_1365 = tpu.vector_load %arg7[%swap3A_1363, %swap3A_1364] {strides = array<i32>} : memref<16x512xf32, #tpu.memory_space<vmem>>, vector<16xf32>,
    tpu.vector_store %arg7[%swap3A_1363, %swap3A_1364], %gather3A_1361 {strides = array<i32>} : memref<16x512xf32, #tpu.memory_space<vmem>>, vector<16xf32>,
    %broadcast_in_dim3A_1366 = arith.constant 3 : i32
    %broadcast_in_dim3A_1367 = vector.broadcast %broadcast_in_dim3A_1366 : i32 to vector<16xi32>
    %gather3A_1368 = tpu.vector_load_idx %arg6[%broadcast_in_dim3A_1367, %add3A_1344] : memref<16x6144xf32, #tpu.memory_space<vmem>>[vector<16xi32>, vector<16xi32>], vector<16xf32>,
    %swap3A_1369 = arith.constant 3 : i32
    %swap3A_1370 = arith.index_cast %swap3A_1369 : i32 to index
    %swap3A_1371 = arith.constant 496 : index
    %swap3A_1372 = tpu.vector_load %arg7[%swap3A_1370, %swap3A_1371] {strides = array<i32>} : memref<16x512xf32, #tpu.memory_space<vmem>>, vector<16xf32>,
    tpu.vector_store %arg7[%swap3A_1370, %swap3A_1371], %gather3A_1368 {strides = array<i32>} : memref<16x512xf32, #tpu.memory_space<vmem>>, vector<16xf32>,
    %broadcast_in_dim3A_1373 = arith.constant 4 : i32
    %broadcast_in_dim3A_1374 = vector.broadcast %broadcast_in_dim3A_1373 : i32 to vector<16xi32>
    %gather3A_1375 = tpu.vector_load_idx %arg6[%broadcast_in_dim3A_1374, %add3A_1344] : memref<16x6144xf32, #tpu.memory_space<vmem>>[vector<16xi32>, vector<16xi32>], vector<16xf32>,
    %swap3A_1376 = arith.constant 4 : i32
    %swap3A_1377 = arith.index_cast %swap3A_1376 : i32 to index
    %swap3A_1378 = arith.constant 496 : index
    %swap3A_1379 = tpu.vector_load %arg7[%swap3A_1377, %swap3A_1378] {strides = array<i32>} : memref<16x512xf32, #tpu.memory_space<vmem>>, vector<16xf32>,
    tpu.vector_store %arg7[%swap3A_1377, %swap3A_1378], %gather3A_1375 {strides = array<i32>} : memref<16x512xf32, #tpu.memory_space<vmem>>, vector<16xf32>,
    %broadcast_in_dim3A_1380 = arith.constant 5 : i32
    %broadcast_in_dim3A_1381 = vector.broadcast %broadcast_in_dim3A_1380 : i32 to vector<16xi32>
    %gather3A_1382 = tpu.vector_load_idx %arg6[%broadcast_in_dim3A_1381, %add3A_1344] : memref<16x6144xf32, #tpu.memory_space<vmem>>[vector<16xi32>, vector<16xi32>], vector<16xf32>,
    %swap3A_1383 = arith.constant 5 : i32
    %swap3A_1384 = arith.index_cast %swap3A_1383 : i32 to index
    %swap3A_1385 = arith.constant 496 : index
    %swap3A_1386 = tpu.vector_load %arg7[%swap3A_1384, %swap3A_1385] {strides = array<i32>} : memref<16x512xf32, #tpu.memory_space<vmem>>, vector<16xf32>,
    tpu.vector_store %arg7[%swap3A_1384, %swap3A_1385], %gather3A_1382 {strides = array<i32>} : memref<16x512xf32, #tpu.memory_space<vmem>>, vector<16xf32>,
    %broadcast_in_dim3A_1387 = arith.constant 6 : i32
    %broadcast_in_dim3A_1388 = vector.broadcast %broadcast_in_dim3A_1387 : i32 to vector<16xi32>
    %gather3A_1389 = tpu.vector_load_idx %arg6[%broadcast_in_dim3A_1388, %add3A_1344] : memref<16x6144xf32, #tpu.memory_space<vmem>>[vector<16xi32>, vector<16xi32>], vector<16xf32>,
    %swap3A_1390 = arith.constant 6 : i32
    %swap3A_1391 = arith.index_cast %swap3A_1390 : i32 to index
    %swap3A_1392 = arith.constant 496 : index
    %swap3A_1393 = tpu.vector_load %arg7[%swap3A_1391, %swap3A_1392] {strides = array<i32>} : memref<16x512xf32, #tpu.memory_space<vmem>>, vector<16xf32>,
    tpu.vector_store %arg7[%swap3A_1391, %swap3A_1392], %gather3A_1389 {strides = array<i32>} : memref<16x512xf32, #tpu.memory_space<vmem>>, vector<16xf32>,
    %broadcast_in_dim3A_1394 = arith.constant 7 : i32
    %broadcast_in_dim3A_1395 = vector.broadcast %broadcast_in_dim3A_1394 : i32 to vector<16xi32>
    %gather3A_1396 = tpu.vector_load_idx %arg6[%broadcast_in_dim3A_1395, %add3A_1344] : memref<16x6144xf32, #tpu.memory_space<vmem>>[vector<16xi32>, vector<16xi32>], vector<16xf32>,
    %swap3A_1397 = arith.constant 7 : i32
    %swap3A_1398 = arith.index_cast %swap3A_1397 : i32 to index
    %swap3A_1399 = arith.constant 496 : index
    %swap3A_1400 = tpu.vector_load %arg7[%swap3A_1398, %swap3A_1399] {strides = array<i32>} : memref<16x512xf32, #tpu.memory_space<vmem>>, vector<16xf32>,
    tpu.vector_store %arg7[%swap3A_1398, %swap3A_1399], %gather3A_1396 {strides = array<i32>} : memref<16x512xf32, #tpu.memory_space<vmem>>, vector<16xf32>,
    %broadcast_in_dim3A_1401 = arith.constant 8 : i32
    %broadcast_in_dim3A_1402 = vector.broadcast %broadcast_in_dim3A_1401 : i32 to vector<16xi32>
    %gather3A_1403 = tpu.vector_load_idx %arg6[%broadcast_in_dim3A_1402, %add3A_1344] : memref<16x6144xf32, #tpu.memory_space<vmem>>[vector<16xi32>, vector<16xi32>], vector<16xf32>,
    %swap3A_1404 = arith.constant 8 : i32
    %swap3A_1405 = arith.index_cast %swap3A_1404 : i32 to index
    %swap3A_1406 = arith.constant 496 : index
    %swap3A_1407 = tpu.vector_load %arg7[%swap3A_1405, %swap3A_1406] {strides = array<i32>} : memref<16x512xf32, #tpu.memory_space<vmem>>, vector<16xf32>,
    tpu.vector_store %arg7[%swap3A_1405, %swap3A_1406], %gather3A_1403 {strides = array<i32>} : memref<16x512xf32, #tpu.memory_space<vmem>>, vector<16xf32>,
    %broadcast_in_dim3A_1408 = arith.constant 9 : i32
    %broadcast_in_dim3A_1409 = vector.broadcast %broadcast_in_dim3A_1408 : i32 to vector<16xi32>
    %gather3A_1410 = tpu.vector_load_idx %arg6[%broadcast_in_dim3A_1409, %add3A_1344] : memref<16x6144xf32, #tpu.memory_space<vmem>>[vector<16xi32>, vector<16xi32>], vector<16xf32>,
    %swap3A_1411 = arith.constant 9 : i32
    %swap3A_1412 = arith.index_cast %swap3A_1411 : i32 to index
    %swap3A_1413 = arith.constant 496 : index
    %swap3A_1414 = tpu.vector_load %arg7[%swap3A_1412, %swap3A_1413] {strides = array<i32>} : memref<16x512xf32, #tpu.memory_space<vmem>>, vector<16xf32>,
    tpu.vector_store %arg7[%swap3A_1412, %swap3A_1413], %gather3A_1410 {strides = array<i32>} : memref<16x512xf32, #tpu.memory_space<vmem>>, vector<16xf32>,
    %broadcast_in_dim3A_1415 = arith.constant 10 : i32
    %broadcast_in_dim3A_1416 = vector.broadcast %broadcast_in_dim3A_1415 : i32 to vector<16xi32>
    %gather3A_1417 = tpu.vector_load_idx %arg6[%broadcast_in_dim3A_1416, %add3A_1344] : memref<16x6144xf32, #tpu.memory_space<vmem>>[vector<16xi32>, vector<16xi32>], vector<16xf32>,
    %swap3A_1418 = arith.constant 10 : i32
    %swap3A_1419 = arith.index_cast %swap3A_1418 : i32 to index
    %swap3A_1420 = arith.constant 496 : index
    %swap3A_1421 = tpu.vector_load %arg7[%swap3A_1419, %swap3A_1420] {strides = array<i32>} : memref<16x512xf32, #tpu.memory_space<vmem>>, vector<16xf32>,
    tpu.vector_store %arg7[%swap3A_1419, %swap3A_1420], %gather3A_1417 {strides = array<i32>} : memref<16x512xf32, #tpu.memory_space<vmem>>, vector<16xf32>,
    %broadcast_in_dim3A_1422 = arith.constant 11 : i32
    %broadcast_in_dim3A_1423 = vector.broadcast %broadcast_in_dim3A_1422 : i32 to vector<16xi32>
    %gather3A_1424 = tpu.vector_load_idx %arg6[%broadcast_in_dim3A_1423, %add3A_1344] : memref<16x6144xf32, #tpu.memory_space<vmem>>[vector<16xi32>, vector<16xi32>], vector<16xf32>,
    %swap3A_1425 = arith.constant 11 : i32
    %swap3A_1426 = arith.index_cast %swap3A_1425 : i32 to index
    %swap3A_1427 = arith.constant 496 : index
    %swap3A_1428 = tpu.vector_load %arg7[%swap3A_1426, %swap3A_1427] {strides = array<i32>} : memref<16x512xf32, #tpu.memory_space<vmem>>, vector<16xf32>,
    tpu.vector_store %arg7[%swap3A_1426, %swap3A_1427], %gather3A_1424 {strides = array<i32>} : memref<16x512xf32, #tpu.memory_space<vmem>>, vector<16xf32>,
    %broadcast_in_dim3A_1429 = arith.constant 12 : i32
    %broadcast_in_dim3A_1430 = vector.broadcast %broadcast_in_dim3A_1429 : i32 to vector<16xi32>
    %gather3A_1431 = tpu.vector_load_idx %arg6[%broadcast_in_dim3A_1430, %add3A_1344] : memref<16x6144xf32, #tpu.memory_space<vmem>>[vector<16xi32>, vector<16xi32>], vector<16xf32>,
    %swap3A_1432 = arith.constant 12 : i32
    %swap3A_1433 = arith.index_cast %swap3A_1432 : i32 to index
    %swap3A_1434 = arith.constant 496 : index
    %swap3A_1435 = tpu.vector_load %arg7[%swap3A_1433, %swap3A_1434] {strides = array<i32>} : memref<16x512xf32, #tpu.memory_space<vmem>>, vector<16xf32>,
    tpu.vector_store %arg7[%swap3A_1433, %swap3A_1434], %gather3A_1431 {strides = array<i32>} : memref<16x512xf32, #tpu.memory_space<vmem>>, vector<16xf32>,
    %broadcast_in_dim3A_1436 = arith.constant 13 : i32
    %broadcast_in_dim3A_1437 = vector.broadcast %broadcast_in_dim3A_1436 : i32 to vector<16xi32>
    %gather3A_1438 = tpu.vector_load_idx %arg6[%broadcast_in_dim3A_1437, %add3A_1344] : memref<16x6144xf32, #tpu.memory_space<vmem>>[vector<16xi32>, vector<16xi32>], vector<16xf32>,
    %swap3A_1439 = arith.constant 13 : i32
    %swap3A_1440 = arith.index_cast %swap3A_1439 : i32 to index
    %swap3A_1441 = arith.constant 496 : index
    %swap3A_1442 = tpu.vector_load %arg7[%swap3A_1440, %swap3A_1441] {strides = array<i32>} : memref<16x512xf32, #tpu.memory_space<vmem>>, vector<16xf32>,
    tpu.vector_store %arg7[%swap3A_1440, %swap3A_1441], %gather3A_1438 {strides = array<i32>} : memref<16x512xf32, #tpu.memory_space<vmem>>, vector<16xf32>,
    %broadcast_in_dim3A_1443 = arith.constant 14 : i32
    %broadcast_in_dim3A_1444 = vector.broadcast %broadcast_in_dim3A_1443 : i32 to vector<16xi32>
    %gather3A_1445 = tpu.vector_load_idx %arg6[%broadcast_in_dim3A_1444, %add3A_1344] : memref<16x6144xf32, #tpu.memory_space<vmem>>[vector<16xi32>, vector<16xi32>], vector<16xf32>,
    %swap3A_1446 = arith.constant 14 : i32
    %swap3A_1447 = arith.index_cast %swap3A_1446 : i32 to index
    %swap3A_1448 = arith.constant 496 : index
    %swap3A_1449 = tpu.vector_load %arg7[%swap3A_1447, %swap3A_1448] {strides = array<i32>} : memref<16x512xf32, #tpu.memory_space<vmem>>, vector<16xf32>,
    tpu.vector_store %arg7[%swap3A_1447, %swap3A_1448], %gather3A_1445 {strides = array<i32>} : memref<16x512xf32, #tpu.memory_space<vmem>>, vector<16xf32>,
    %broadcast_in_dim3A_1450 = arith.constant 15 : i32
    %broadcast_in_dim3A_1451 = vector.broadcast %broadcast_in_dim3A_1450 : i32 to vector<16xi32>
    %gather3A_1452 = tpu.vector_load_idx %arg6[%broadcast_in_dim3A_1451, %add3A_1344] : memref<16x6144xf32, #tpu.memory_space<vmem>>[vector<16xi32>, vector<16xi32>], vector<16xf32>,
    %swap3A_1453 = arith.constant 15 : i32
    %swap3A_1454 = arith.index_cast %swap3A_1453 : i32 to index
    %swap3A_1455 = arith.constant 496 : index
    %swap3A_1456 = tpu.vector_load %arg7[%swap3A_1454, %swap3A_1455] {strides = array<i32>} : memref<16x512xf32, #tpu.memory_space<vmem>>, vector<16xf32>,
    tpu.vector_store %arg7[%swap3A_1454, %swap3A_1455], %gather3A_1452 {strides = array<i32>} : memref<16x512xf32, #tpu.memory_space<vmem>>, vector<16xf32>,
    "tpu.region"() ({
      %run_scoped3A = tpu.sem_alloc : memref<!tpu.dma_semaphore, #tpu.memory_space<semaphore_mem>>
      %dma_start3A_1457 = arith.constant 0 : i32
      %dma_start3A_1458 = tpu.memref_slice %arg4[%dma_start3A_1457, %mul3A_2] : memref<16x16384xf32, #tpu.memory_space<hbm>> -> memref<16x512xf32, #tpu.memory_space<hbm>>
      %dma_start3A_1459 = arith.constant 0 : i32
      %dma_start3A_1460 = tpu.memref_slice %arg4[%dma_start3A_1459, %mul3A_2] : memref<16x16384xf32, #tpu.memory_space<hbm>> -> memref<16x512xf32, #tpu.memory_space<hbm>>
      tpu.enqueue_dma source(%arg7 : memref<16x512xf32, #tpu.memory_space<vmem>>) target(%dma_start3A_1460 : memref<16x512xf32, #tpu.memory_space<hbm>>) target_semaphore(%run_scoped3A : memref<!tpu.dma_semaphore, #tpu.memory_space<semaphore_mem>>)
      %dma_wait3A_1461 = arith.constant 0 : i32
      %dma_wait3A_1462 = tpu.memref_slice %arg4[%dma_wait3A_1461, %mul3A_2] : memref<16x16384xf32, #tpu.memory_space<hbm>> -> memref<16x512xf32, #tpu.memory_space<hbm>>
      %dma_wait3A_1463 = arith.constant 0 : i32
      %dma_wait3A_1464 = tpu.memref_slice %arg4[%dma_wait3A_1463, %mul3A_2] : memref<16x16384xf32, #tpu.memory_space<hbm>> -> memref<16x512xf32, #tpu.memory_space<hbm>>
      tpu.wait_dma2 semaphore(%run_scoped3A : memref<!tpu.dma_semaphore, #tpu.memory_space<semaphore_mem>>) src(%arg7 : memref<16x512xf32, #tpu.memory_space<vmem>>) dst(%dma_wait3A_1464 : memref<16x512xf32, #tpu.memory_space<hbm>>)
      tpu.yield
    }) : () -> ()
    return
  }
}

module attributes {stable_mosaic.version = 14 : i64} {
  func.func @_iota_body(%arg0: memref<1000000xi32, #tpu.memory_space<vmem>>) attributes {dimension_semantics = [], scalar_prefetch = 0 : i64, scratch_operands = 0 : i64, tpu.core_type = #tpu.core_type<tc>} {
    %iota3A = tpu.iota {dimensions = array<i32: 1>} : vector<1x1000000xi32>
    %iota3A_0 = vector.shape_cast %iota3A : vector<1x1000000xi32> to vector<1000000xi32>
    %swap3A = arith.constant 0 : index
    %swap3A_1 = vector.load %arg0[%swap3A] : memref<1000000xi32, #tpu.memory_space<vmem>>, vector<1000000xi32>
    tpu.vector_store %arg0[%swap3A], %iota3A_0 {strides = array<i32>} : memref<1000000xi32, #tpu.memory_space<vmem>>, vector<1000000xi32>,
    return
  }
}

</mosaic_0001>

<sc_bundles>
// kernel: kernel.4.cloned.1.call-start
scs
__scs_entry_jumppad:
0x0: {  	(pc) =	sbr.rel $0x88, $3  }
0x1: {  	(tag) =	ssettag $0x0;
	lr =	simm.s32 $0x1  }
0x2: {  	[smem:$0x3F9F] =	sst lr;
	_ =	strace $0xD0000000  }
0x3: {  	_ = 	snop  }
0x4: {  	_ = 	snop  }
0x5: {  	_ = 	snop  }
0x6: {  	_ = 	snop  }
0x7: {  	_ = 	snop  }
__scs_overlays_trampoline_lowered:
0x8: {  	[smem:$0x3FAE] =	sst s0  }
0x9: {  	[smem:$0x3FAF] =	sst s1  }
0xa: {  	[smem:$0x3FB0] =	sst s2  }
0xb: {  	[smem:$0x3FB1] =	sst s3  }
0xc: {  	[smem:$0x3FB2] =	sst s4  }
0xd: {  	[smem:$0x3FB3] =	sst s5  }
0xe: {  	[smem:$0x3FB4] =	sst s6  }
0xf: {  	[smem:$0x3FB5] =	sst s7  }
0x10: {  	[smem:$0x3FB6] =	sst s8  }
0x11: {  	[smem:$0x3FB7] =	sst s9;
	s0 =	simm.s32 @!p0 $0x0  }
0x12: {  	s1 =	sld [smem:$0x3F9D];
	s0 =	simm.s32 @p0 $0x1  }
0x13: {  	[smem:$0x3FB8] =	sst s0;
	s0 =	simm.s32 @!p1 $0x0  }
0x14: {  	s2 =	sld [smem:$0x3F9C];
	s0 =	simm.s32 @p1 $0x1  }
0x15: {  	[smem:$0x3FB9] =	sst s0;
	s0 =	simm.s32 @!p2 $0x0  }
0x16: {  	s3 =	sld [smem:$0x3FDB];
	s0 =	simm.s32 @p2 $0x1  }
0x17: {  	s4 =	simm.s32 $0x1BF5;
	[smem:$0x3FBB] =	sst s0  }
0x18: {  	s0 =	sld [smem:$0x3F9E];
	_ =	swait.ge [sflag:s4], $0x0  }
0x19: {  	s7 =	sld [smem:$0x3F9F]  }
0x1a: {  	s8 =	sadd.s32 $0xFFFFE003, lr  }
0x1b: {  	s9 =	sadd.s32 $0xFFFFFEF7, lr;
	s5 =	simm.s32 $0xFFFFFFFF;
	p2 =	slt.u32 s8, $0xFFFFF086  }
0x1c: {  	p1 =	slt.u32 s9, $0xF7A;
	s5 =	simm.s32 @!p2 $0x0  }
0x1d: {  	s5 =	simm.s32 @p1 $0x1;
	p0 =	seq.s32 s7, s2  }
0x1e: {  	s7 =	smul.u32 @!p0 $0xF7A, s2;
	p2 =	seq.s32 @!p0 s5, $0x0  }
0x1f: {  	s9 =	smul.u32 $0xF7A, s1;
	s8 =	simm.s32 @!p0 $0x1BF5;
	p2 =	por !p2, p0  }
0x20: {  	[sflag:s8] =	ssyncset.s32 @!p0 $0xFFFFF086;
	s6 =	sadd.s32 @!p0 s3, s7;
	s7 =	simm.s32 @!p0 $0x108  }
0x21: {  	s3 =	sadd.s32 s3, s9;
	s6 =	sadd.s32 @!p0 $0x88, s6;
	s7 =	simm.s32 @p2 $0x1082  }
0x22: {  	[simem:s7], [sflag:s8] =	dma.local @!p0 [hbm:s6], $0xF7A  }
0x23: {  	s9 =	sor.u32 $0xD0000000, s2;
	s6 =	simm.s32 $0x108;
	_ =	swait.ge @!p0 [sflag:s8], $0x0  }
0x24: {  	s3 =	sadd.s32 $0x88, s3;
	s6 =	simm.s32 @!p1 $0x1082;
	[sflag:s4] =	ssyncset.s32 $0xFFFFF086  }
0x25: {  	[simem:s6], [sflag:s4] =	dma.local [hbm:s3], $0xF7A  }
0x26: {  	[smem:$0x3F9F] =	sst s1;
	(tag) =	ssettag s2;
	_ =	strace s9  }
0x27: {  	s1 =	sld [smem:$0x3FAF]  }
0x28: {  	s2 =	sld [smem:$0x3FB0]  }
0x29: {  	s4 =	sld [smem:$0x3FB2]  }
0x2a: {  	p0 =	seq.s32 s5, $0x0;
	s5 =	sld [smem:$0x3FB3]  }
0x2b: {  	s6 =	sld [smem:$0x3FB4]  }
0x2c: {  	s7 =	sld [smem:$0x3FB5]  }
0x2d: {  	s3 =	simm.s32 $0x108;
	s8 =	sld [smem:$0x3FB6]  }
0x2e: {  	s3 =	simm.s32 @!p0 $0x1082;
	s9 =	sld [smem:$0x3FB7]  }
0x2f: {  	lr =	sadd.s32 s0, s3;
	s0 =	sld [smem:$0x3FAE]  }
0x30: {  	s3 =	sld [smem:$0x3FB1]  }
0x31: {  	[smem:$0x3FBA] =	sst s10  }
0x32: {  	s10 =	sld [smem:$0x3FB8];
	_ =	sdelay $0x3  }
0x33: {  	p0 =	seq.s32 s10, $0x1;
	s10 =	sld [smem:$0x3FBA];
	_ =	sdelay $0x3  }
0x34: {  	[smem:$0x3FBA] =	sst s10  }
0x35: {  	s10 =	sld [smem:$0x3FB9];
	_ =	sdelay $0x3  }
0x36: {  	p1 =	seq.s32 s10, $0x1;
	s10 =	sld [smem:$0x3FBA];
	_ =	sdelay $0x3  }
0x37: {  	[smem:$0x3FBA] =	sst s10  }
0x38: {  	s10 =	sld [smem:$0x3FBB]  }
0x39: {  	_ = 	snop;
	(pc) =	sbr.ind lr, $3  }
0x3a: {  	_ = 	snop  }
0x3b: {  	_ = 	snop  }
0x3c: {  	p2 =	seq.s32 s10, $0x1;
	s10 =	sld [smem:$0x3FBA]  }
0x3d: {  	_ =	shalt  }
0x3e: {  	_ =	shalt  }
0x3f: {  	_ =	shalt  }
0x40: {  	_ =	shalt  }
0x41: {  	_ =	shalt  }
0x42: {  	_ =	shalt  }
0x43: {  	_ =	shalt  }
0x44: {  	_ =	shalt  }
0x45: {  	_ =	shalt  }
0x46: {  	_ =	shalt  }
0x47: {  	_ =	shalt  }
0x48: {  	_ =	shalt  }
0x49: {  	_ =	shalt  }
0x4a: {  	_ =	shalt  }
0x4b: {  	_ =	shalt  }
0x4c: {  	_ =	shalt  }
0x4d: {  	_ =	shalt  }
0x4e: {  	_ =	shalt  }
0x4f: {  	_ =	shalt  }
0x50: {  	_ =	shalt  }
0x51: {  	_ =	shalt  }
0x52: {  	_ =	shalt  }
0x53: {  	_ =	shalt  }
0x54: {  	_ =	shalt  }
0x55: {  	_ =	shalt  }
0x56: {  	_ =	shalt  }
0x57: {  	_ =	shalt  }
0x58: {  	_ =	shalt  }
0x59: {  	_ =	shalt  }
0x5a: {  	_ =	shalt  }
0x5b: {  	_ =	shalt  }
0x5c: {  	_ =	shalt  }
0x5d: {  	_ =	shalt  }
0x5e: {  	_ =	shalt  }
0x5f: {  	_ =	shalt  }
0x60: {  	_ =	shalt  }
0x61: {  	_ =	shalt  }
0x62: {  	_ =	shalt  }
0x63: {  	_ =	shalt  }
0x64: {  	_ =	shalt  }
0x65: {  	_ =	shalt  }
0x66: {  	_ =	shalt  }
0x67: {  	_ =	shalt  }
0x68: {  	_ =	shalt  }
0x69: {  	_ =	shalt  }
0x6a: {  	_ =	shalt  }
0x6b: {  	_ =	shalt  }
0x6c: {  	_ =	shalt  }
0x6d: {  	_ =	shalt  }
0x6e: {  	_ =	shalt  }
0x6f: {  	_ =	shalt  }
0x70: {  	_ =	shalt  }
0x71: {  	_ =	shalt  }
0x72: {  	_ =	shalt  }
0x73: {  	_ =	shalt  }
0x74: {  	_ =	shalt  }
0x75: {  	_ =	shalt  }
0x76: {  	_ =	shalt  }
0x77: {  	_ =	shalt  }
0x78: {  	_ =	shalt  }
0x79: {  	_ =	shalt  }
0x7a: {  	_ =	shalt  }
0x7b: {  	_ =	shalt  }
0x7c: {  	_ =	shalt  }
0x7d: {  	_ =	shalt  }
0x7e: {  	_ =	shalt  }
0x7f: {  	_ =	shalt  }
0x80: {  	_ =	shalt  }
0x81: {  	_ =	shalt  }
0x82: {  	_ =	shalt  }
0x83: {  	_ =	shalt  }
0x84: {  	_ =	shalt  }
0x85: {  	_ =	shalt  }
0x86: {  	_ =	shalt  }
0x87: {  	_ =	shalt  }
.Lfunc_end0:
.L_simem_size_0:
called_computation_lowered:
.L_overlay_start_0:
0x88: {  	s2 =	sld [smem:$0x3FD9]  }
0x89: {  	s3 =	sld [smem:$0x3FFE];
	_ =	sdelay $0x1  }
0x8a: {  	s1 =	srdreg.scid  }
0x8b: {  	s0 =	sand.u32 $0x1, s1  }
0x8c: {  	s15 =	sshll.u32 s0, $0xA;
	s2 =	sadd.s32 s3, s2  }
0x8d: {  	s2 =	sadd.s32 s2, s15  }
0x8e: {  	[smem:$0x3FC6] =	sst s2  }
0x8f: {  	_ = 	snop  }
0x90: {  	s2 =	sld [smem:$0x3FD0];
	_ =	sdelay $0x1  }
0x91: {  	s16 =	sld [smem:$0x3FC9]  }
0x92: {  	s5 =	simm.s32 $0xA;
	s6 =	simm.s32 $0x10;
	s4 =	sld [smem:$0x3FC8]  }
0x93: {  	[smem:s6], [sflag:s5] =	dma.local [hbm:s2], $0x1  }
0x94: {  	_ =	swait.eq [sflag:s5], $0x1  }
0x95: {  	[sflag:s5] =	ssyncset.done $0x0  }
0x96: {  	[sflag:s5] =	ssyncadd.s32 $0xFFFFFFFF  }
0x97: {  	s17 =	sld [smem:$0x10];
	(tm) =	ssettm $0x1  }
0x98: {  	s18 =	sld [smem:$0x3FFB];
	_ =	sdelay $0x3  }
0x99: {  	_ =	strace s18  }
0x9a: {  	s5 =	sld [smem:$0x3FFC];
	_ =	sdelay $0x3  }
0x9b: {  	_ =	strace s5  }
0x9c: {  	s5 =	sld [smem:$0x3FFD];
	_ =	sdelay $0x3  }
0x9d: {  	_ =	strace s5  }
0x9e: {  	_ =	strace $0x8FFFFFFF  }
0x9f: {  	s19 =	sld [smem:$0x3FDB];
	_ =	sdelay $0x1  }
0xa0: {  	s20 =	simm.s32 $_scs_section_size  }
0xa1: {  	s7 =	simm.s32 $_size__tile_overlayer_lowered;
	s8 =	simm.s32 $_tile_overlayer_lowered  }
0xa2: {  	s23 =	simm.s32 $0x1BFF;
	s22 =	sshll.u32 s8, $0x1;
	s5 =	sadd.s32 s20, s19  }
0xa3: {  	s9 =	simm.s32 $0x0;
	s21 =	sshll.u32 s7, $0x1;
	s7 =	sadd.s32 s22, s5  }
0xa4: {  	[timem:s9], [sflag:s23] =	dma.local [hbm:s7], s21  }
0xa5: {  	_ =	swait.ge [sflag:s23], s21  }
0xa6: {  	s6 =	ssub.s32 $0x0, s21;
	[sflag:s23] =	ssyncset.done $0x0  }
0xa7: {  	[sflag:s23] =	ssyncadd.s32 s6;
	_ =	sdelay $0x1  }
0xa8: {  	s24 =	simm.s32 $0x1B8B  }
0xa9: {  	_ =	swait.ge [sflag:s24], $0x1  }
0xaa: {  	[sflag:s24] =	ssyncset.done $0x0  }
0xab: {  	s25 =	simm.s32 $0x1B8E;
	[sflag:s24] =	ssyncadd.s32 $0xFFFFFFFF  }
0xac: {  	s26 =	simm.s32 $execute0_lowered;
	[smem:$0x3FD2] =	sst s25  }
0xad: {  	s6 =	sshll.u32 s26, $0x1;
	_ =	strace $0x80000046;
	[dreg:$0x1] =	wrdreg $0xFFFFFFFF  }
0xae: {  	s28 =	simm.s32 $_size_execute0_lowered;
	s5 =	sadd.s32 s5, s6;
	[dreg:$0x0] =	wrdreg $0x0  }
0xaf: {  	s6 =	sshll.u32 s28, $0x1;
	[dreg:$0x2] =	wrdreg s5  }
0xb0: {  	[dreg:$0x3] =	wrdreg s6  }
0xb1: {  	[dreg:$0x4] =	wrdreg $0xC0  }
0xb2: {  	_ =	task [dreg:s9], $0x5FFFF  }
0xb3: {  	[dreg:$0x1] =	wrdreg $0xFFFFFFFF  }
0xb4: {  	[dreg:$0x0] =	wrdreg $0x60  }
0xb5: {  	[dreg:$0x2] =	wrdreg s16  }
0xb6: {  	[dreg:$0x3] =	wrdreg s4  }
0xb7: {  	[dreg:$0x4] =	wrdreg s17  }
0xb8: {  	[dreg:$0x5] =	wrdreg $0x9  }
0xb9: {  	_ =	task.clear_ibuf [dreg:s9], $0x6FFFF;
	_ =	strace $0x90000046  }
0xba: {  	s29 =	simm.s32 $0x9;
	_ =	strace $0x80000048  }
0xbb: {  	_ =	swait.ge [sflag:s29], $0x1  }
0xbc: {  	[sflag:s29] =	ssyncadd.s32 $0xFFFFFFFF  }
0xbd: {  	_ =	strace $0x90000048  }
0xbe: {  	_ =	sfence  }
0xbf: {  	s30 =	sld [smem:$0x0];
	_ =	sdelay $0x2  }
0xc0: {  	s31 =	sshll.u32 s1, $0xD;
	s1 =	sshrl.u32 s1, $0x2  }
0xc1: {  	s3 =	sand.u32 $0x4000, s31;
	s1 =	sadd.s32 s1, s30  }
0xc2: {  	s0 =	sor.u32 s3, s0;
	s1 =	sshll.u32 s1, $0x11  }
0xc3: {  	s0 =	sor.u32 s1, s0  }
0xc4: {  	s0 =	sadd.s32 $0x8F2B, s0  }
0xc5: {  	[sflag:s0] =	ssyncadd.remote.s32 $0x1  }
0xc6: {  	_ =	sfence.sel $0xFFFF  }
0xc7: {  	[dreg:$0x0] =	wrdreg $0xFFFFFFFF;
	(pc) =	sbr.abs _section_cstart, $3  }
0xc8: {  	[dreg:$0x1] =	wrdreg $0xFFFFFFFF  }
0xc9: {  	_ =	task.clear_ibuf [dreg:s9], $0x2FFFF;
	_ =	strace $0x9FFFFFFF  }
0xca: {  	(tm) =	ssettm $0x7FFFFFFF  }
0xcb: {  	_ =	shalt  }
tec
execute0_lowered:
.L_overlay_start_1:
0x0: {  	(tag) =	ssettag $0x1  }
0x1: {  	v0 =	vlaneseq.u32  }
0x2: {  	v0 =	vmul.u32 $0x400, v0  }
0x3: {  	s1 =	rddreg [dreg:$0x0]  }
0x4: {  	s0 =	rddreg [dreg:$0x1];
	v1 =	vor.u32 $0x80, v0;
	v2 =	vor.u32 $0x100, v0  }
0x5: {  	s2 =	rddreg [dreg:$0x2];
	s3 =	srdreg.scid;
	v3 =	vor.u32 $0x180, v0;
	v4 =	vor.u32 $0x200, v0;
	v5 =	vor.u32 $0x280, v0  }
0x6: {  	s5 =	stileid.u32;
	s11 =	simm.s32 $0x4;
	s8 =	simm.s32 $0x200;
	v6 =	vor.u32 $0x300, v0;
	v7 =	vor.u32 $0x380, v0;
	v8 =	vor.u32 $0xC000, v0  }
0x7: {  	s13 =	simm.s32 $0x13A00;
	s14 =	simm.s32 $0x7E00;
	s15 =	simm.s32 $0x13E00;
	v9 =	vor.u32 $0xC080, v0;
	v10 =	vor.u32 $0xC100, v0;
	v11 =	vor.u32 $0xC180, v0  }
0x8: {  	s19 =	simm.s32 $0xA600;
	s29 =	simm.s32 $0x16600;
	s20 =	simm.s32 $0xAA00;
	v12 =	vor.u32 $0xC200, v0;
	v13 =	vor.u32 $0xC280, v0;
	v14 =	vor.u32 $0xC300, v0  }
0x9: {  	s21 =	simm.s32 $0x16A00;
	s30 =	simm.s32 $0xAE00;
	s31 =	simm.s32 $0x16E00;
	v15 =	vor.u32 $0xC380, v0;
	v16 =	vor.u32 $0x4000, v0;
	v17 =	vor.u32 $0x4080, v0  }
0xa: {  	s17 =	simm.s32 $0xB600;
	s22 =	simm.s32 $0xBA00;
	s16 =	simm.s32 $0xBE00;
	v18 =	vor.u32 $0x4100, v0;
	v19 =	vor.u32 $0x4180, v0;
	v20 =	vor.u32 $0x4200, v0  }
0xb: {  	s23 =	simm.s32 $0x2;
	s9 =	simm.s32 $0x3;
	s12 =	simm.s32 $0x0;
	v21 =	vor.u32 $0x4280, v0;
	v22 =	vor.u32 $0x4300, v0;
	v23 =	vor.u32 $0x4380, v0  }
0xc: {  	s4 =	sand.u32 $0x1, s3;
	s3 =	simm.s32 $0x0;
	s5 =	sshll.u32 s5, $0xA;
	v24 =	vor.u32 $0x10000, v0;
	v25 =	vor.u32 $0x10080, v0;
	v26 =	vor.u32 $0x10100, v0  }
0xd: {  	s6 =	sshll.u32 s4, $0x9;
	[smem:$0x7FF] =	sst s3;
	s4 =	ssub.s32 $0x2, s4;
	v27 =	vor.u32 $0x10180, v0;
	v28 =	vor.u32 $0x10200, v0;
	v29 =	vor.u32 $0x10280, v0  }
0xe: {  	s5 =	sor.u32 s6, s5;
	_ =	strace $0x80000047;
	s25 =	sshrl.u32 s4, $0x1;
	v30 =	vor.u32 $0x10300, v0;
	v31 =	vor.u32 $0x10380, v0;
	v32 =	vor.u32 $0x8000, v0  }
.Ltmp0:
0xf: {  	v33 =	vor.u32 $0x8080, v0;
	v34 =	vor.u32 $0x8100, v0;
	v35 =	vor.u32 $0x8180, v0;
	s6 =	simm.s32 $0x17E00;
	s7 =	sshrl.u32 s5, $0x3;
	(pc) =	sbr.rel .LBB2_1-.Ltmp0, $4  }
0x10: {  	v36 =	vor.u32 $0x8200, v0;
	v37 =	vor.u32 $0x8280, v0;
	v38 =	vor.u32 $0x8300, v0;
	s4 =	ssub.s32 s4, s25;
	s26 =	sadd.s32 s2, s5;
	s2 =	simm.s32 $0x17200  }
0x11: {  	v39 =	vor.u32 $0x8380, v0;
	v40 =	vor.u32 $0x14000, v0;
	v41 =	vor.u32 $0x14080, v0;
	s5 =	simm.s32 $0x17A00;
	s0 =	sadd.s32 s0, s7;
	[dreg:$0x5] =	wrdreg s26  }
0x12: {  	v42 =	vor.u32 $0x14100, v0;
	v43 =	vor.u32 $0x14180, v0;
	v44 =	vor.u32 $0x14200, v0;
	s28 =	smax.u32 s4, $0x1;
	s4 =	simm.s32 $0x17600;
	[dreg:$0x4] =	wrdreg s0  }
0x13: {  	v45 =	vor.u32 $0x14280, v0;
	v46 =	vor.u32 $0x14300, v0;
	v47 =	vor.u32 $0x14380, v0;
	s7 =	simm.s32 $0x1;
	[dreg:$0x6] =	wrdreg s28;
	s0 =	simm.s32 $0xB200  }
.LBB2_4:
0x14: {  	_ =	swait.ge [sflag:s7], $0x800  }
0x15: {  	[sflag:s7] =	ssyncset.done $0x0  }
0x16: {  	[sflag:s7] =	ssyncadd.s32 $0xFFFFF800  }
0x17: {  	_ =	swait.ge [sflag:s7], $0x800  }
0x18: {  	[sflag:s7] =	ssyncset.done $0x0  }
0x19: {  	[sflag:s7] =	ssyncadd.s32 $0xFFFFF800  }
0x1a: {  	_ =	swait.ge [sflag:s7], $0x800  }
0x1b: {  	[sflag:s7] =	ssyncset.done $0x0  }
0x1c: {  	[sflag:s7] =	ssyncadd.s32 $0xFFFFF800  }
0x1d: {  	_ =	swait.ge [sflag:s7], $0x800  }
0x1e: {  	[sflag:s7] =	ssyncset.done $0x0  }
0x1f: {  	[sflag:s7] =	ssyncadd.s32 $0xFFFFF800  }
0x20: {  	_ =	swait.ge [sflag:s7], $0x800  }
0x21: {  	[sflag:s7] =	ssyncset.done $0x0  }
0x22: {  	[sflag:s7] =	ssyncadd.s32 $0xFFFFF800  }
0x23: {  	_ =	swait.ge [sflag:s7], $0x800  }
0x24: {  	[sflag:s7] =	ssyncset.done $0x0  }
0x25: {  	[sflag:s7] =	ssyncadd.s32 $0xFFFFF800  }
0x26: {  	_ =	swait.ge [sflag:s7], $0x800  }
0x27: {  	[sflag:s7] =	ssyncset.done $0x0  }
0x28: {  	[sflag:s7] =	ssyncadd.s32 $0xFFFFF800  }
0x29: {  	_ =	swait.ge [sflag:s7], $0x800  }
0x2a: {  	[sflag:s7] =	ssyncset.done $0x0  }
0x2b: {  	[sflag:s7] =	ssyncadd.s32 $0xFFFFF800  }
0x2c: {  	_ =	swait.ge [sflag:s7], $0x800  }
0x2d: {  	[sflag:s7] =	ssyncset.done $0x0  }
0x2e: {  	[sflag:s7] =	ssyncadd.s32 $0xFFFFF800  }
0x2f: {  	_ =	swait.ge [sflag:s7], $0x800  }
0x30: {  	[sflag:s7] =	ssyncset.done $0x0  }
0x31: {  	[sflag:s7] =	ssyncadd.s32 $0xFFFFF800  }
0x32: {  	_ =	swait.ge [sflag:s7], $0x800  }
0x33: {  	[sflag:s7] =	ssyncset.done $0x0  }
0x34: {  	[sflag:s7] =	ssyncadd.s32 $0xFFFFF800  }
0x35: {  	_ =	swait.ge [sflag:s7], $0x800  }
0x36: {  	[sflag:s7] =	ssyncset.done $0x0  }
0x37: {  	[sflag:s7] =	ssyncadd.s32 $0xFFFFF800  }
0x38: {  	_ =	swait.ge [sflag:s7], $0x800  }
0x39: {  	[sflag:s7] =	ssyncset.done $0x0  }
0x3a: {  	[sflag:s7] =	ssyncadd.s32 $0xFFFFF800  }
0x3b: {  	_ =	swait.ge [sflag:s7], $0x800  }
0x3c: {  	[sflag:s7] =	ssyncset.done $0x0  }
0x3d: {  	[sflag:s7] =	ssyncadd.s32 $0xFFFFF800  }
0x3e: {  	_ =	swait.ge [sflag:s7], $0x800  }
0x3f: {  	[sflag:s7] =	ssyncset.done $0x0  }
0x40: {  	[sflag:s7] =	ssyncadd.s32 $0xFFFFF800  }
0x41: {  	_ =	swait.ge [sflag:s7], $0x800  }
0x42: {  	[sflag:s7] =	ssyncset.done $0x0  }
0x43: {  	[sflag:s7] =	ssyncadd.s32 $0xFFFFF800  }
0x44: {  	v48 =	vld [tilespmem:$0x1E0];
	_ =	sdelay $0x4  }
0x45: {  	v48 =	vand.u32 $0x7F, v48  }
0x46: {  	v49 =	vor.u32 v0, v48;
	_ =	sdelay $0x4  }
0x47: {  	v49 =	vld.idx.msk [tilespmem:v49+s8+$0x0], $0xffff  }
0x48: {  	v50 =	vor.u32 v1, v48;
	_ =	sdelay $0x3  }
0x49: {  	[tilespmem:$0x18E60] =	vst v49  }
0x4a: {  	v49 =	vld.idx.msk [tilespmem:v50+s8+$0x0], $0xffff  }
0x4b: {  	v59 =	vor.u32 v2, v48;
	_ =	sdelay $0x3  }
0x4c: {  	[tilespmem:$0x18EE0] =	vst v49  }
0x4d: {  	v49 =	vld.idx.msk [tilespmem:v59+s8+$0x0], $0xffff  }
0x4e: {  	v60 =	vor.u32 v3, v48;
	_ =	sdelay $0x3  }
0x4f: {  	[tilespmem:$0x18F60] =	vst v49  }
0x50: {  	v49 =	vld.idx.msk [tilespmem:v60+s8+$0x0], $0xffff  }
0x51: {  	v61 =	vor.u32 v4, v48;
	_ =	sdelay $0x3  }
0x52: {  	[tilespmem:$0x18FE0] =	vst v49  }
0x53: {  	v49 =	vld.idx.msk [tilespmem:v61+s8+$0x0], $0xffff  }
0x54: {  	v62 =	vor.u32 v5, v48;
	_ =	sdelay $0x3  }
0x55: {  	[tilespmem:$0x19060] =	vst v49  }
0x56: {  	v49 =	vld.idx.msk [tilespmem:v62+s8+$0x0], $0xffff  }
0x57: {  	v63 =	vor.u32 v6, v48;
	_ =	sdelay $0x3  }
0x58: {  	[tilespmem:$0x190E0] =	vst v49  }
0x59: {  	v49 =	vld.idx.msk [tilespmem:v63+s8+$0x0], $0xffff  }
0x5a: {  	v52 =	vor.u32 v7, v48;
	_ =	sdelay $0x3  }
0x5b: {  	[tilespmem:$0x19160] =	vst v49  }
0x5c: {  	v49 =	vld.idx.msk [tilespmem:v52+s8+$0x0], $0xffff  }
0x5d: {  	v53 =	vor.u32 v8, v48;
	_ =	sdelay $0x3  }
0x5e: {  	[tilespmem:$0x191E0] =	vst v49  }
0x5f: {  	v49 =	vld.idx.msk [tilespmem:v53+s8+$0x0], $0xffff  }
0x60: {  	v54 =	vor.u32 v9, v48;
	_ =	sdelay $0x3  }
0x61: {  	[tilespmem:$0x19E60] =	vst v49  }
0x62: {  	v49 =	vld.idx.msk [tilespmem:v54+s8+$0x0], $0xffff  }
0x63: {  	v55 =	vor.u32 v10, v48;
	_ =	sdelay $0x3  }
0x64: {  	[tilespmem:$0x19EE0] =	vst v49  }
0x65: {  	v49 =	vld.idx.msk [tilespmem:v55+s8+$0x0], $0xffff  }
0x66: {  	v56 =	vor.u32 v11, v48;
	_ =	sdelay $0x3  }
0x67: {  	[tilespmem:$0x19F60] =	vst v49  }
0x68: {  	v49 =	vld.idx.msk [tilespmem:v56+s8+$0x0], $0xffff  }
0x69: {  	v57 =	vor.u32 v12, v48;
	_ =	sdelay $0x3  }
0x6a: {  	[tilespmem:$0x19FE0] =	vst v49  }
0x6b: {  	v49 =	vld.idx.msk [tilespmem:v57+s8+$0x0], $0xffff  }
0x6c: {  	v58 =	vor.u32 v13, v48;
	_ =	sdelay $0x3  }
0x6d: {  	[tilespmem:$0x1A060] =	vst v49  }
0x6e: {  	v49 =	vld.idx.msk [tilespmem:v58+s8+$0x0], $0xffff  }
0x6f: {  	v59 =	vor.u32 v14, v48;
	_ =	sdelay $0x3  }
0x70: {  	[tilespmem:$0x1A0E0] =	vst v49  }
0x71: {  	v49 =	vld.idx.msk [tilespmem:v59+s8+$0x0], $0xffff  }
0x72: {  	v48 =	vor.u32 v15, v48;
	_ =	sdelay $0x3  }
0x73: {  	[tilespmem:$0x1A160] =	vst v49  }
0x74: {  	v48 =	vld.idx.msk [tilespmem:v48+s8+$0x0], $0xffff;
	_ =	sdelay $0x4  }
0x75: {  	[tilespmem:$0x1A1E0] =	vst v48  }
0x76: {  	_ =	swait.ge [sflag:s23], $0x800  }
0x77: {  	[sflag:s23] =	ssyncset.done $0x0  }
0x78: {  	[sflag:s23] =	ssyncadd.s32 $0xFFFFF800  }
0x79: {  	_ =	swait.ge [sflag:s23], $0x800  }
0x7a: {  	[sflag:s23] =	ssyncset.done $0x0  }
0x7b: {  	[sflag:s23] =	ssyncadd.s32 $0xFFFFF800  }
0x7c: {  	_ =	swait.ge [sflag:s23], $0x800  }
0x7d: {  	[sflag:s23] =	ssyncset.done $0x0  }
0x7e: {  	[sflag:s23] =	ssyncadd.s32 $0xFFFFF800  }
0x7f: {  	_ =	swait.ge [sflag:s23], $0x800  }
0x80: {  	[sflag:s23] =	ssyncset.done $0x0  }
0x81: {  	[sflag:s23] =	ssyncadd.s32 $0xFFFFF800  }
0x82: {  	_ =	swait.ge [sflag:s23], $0x800  }
0x83: {  	[sflag:s23] =	ssyncset.done $0x0  }
0x84: {  	[sflag:s23] =	ssyncadd.s32 $0xFFFFF800  }
0x85: {  	_ =	swait.ge [sflag:s23], $0x800  }
0x86: {  	[sflag:s23] =	ssyncset.done $0x0  }
0x87: {  	[sflag:s23] =	ssyncadd.s32 $0xFFFFF800  }
0x88: {  	_ =	swait.ge [sflag:s23], $0x800  }
0x89: {  	[sflag:s23] =	ssyncset.done $0x0  }
0x8a: {  	[sflag:s23] =	ssyncadd.s32 $0xFFFFF800  }
0x8b: {  	_ =	swait.ge [sflag:s23], $0x800  }
0x8c: {  	[sflag:s23] =	ssyncset.done $0x0  }
0x8d: {  	[sflag:s23] =	ssyncadd.s32 $0xFFFFF800  }
0x8e: {  	_ =	swait.ge [sflag:s23], $0x800  }
0x8f: {  	[sflag:s23] =	ssyncset.done $0x0  }
0x90: {  	[sflag:s23] =	ssyncadd.s32 $0xFFFFF800  }
0x91: {  	_ =	swait.ge [sflag:s23], $0x800  }
0x92: {  	[sflag:s23] =	ssyncset.done $0x0  }
0x93: {  	[sflag:s23] =	ssyncadd.s32 $0xFFFFF800  }
0x94: {  	_ =	swait.ge [sflag:s23], $0x800  }
0x95: {  	[sflag:s23] =	ssyncset.done $0x0  }
0x96: {  	[sflag:s23] =	ssyncadd.s32 $0xFFFFF800  }
0x97: {  	_ =	swait.ge [sflag:s23], $0x800  }
0x98: {  	[sflag:s23] =	ssyncset.done $0x0  }
0x99: {  	[sflag:s23] =	ssyncadd.s32 $0xFFFFF800  }
0x9a: {  	_ =	swait.ge [sflag:s23], $0x800  }
0x9b: {  	[sflag:s23] =	ssyncset.done $0x0  }
0x9c: {  	[sflag:s23] =	ssyncadd.s32 $0xFFFFF800  }
0x9d: {  	_ =	swait.ge [sflag:s23], $0x800  }
0x9e: {  	[sflag:s23] =	ssyncset.done $0x0  }
0x9f: {  	[sflag:s23] =	ssyncadd.s32 $0xFFFFF800  }
0xa0: {  	_ =	swait.ge [sflag:s23], $0x800  }
0xa1: {  	[sflag:s23] =	ssyncset.done $0x0  }
0xa2: {  	[sflag:s23] =	ssyncadd.s32 $0xFFFFF800  }
0xa3: {  	_ =	swait.ge [sflag:s23], $0x800  }
0xa4: {  	[sflag:s23] =	ssyncset.done $0x0  }
0xa5: {  	[sflag:s23] =	ssyncadd.s32 $0xFFFFF800  }
0xa6: {  	v60 =	vld [tilespmem:$0x1F0];
	_ =	sdelay $0x4  }
0xa7: {  	v48 =	vand.u32 $0x7F, v60  }
0xa8: {  	v61 =	vor.u32 v16, v48;
	_ =	sdelay $0x4  }
0xa9: {  	v49 =	vld.idx.msk [tilespmem:v61+s8+$0x0], $0xffff  }
0xaa: {  	v62 =	vor.u32 v17, v48;
	_ =	sdelay $0x3  }
0xab: {  	[tilespmem:$0x18E70] =	vst v49  }
0xac: {  	v49 =	vld.idx.msk [tilespmem:v62+s8+$0x0], $0xffff  }
0xad: {  	v63 =	vor.u32 v18, v48;
	_ =	sdelay $0x3  }
0xae: {  	[tilespmem:$0x18EF0] =	vst v49  }
0xaf: {  	v49 =	vld.idx.msk [tilespmem:v63+s8+$0x0], $0xffff  }
0xb0: {  	v52 =	vor.u32 v19, v48;
	_ =	sdelay $0x3  }
0xb1: {  	[tilespmem:$0x18F70] =	vst v49  }
0xb2: {  	v49 =	vld.idx.msk [tilespmem:v52+s8+$0x0], $0xffff  }
0xb3: {  	v53 =	vor.u32 v20, v48;
	_ =	sdelay $0x3  }
0xb4: {  	[tilespmem:$0x18FF0] =	vst v49  }
0xb5: {  	v49 =	vld.idx.msk [tilespmem:v53+s8+$0x0], $0xffff  }
0xb6: {  	v54 =	vor.u32 v21, v48;
	_ =	sdelay $0x3  }
0xb7: {  	[tilespmem:$0x19070] =	vst v49  }
0xb8: {  	v49 =	vld.idx.msk [tilespmem:v54+s8+$0x0], $0xffff  }
0xb9: {  	v55 =	vor.u32 v22, v48;
	_ =	sdelay $0x3  }
0xba: {  	[tilespmem:$0x190F0] =	vst v49  }
0xbb: {  	v49 =	vld.idx.msk [tilespmem:v55+s8+$0x0], $0xffff  }
0xbc: {  	v56 =	vor.u32 v23, v48;
	_ =	sdelay $0x3  }
0xbd: {  	[tilespmem:$0x19170] =	vst v49  }
0xbe: {  	v49 =	vld.idx.msk [tilespmem:v56+s8+$0x0], $0xffff  }
0xbf: {  	v57 =	vor.u32 v24, v48;
	_ =	sdelay $0x3  }
0xc0: {  	[tilespmem:$0x191F0] =	vst v49  }
0xc1: {  	v49 =	vld.idx.msk [tilespmem:v57+s8+$0x0], $0xffff  }
0xc2: {  	v58 =	vor.u32 v25, v48;
	_ =	sdelay $0x3  }
0xc3: {  	[tilespmem:$0x19E70] =	vst v49  }
0xc4: {  	v49 =	vld.idx.msk [tilespmem:v58+s8+$0x0], $0xffff  }
0xc5: {  	v59 =	vor.u32 v26, v48;
	_ =	sdelay $0x3  }
0xc6: {  	[tilespmem:$0x19EF0] =	vst v49  }
0xc7: {  	v49 =	vld.idx.msk [tilespmem:v59+s8+$0x0], $0xffff  }
0xc8: {  	v60 =	vor.u32 v27, v48;
	_ =	sdelay $0x3  }
0xc9: {  	[tilespmem:$0x19F70] =	vst v49  }
0xca: {  	v49 =	vld.idx.msk [tilespmem:v60+s8+$0x0], $0xffff  }
0xcb: {  	v61 =	vor.u32 v28, v48;
	_ =	sdelay $0x3  }
0xcc: {  	[tilespmem:$0x19FF0] =	vst v49  }
0xcd: {  	v49 =	vld.idx.msk [tilespmem:v61+s8+$0x0], $0xffff  }
0xce: {  	v62 =	vor.u32 v29, v48;
	_ =	sdelay $0x3  }
0xcf: {  	[tilespmem:$0x1A070] =	vst v49  }
0xd0: {  	v49 =	vld.idx.msk [tilespmem:v62+s8+$0x0], $0xffff  }
0xd1: {  	v63 =	vor.u32 v30, v48;
	_ =	sdelay $0x3  }
0xd2: {  	[tilespmem:$0x1A0F0] =	vst v49  }
0xd3: {  	v49 =	vld.idx.msk [tilespmem:v63+s8+$0x0], $0xffff  }
0xd4: {  	v48 =	vor.u32 v31, v48;
	_ =	sdelay $0x3  }
0xd5: {  	[tilespmem:$0x1A170] =	vst v49  }
0xd6: {  	v48 =	vld.idx.msk [tilespmem:v48+s8+$0x0], $0xffff;
	_ =	sdelay $0x3  }
0xd7: {  	s11 =	simm.s32 $0x1000  }
0xd8: {  	s12 =	simm.s32 $0x20000;
	s18 =	simm.s32 $0x18200;
	s10 =	rddreg [dreg:$0x5];
	[tilespmem:$0x1A1F0] =	vst v48  }
0xd9: {  	[hbm4b:s10+s11] =	stream.strided.scatter [tilespmem:s18], [sflag:$0x4], $0x2000, s12, s11, $0x38;
	[tilespmem:$0x1A200] =	vst v63  }
0xda: {  	s11 =	simm.s32 $0x4  }
0xdb: {  	_ =	swait.ge [sflag:s11], $0x2000  }
0xdc: {  	s26 =	rddreg [dreg:$0x7]  }
0xdd: {  	s28 =	rddreg [dreg:$0x6];
	s12 =	sadd.s32 $0x1, s26  }
0xde: {  	p0 =	sne.s32 s12, s28  }
.Ltmp1:
0xdf: {  	_ = 	snop;
	(pc) =	sbr.rel @!p0 .LBB2_5-.Ltmp1, $3  }
0xe0: {  	_ =	sdelay $0x1  }
0xe1: {  	[sflag:s11] =	ssyncset.done $0x0  }
0xe2: {  	[sflag:s11] =	ssyncadd.s32 $0xFFFFE000  }
.LBB2_1:
0xe3: {  	[dreg:$0x7] =	wrdreg s12  }
0xe4: {  	s10 =	rddreg [dreg:$0x4]  }
0xe5: {  	[tilespmem:s3], [sflag:$0x4] =	stream.linear.gather [hbm4b:s10+s3], $0x200, $0x38;
	[tilespmem:$0x1A200] =	vst v63  }
0xe6: {  	_ =	swait.ge [sflag:s11], $0x200  }
0xe7: {  	[sflag:s11] =	ssyncset.done $0x0  }
0xe8: {  	[sflag:s11] =	ssyncadd.s32 $0xFFFFFE00  }
0xe9: {  	v48 =	vld [tilespmem:$0x0];
	_ =	sdelay $0x4  }
0xea: {  	(v2sf) =	vpush v48, $0x0;
	_ =	sdelay $0x3  }
0xeb: {  	(v2sf) =	vpush v48, $0x1;
	_ =	sdelay $0x4  }
0xec: {  	(v2sf) =	vpush v48, $0x2;
	_ =	sdelay $0x5  }
0xed: {  	s11 =	spop (v2sf)  }
0xee: {  	(v2sf) =	vpush v48, $0x3;
	s10 =	sand.u32 $0xFFFFF80, s11  }
0xef: {  	s10 =	sadd.s32 s1, s10  }
0xf0: {  	[tilespmem:s8], [sflag:$0x1] =	stream.linear.gather [hbm4b:s10+s3], $0x400, $0x38;
	[tilespmem:$0x1A200] =	vst v63  }
0xf1: {  	s12 =	simm.s32 $0xC200;
	s18 =	spop (v2sf);
	s10 =	sadd.s32 $0xF4280, s10  }
0xf2: {  	(v2sf) =	vpush v48, $0x4;
	[tilespmem:s12], [sflag:$0x1] =	stream.linear.gather [hbm4b:s10+s3], $0x400, $0x38;
	[tilespmem:$0x1A200] =	vst v63  }
0xf3: {  	s10 =	sand.u32 $0xFFFFF80, s18  }
0xf4: {  	s24 =	simm.s32 $0x600;
	s10 =	sadd.s32 s1, s10  }
0xf5: {  	[tilespmem:s24], [sflag:$0x1] =	stream.linear.gather [hbm4b:s10+s3], $0x400, $0x38;
	[tilespmem:$0x1A200] =	vst v63  }
0xf6: {  	s25 =	simm.s32 $0xC600;
	s26 =	spop (v2sf);
	s10 =	sadd.s32 $0xF4280, s10  }
0xf7: {  	(v2sf) =	vpush v48, $0x5;
	[tilespmem:s25], [sflag:$0x1] =	stream.linear.gather [hbm4b:s10+s3], $0x400, $0x38;
	[tilespmem:$0x1A200] =	vst v63  }
0xf8: {  	s10 =	sand.u32 $0xFFFFF80, s26  }
0xf9: {  	s28 =	simm.s32 $0xA00;
	s10 =	sadd.s32 s1, s10  }
0xfa: {  	[tilespmem:s28], [sflag:$0x1] =	stream.linear.gather [hbm4b:s10+s3], $0x400, $0x38;
	[tilespmem:$0x1A200] =	vst v63  }
0xfb: {  	s12 =	simm.s32 $0xCA00;
	s10 =	sadd.s32 $0xF4280, s10  }
0xfc: {  	[tilespmem:s12], [sflag:$0x1] =	stream.linear.gather [hbm4b:s10+s3], $0x400, $0x38;
	[tilespmem:$0x1A200] =	vst v63  }
0xfd: {  	s18 =	spop (v2sf)  }
0xfe: {  	(v2sf) =	vpush v48, $0x6;
	s10 =	sand.u32 $0xFFFFF80, s18  }
0xff: {  	s24 =	simm.s32 $0xE00;
	s10 =	sadd.s32 s1, s10  }
0x100: {  	[tilespmem:s24], [sflag:$0x1] =	stream.linear.gather [hbm4b:s10+s3], $0x400, $0x38;
	[tilespmem:$0x1A200] =	vst v63  }
0x101: {  	s25 =	simm.s32 $0xCE00;
	s26 =	spop (v2sf);
	s10 =	sadd.s32 $0xF4280, s10  }
0x102: {  	(v2sf) =	vpush v48, $0x7;
	[tilespmem:s25], [sflag:$0x1] =	stream.linear.gather [hbm4b:s10+s3], $0x400, $0x38;
	[tilespmem:$0x1A200] =	vst v63  }
0x103: {  	s10 =	sand.u32 $0xFFFFF80, s26  }
0x104: {  	s28 =	simm.s32 $0x1200;
	s10 =	sadd.s32 s1, s10  }
0x105: {  	[tilespmem:s28], [sflag:$0x1] =	stream.linear.gather [hbm4b:s10+s3], $0x400, $0x38;
	[tilespmem:$0x1A200] =	vst v63  }
0x106: {  	s12 =	simm.s32 $0xD200;
	s18 =	spop (v2sf);
	s10 =	sadd.s32 $0xF4280, s10  }
0x107: {  	(v2sf) =	vpush v48, $0x8;
	[tilespmem:s12], [sflag:$0x1] =	stream.linear.gather [hbm4b:s10+s3], $0x400, $0x38;
	[tilespmem:$0x1A200] =	vst v63  }
0x108: {  	s10 =	sand.u32 $0xFFFFF80, s18  }
0x109: {  	s24 =	simm.s32 $0x1600;
	s10 =	sadd.s32 s1, s10  }
0x10a: {  	[tilespmem:s24], [sflag:$0x1] =	stream.linear.gather [hbm4b:s10+s3], $0x400, $0x38;
	[tilespmem:$0x1A200] =	vst v63  }
0x10b: {  	s25 =	simm.s32 $0xD600;
	s10 =	sadd.s32 $0xF4280, s10  }
0x10c: {  	[tilespmem:s25], [sflag:$0x1] =	stream.linear.gather [hbm4b:s10+s3], $0x400, $0x38;
	[tilespmem:$0x1A200] =	vst v63  }
0x10d: {  	s26 =	spop (v2sf)  }
0x10e: {  	(v2sf) =	vpush v48, $0x9;
	s10 =	sand.u32 $0xFFFFF80, s26  }
0x10f: {  	s28 =	simm.s32 $0x1A00;
	s10 =	sadd.s32 s1, s10  }
0x110: {  	[tilespmem:s28], [sflag:$0x1] =	stream.linear.gather [hbm4b:s10+s3], $0x400, $0x38;
	[tilespmem:$0x1A200] =	vst v63  }
0x111: {  	s12 =	simm.s32 $0xDA00;
	s18 =	spop (v2sf);
	s10 =	sadd.s32 $0xF4280, s10  }
0x112: {  	(v2sf) =	vpush v48, $0xA;
	[tilespmem:s12], [sflag:$0x1] =	stream.linear.gather [hbm4b:s10+s3], $0x400, $0x38;
	[tilespmem:$0x1A200] =	vst v63  }
0x113: {  	s10 =	sand.u32 $0xFFFFF80, s18  }
0x114: {  	s24 =	simm.s32 $0x1E00;
	s10 =	sadd.s32 s1, s10  }
0x115: {  	[tilespmem:s24], [sflag:$0x1] =	stream.linear.gather [hbm4b:s10+s3], $0x400, $0x38;
	[tilespmem:$0x1A200] =	vst v63  }
0x116: {  	s25 =	simm.s32 $0xDE00;
	s26 =	spop (v2sf);
	s10 =	sadd.s32 $0xF4280, s10  }
0x117: {  	(v2sf) =	vpush v48, $0xB;
	[tilespmem:s25], [sflag:$0x1] =	stream.linear.gather [hbm4b:s10+s3], $0x400, $0x38;
	[tilespmem:$0x1A200] =	vst v63  }
0x118: {  	s10 =	sand.u32 $0xFFFFF80, s26  }
0x119: {  	s28 =	simm.s32 $0x2200;
	s10 =	sadd.s32 s1, s10  }
0x11a: {  	[tilespmem:s28], [sflag:$0x1] =	stream.linear.gather [hbm4b:s10+s3], $0x400, $0x38;
	[tilespmem:$0x1A200] =	vst v63  }
0x11b: {  	s12 =	simm.s32 $0xE200;
	s10 =	sadd.s32 $0xF4280, s10  }
0x11c: {  	[tilespmem:s12], [sflag:$0x1] =	stream.linear.gather [hbm4b:s10+s3], $0x400, $0x38;
	[tilespmem:$0x1A200] =	vst v63  }
0x11d: {  	s18 =	spop (v2sf)  }
0x11e: {  	(v2sf) =	vpush v48, $0xC;
	s10 =	sand.u32 $0xFFFFF80, s18  }
0x11f: {  	s24 =	simm.s32 $0x2600;
	s10 =	sadd.s32 s1, s10  }
0x120: {  	[tilespmem:s24], [sflag:$0x1] =	stream.linear.gather [hbm4b:s10+s3], $0x400, $0x38;
	[tilespmem:$0x1A200] =	vst v63  }
0x121: {  	s25 =	simm.s32 $0xE600;
	s26 =	spop (v2sf);
	s10 =	sadd.s32 $0xF4280, s10  }
0x122: {  	(v2sf) =	vpush v48, $0xD;
	[tilespmem:s25], [sflag:$0x1] =	stream.linear.gather [hbm4b:s10+s3], $0x400, $0x38;
	[tilespmem:$0x1A200] =	vst v63  }
0x123: {  	s10 =	sand.u32 $0xFFFFF80, s26  }
0x124: {  	s28 =	simm.s32 $0x2A00;
	s10 =	sadd.s32 s1, s10  }
0x125: {  	[tilespmem:s28], [sflag:$0x1] =	stream.linear.gather [hbm4b:s10+s3], $0x400, $0x38;
	[tilespmem:$0x1A200] =	vst v63  }
0x126: {  	s12 =	simm.s32 $0xEA00;
	s18 =	spop (v2sf);
	s10 =	sadd.s32 $0xF4280, s10  }
0x127: {  	(v2sf) =	vpush v48, $0xE;
	[tilespmem:s12], [sflag:$0x1] =	stream.linear.gather [hbm4b:s10+s3], $0x400, $0x38;
	[tilespmem:$0x1A200] =	vst v63  }
0x128: {  	s10 =	sand.u32 $0xFFFFF80, s18  }
0x129: {  	s24 =	simm.s32 $0x2E00;
	s10 =	sadd.s32 s1, s10  }
0x12a: {  	[tilespmem:s24], [sflag:$0x1] =	stream.linear.gather [hbm4b:s10+s3], $0x400, $0x38;
	[tilespmem:$0x1A200] =	vst v63  }
0x12b: {  	s25 =	simm.s32 $0xEE00;
	s10 =	sadd.s32 $0xF4280, s10  }
0x12c: {  	[tilespmem:s25], [sflag:$0x1] =	stream.linear.gather [hbm4b:s10+s3], $0x400, $0x38;
	[tilespmem:$0x1A200] =	vst v63  }
0x12d: {  	s26 =	spop (v2sf)  }
0x12e: {  	(v2sf) =	vpush v48, $0xF;
	s10 =	sand.u32 $0xFFFFF80, s26  }
0x12f: {  	s28 =	simm.s32 $0x3200;
	s10 =	sadd.s32 s1, s10  }
0x130: {  	[tilespmem:s28], [sflag:$0x1] =	stream.linear.gather [hbm4b:s10+s3], $0x400, $0x38;
	[tilespmem:$0x1A200] =	vst v63  }
0x131: {  	s12 =	simm.s32 $0xF200;
	s18 =	spop (v2sf);
	s10 =	sadd.s32 $0xF4280, s10  }
0x132: {  	[tilespmem:s12], [sflag:$0x1] =	stream.linear.gather [hbm4b:s10+s3], $0x400, $0x38;
	[tilespmem:$0x1A200] =	vst v63  }
0x133: {  	s10 =	sand.u32 $0xFFFFF80, s18  }
0x134: {  	s24 =	simm.s32 $0x3600;
	s10 =	sadd.s32 s1, s10  }
0x135: {  	[tilespmem:s24], [sflag:$0x1] =	stream.linear.gather [hbm4b:s10+s3], $0x400, $0x38;
	[tilespmem:$0x1A200] =	vst v63  }
0x136: {  	s25 =	simm.s32 $0xF600;
	s26 =	spop (v2sf);
	s10 =	sadd.s32 $0xF4280, s10  }
0x137: {  	[tilespmem:s25], [sflag:$0x1] =	stream.linear.gather [hbm4b:s10+s3], $0x400, $0x38;
	[tilespmem:$0x1A200] =	vst v63  }
0x138: {  	s10 =	sand.u32 $0xFFFFF80, s26  }
0x139: {  	s28 =	simm.s32 $0x3A00;
	s10 =	sadd.s32 s1, s10  }
0x13a: {  	[tilespmem:s28], [sflag:$0x1] =	stream.linear.gather [hbm4b:s10+s3], $0x400, $0x38;
	[tilespmem:$0x1A200] =	vst v63  }
0x13b: {  	s12 =	simm.s32 $0xFA00;
	s10 =	sadd.s32 $0xF4280, s10  }
0x13c: {  	[tilespmem:s12], [sflag:$0x1] =	stream.linear.gather [hbm4b:s10+s3], $0x400, $0x38;
	[tilespmem:$0x1A200] =	vst v63  }
0x13d: {  	s18 =	spop (v2sf)  }
0x13e: {  	s10 =	sand.u32 $0xFFFFF80, s18  }
0x13f: {  	s24 =	simm.s32 $0x3E00;
	s10 =	sadd.s32 s1, s10  }
0x140: {  	[tilespmem:s24], [sflag:$0x1] =	stream.linear.gather [hbm4b:s10+s3], $0x400, $0x38;
	[tilespmem:$0x1A200] =	vst v63  }
0x141: {  	s25 =	simm.s32 $0xFE00;
	s10 =	sadd.s32 $0xF4280, s10  }
0x142: {  	[tilespmem:s25], [sflag:$0x1] =	stream.linear.gather [hbm4b:s10+s3], $0x400, $0x38;
	[tilespmem:$0x1A200] =	vst v63  }
0x143: {  	v62 =	vld [tilespmem:$0x10];
	_ =	sdelay $0x4  }
0x144: {  	(v2sf) =	vpush v62, $0x0;
	_ =	sdelay $0x3  }
0x145: {  	(v2sf) =	vpush v62, $0x1;
	_ =	sdelay $0x4  }
0x146: {  	(v2sf) =	vpush v62, $0x2;
	_ =	sdelay $0x5  }
0x147: {  	s26 =	spop (v2sf)  }
0x148: {  	(v2sf) =	vpush v62, $0x3;
	s10 =	sand.u32 $0xFFFFF80, s26  }
0x149: {  	s28 =	simm.s32 $0x4200;
	s10 =	sadd.s32 s1, s10  }
0x14a: {  	[tilespmem:s28], [sflag:$0x2] =	stream.linear.gather [hbm4b:s10+s3], $0x400, $0x38;
	[tilespmem:$0x1A200] =	vst v63  }
0x14b: {  	s12 =	simm.s32 $0x10200;
	s18 =	spop (v2sf);
	s10 =	sadd.s32 $0xF4280, s10  }
0x14c: {  	(v2sf) =	vpush v62, $0x4;
	[tilespmem:s12], [sflag:$0x2] =	stream.linear.gather [hbm4b:s10+s3], $0x400, $0x38;
	[tilespmem:$0x1A200] =	vst v63  }
0x14d: {  	s10 =	sand.u32 $0xFFFFF80, s18  }
0x14e: {  	s24 =	simm.s32 $0x4600;
	s10 =	sadd.s32 s1, s10  }
0x14f: {  	[tilespmem:s24], [sflag:$0x2] =	stream.linear.gather [hbm4b:s10+s3], $0x400, $0x38;
	[tilespmem:$0x1A200] =	vst v63  }
0x150: {  	s25 =	simm.s32 $0x10600;
	s26 =	spop (v2sf);
	s10 =	sadd.s32 $0xF4280, s10  }
0x151: {  	(v2sf) =	vpush v62, $0x5;
	[tilespmem:s25], [sflag:$0x2] =	stream.linear.gather [hbm4b:s10+s3], $0x400, $0x38;
	[tilespmem:$0x1A200] =	vst v63  }
0x152: {  	s10 =	sand.u32 $0xFFFFF80, s26  }
0x153: {  	s28 =	simm.s32 $0x4A00;
	s10 =	sadd.s32 s1, s10  }
0x154: {  	[tilespmem:s28], [sflag:$0x2] =	stream.linear.gather [hbm4b:s10+s3], $0x400, $0x38;
	[tilespmem:$0x1A200] =	vst v63  }
0x155: {  	s12 =	simm.s32 $0x10A00;
	s10 =	sadd.s32 $0xF4280, s10  }
0x156: {  	[tilespmem:s12], [sflag:$0x2] =	stream.linear.gather [hbm4b:s10+s3], $0x400, $0x38;
	[tilespmem:$0x1A200] =	vst v63  }
0x157: {  	s18 =	spop (v2sf)  }
0x158: {  	(v2sf) =	vpush v62, $0x6;
	s10 =	sand.u32 $0xFFFFF80, s18  }
0x159: {  	s24 =	simm.s32 $0x4E00;
	s10 =	sadd.s32 s1, s10  }
0x15a: {  	[tilespmem:s24], [sflag:$0x2] =	stream.linear.gather [hbm4b:s10+s3], $0x400, $0x38;
	[tilespmem:$0x1A200] =	vst v63  }
0x15b: {  	s25 =	simm.s32 $0x10E00;
	s26 =	spop (v2sf);
	s10 =	sadd.s32 $0xF4280, s10  }
0x15c: {  	(v2sf) =	vpush v62, $0x7;
	[tilespmem:s25], [sflag:$0x2] =	stream.linear.gather [hbm4b:s10+s3], $0x400, $0x38;
	[tilespmem:$0x1A200] =	vst v63  }
0x15d: {  	s10 =	sand.u32 $0xFFFFF80, s26  }
0x15e: {  	s28 =	simm.s32 $0x5200;
	s10 =	sadd.s32 s1, s10  }
0x15f: {  	[tilespmem:s28], [sflag:$0x2] =	stream.linear.gather [hbm4b:s10+s3], $0x400, $0x38;
	[tilespmem:$0x1A200] =	vst v63  }
0x160: {  	s12 =	simm.s32 $0x11200;
	s18 =	spop (v2sf);
	s10 =	sadd.s32 $0xF4280, s10  }
0x161: {  	(v2sf) =	vpush v62, $0x8;
	[tilespmem:s12], [sflag:$0x2] =	stream.linear.gather [hbm4b:s10+s3], $0x400, $0x38;
	[tilespmem:$0x1A200] =	vst v63  }
0x162: {  	s10 =	sand.u32 $0xFFFFF80, s18  }
0x163: {  	s24 =	simm.s32 $0x5600;
	s10 =	sadd.s32 s1, s10  }
0x164: {  	[tilespmem:s24], [sflag:$0x2] =	stream.linear.gather [hbm4b:s10+s3], $0x400, $0x38;
	[tilespmem:$0x1A200] =	vst v63  }
0x165: {  	s25 =	simm.s32 $0x11600;
	s10 =	sadd.s32 $0xF4280, s10  }
0x166: {  	[tilespmem:s25], [sflag:$0x2] =	stream.linear.gather [hbm4b:s10+s3], $0x400, $0x38;
	[tilespmem:$0x1A200] =	vst v63  }
0x167: {  	s26 =	spop (v2sf)  }
0x168: {  	(v2sf) =	vpush v62, $0x9;
	s10 =	sand.u32 $0xFFFFF80, s26  }
0x169: {  	s28 =	simm.s32 $0x5A00;
	s10 =	sadd.s32 s1, s10  }
0x16a: {  	[tilespmem:s28], [sflag:$0x2] =	stream.linear.gather [hbm4b:s10+s3], $0x400, $0x38;
	[tilespmem:$0x1A200] =	vst v63  }
0x16b: {  	s12 =	simm.s32 $0x11A00;
	s18 =	spop (v2sf);
	s10 =	sadd.s32 $0xF4280, s10  }
0x16c: {  	(v2sf) =	vpush v62, $0xA;
	[tilespmem:s12], [sflag:$0x2] =	stream.linear.gather [hbm4b:s10+s3], $0x400, $0x38;
	[tilespmem:$0x1A200] =	vst v63  }
0x16d: {  	s10 =	sand.u32 $0xFFFFF80, s18  }
0x16e: {  	s24 =	simm.s32 $0x5E00;
	s10 =	sadd.s32 s1, s10  }
0x16f: {  	[tilespmem:s24], [sflag:$0x2] =	stream.linear.gather [hbm4b:s10+s3], $0x400, $0x38;
	[tilespmem:$0x1A200] =	vst v63  }
0x170: {  	s25 =	simm.s32 $0x11E00;
	s26 =	spop (v2sf);
	s10 =	sadd.s32 $0xF4280, s10  }
0x171: {  	(v2sf) =	vpush v62, $0xB;
	[tilespmem:s25], [sflag:$0x2] =	stream.linear.gather [hbm4b:s10+s3], $0x400, $0x38;
	[tilespmem:$0x1A200] =	vst v63  }
0x172: {  	s10 =	sand.u32 $0xFFFFF80, s26  }
0x173: {  	s28 =	simm.s32 $0x6200;
	s10 =	sadd.s32 s1, s10  }
0x174: {  	[tilespmem:s28], [sflag:$0x2] =	stream.linear.gather [hbm4b:s10+s3], $0x400, $0x38;
	[tilespmem:$0x1A200] =	vst v63  }
0x175: {  	s12 =	simm.s32 $0x12200;
	s10 =	sadd.s32 $0xF4280, s10  }
0x176: {  	[tilespmem:s12], [sflag:$0x2] =	stream.linear.gather [hbm4b:s10+s3], $0x400, $0x38;
	[tilespmem:$0x1A200] =	vst v63  }
0x177: {  	s18 =	spop (v2sf)  }
0x178: {  	(v2sf) =	vpush v62, $0xC;
	s10 =	sand.u32 $0xFFFFF80, s18  }
0x179: {  	s24 =	simm.s32 $0x6600;
	s10 =	sadd.s32 s1, s10  }
0x17a: {  	[tilespmem:s24], [sflag:$0x2] =	stream.linear.gather [hbm4b:s10+s3], $0x400, $0x38;
	[tilespmem:$0x1A200] =	vst v63  }
0x17b: {  	s25 =	simm.s32 $0x12600;
	s26 =	spop (v2sf);
	s10 =	sadd.s32 $0xF4280, s10  }
0x17c: {  	(v2sf) =	vpush v62, $0xD;
	[tilespmem:s25], [sflag:$0x2] =	stream.linear.gather [hbm4b:s10+s3], $0x400, $0x38;
	[tilespmem:$0x1A200] =	vst v63  }
0x17d: {  	s10 =	sand.u32 $0xFFFFF80, s26  }
0x17e: {  	s28 =	simm.s32 $0x6A00;
	s10 =	sadd.s32 s1, s10  }
0x17f: {  	[tilespmem:s28], [sflag:$0x2] =	stream.linear.gather [hbm4b:s10+s3], $0x400, $0x38;
	[tilespmem:$0x1A200] =	vst v63  }
0x180: {  	s12 =	simm.s32 $0x12A00;
	s18 =	spop (v2sf);
	s10 =	sadd.s32 $0xF4280, s10  }
0x181: {  	(v2sf) =	vpush v62, $0xE;
	[tilespmem:s12], [sflag:$0x2] =	stream.linear.gather [hbm4b:s10+s3], $0x400, $0x38;
	[tilespmem:$0x1A200] =	vst v63  }
0x182: {  	s10 =	sand.u32 $0xFFFFF80, s18  }
0x183: {  	s24 =	simm.s32 $0x6E00;
	s10 =	sadd.s32 s1, s10  }
0x184: {  	[tilespmem:s24], [sflag:$0x2] =	stream.linear.gather [hbm4b:s10+s3], $0x400, $0x38;
	[tilespmem:$0x1A200] =	vst v63  }
0x185: {  	s25 =	simm.s32 $0x12E00;
	s10 =	sadd.s32 $0xF4280, s10  }
0x186: {  	[tilespmem:s25], [sflag:$0x2] =	stream.linear.gather [hbm4b:s10+s3], $0x400, $0x38;
	[tilespmem:$0x1A200] =	vst v63  }
0x187: {  	s26 =	spop (v2sf)  }
0x188: {  	(v2sf) =	vpush v62, $0xF;
	s10 =	sand.u32 $0xFFFFF80, s26  }
0x189: {  	s28 =	simm.s32 $0x7200;
	s10 =	sadd.s32 s1, s10  }
0x18a: {  	[tilespmem:s28], [sflag:$0x2] =	stream.linear.gather [hbm4b:s10+s3], $0x400, $0x38;
	[tilespmem:$0x1A200] =	vst v63  }
0x18b: {  	s12 =	simm.s32 $0x13200;
	s18 =	spop (v2sf);
	s10 =	sadd.s32 $0xF4280, s10  }
0x18c: {  	[tilespmem:s12], [sflag:$0x2] =	stream.linear.gather [hbm4b:s10+s3], $0x400, $0x38;
	[tilespmem:$0x1A200] =	vst v63  }
0x18d: {  	s10 =	sand.u32 $0xFFFFF80, s18  }
0x18e: {  	s24 =	simm.s32 $0x7600;
	s10 =	sadd.s32 s1, s10  }
0x18f: {  	[tilespmem:s24], [sflag:$0x2] =	stream.linear.gather [hbm4b:s10+s3], $0x400, $0x38;
	[tilespmem:$0x1A200] =	vst v63  }
0x190: {  	s25 =	simm.s32 $0x13600;
	s26 =	spop (v2sf);
	s10 =	sadd.s32 $0xF4280, s10  }
0x191: {  	[tilespmem:s25], [sflag:$0x2] =	stream.linear.gather [hbm4b:s10+s3], $0x400, $0x38;
	[tilespmem:$0x1A200] =	vst v63  }
0x192: {  	s10 =	sand.u32 $0xFFFFF80, s26  }
0x193: {  	s28 =	simm.s32 $0x7A00;
	s10 =	sadd.s32 s1, s10  }
0x194: {  	[tilespmem:s28], [sflag:$0x2] =	stream.linear.gather [hbm4b:s10+s3], $0x400, $0x38;
	[tilespmem:$0x1A200] =	vst v63  }
0x195: {  	s10 =	sadd.s32 $0xF4280, s10  }
0x196: {  	[tilespmem:s13], [sflag:$0x2] =	stream.linear.gather [hbm4b:s10+s3], $0x400, $0x38;
	[tilespmem:$0x1A200] =	vst v63  }
0x197: {  	s12 =	spop (v2sf)  }
0x198: {  	s10 =	sand.u32 $0xFFFFF80, s12  }
0x199: {  	s10 =	sadd.s32 s1, s10  }
0x19a: {  	[tilespmem:s14], [sflag:$0x2] =	stream.linear.gather [hbm4b:s10+s3], $0x400, $0x38;
	[tilespmem:$0x1A200] =	vst v63  }
0x19b: {  	s10 =	sadd.s32 $0xF4280, s10  }
0x19c: {  	[tilespmem:s15], [sflag:$0x2] =	stream.linear.gather [hbm4b:s10+s3], $0x400, $0x38;
	[tilespmem:$0x1A200] =	vst v63  }
0x19d: {  	v63 =	vld [tilespmem:$0x20];
	_ =	sdelay $0x4  }
0x19e: {  	(v2sf) =	vpush v63, $0x0;
	_ =	sdelay $0x2  }
0x19f: {  	(v2sf) =	vpush v63, $0x1;
	_ =	sdelay $0x3  }
0x1a0: {  	(v2sf) =	vpush v63, $0x2;
	_ =	sdelay $0x7  }
0x1a1: {  	s18 =	spop (v2sf);
	(v2sf) =	vpush v63, $0x3;
	_ =	sdelay $0x1  }
0x1a2: {  	s10 =	sand.u32 $0xFFFFF80, s18  }
0x1a3: {  	s24 =	simm.s32 $0x8200;
	s26 =	spop (v2sf);
	(v2sf) =	vpush v63, $0x4;
	s10 =	sadd.s32 s1, s10  }
0x1a4: {  	[tilespmem:s24], [sflag:$0x3] =	stream.linear.gather [hbm4b:s10+s3], $0x400, $0x38;
	[tilespmem:$0x1A200] =	vst v63  }
0x1a5: {  	s25 =	simm.s32 $0x14200;
	s10 =	sadd.s32 $0xF4280, s10  }
0x1a6: {  	[tilespmem:s25], [sflag:$0x3] =	stream.linear.gather [hbm4b:s10+s3], $0x400, $0x38;
	[tilespmem:$0x1A200] =	vst v63  }
0x1a7: {  	s18 =	spop (v2sf);
	(v2sf) =	vpush v63, $0x5;
	s10 =	sand.u32 $0xFFFFF80, s26  }
0x1a8: {  	s28 =	simm.s32 $0x8600;
	s10 =	sadd.s32 s1, s10  }
0x1a9: {  	[tilespmem:s28], [sflag:$0x3] =	stream.linear.gather [hbm4b:s10+s3], $0x400, $0x38;
	[tilespmem:$0x1A200] =	vst v63  }
0x1aa: {  	s12 =	simm.s32 $0x14600;
	s10 =	sadd.s32 $0xF4280, s10  }
0x1ab: {  	[tilespmem:s12], [sflag:$0x3] =	stream.linear.gather [hbm4b:s10+s3], $0x400, $0x38;
	[tilespmem:$0x1A200] =	vst v63  }
0x1ac: {  	s10 =	sand.u32 $0xFFFFF80, s18  }
0x1ad: {  	s24 =	simm.s32 $0x8A00;
	s10 =	sadd.s32 s1, s10  }
0x1ae: {  	[tilespmem:s24], [sflag:$0x3] =	stream.linear.gather [hbm4b:s10+s3], $0x400, $0x38;
	[tilespmem:$0x1A200] =	vst v63  }
0x1af: {  	s25 =	simm.s32 $0x14A00;
	s10 =	sadd.s32 $0xF4280, s10;
	s26 =	spop (v2sf);
	(v2sf) =	vpush v63, $0x6  }
0x1b0: {  	[tilespmem:s25], [sflag:$0x3] =	stream.linear.gather [hbm4b:s10+s3], $0x400, $0x38;
	[tilespmem:$0x1A200] =	vst v63  }
0x1b1: {  	s10 =	sand.u32 $0xFFFFF80, s26  }
0x1b2: {  	s28 =	simm.s32 $0x8E00;
	s18 =	spop (v2sf);
	(v2sf) =	vpush v63, $0x7;
	s10 =	sadd.s32 s1, s10  }
0x1b3: {  	[tilespmem:s28], [sflag:$0x3] =	stream.linear.gather [hbm4b:s10+s3], $0x400, $0x38;
	[tilespmem:$0x1A200] =	vst v63  }
0x1b4: {  	s12 =	simm.s32 $0x14E00;
	s10 =	sadd.s32 $0xF4280, s10  }
0x1b5: {  	[tilespmem:s12], [sflag:$0x3] =	stream.linear.gather [hbm4b:s10+s3], $0x400, $0x38;
	[tilespmem:$0x1A200] =	vst v63  }
0x1b6: {  	s26 =	spop (v2sf);
	(v2sf) =	vpush v63, $0x8;
	s10 =	sand.u32 $0xFFFFF80, s18  }
0x1b7: {  	s24 =	simm.s32 $0x9200;
	s10 =	sadd.s32 s1, s10  }
0x1b8: {  	[tilespmem:s24], [sflag:$0x3] =	stream.linear.gather [hbm4b:s10+s3], $0x400, $0x38;
	[tilespmem:$0x1A200] =	vst v63  }
0x1b9: {  	s25 =	simm.s32 $0x15200;
	s10 =	sadd.s32 $0xF4280, s10  }
0x1ba: {  	[tilespmem:s25], [sflag:$0x3] =	stream.linear.gather [hbm4b:s10+s3], $0x400, $0x38;
	[tilespmem:$0x1A200] =	vst v63  }
0x1bb: {  	s10 =	sand.u32 $0xFFFFF80, s26  }
0x1bc: {  	s28 =	simm.s32 $0x9600;
	s10 =	sadd.s32 s1, s10  }
0x1bd: {  	[tilespmem:s28], [sflag:$0x3] =	stream.linear.gather [hbm4b:s10+s3], $0x400, $0x38;
	[tilespmem:$0x1A200] =	vst v63  }
0x1be: {  	s12 =	simm.s32 $0x15600;
	s10 =	sadd.s32 $0xF4280, s10;
	s18 =	spop (v2sf);
	(v2sf) =	vpush v63, $0x9  }
0x1bf: {  	[tilespmem:s12], [sflag:$0x3] =	stream.linear.gather [hbm4b:s10+s3], $0x400, $0x38;
	[tilespmem:$0x1A200] =	vst v63  }
0x1c0: {  	s10 =	sand.u32 $0xFFFFF80, s18  }
0x1c1: {  	s24 =	simm.s32 $0x9A00;
	s26 =	spop (v2sf);
	(v2sf) =	vpush v63, $0xA;
	s10 =	sadd.s32 s1, s10  }
0x1c2: {  	[tilespmem:s24], [sflag:$0x3] =	stream.linear.gather [hbm4b:s10+s3], $0x400, $0x38;
	[tilespmem:$0x1A200] =	vst v63  }
0x1c3: {  	s25 =	simm.s32 $0x15A00;
	s10 =	sadd.s32 $0xF4280, s10  }
0x1c4: {  	[tilespmem:s25], [sflag:$0x3] =	stream.linear.gather [hbm4b:s10+s3], $0x400, $0x38;
	[tilespmem:$0x1A200] =	vst v63  }
0x1c5: {  	s18 =	spop (v2sf);
	(v2sf) =	vpush v63, $0xB;
	s10 =	sand.u32 $0xFFFFF80, s26  }
0x1c6: {  	s28 =	simm.s32 $0x9E00;
	s10 =	sadd.s32 s1, s10  }
0x1c7: {  	[tilespmem:s28], [sflag:$0x3] =	stream.linear.gather [hbm4b:s10+s3], $0x400, $0x38;
	[tilespmem:$0x1A200] =	vst v63  }
0x1c8: {  	s12 =	simm.s32 $0x15E00;
	s10 =	sadd.s32 $0xF4280, s10  }
0x1c9: {  	[tilespmem:s12], [sflag:$0x3] =	stream.linear.gather [hbm4b:s10+s3], $0x400, $0x38;
	[tilespmem:$0x1A200] =	vst v63  }
0x1ca: {  	s10 =	sand.u32 $0xFFFFF80, s18  }
0x1cb: {  	s24 =	simm.s32 $0xA200;
	s10 =	sadd.s32 s1, s10  }
0x1cc: {  	[tilespmem:s24], [sflag:$0x3] =	stream.linear.gather [hbm4b:s10+s3], $0x400, $0x38;
	[tilespmem:$0x1A200] =	vst v63  }
0x1cd: {  	s25 =	simm.s32 $0x16200;
	s10 =	sadd.s32 $0xF4280, s10;
	s26 =	spop (v2sf);
	(v2sf) =	vpush v63, $0xC  }
0x1ce: {  	[tilespmem:s25], [sflag:$0x3] =	stream.linear.gather [hbm4b:s10+s3], $0x400, $0x38;
	[tilespmem:$0x1A200] =	vst v63  }
0x1cf: {  	s10 =	sand.u32 $0xFFFFF80, s26  }
0x1d0: {  	s28 =	spop (v2sf);
	(v2sf) =	vpush v63, $0xD;
	s10 =	sadd.s32 s1, s10  }
0x1d1: {  	[tilespmem:s19], [sflag:$0x3] =	stream.linear.gather [hbm4b:s10+s3], $0x400, $0x38;
	[tilespmem:$0x1A200] =	vst v63  }
0x1d2: {  	s10 =	sadd.s32 $0xF4280, s10  }
0x1d3: {  	[tilespmem:s29], [sflag:$0x3] =	stream.linear.gather [hbm4b:s10+s3], $0x400, $0x38;
	[tilespmem:$0x1A200] =	vst v63  }
0x1d4: {  	s11 =	spop (v2sf);
	(v2sf) =	vpush v63, $0xE;
	s10 =	sand.u32 $0xFFFFF80, s28  }
0x1d5: {  	s10 =	sadd.s32 s1, s10  }
0x1d6: {  	[tilespmem:s20], [sflag:$0x3] =	stream.linear.gather [hbm4b:s10+s3], $0x400, $0x38;
	[tilespmem:$0x1A200] =	vst v63  }
0x1d7: {  	s10 =	sadd.s32 $0xF4280, s10  }
0x1d8: {  	[tilespmem:s21], [sflag:$0x3] =	stream.linear.gather [hbm4b:s10+s3], $0x400, $0x38;
	[tilespmem:$0x1A200] =	vst v63  }
0x1d9: {  	s10 =	sand.u32 $0xFFFFF80, s11  }
0x1da: {  	s10 =	sadd.s32 s1, s10  }
0x1db: {  	[tilespmem:s30], [sflag:$0x3] =	stream.linear.gather [hbm4b:s10+s3], $0x400, $0x38;
	[tilespmem:$0x1A200] =	vst v63  }
0x1dc: {  	s10 =	sadd.s32 $0xF4280, s10;
	s12 =	spop (v2sf);
	(v2sf) =	vpush v63, $0xF  }
0x1dd: {  	[tilespmem:s31], [sflag:$0x3] =	stream.linear.gather [hbm4b:s10+s3], $0x400, $0x38;
	[tilespmem:$0x1A200] =	vst v63  }
0x1de: {  	s10 =	sand.u32 $0xFFFFF80, s12  }
0x1df: {  	s18 =	spop (v2sf);
	s10 =	sadd.s32 s1, s10  }
0x1e0: {  	[tilespmem:s0], [sflag:$0x3] =	stream.linear.gather [hbm4b:s10+s3], $0x400, $0x38;
	[tilespmem:$0x1A200] =	vst v63  }
0x1e1: {  	s24 =	sand.u32 $0xFFFFF80, s18;
	s10 =	sadd.s32 $0xF4280, s10  }
0x1e2: {  	[tilespmem:s2], [sflag:$0x3] =	stream.linear.gather [hbm4b:s10+s3], $0x400, $0x38;
	[tilespmem:$0x1A200] =	vst v63  }
0x1e3: {  	s25 =	spop (v2sf);
	s10 =	sadd.s32 s1, s24  }
0x1e4: {  	[tilespmem:s17], [sflag:$0x3] =	stream.linear.gather [hbm4b:s10+s3], $0x400, $0x38;
	[tilespmem:$0x1A200] =	vst v63  }
0x1e5: {  	s26 =	sand.u32 $0xFFFFF80, s25;
	s10 =	sadd.s32 $0xF4280, s10  }
0x1e6: {  	[tilespmem:s4], [sflag:$0x3] =	stream.linear.gather [hbm4b:s10+s3], $0x400, $0x38;
	[tilespmem:$0x1A200] =	vst v63  }
0x1e7: {  	s10 =	sadd.s32 s1, s26  }
0x1e8: {  	[tilespmem:s22], [sflag:$0x3] =	stream.linear.gather [hbm4b:s10+s3], $0x400, $0x38;
	[tilespmem:$0x1A200] =	vst v63  }
0x1e9: {  	s10 =	sadd.s32 $0xF4280, s10  }
0x1ea: {  	[tilespmem:s5], [sflag:$0x3] =	stream.linear.gather [hbm4b:s10+s3], $0x400, $0x38;
	[tilespmem:$0x1A200] =	vst v63  }
0x1eb: {  	s28 =	spop (v2sf)  }
0x1ec: {  	s10 =	sand.u32 $0xFFFFF80, s28  }
0x1ed: {  	s10 =	sadd.s32 s1, s10  }
0x1ee: {  	[tilespmem:s16], [sflag:$0x3] =	stream.linear.gather [hbm4b:s10+s3], $0x400, $0x38;
	[tilespmem:$0x1A200] =	vst v63  }
0x1ef: {  	s11 =	simm.s32 $0x0;
	s18 =	simm.s32 $0x1;
	s10 =	sadd.s32 $0xF4280, s10  }
0x1f0: {  	[tilespmem:s6], [sflag:$0x3] =	stream.linear.gather [hbm4b:s10+s3], $0x400, $0x38;
	[tilespmem:$0x1A200] =	vst v63  }
0x1f1: {  	s25 =	simm.s32 $0x0;
	s24 =	simm.s32 $0x30;
	s10 =	simm.s32 $0x2  }
.LBB2_2:
0x1f2: {  	_ =	swait.ge [sflag:s7], $0x800  }
0x1f3: {  	[sflag:s7] =	ssyncset.done $0x0  }
0x1f4: {  	[sflag:s7] =	ssyncadd.s32 $0xFFFFF800  }
0x1f5: {  	_ =	swait.ge [sflag:s7], $0x800  }
0x1f6: {  	[sflag:s7] =	ssyncset.done $0x0  }
0x1f7: {  	[sflag:s7] =	ssyncadd.s32 $0xFFFFF800  }
0x1f8: {  	_ =	swait.ge [sflag:s7], $0x800  }
0x1f9: {  	[sflag:s7] =	ssyncset.done $0x0  }
0x1fa: {  	[sflag:s7] =	ssyncadd.s32 $0xFFFFF800  }
0x1fb: {  	_ =	swait.ge [sflag:s7], $0x800  }
0x1fc: {  	[sflag:s7] =	ssyncset.done $0x0  }
0x1fd: {  	[sflag:s7] =	ssyncadd.s32 $0xFFFFF800  }
0x1fe: {  	_ =	swait.ge [sflag:s7], $0x800  }
0x1ff: {  	[sflag:s7] =	ssyncset.done $0x0  }
0x200: {  	[sflag:s7] =	ssyncadd.s32 $0xFFFFF800  }
0x201: {  	_ =	swait.ge [sflag:s7], $0x800  }
0x202: {  	[sflag:s7] =	ssyncset.done $0x0  }
0x203: {  	[sflag:s7] =	ssyncadd.s32 $0xFFFFF800  }
0x204: {  	_ =	swait.ge [sflag:s7], $0x800  }
0x205: {  	[sflag:s7] =	ssyncset.done $0x0  }
0x206: {  	[sflag:s7] =	ssyncadd.s32 $0xFFFFF800  }
0x207: {  	_ =	swait.ge [sflag:s7], $0x800  }
0x208: {  	[sflag:s7] =	ssyncset.done $0x0  }
0x209: {  	[sflag:s7] =	ssyncadd.s32 $0xFFFFF800  }
0x20a: {  	_ =	swait.ge [sflag:s7], $0x800  }
0x20b: {  	[sflag:s7] =	ssyncset.done $0x0  }
0x20c: {  	[sflag:s7] =	ssyncadd.s32 $0xFFFFF800  }
0x20d: {  	_ =	swait.ge [sflag:s7], $0x800  }
0x20e: {  	[sflag:s7] =	ssyncset.done $0x0  }
0x20f: {  	[sflag:s7] =	ssyncadd.s32 $0xFFFFF800  }
0x210: {  	_ =	swait.ge [sflag:s7], $0x800  }
0x211: {  	[sflag:s7] =	ssyncset.done $0x0  }
0x212: {  	[sflag:s7] =	ssyncadd.s32 $0xFFFFF800  }
0x213: {  	_ =	swait.ge [sflag:s7], $0x800  }
0x214: {  	[sflag:s7] =	ssyncset.done $0x0  }
0x215: {  	[sflag:s7] =	ssyncadd.s32 $0xFFFFF800  }
0x216: {  	_ =	swait.ge [sflag:s7], $0x800  }
0x217: {  	[sflag:s7] =	ssyncset.done $0x0  }
0x218: {  	[sflag:s7] =	ssyncadd.s32 $0xFFFFF800  }
0x219: {  	_ =	swait.ge [sflag:s7], $0x800  }
0x21a: {  	[sflag:s7] =	ssyncset.done $0x0  }
0x21b: {  	[sflag:s7] =	ssyncadd.s32 $0xFFFFF800  }
0x21c: {  	_ =	swait.ge [sflag:s7], $0x800  }
0x21d: {  	[sflag:s7] =	ssyncset.done $0x0  }
0x21e: {  	[sflag:s7] =	ssyncadd.s32 $0xFFFFF800  }
0x21f: {  	_ =	swait.ge [sflag:s7], $0x800  }
0x220: {  	[sflag:s7] =	ssyncset.done $0x0  }
0x221: {  	[sflag:s7] =	ssyncadd.s32 $0xFFFFF800  }
0x222: {  	v48 =	vld [tilespmem:s24+$0xFFFFFFD0];
	_ =	sdelay $0x4  }
0x223: {  	v48 =	vand.u32 $0x7F, v48  }
0x224: {  	v49 =	vor.u32 v0, v48;
	_ =	sdelay $0x4  }
0x225: {  	v49 =	vld.idx.msk [tilespmem:v49+s8+$0x0], $0xffff  }
0x226: {  	v50 =	vor.u32 v1, v48;
	_ =	sdelay $0x1  }
0x227: {  	s12 =	sand.u32 $0x70, s11;
	s26 =	sand.u32 $0x1C00, s25  }
0x228: {  	s12 =	sor.u32 s12, s26  }
0x229: {  	[tilespmem:s12+$0x18200] =	vst v49  }
0x22a: {  	v49 =	vld.idx.msk [tilespmem:v50+s8+$0x0], $0xffff  }
0x22b: {  	v55 =	vor.u32 v2, v48;
	_ =	sdelay $0x3  }
0x22c: {  	[tilespmem:s12+$0x18280] =	vst v49  }
0x22d: {  	v49 =	vld.idx.msk [tilespmem:v55+s8+$0x0], $0xffff  }
0x22e: {  	v56 =	vor.u32 v3, v48;
	_ =	sdelay $0x3  }
0x22f: {  	[tilespmem:s12+$0x18300] =	vst v49  }
0x230: {  	v49 =	vld.idx.msk [tilespmem:v56+s8+$0x0], $0xffff  }
0x231: {  	v57 =	vor.u32 v4, v48;
	_ =	sdelay $0x3  }
0x232: {  	[tilespmem:s12+$0x18380] =	vst v49  }
0x233: {  	v49 =	vld.idx.msk [tilespmem:v57+s8+$0x0], $0xffff  }
0x234: {  	v58 =	vor.u32 v5, v48;
	_ =	sdelay $0x3  }
0x235: {  	[tilespmem:s12+$0x18400] =	vst v49  }
0x236: {  	v49 =	vld.idx.msk [tilespmem:v58+s8+$0x0], $0xffff  }
0x237: {  	v59 =	vor.u32 v6, v48;
	_ =	sdelay $0x3  }
0x238: {  	[tilespmem:s12+$0x18480] =	vst v49  }
0x239: {  	v49 =	vld.idx.msk [tilespmem:v59+s8+$0x0], $0xffff  }
0x23a: {  	v60 =	vor.u32 v7, v48;
	_ =	sdelay $0x3  }
0x23b: {  	[tilespmem:s12+$0x18500] =	vst v49  }
0x23c: {  	v49 =	vld.idx.msk [tilespmem:v60+s8+$0x0], $0xffff  }
0x23d: {  	v61 =	vor.u32 v8, v48;
	_ =	sdelay $0x1  }
0x23e: {  	s28 =	sor.u32 s25, s11  }
0x23f: {  	s26 =	sor.u32 $0x380, s28  }
0x240: {  	[tilespmem:s26+$0x18200] =	vst v49  }
0x241: {  	v49 =	vld.idx.msk [tilespmem:v61+s8+$0x0], $0xffff  }
0x242: {  	v62 =	vor.u32 v9, v48;
	_ =	sdelay $0x3  }
0x243: {  	[tilespmem:s12+$0x19200] =	vst v49  }
0x244: {  	v49 =	vld.idx.msk [tilespmem:v62+s8+$0x0], $0xffff  }
0x245: {  	v63 =	vor.u32 v10, v48;
	_ =	sdelay $0x3  }
0x246: {  	[tilespmem:s12+$0x19280] =	vst v49  }
0x247: {  	v49 =	vld.idx.msk [tilespmem:v63+s8+$0x0], $0xffff  }
0x248: {  	v52 =	vor.u32 v11, v48;
	_ =	sdelay $0x3  }
0x249: {  	[tilespmem:s12+$0x19300] =	vst v49  }
0x24a: {  	v49 =	vld.idx.msk [tilespmem:v52+s8+$0x0], $0xffff  }
0x24b: {  	v53 =	vor.u32 v12, v48;
	_ =	sdelay $0x3  }
0x24c: {  	[tilespmem:s12+$0x19380] =	vst v49  }
0x24d: {  	v49 =	vld.idx.msk [tilespmem:v53+s8+$0x0], $0xffff  }
0x24e: {  	v54 =	vor.u32 v13, v48;
	_ =	sdelay $0x3  }
0x24f: {  	[tilespmem:s12+$0x19400] =	vst v49  }
0x250: {  	v49 =	vld.idx.msk [tilespmem:v54+s8+$0x0], $0xffff  }
0x251: {  	v55 =	vor.u32 v14, v48;
	_ =	sdelay $0x3  }
0x252: {  	[tilespmem:s12+$0x19480] =	vst v49  }
0x253: {  	v49 =	vld.idx.msk [tilespmem:v55+s8+$0x0], $0xffff  }
0x254: {  	v48 =	vor.u32 v15, v48;
	_ =	sdelay $0x3  }
0x255: {  	[tilespmem:s12+$0x19500] =	vst v49  }
0x256: {  	v48 =	vld.idx.msk [tilespmem:v48+s8+$0x0], $0xffff;
	_ =	sdelay $0x4  }
0x257: {  	[tilespmem:s12+$0x19580] =	vst v48  }
0x258: {  	v48 =	vld [tilespmem:s24+$0x0];
	_ =	sdelay $0x4  }
0x259: {  	(v2sf) =	vpush v48, $0x0;
	_ =	sdelay $0x3  }
0x25a: {  	(v2sf) =	vpush v48, $0x1;
	_ =	sdelay $0x4  }
0x25b: {  	(v2sf) =	vpush v48, $0x2;
	_ =	sdelay $0x5  }
0x25c: {  	s26 =	spop (v2sf)  }
0x25d: {  	(v2sf) =	vpush v48, $0x3;
	s12 =	sand.u32 $0xFFFFF80, s26  }
0x25e: {  	s12 =	sadd.s32 s1, s12  }
0x25f: {  	[tilespmem:s8], [sflag:$0x1] =	stream.linear.gather [hbm4b:s12+s3], $0x400, $0x38;
	[tilespmem:$0x1A200] =	vst v63  }
0x260: {  	s28 =	simm.s32 $0xC200;
	s26 =	spop (v2sf);
	s12 =	sadd.s32 $0xF4280, s12  }
0x261: {  	(v2sf) =	vpush v48, $0x4;
	[tilespmem:s28], [sflag:$0x1] =	stream.linear.gather [hbm4b:s12+s3], $0x400, $0x38;
	[tilespmem:$0x1A200] =	vst v63  }
0x262: {  	s12 =	sand.u32 $0xFFFFF80, s26  }
0x263: {  	s28 =	simm.s32 $0x600;
	s12 =	sadd.s32 s1, s12  }
0x264: {  	[tilespmem:s28], [sflag:$0x1] =	stream.linear.gather [hbm4b:s12+s3], $0x400, $0x38;
	[tilespmem:$0x1A200] =	vst v63  }
0x265: {  	s26 =	spop (v2sf);
	s12 =	sadd.s32 $0xF4280, s12;
	s28 =	simm.s32 $0xC600  }
0x266: {  	(v2sf) =	vpush v48, $0x5;
	[tilespmem:s28], [sflag:$0x1] =	stream.linear.gather [hbm4b:s12+s3], $0x400, $0x38;
	[tilespmem:$0x1A200] =	vst v63  }
0x267: {  	s12 =	sand.u32 $0xFFFFF80, s26  }
0x268: {  	s28 =	simm.s32 $0xA00;
	s12 =	sadd.s32 s1, s12  }
0x269: {  	[tilespmem:s28], [sflag:$0x1] =	stream.linear.gather [hbm4b:s12+s3], $0x400, $0x38;
	[tilespmem:$0x1A200] =	vst v63  }
0x26a: {  	s12 =	sadd.s32 $0xF4280, s12;
	s28 =	simm.s32 $0xCA00  }
0x26b: {  	[tilespmem:s28], [sflag:$0x1] =	stream.linear.gather [hbm4b:s12+s3], $0x400, $0x38;
	[tilespmem:$0x1A200] =	vst v63  }
0x26c: {  	s26 =	spop (v2sf)  }
0x26d: {  	(v2sf) =	vpush v48, $0x6;
	s12 =	sand.u32 $0xFFFFF80, s26  }
0x26e: {  	s28 =	simm.s32 $0xE00;
	s12 =	sadd.s32 s1, s12  }
0x26f: {  	[tilespmem:s28], [sflag:$0x1] =	stream.linear.gather [hbm4b:s12+s3], $0x400, $0x38;
	[tilespmem:$0x1A200] =	vst v63  }
0x270: {  	s26 =	spop (v2sf);
	s12 =	sadd.s32 $0xF4280, s12;
	s28 =	simm.s32 $0xCE00  }
0x271: {  	(v2sf) =	vpush v48, $0x7;
	[tilespmem:s28], [sflag:$0x1] =	stream.linear.gather [hbm4b:s12+s3], $0x400, $0x38;
	[tilespmem:$0x1A200] =	vst v63  }
0x272: {  	s12 =	sand.u32 $0xFFFFF80, s26  }
0x273: {  	s28 =	simm.s32 $0x1200;
	s12 =	sadd.s32 s1, s12  }
0x274: {  	[tilespmem:s28], [sflag:$0x1] =	stream.linear.gather [hbm4b:s12+s3], $0x400, $0x38;
	[tilespmem:$0x1A200] =	vst v63  }
0x275: {  	s26 =	spop (v2sf);
	s12 =	sadd.s32 $0xF4280, s12;
	s28 =	simm.s32 $0xD200  }
0x276: {  	(v2sf) =	vpush v48, $0x8;
	[tilespmem:s28], [sflag:$0x1] =	stream.linear.gather [hbm4b:s12+s3], $0x400, $0x38;
	[tilespmem:$0x1A200] =	vst v63  }
0x277: {  	s12 =	sand.u32 $0xFFFFF80, s26  }
0x278: {  	s28 =	simm.s32 $0x1600;
	s12 =	sadd.s32 s1, s12  }
0x279: {  	[tilespmem:s28], [sflag:$0x1] =	stream.linear.gather [hbm4b:s12+s3], $0x400, $0x38;
	[tilespmem:$0x1A200] =	vst v63  }
0x27a: {  	s12 =	sadd.s32 $0xF4280, s12;
	s28 =	simm.s32 $0xD600  }
0x27b: {  	[tilespmem:s28], [sflag:$0x1] =	stream.linear.gather [hbm4b:s12+s3], $0x400, $0x38;
	[tilespmem:$0x1A200] =	vst v63  }
0x27c: {  	s26 =	spop (v2sf)  }
0x27d: {  	(v2sf) =	vpush v48, $0x9;
	s12 =	sand.u32 $0xFFFFF80, s26  }
0x27e: {  	s28 =	simm.s32 $0x1A00;
	s12 =	sadd.s32 s1, s12  }
0x27f: {  	[tilespmem:s28], [sflag:$0x1] =	stream.linear.gather [hbm4b:s12+s3], $0x400, $0x38;
	[tilespmem:$0x1A200] =	vst v63  }
0x280: {  	s26 =	spop (v2sf);
	s12 =	sadd.s32 $0xF4280, s12;
	s28 =	simm.s32 $0xDA00  }
0x281: {  	(v2sf) =	vpush v48, $0xA;
	[tilespmem:s28], [sflag:$0x1] =	stream.linear.gather [hbm4b:s12+s3], $0x400, $0x38;
	[tilespmem:$0x1A200] =	vst v63  }
0x282: {  	s12 =	sand.u32 $0xFFFFF80, s26  }
0x283: {  	s28 =	simm.s32 $0x1E00;
	s12 =	sadd.s32 s1, s12  }
0x284: {  	[tilespmem:s28], [sflag:$0x1] =	stream.linear.gather [hbm4b:s12+s3], $0x400, $0x38;
	[tilespmem:$0x1A200] =	vst v63  }
0x285: {  	s26 =	spop (v2sf);
	s12 =	sadd.s32 $0xF4280, s12;
	s28 =	simm.s32 $0xDE00  }
0x286: {  	(v2sf) =	vpush v48, $0xB;
	[tilespmem:s28], [sflag:$0x1] =	stream.linear.gather [hbm4b:s12+s3], $0x400, $0x38;
	[tilespmem:$0x1A200] =	vst v63  }
0x287: {  	s12 =	sand.u32 $0xFFFFF80, s26  }
0x288: {  	s28 =	simm.s32 $0x2200;
	s12 =	sadd.s32 s1, s12  }
0x289: {  	[tilespmem:s28], [sflag:$0x1] =	stream.linear.gather [hbm4b:s12+s3], $0x400, $0x38;
	[tilespmem:$0x1A200] =	vst v63  }
0x28a: {  	s12 =	sadd.s32 $0xF4280, s12;
	s28 =	simm.s32 $0xE200  }
0x28b: {  	[tilespmem:s28], [sflag:$0x1] =	stream.linear.gather [hbm4b:s12+s3], $0x400, $0x38;
	[tilespmem:$0x1A200] =	vst v63  }
0x28c: {  	s26 =	spop (v2sf)  }
0x28d: {  	(v2sf) =	vpush v48, $0xC;
	s12 =	sand.u32 $0xFFFFF80, s26  }
0x28e: {  	s28 =	simm.s32 $0x2600;
	s12 =	sadd.s32 s1, s12  }
0x28f: {  	[tilespmem:s28], [sflag:$0x1] =	stream.linear.gather [hbm4b:s12+s3], $0x400, $0x38;
	[tilespmem:$0x1A200] =	vst v63  }
0x290: {  	s26 =	spop (v2sf);
	s12 =	sadd.s32 $0xF4280, s12;
	s28 =	simm.s32 $0xE600  }
0x291: {  	(v2sf) =	vpush v48, $0xD;
	[tilespmem:s28], [sflag:$0x1] =	stream.linear.gather [hbm4b:s12+s3], $0x400, $0x38;
	[tilespmem:$0x1A200] =	vst v63  }
0x292: {  	s12 =	sand.u32 $0xFFFFF80, s26  }
0x293: {  	s28 =	simm.s32 $0x2A00;
	s12 =	sadd.s32 s1, s12  }
0x294: {  	[tilespmem:s28], [sflag:$0x1] =	stream.linear.gather [hbm4b:s12+s3], $0x400, $0x38;
	[tilespmem:$0x1A200] =	vst v63  }
0x295: {  	s26 =	spop (v2sf);
	s12 =	sadd.s32 $0xF4280, s12;
	s28 =	simm.s32 $0xEA00  }
0x296: {  	(v2sf) =	vpush v48, $0xE;
	[tilespmem:s28], [sflag:$0x1] =	stream.linear.gather [hbm4b:s12+s3], $0x400, $0x38;
	[tilespmem:$0x1A200] =	vst v63  }
0x297: {  	s12 =	sand.u32 $0xFFFFF80, s26  }
0x298: {  	s28 =	simm.s32 $0x2E00;
	s12 =	sadd.s32 s1, s12  }
0x299: {  	[tilespmem:s28], [sflag:$0x1] =	stream.linear.gather [hbm4b:s12+s3], $0x400, $0x38;
	[tilespmem:$0x1A200] =	vst v63  }
0x29a: {  	s12 =	sadd.s32 $0xF4280, s12;
	s28 =	simm.s32 $0xEE00  }
0x29b: {  	[tilespmem:s28], [sflag:$0x1] =	stream.linear.gather [hbm4b:s12+s3], $0x400, $0x38;
	[tilespmem:$0x1A200] =	vst v63  }
0x29c: {  	s26 =	spop (v2sf)  }
0x29d: {  	(v2sf) =	vpush v48, $0xF;
	s12 =	sand.u32 $0xFFFFF80, s26  }
0x29e: {  	s28 =	simm.s32 $0x3200;
	s12 =	sadd.s32 s1, s12  }
0x29f: {  	[tilespmem:s28], [sflag:$0x1] =	stream.linear.gather [hbm4b:s12+s3], $0x400, $0x38;
	[tilespmem:$0x1A200] =	vst v63  }
0x2a0: {  	s26 =	spop (v2sf);
	s12 =	sadd.s32 $0xF4280, s12;
	s28 =	simm.s32 $0xF200  }
0x2a1: {  	[tilespmem:s28], [sflag:$0x1] =	stream.linear.gather [hbm4b:s12+s3], $0x400, $0x38;
	[tilespmem:$0x1A200] =	vst v63  }
0x2a2: {  	s12 =	sand.u32 $0xFFFFF80, s26  }
0x2a3: {  	s28 =	simm.s32 $0x3600;
	s12 =	sadd.s32 s1, s12  }
0x2a4: {  	[tilespmem:s28], [sflag:$0x1] =	stream.linear.gather [hbm4b:s12+s3], $0x400, $0x38;
	[tilespmem:$0x1A200] =	vst v63  }
0x2a5: {  	s26 =	spop (v2sf);
	s12 =	sadd.s32 $0xF4280, s12;
	s28 =	simm.s32 $0xF600  }
0x2a6: {  	[tilespmem:s28], [sflag:$0x1] =	stream.linear.gather [hbm4b:s12+s3], $0x400, $0x38;
	[tilespmem:$0x1A200] =	vst v63  }
0x2a7: {  	s12 =	sand.u32 $0xFFFFF80, s26  }
0x2a8: {  	s28 =	simm.s32 $0x3A00;
	s12 =	sadd.s32 s1, s12  }
0x2a9: {  	[tilespmem:s28], [sflag:$0x1] =	stream.linear.gather [hbm4b:s12+s3], $0x400, $0x38;
	[tilespmem:$0x1A200] =	vst v63  }
0x2aa: {  	s12 =	sadd.s32 $0xF4280, s12;
	s28 =	simm.s32 $0xFA00  }
0x2ab: {  	[tilespmem:s28], [sflag:$0x1] =	stream.linear.gather [hbm4b:s12+s3], $0x400, $0x38;
	[tilespmem:$0x1A200] =	vst v63  }
0x2ac: {  	s26 =	spop (v2sf)  }
0x2ad: {  	s12 =	sand.u32 $0xFFFFF80, s26  }
0x2ae: {  	s28 =	simm.s32 $0x3E00;
	s12 =	sadd.s32 s1, s12  }
0x2af: {  	[tilespmem:s28], [sflag:$0x1] =	stream.linear.gather [hbm4b:s12+s3], $0x400, $0x38;
	[tilespmem:$0x1A200] =	vst v63  }
0x2b0: {  	s12 =	sadd.s32 $0xF4280, s12;
	s28 =	simm.s32 $0xFE00  }
0x2b1: {  	[tilespmem:s28], [sflag:$0x1] =	stream.linear.gather [hbm4b:s12+s3], $0x400, $0x38;
	[tilespmem:$0x1A200] =	vst v63  }
0x2b2: {  	_ =	swait.ge [sflag:s23], $0x800  }
0x2b3: {  	[sflag:s23] =	ssyncset.done $0x0  }
0x2b4: {  	[sflag:s23] =	ssyncadd.s32 $0xFFFFF800  }
0x2b5: {  	_ =	swait.ge [sflag:s23], $0x800  }
0x2b6: {  	[sflag:s23] =	ssyncset.done $0x0  }
0x2b7: {  	[sflag:s23] =	ssyncadd.s32 $0xFFFFF800  }
0x2b8: {  	_ =	swait.ge [sflag:s23], $0x800  }
0x2b9: {  	[sflag:s23] =	ssyncset.done $0x0  }
0x2ba: {  	[sflag:s23] =	ssyncadd.s32 $0xFFFFF800  }
0x2bb: {  	_ =	swait.ge [sflag:s23], $0x800  }
0x2bc: {  	[sflag:s23] =	ssyncset.done $0x0  }
0x2bd: {  	[sflag:s23] =	ssyncadd.s32 $0xFFFFF800  }
0x2be: {  	_ =	swait.ge [sflag:s23], $0x800  }
0x2bf: {  	[sflag:s23] =	ssyncset.done $0x0  }
0x2c0: {  	[sflag:s23] =	ssyncadd.s32 $0xFFFFF800  }
0x2c1: {  	_ =	swait.ge [sflag:s23], $0x800  }
0x2c2: {  	[sflag:s23] =	ssyncset.done $0x0  }
0x2c3: {  	[sflag:s23] =	ssyncadd.s32 $0xFFFFF800  }
0x2c4: {  	_ =	swait.ge [sflag:s23], $0x800  }
0x2c5: {  	[sflag:s23] =	ssyncset.done $0x0  }
0x2c6: {  	[sflag:s23] =	ssyncadd.s32 $0xFFFFF800  }
0x2c7: {  	_ =	swait.ge [sflag:s23], $0x800  }
0x2c8: {  	[sflag:s23] =	ssyncset.done $0x0  }
0x2c9: {  	[sflag:s23] =	ssyncadd.s32 $0xFFFFF800  }
0x2ca: {  	_ =	swait.ge [sflag:s23], $0x800  }
0x2cb: {  	[sflag:s23] =	ssyncset.done $0x0  }
0x2cc: {  	[sflag:s23] =	ssyncadd.s32 $0xFFFFF800  }
0x2cd: {  	_ =	swait.ge [sflag:s23], $0x800  }
0x2ce: {  	[sflag:s23] =	ssyncset.done $0x0  }
0x2cf: {  	[sflag:s23] =	ssyncadd.s32 $0xFFFFF800  }
0x2d0: {  	_ =	swait.ge [sflag:s23], $0x800  }
0x2d1: {  	[sflag:s23] =	ssyncset.done $0x0  }
0x2d2: {  	[sflag:s23] =	ssyncadd.s32 $0xFFFFF800  }
0x2d3: {  	_ =	swait.ge [sflag:s23], $0x800  }
0x2d4: {  	[sflag:s23] =	ssyncset.done $0x0  }
0x2d5: {  	[sflag:s23] =	ssyncadd.s32 $0xFFFFF800  }
0x2d6: {  	_ =	swait.ge [sflag:s23], $0x800  }
0x2d7: {  	[sflag:s23] =	ssyncset.done $0x0  }
0x2d8: {  	[sflag:s23] =	ssyncadd.s32 $0xFFFFF800  }
0x2d9: {  	_ =	swait.ge [sflag:s23], $0x800  }
0x2da: {  	[sflag:s23] =	ssyncset.done $0x0  }
0x2db: {  	[sflag:s23] =	ssyncadd.s32 $0xFFFFF800  }
0x2dc: {  	_ =	swait.ge [sflag:s23], $0x800  }
0x2dd: {  	[sflag:s23] =	ssyncset.done $0x0  }
0x2de: {  	[sflag:s23] =	ssyncadd.s32 $0xFFFFF800  }
0x2df: {  	_ =	swait.ge [sflag:s23], $0x800  }
0x2e0: {  	[sflag:s23] =	ssyncset.done $0x0  }
0x2e1: {  	[sflag:s23] =	ssyncadd.s32 $0xFFFFF800  }
0x2e2: {  	v56 =	vld [tilespmem:s24+$0xFFFFFFE0];
	_ =	sdelay $0x4  }
0x2e3: {  	v48 =	vand.u32 $0x7F, v56  }
0x2e4: {  	v57 =	vor.u32 v16, v48;
	_ =	sdelay $0x4  }
0x2e5: {  	v49 =	vld.idx.msk [tilespmem:v57+s8+$0x0], $0xffff  }
0x2e6: {  	v58 =	vor.u32 v17, v48  }
0x2e7: {  	s26 =	sadd.s32 $0x80, s25;
	s28 =	sadd.s32 $0x10, s11  }
0x2e8: {  	s12 =	sand.u32 $0x70, s28;
	s28 =	sand.u32 $0x3C00, s26  }
0x2e9: {  	s12 =	sor.u32 s12, s28  }
0x2ea: {  	[tilespmem:s12+$0x18200] =	vst v49  }
0x2eb: {  	v49 =	vld.idx.msk [tilespmem:v58+s8+$0x0], $0xffff  }
0x2ec: {  	v59 =	vor.u32 v18, v48;
	_ =	sdelay $0x3  }
0x2ed: {  	[tilespmem:s12+$0x18280] =	vst v49  }
0x2ee: {  	v49 =	vld.idx.msk [tilespmem:v59+s8+$0x0], $0xffff  }
0x2ef: {  	v60 =	vor.u32 v19, v48;
	_ =	sdelay $0x3  }
0x2f0: {  	[tilespmem:s12+$0x18300] =	vst v49  }
0x2f1: {  	v49 =	vld.idx.msk [tilespmem:v60+s8+$0x0], $0xffff  }
0x2f2: {  	v61 =	vor.u32 v20, v48;
	_ =	sdelay $0x3  }
0x2f3: {  	[tilespmem:s12+$0x18380] =	vst v49  }
0x2f4: {  	v49 =	vld.idx.msk [tilespmem:v61+s8+$0x0], $0xffff  }
0x2f5: {  	v62 =	vor.u32 v21, v48;
	_ =	sdelay $0x3  }
0x2f6: {  	[tilespmem:s12+$0x18400] =	vst v49  }
0x2f7: {  	v49 =	vld.idx.msk [tilespmem:v62+s8+$0x0], $0xffff  }
0x2f8: {  	v63 =	vor.u32 v22, v48;
	_ =	sdelay $0x3  }
0x2f9: {  	[tilespmem:s12+$0x18480] =	vst v49  }
0x2fa: {  	v49 =	vld.idx.msk [tilespmem:v63+s8+$0x0], $0xffff  }
0x2fb: {  	v52 =	vor.u32 v23, v48;
	_ =	sdelay $0x3  }
0x2fc: {  	[tilespmem:s12+$0x18500] =	vst v49  }
0x2fd: {  	v49 =	vld.idx.msk [tilespmem:v52+s8+$0x0], $0xffff  }
0x2fe: {  	s28 =	sand.u32 $0x7, s18;
	v53 =	vor.u32 v24, v48  }
0x2ff: {  	s28 =	sshll.u32 s28, $0x4  }
0x300: {  	s26 =	sadd.s32 s28, s26  }
0x301: {  	s26 =	sor.u32 $0x380, s26  }
0x302: {  	[tilespmem:s26+$0x18200] =	vst v49  }
0x303: {  	v49 =	vld.idx.msk [tilespmem:v53+s8+$0x0], $0xffff  }
0x304: {  	v54 =	vor.u32 v25, v48;
	_ =	sdelay $0x3  }
0x305: {  	[tilespmem:s12+$0x19200] =	vst v49  }
0x306: {  	v49 =	vld.idx.msk [tilespmem:v54+s8+$0x0], $0xffff  }
0x307: {  	v55 =	vor.u32 v26, v48;
	_ =	sdelay $0x3  }
0x308: {  	[tilespmem:s12+$0x19280] =	vst v49  }
0x309: {  	v49 =	vld.idx.msk [tilespmem:v55+s8+$0x0], $0xffff  }
0x30a: {  	v56 =	vor.u32 v27, v48;
	_ =	sdelay $0x3  }
0x30b: {  	[tilespmem:s12+$0x19300] =	vst v49  }
0x30c: {  	v49 =	vld.idx.msk [tilespmem:v56+s8+$0x0], $0xffff  }
0x30d: {  	v57 =	vor.u32 v28, v48;
	_ =	sdelay $0x3  }
0x30e: {  	[tilespmem:s12+$0x19380] =	vst v49  }
0x30f: {  	v49 =	vld.idx.msk [tilespmem:v57+s8+$0x0], $0xffff  }
0x310: {  	v58 =	vor.u32 v29, v48;
	_ =	sdelay $0x3  }
0x311: {  	[tilespmem:s12+$0x19400] =	vst v49  }
0x312: {  	v49 =	vld.idx.msk [tilespmem:v58+s8+$0x0], $0xffff  }
0x313: {  	v59 =	vor.u32 v30, v48;
	_ =	sdelay $0x3  }
0x314: {  	[tilespmem:s12+$0x19480] =	vst v49  }
0x315: {  	v49 =	vld.idx.msk [tilespmem:v59+s8+$0x0], $0xffff  }
0x316: {  	v48 =	vor.u32 v31, v48;
	_ =	sdelay $0x3  }
0x317: {  	[tilespmem:s12+$0x19500] =	vst v49  }
0x318: {  	v48 =	vld.idx.msk [tilespmem:v48+s8+$0x0], $0xffff;
	_ =	sdelay $0x4  }
0x319: {  	[tilespmem:s12+$0x19580] =	vst v48  }
0x31a: {  	v48 =	vld [tilespmem:s24+$0x10];
	_ =	sdelay $0x4  }
0x31b: {  	(v2sf) =	vpush v48, $0x0;
	_ =	sdelay $0x2  }
0x31c: {  	(v2sf) =	vpush v48, $0x1;
	_ =	sdelay $0x3  }
0x31d: {  	(v2sf) =	vpush v48, $0x2;
	_ =	sdelay $0x7  }
0x31e: {  	s26 =	spop (v2sf);
	(v2sf) =	vpush v48, $0x3;
	_ =	sdelay $0x1  }
0x31f: {  	s12 =	sand.u32 $0xFFFFF80, s26  }
0x320: {  	s28 =	simm.s32 $0x4200;
	s26 =	spop (v2sf);
	(v2sf) =	vpush v48, $0x4;
	s12 =	sadd.s32 s1, s12  }
0x321: {  	[tilespmem:s28], [sflag:$0x2] =	stream.linear.gather [hbm4b:s12+s3], $0x400, $0x38;
	[tilespmem:$0x1A200] =	vst v63  }
0x322: {  	s12 =	sadd.s32 $0xF4280, s12;
	s28 =	simm.s32 $0x10200  }
0x323: {  	[tilespmem:s28], [sflag:$0x2] =	stream.linear.gather [hbm4b:s12+s3], $0x400, $0x38;
	[tilespmem:$0x1A200] =	vst v63  }
0x324: {  	s12 =	sand.u32 $0xFFFFF80, s26;
	s26 =	spop (v2sf);
	(v2sf) =	vpush v48, $0x5  }
0x325: {  	s28 =	simm.s32 $0x4600;
	s12 =	sadd.s32 s1, s12  }
0x326: {  	[tilespmem:s28], [sflag:$0x2] =	stream.linear.gather [hbm4b:s12+s3], $0x400, $0x38;
	[tilespmem:$0x1A200] =	vst v63  }
0x327: {  	s12 =	sadd.s32 $0xF4280, s12;
	s28 =	simm.s32 $0x10600  }
0x328: {  	[tilespmem:s28], [sflag:$0x2] =	stream.linear.gather [hbm4b:s12+s3], $0x400, $0x38;
	[tilespmem:$0x1A200] =	vst v63  }
0x329: {  	s12 =	sand.u32 $0xFFFFF80, s26  }
0x32a: {  	s28 =	simm.s32 $0x4A00;
	s12 =	sadd.s32 s1, s12  }
0x32b: {  	[tilespmem:s28], [sflag:$0x2] =	stream.linear.gather [hbm4b:s12+s3], $0x400, $0x38;
	[tilespmem:$0x1A200] =	vst v63  }
0x32c: {  	s12 =	sadd.s32 $0xF4280, s12;
	s28 =	simm.s32 $0x10A00;
	s26 =	spop (v2sf);
	(v2sf) =	vpush v48, $0x6  }
0x32d: {  	[tilespmem:s28], [sflag:$0x2] =	stream.linear.gather [hbm4b:s12+s3], $0x400, $0x38;
	[tilespmem:$0x1A200] =	vst v63  }
0x32e: {  	s12 =	sand.u32 $0xFFFFF80, s26  }
0x32f: {  	s28 =	simm.s32 $0x4E00;
	s26 =	spop (v2sf);
	(v2sf) =	vpush v48, $0x7;
	s12 =	sadd.s32 s1, s12  }
0x330: {  	[tilespmem:s28], [sflag:$0x2] =	stream.linear.gather [hbm4b:s12+s3], $0x400, $0x38;
	[tilespmem:$0x1A200] =	vst v63  }
0x331: {  	s12 =	sadd.s32 $0xF4280, s12;
	s28 =	simm.s32 $0x10E00  }
0x332: {  	[tilespmem:s28], [sflag:$0x2] =	stream.linear.gather [hbm4b:s12+s3], $0x400, $0x38;
	[tilespmem:$0x1A200] =	vst v63  }
0x333: {  	s12 =	sand.u32 $0xFFFFF80, s26;
	s26 =	spop (v2sf);
	(v2sf) =	vpush v48, $0x8  }
0x334: {  	s28 =	simm.s32 $0x5200;
	s12 =	sadd.s32 s1, s12  }
0x335: {  	[tilespmem:s28], [sflag:$0x2] =	stream.linear.gather [hbm4b:s12+s3], $0x400, $0x38;
	[tilespmem:$0x1A200] =	vst v63  }
0x336: {  	s12 =	sadd.s32 $0xF4280, s12;
	s28 =	simm.s32 $0x11200  }
0x337: {  	[tilespmem:s28], [sflag:$0x2] =	stream.linear.gather [hbm4b:s12+s3], $0x400, $0x38;
	[tilespmem:$0x1A200] =	vst v63  }
0x338: {  	s12 =	sand.u32 $0xFFFFF80, s26  }
0x339: {  	s28 =	simm.s32 $0x5600;
	s12 =	sadd.s32 s1, s12  }
0x33a: {  	[tilespmem:s28], [sflag:$0x2] =	stream.linear.gather [hbm4b:s12+s3], $0x400, $0x38;
	[tilespmem:$0x1A200] =	vst v63  }
0x33b: {  	s12 =	sadd.s32 $0xF4280, s12;
	s28 =	simm.s32 $0x11600;
	s26 =	spop (v2sf);
	(v2sf) =	vpush v48, $0x9  }
0x33c: {  	[tilespmem:s28], [sflag:$0x2] =	stream.linear.gather [hbm4b:s12+s3], $0x400, $0x38;
	[tilespmem:$0x1A200] =	vst v63  }
0x33d: {  	s12 =	sand.u32 $0xFFFFF80, s26  }
0x33e: {  	s28 =	simm.s32 $0x5A00;
	s26 =	spop (v2sf);
	(v2sf) =	vpush v48, $0xA;
	s12 =	sadd.s32 s1, s12  }
0x33f: {  	[tilespmem:s28], [sflag:$0x2] =	stream.linear.gather [hbm4b:s12+s3], $0x400, $0x38;
	[tilespmem:$0x1A200] =	vst v63  }
0x340: {  	s12 =	sadd.s32 $0xF4280, s12;
	s28 =	simm.s32 $0x11A00  }
0x341: {  	[tilespmem:s28], [sflag:$0x2] =	stream.linear.gather [hbm4b:s12+s3], $0x400, $0x38;
	[tilespmem:$0x1A200] =	vst v63  }
0x342: {  	s12 =	sand.u32 $0xFFFFF80, s26;
	s26 =	spop (v2sf);
	(v2sf) =	vpush v48, $0xB  }
0x343: {  	s28 =	simm.s32 $0x5E00;
	s12 =	sadd.s32 s1, s12  }
0x344: {  	[tilespmem:s28], [sflag:$0x2] =	stream.linear.gather [hbm4b:s12+s3], $0x400, $0x38;
	[tilespmem:$0x1A200] =	vst v63  }
0x345: {  	s12 =	sadd.s32 $0xF4280, s12;
	s28 =	simm.s32 $0x11E00  }
0x346: {  	[tilespmem:s28], [sflag:$0x2] =	stream.linear.gather [hbm4b:s12+s3], $0x400, $0x38;
	[tilespmem:$0x1A200] =	vst v63  }
0x347: {  	s12 =	sand.u32 $0xFFFFF80, s26  }
0x348: {  	s28 =	simm.s32 $0x6200;
	s12 =	sadd.s32 s1, s12  }
0x349: {  	[tilespmem:s28], [sflag:$0x2] =	stream.linear.gather [hbm4b:s12+s3], $0x400, $0x38;
	[tilespmem:$0x1A200] =	vst v63  }
0x34a: {  	s12 =	sadd.s32 $0xF4280, s12;
	s28 =	simm.s32 $0x12200;
	s26 =	spop (v2sf);
	(v2sf) =	vpush v48, $0xC  }
0x34b: {  	[tilespmem:s28], [sflag:$0x2] =	stream.linear.gather [hbm4b:s12+s3], $0x400, $0x38;
	[tilespmem:$0x1A200] =	vst v63  }
0x34c: {  	s12 =	sand.u32 $0xFFFFF80, s26  }
0x34d: {  	s28 =	simm.s32 $0x6600;
	s26 =	spop (v2sf);
	(v2sf) =	vpush v48, $0xD;
	s12 =	sadd.s32 s1, s12  }
0x34e: {  	[tilespmem:s28], [sflag:$0x2] =	stream.linear.gather [hbm4b:s12+s3], $0x400, $0x38;
	[tilespmem:$0x1A200] =	vst v63  }
0x34f: {  	s12 =	sadd.s32 $0xF4280, s12;
	s28 =	simm.s32 $0x12600  }
0x350: {  	[tilespmem:s28], [sflag:$0x2] =	stream.linear.gather [hbm4b:s12+s3], $0x400, $0x38;
	[tilespmem:$0x1A200] =	vst v63  }
0x351: {  	s12 =	sand.u32 $0xFFFFF80, s26;
	s26 =	spop (v2sf);
	(v2sf) =	vpush v48, $0xE  }
0x352: {  	s28 =	simm.s32 $0x6A00;
	s12 =	sadd.s32 s1, s12  }
0x353: {  	[tilespmem:s28], [sflag:$0x2] =	stream.linear.gather [hbm4b:s12+s3], $0x400, $0x38;
	[tilespmem:$0x1A200] =	vst v63  }
0x354: {  	s12 =	sadd.s32 $0xF4280, s12;
	s28 =	simm.s32 $0x12A00  }
0x355: {  	[tilespmem:s28], [sflag:$0x2] =	stream.linear.gather [hbm4b:s12+s3], $0x400, $0x38;
	[tilespmem:$0x1A200] =	vst v63  }
0x356: {  	s12 =	sand.u32 $0xFFFFF80, s26  }
0x357: {  	s28 =	simm.s32 $0x6E00;
	s12 =	sadd.s32 s1, s12  }
0x358: {  	[tilespmem:s28], [sflag:$0x2] =	stream.linear.gather [hbm4b:s12+s3], $0x400, $0x38;
	[tilespmem:$0x1A200] =	vst v63  }
0x359: {  	s12 =	sadd.s32 $0xF4280, s12;
	s28 =	simm.s32 $0x12E00;
	s26 =	spop (v2sf);
	(v2sf) =	vpush v48, $0xF  }
0x35a: {  	[tilespmem:s28], [sflag:$0x2] =	stream.linear.gather [hbm4b:s12+s3], $0x400, $0x38;
	[tilespmem:$0x1A200] =	vst v63  }
0x35b: {  	s12 =	sand.u32 $0xFFFFF80, s26  }
0x35c: {  	s28 =	simm.s32 $0x7200;
	s26 =	spop (v2sf);
	s12 =	sadd.s32 s1, s12  }
0x35d: {  	[tilespmem:s28], [sflag:$0x2] =	stream.linear.gather [hbm4b:s12+s3], $0x400, $0x38;
	[tilespmem:$0x1A200] =	vst v63  }
0x35e: {  	s26 =	sand.u32 $0xFFFFF80, s26;
	s12 =	sadd.s32 $0xF4280, s12;
	s28 =	simm.s32 $0x13200  }
0x35f: {  	[tilespmem:s28], [sflag:$0x2] =	stream.linear.gather [hbm4b:s12+s3], $0x400, $0x38;
	[tilespmem:$0x1A200] =	vst v63  }
0x360: {  	s12 =	sadd.s32 s1, s26;
	s28 =	simm.s32 $0x7600;
	s26 =	spop (v2sf)  }
0x361: {  	[tilespmem:s28], [sflag:$0x2] =	stream.linear.gather [hbm4b:s12+s3], $0x400, $0x38;
	[tilespmem:$0x1A200] =	vst v63  }
0x362: {  	s26 =	sand.u32 $0xFFFFF80, s26;
	s12 =	sadd.s32 $0xF4280, s12;
	s28 =	simm.s32 $0x13600  }
0x363: {  	[tilespmem:s28], [sflag:$0x2] =	stream.linear.gather [hbm4b:s12+s3], $0x400, $0x38;
	[tilespmem:$0x1A200] =	vst v63  }
0x364: {  	s12 =	sadd.s32 s1, s26;
	s28 =	simm.s32 $0x7A00  }
0x365: {  	[tilespmem:s28], [sflag:$0x2] =	stream.linear.gather [hbm4b:s12+s3], $0x400, $0x38;
	[tilespmem:$0x1A200] =	vst v63  }
0x366: {  	s12 =	sadd.s32 $0xF4280, s12  }
0x367: {  	[tilespmem:s13], [sflag:$0x2] =	stream.linear.gather [hbm4b:s12+s3], $0x400, $0x38;
	[tilespmem:$0x1A200] =	vst v63  }
0x368: {  	s26 =	spop (v2sf)  }
0x369: {  	s12 =	sand.u32 $0xFFFFF80, s26  }
0x36a: {  	s12 =	sadd.s32 s1, s12  }
0x36b: {  	[tilespmem:s14], [sflag:$0x2] =	stream.linear.gather [hbm4b:s12+s3], $0x400, $0x38;
	[tilespmem:$0x1A200] =	vst v63  }
0x36c: {  	s12 =	sadd.s32 $0xF4280, s12  }
0x36d: {  	[tilespmem:s15], [sflag:$0x2] =	stream.linear.gather [hbm4b:s12+s3], $0x400, $0x38;
	[tilespmem:$0x1A200] =	vst v63  }
0x36e: {  	_ =	swait.ge [sflag:s9], $0x800  }
0x36f: {  	[sflag:s9] =	ssyncset.done $0x0  }
0x370: {  	[sflag:s9] =	ssyncadd.s32 $0xFFFFF800  }
0x371: {  	_ =	swait.ge [sflag:s9], $0x800  }
0x372: {  	[sflag:s9] =	ssyncset.done $0x0  }
0x373: {  	[sflag:s9] =	ssyncadd.s32 $0xFFFFF800  }
0x374: {  	_ =	swait.ge [sflag:s9], $0x800  }
0x375: {  	[sflag:s9] =	ssyncset.done $0x0  }
0x376: {  	[sflag:s9] =	ssyncadd.s32 $0xFFFFF800  }
0x377: {  	_ =	swait.ge [sflag:s9], $0x800  }
0x378: {  	[sflag:s9] =	ssyncset.done $0x0  }
0x379: {  	[sflag:s9] =	ssyncadd.s32 $0xFFFFF800  }
0x37a: {  	_ =	swait.ge [sflag:s9], $0x800  }
0x37b: {  	[sflag:s9] =	ssyncset.done $0x0  }
0x37c: {  	[sflag:s9] =	ssyncadd.s32 $0xFFFFF800  }
0x37d: {  	_ =	swait.ge [sflag:s9], $0x800  }
0x37e: {  	[sflag:s9] =	ssyncset.done $0x0  }
0x37f: {  	[sflag:s9] =	ssyncadd.s32 $0xFFFFF800  }
0x380: {  	_ =	swait.ge [sflag:s9], $0x800  }
0x381: {  	[sflag:s9] =	ssyncset.done $0x0  }
0x382: {  	[sflag:s9] =	ssyncadd.s32 $0xFFFFF800  }
0x383: {  	_ =	swait.ge [sflag:s9], $0x800  }
0x384: {  	[sflag:s9] =	ssyncset.done $0x0  }
0x385: {  	[sflag:s9] =	ssyncadd.s32 $0xFFFFF800  }
0x386: {  	_ =	swait.ge [sflag:s9], $0x800  }
0x387: {  	[sflag:s9] =	ssyncset.done $0x0  }
0x388: {  	[sflag:s9] =	ssyncadd.s32 $0xFFFFF800  }
0x389: {  	_ =	swait.ge [sflag:s9], $0x800  }
0x38a: {  	[sflag:s9] =	ssyncset.done $0x0  }
0x38b: {  	[sflag:s9] =	ssyncadd.s32 $0xFFFFF800  }
0x38c: {  	_ =	swait.ge [sflag:s9], $0x800  }
0x38d: {  	[sflag:s9] =	ssyncset.done $0x0  }
0x38e: {  	[sflag:s9] =	ssyncadd.s32 $0xFFFFF800  }
0x38f: {  	_ =	swait.ge [sflag:s9], $0x800  }
0x390: {  	[sflag:s9] =	ssyncset.done $0x0  }
0x391: {  	[sflag:s9] =	ssyncadd.s32 $0xFFFFF800  }
0x392: {  	_ =	swait.ge [sflag:s9], $0x800  }
0x393: {  	[sflag:s9] =	ssyncset.done $0x0  }
0x394: {  	[sflag:s9] =	ssyncadd.s32 $0xFFFFF800  }
0x395: {  	_ =	swait.ge [sflag:s9], $0x800  }
0x396: {  	[sflag:s9] =	ssyncset.done $0x0  }
0x397: {  	[sflag:s9] =	ssyncadd.s32 $0xFFFFF800  }
0x398: {  	_ =	swait.ge [sflag:s9], $0x800  }
0x399: {  	[sflag:s9] =	ssyncset.done $0x0  }
0x39a: {  	[sflag:s9] =	ssyncadd.s32 $0xFFFFF800  }
0x39b: {  	_ =	swait.ge [sflag:s9], $0x800  }
0x39c: {  	[sflag:s9] =	ssyncset.done $0x0  }
0x39d: {  	[sflag:s9] =	ssyncadd.s32 $0xFFFFF800  }
0x39e: {  	v60 =	vld [tilespmem:s24+$0xFFFFFFF0];
	_ =	sdelay $0x4  }
0x39f: {  	v48 =	vand.u32 $0x7F, v60  }
0x3a0: {  	v61 =	vor.u32 v32, v48;
	_ =	sdelay $0x4  }
0x3a1: {  	v49 =	vld.idx.msk [tilespmem:v61+s8+$0x0], $0xffff  }
0x3a2: {  	v62 =	vor.u32 v33, v48  }
0x3a3: {  	s28 =	sadd.s32 $0x20, s11;
	s26 =	sadd.s32 $0x100, s25  }
0x3a4: {  	s12 =	sand.u32 $0x70, s28;
	s28 =	sand.u32 $0x3C00, s26  }
0x3a5: {  	s12 =	sor.u32 s12, s28  }
0x3a6: {  	[tilespmem:s12+$0x18200] =	vst v49  }
0x3a7: {  	v49 =	vld.idx.msk [tilespmem:v62+s8+$0x0], $0xffff  }
0x3a8: {  	v63 =	vor.u32 v34, v48;
	_ =	sdelay $0x3  }
0x3a9: {  	[tilespmem:s12+$0x18280] =	vst v49  }
0x3aa: {  	v49 =	vld.idx.msk [tilespmem:v63+s8+$0x0], $0xffff  }
0x3ab: {  	v52 =	vor.u32 v35, v48;
	_ =	sdelay $0x3  }
0x3ac: {  	[tilespmem:s12+$0x18300] =	vst v49  }
0x3ad: {  	v49 =	vld.idx.msk [tilespmem:v52+s8+$0x0], $0xffff  }
0x3ae: {  	v53 =	vor.u32 v36, v48;
	_ =	sdelay $0x3  }
0x3af: {  	[tilespmem:s12+$0x18380] =	vst v49  }
0x3b0: {  	v49 =	vld.idx.msk [tilespmem:v53+s8+$0x0], $0xffff  }
0x3b1: {  	v54 =	vor.u32 v37, v48;
	_ =	sdelay $0x3  }
0x3b2: {  	[tilespmem:s12+$0x18400] =	vst v49  }
0x3b3: {  	v49 =	vld.idx.msk [tilespmem:v54+s8+$0x0], $0xffff  }
0x3b4: {  	v55 =	vor.u32 v38, v48;
	_ =	sdelay $0x3  }
0x3b5: {  	[tilespmem:s12+$0x18480] =	vst v49  }
0x3b6: {  	v49 =	vld.idx.msk [tilespmem:v55+s8+$0x0], $0xffff  }
0x3b7: {  	v56 =	vor.u32 v39, v48;
	_ =	sdelay $0x3  }
0x3b8: {  	[tilespmem:s12+$0x18500] =	vst v49  }
0x3b9: {  	v49 =	vld.idx.msk [tilespmem:v56+s8+$0x0], $0xffff  }
0x3ba: {  	s28 =	sand.u32 $0x7, s10;
	v57 =	vor.u32 v40, v48  }
0x3bb: {  	s28 =	sshll.u32 s28, $0x4  }
0x3bc: {  	s26 =	sadd.s32 s28, s26  }
0x3bd: {  	s26 =	sor.u32 $0x380, s26  }
0x3be: {  	[tilespmem:s26+$0x18200] =	vst v49  }
0x3bf: {  	v49 =	vld.idx.msk [tilespmem:v57+s8+$0x0], $0xffff  }
0x3c0: {  	v58 =	vor.u32 v41, v48;
	_ =	sdelay $0x3  }
0x3c1: {  	[tilespmem:s12+$0x19200] =	vst v49  }
0x3c2: {  	v49 =	vld.idx.msk [tilespmem:v58+s8+$0x0], $0xffff  }
0x3c3: {  	v59 =	vor.u32 v42, v48;
	_ =	sdelay $0x3  }
0x3c4: {  	[tilespmem:s12+$0x19280] =	vst v49  }
0x3c5: {  	v49 =	vld.idx.msk [tilespmem:v59+s8+$0x0], $0xffff  }
0x3c6: {  	v60 =	vor.u32 v43, v48;
	_ =	sdelay $0x3  }
0x3c7: {  	[tilespmem:s12+$0x19300] =	vst v49  }
0x3c8: {  	v49 =	vld.idx.msk [tilespmem:v60+s8+$0x0], $0xffff  }
0x3c9: {  	v61 =	vor.u32 v44, v48;
	_ =	sdelay $0x3  }
0x3ca: {  	[tilespmem:s12+$0x19380] =	vst v49  }
0x3cb: {  	v49 =	vld.idx.msk [tilespmem:v61+s8+$0x0], $0xffff  }
0x3cc: {  	v62 =	vor.u32 v45, v48;
	_ =	sdelay $0x3  }
0x3cd: {  	[tilespmem:s12+$0x19400] =	vst v49  }
0x3ce: {  	v49 =	vld.idx.msk [tilespmem:v62+s8+$0x0], $0xffff  }
0x3cf: {  	v63 =	vor.u32 v46, v48;
	_ =	sdelay $0x3  }
0x3d0: {  	[tilespmem:s12+$0x19480] =	vst v49  }
0x3d1: {  	v49 =	vld.idx.msk [tilespmem:v63+s8+$0x0], $0xffff  }
0x3d2: {  	v48 =	vor.u32 v47, v48;
	_ =	sdelay $0x3  }
0x3d3: {  	[tilespmem:s12+$0x19500] =	vst v49  }
0x3d4: {  	p0 =	seq.s32 s25, $0xD80;
	v48 =	vld.idx.msk [tilespmem:v48+s8+$0x0], $0xffff  }
.Ltmp2:
0x3d5: {  	_ = 	snop;
	(pc) =	sbr.rel @p0 .LBB2_4-.Ltmp2, $2  }
0x3d6: {  	_ =	sdelay $0x2  }
0x3d7: {  	[tilespmem:s12+$0x19580] =	vst v48  }
0x3d8: {  	v48 =	vld [tilespmem:s24+$0x20];
	_ =	sdelay $0x4  }
0x3d9: {  	(v2sf) =	vpush v48, $0x0;
	_ =	sdelay $0x3  }
0x3da: {  	(v2sf) =	vpush v48, $0x1;
	_ =	sdelay $0x4  }
0x3db: {  	(v2sf) =	vpush v48, $0x2;
	_ =	sdelay $0x5  }
0x3dc: {  	s12 =	spop (v2sf)  }
0x3dd: {  	(v2sf) =	vpush v48, $0x3;
	s12 =	sand.u32 $0xFFFFF80, s12  }
0x3de: {  	s26 =	simm.s32 $0x8200;
	s12 =	sadd.s32 s1, s12  }
0x3df: {  	[tilespmem:s26], [sflag:$0x3] =	stream.linear.gather [hbm4b:s12+s3], $0x400, $0x38;
	[tilespmem:$0x1A200] =	vst v63  }
0x3e0: {  	s28 =	simm.s32 $0x14200;
	s12 =	sadd.s32 $0xF4280, s12;
	s26 =	spop (v2sf)  }
0x3e1: {  	(v2sf) =	vpush v48, $0x4;
	[tilespmem:s28], [sflag:$0x3] =	stream.linear.gather [hbm4b:s12+s3], $0x400, $0x38;
	[tilespmem:$0x1A200] =	vst v63  }
0x3e2: {  	s12 =	sand.u32 $0xFFFFF80, s26  }
0x3e3: {  	s28 =	simm.s32 $0x8600;
	s12 =	sadd.s32 s1, s12  }
0x3e4: {  	[tilespmem:s28], [sflag:$0x3] =	stream.linear.gather [hbm4b:s12+s3], $0x400, $0x38;
	[tilespmem:$0x1A200] =	vst v63  }
0x3e5: {  	s26 =	spop (v2sf);
	s12 =	sadd.s32 $0xF4280, s12;
	s28 =	simm.s32 $0x14600  }
0x3e6: {  	(v2sf) =	vpush v48, $0x5;
	[tilespmem:s28], [sflag:$0x3] =	stream.linear.gather [hbm4b:s12+s3], $0x400, $0x38;
	[tilespmem:$0x1A200] =	vst v63  }
0x3e7: {  	s12 =	sand.u32 $0xFFFFF80, s26  }
0x3e8: {  	s28 =	simm.s32 $0x8A00;
	s12 =	sadd.s32 s1, s12  }
0x3e9: {  	[tilespmem:s28], [sflag:$0x3] =	stream.linear.gather [hbm4b:s12+s3], $0x400, $0x38;
	[tilespmem:$0x1A200] =	vst v63  }
0x3ea: {  	s12 =	sadd.s32 $0xF4280, s12;
	s28 =	simm.s32 $0x14A00  }
0x3eb: {  	[tilespmem:s28], [sflag:$0x3] =	stream.linear.gather [hbm4b:s12+s3], $0x400, $0x38;
	[tilespmem:$0x1A200] =	vst v63  }
0x3ec: {  	s26 =	spop (v2sf)  }
0x3ed: {  	(v2sf) =	vpush v48, $0x6;
	s12 =	sand.u32 $0xFFFFF80, s26  }
0x3ee: {  	s28 =	simm.s32 $0x8E00;
	s12 =	sadd.s32 s1, s12  }
0x3ef: {  	[tilespmem:s28], [sflag:$0x3] =	stream.linear.gather [hbm4b:s12+s3], $0x400, $0x38;
	[tilespmem:$0x1A200] =	vst v63  }
0x3f0: {  	s12 =	sadd.s32 $0xF4280, s12;
	s28 =	simm.s32 $0x14E00;
	s26 =	spop (v2sf)  }
0x3f1: {  	(v2sf) =	vpush v48, $0x7;
	[tilespmem:s28], [sflag:$0x3] =	stream.linear.gather [hbm4b:s12+s3], $0x400, $0x38;
	[tilespmem:$0x1A200] =	vst v63  }
0x3f2: {  	s12 =	sand.u32 $0xFFFFF80, s26  }
0x3f3: {  	s28 =	simm.s32 $0x9200;
	s12 =	sadd.s32 s1, s12  }
0x3f4: {  	[tilespmem:s28], [sflag:$0x3] =	stream.linear.gather [hbm4b:s12+s3], $0x400, $0x38;
	[tilespmem:$0x1A200] =	vst v63  }
0x3f5: {  	s26 =	spop (v2sf);
	s12 =	sadd.s32 $0xF4280, s12;
	s28 =	simm.s32 $0x15200  }
0x3f6: {  	(v2sf) =	vpush v48, $0x8;
	[tilespmem:s28], [sflag:$0x3] =	stream.linear.gather [hbm4b:s12+s3], $0x400, $0x38;
	[tilespmem:$0x1A200] =	vst v63  }
0x3f7: {  	s12 =	sand.u32 $0xFFFFF80, s26  }
0x3f8: {  	s28 =	simm.s32 $0x9600;
	s12 =	sadd.s32 s1, s12  }
0x3f9: {  	[tilespmem:s28], [sflag:$0x3] =	stream.linear.gather [hbm4b:s12+s3], $0x400, $0x38;
	[tilespmem:$0x1A200] =	vst v63  }
0x3fa: {  	s12 =	sadd.s32 $0xF4280, s12;
	s28 =	simm.s32 $0x15600  }
0x3fb: {  	[tilespmem:s28], [sflag:$0x3] =	stream.linear.gather [hbm4b:s12+s3], $0x400, $0x38;
	[tilespmem:$0x1A200] =	vst v63  }
0x3fc: {  	s26 =	spop (v2sf)  }
0x3fd: {  	(v2sf) =	vpush v48, $0x9;
	s12 =	sand.u32 $0xFFFFF80, s26  }
0x3fe: {  	s28 =	simm.s32 $0x9A00;
	s12 =	sadd.s32 s1, s12  }
0x3ff: {  	[tilespmem:s28], [sflag:$0x3] =	stream.linear.gather [hbm4b:s12+s3], $0x400, $0x38;
	[tilespmem:$0x1A200] =	vst v63  }
0x400: {  	s12 =	sadd.s32 $0xF4280, s12;
	s28 =	simm.s32 $0x15A00;
	s26 =	spop (v2sf)  }
0x401: {  	(v2sf) =	vpush v48, $0xA;
	[tilespmem:s28], [sflag:$0x3] =	stream.linear.gather [hbm4b:s12+s3], $0x400, $0x38;
	[tilespmem:$0x1A200] =	vst v63  }
0x402: {  	s12 =	sand.u32 $0xFFFFF80, s26  }
0x403: {  	s28 =	simm.s32 $0x9E00;
	s12 =	sadd.s32 s1, s12  }
0x404: {  	[tilespmem:s28], [sflag:$0x3] =	stream.linear.gather [hbm4b:s12+s3], $0x400, $0x38;
	[tilespmem:$0x1A200] =	vst v63  }
0x405: {  	s26 =	spop (v2sf);
	s12 =	sadd.s32 $0xF4280, s12;
	s28 =	simm.s32 $0x15E00  }
0x406: {  	(v2sf) =	vpush v48, $0xB;
	[tilespmem:s28], [sflag:$0x3] =	stream.linear.gather [hbm4b:s12+s3], $0x400, $0x38;
	[tilespmem:$0x1A200] =	vst v63  }
0x407: {  	s12 =	sand.u32 $0xFFFFF80, s26  }
0x408: {  	s28 =	simm.s32 $0xA200;
	s12 =	sadd.s32 s1, s12  }
0x409: {  	[tilespmem:s28], [sflag:$0x3] =	stream.linear.gather [hbm4b:s12+s3], $0x400, $0x38;
	[tilespmem:$0x1A200] =	vst v63  }
0x40a: {  	s12 =	sadd.s32 $0xF4280, s12;
	s28 =	simm.s32 $0x16200  }
0x40b: {  	[tilespmem:s28], [sflag:$0x3] =	stream.linear.gather [hbm4b:s12+s3], $0x400, $0x38;
	[tilespmem:$0x1A200] =	vst v63  }
0x40c: {  	s28 =	spop (v2sf)  }
0x40d: {  	(v2sf) =	vpush v48, $0xC;
	s12 =	sand.u32 $0xFFFFF80, s28  }
0x40e: {  	s12 =	sadd.s32 s1, s12  }
0x40f: {  	[tilespmem:s19], [sflag:$0x3] =	stream.linear.gather [hbm4b:s12+s3], $0x400, $0x38;
	[tilespmem:$0x1A200] =	vst v63  }
0x410: {  	s12 =	sadd.s32 $0xF4280, s12;
	s26 =	spop (v2sf)  }
0x411: {  	(v2sf) =	vpush v48, $0xD;
	[tilespmem:s29], [sflag:$0x3] =	stream.linear.gather [hbm4b:s12+s3], $0x400, $0x38;
	[tilespmem:$0x1A200] =	vst v63  }
0x412: {  	s12 =	sand.u32 $0xFFFFF80, s26  }
0x413: {  	s12 =	sadd.s32 s1, s12  }
0x414: {  	[tilespmem:s20], [sflag:$0x3] =	stream.linear.gather [hbm4b:s12+s3], $0x400, $0x38;
	[tilespmem:$0x1A200] =	vst v63  }
0x415: {  	s28 =	spop (v2sf);
	s12 =	sadd.s32 $0xF4280, s12  }
0x416: {  	(v2sf) =	vpush v48, $0xE;
	[tilespmem:s21], [sflag:$0x3] =	stream.linear.gather [hbm4b:s12+s3], $0x400, $0x38;
	[tilespmem:$0x1A200] =	vst v63  }
0x417: {  	s12 =	sand.u32 $0xFFFFF80, s28  }
0x418: {  	s12 =	sadd.s32 s1, s12  }
0x419: {  	[tilespmem:s30], [sflag:$0x3] =	stream.linear.gather [hbm4b:s12+s3], $0x400, $0x38;
	[tilespmem:$0x1A200] =	vst v63  }
0x41a: {  	s12 =	sadd.s32 $0xF4280, s12  }
0x41b: {  	[tilespmem:s31], [sflag:$0x3] =	stream.linear.gather [hbm4b:s12+s3], $0x400, $0x38;
	[tilespmem:$0x1A200] =	vst v63  }
0x41c: {  	s26 =	spop (v2sf)  }
0x41d: {  	(v2sf) =	vpush v48, $0xF;
	s12 =	sand.u32 $0xFFFFF80, s26  }
0x41e: {  	s12 =	sadd.s32 s1, s12  }
0x41f: {  	[tilespmem:s0], [sflag:$0x3] =	stream.linear.gather [hbm4b:s12+s3], $0x400, $0x38;
	[tilespmem:$0x1A200] =	vst v63  }
0x420: {  	s12 =	sadd.s32 $0xF4280, s12;
	s28 =	spop (v2sf)  }
0x421: {  	[tilespmem:s2], [sflag:$0x3] =	stream.linear.gather [hbm4b:s12+s3], $0x400, $0x38;
	[tilespmem:$0x1A200] =	vst v63  }
0x422: {  	s12 =	sand.u32 $0xFFFFF80, s28  }
0x423: {  	s12 =	sadd.s32 s1, s12  }
0x424: {  	[tilespmem:s17], [sflag:$0x3] =	stream.linear.gather [hbm4b:s12+s3], $0x400, $0x38;
	[tilespmem:$0x1A200] =	vst v63  }
0x425: {  	s26 =	spop (v2sf);
	s12 =	sadd.s32 $0xF4280, s12  }
0x426: {  	[tilespmem:s4], [sflag:$0x3] =	stream.linear.gather [hbm4b:s12+s3], $0x400, $0x38;
	[tilespmem:$0x1A200] =	vst v63  }
0x427: {  	s12 =	sand.u32 $0xFFFFF80, s26  }
0x428: {  	s12 =	sadd.s32 s1, s12  }
0x429: {  	[tilespmem:s22], [sflag:$0x3] =	stream.linear.gather [hbm4b:s12+s3], $0x400, $0x38;
	[tilespmem:$0x1A200] =	vst v63  }
0x42a: {  	s12 =	sadd.s32 $0xF4280, s12  }
0x42b: {  	[tilespmem:s5], [sflag:$0x3] =	stream.linear.gather [hbm4b:s12+s3], $0x400, $0x38;
	[tilespmem:$0x1A200] =	vst v63  }
0x42c: {  	s28 =	spop (v2sf)  }
.Ltmp3:
0x42d: {  	s25 =	sadd.s32 $0x180, s25;
	s12 =	sand.u32 $0xFFFFF80, s28;
	(pc) =	sbr.rel .LBB2_2-.Ltmp3, $4  }
0x42e: {  	s11 =	sadd.s32 $0x30, s11;
	s10 =	sadd.s32 $0x3, s10;
	s12 =	sadd.s32 s1, s12  }
0x42f: {  	[tilespmem:s16], [sflag:$0x3] =	stream.linear.gather [hbm4b:s12+s3], $0x400, $0x38;
	[tilespmem:$0x1A200] =	vst v63  }
0x430: {  	s18 =	sadd.s32 $0x3, s18;
	s24 =	sadd.s32 $0x30, s24;
	s12 =	sadd.s32 $0xF4280, s12  }
0x431: {  	[tilespmem:s6], [sflag:$0x3] =	stream.linear.gather [hbm4b:s12+s3], $0x400, $0x38;
	[tilespmem:$0x1A200] =	vst v63  }
.LBB2_5:
0x432: {  	_ =	sfence.sel $0x180000  }
0x433: {  	[bflag:$0x0] =	sbarrier.arrive $0xFFFF  }
0x434: {  	_ =	strace $0x90000047  }
0x435: {  	s0 =	stileid.u32;
	[bflag:$0x2] =	sbarrier.arrive $0xFFFF  }
0x436: {  	p0 =	sne.s32 s0, $0x0;
	s0 =	rddreg [dreg:$0x3]  }
0x437: {  	s0 =	sadd.s32 @!p0 $0x100000, s0  }
0x438: {  	[sflag:s0] =	ssyncadd.tile.s32 @!p0 $0x1;
	_ =	shalt  }
.Lfunc_end2:
_tile_overlayer_lowered:
.L_overlay_start_2:
0x439: {  	(tag) =	ssettag $0x2  }
0x43a: {  	s0 =	rddreg [dreg:$0x0];
	s2 =	stileid.u32  }
0x43b: {  	s1 =	rddreg [dreg:$0x1];
	p0 =	sne.s32 s2, $0x0  }
0x43c: {  	s3 =	rddreg [dreg:$0x2];
	[bflag:$0x3] =	sbarrier.arrive $0xFFFF;
	s2 =	simm.s32 @!p0 $0x1C04  }
0x43d: {  	[timem:s3], [sflag:s2] =	dma.local @!p0 [hbm:s0], s1  }
0x43e: {  	s0 =	simm.s32 @!p0 $0x4  }
0x43f: {  	_ =	swait.ge @!p0 [sflag:s0], s1  }
0x440: {  	s1 =	ssub.s32 @!p0 $0x0, s1;
	[sflag:s0] =	ssyncset.done @!p0 $0x0  }
0x441: {  	[sflag:s0] =	ssyncadd.s32 @!p0 s1  }
0x442: {  	[bflag:$0x3] =	sbarrier.arrive $0xFFFF  }
0x443: {  	_ =	shalt  }

</sc_bundles>
